<compile_context>
chip_gen: v7x
topology: tpu7x:2x2x1
jax: 0.10.2.dev20260603
libtpu: 0.0.44.dev20260713+nightly
codegen_flags: <defaults>
</compile_context>

<pallas_src>
import functools
import math

import jax
import jax.numpy as jnp
from jax import lax
from jax.experimental import pallas as pl
from jax.experimental.pallas import tpu as pltpu
from jax.experimental.pallas import tpu_sc as plsc

F32 = jnp.float32
I32 = jnp.int32

N = 50000
E = 800001
G = 512
N_PAD = 51200
E_PAD = 819200
BN_ = 1024
NGRID = 50
BE = 2048
EGRID = 400
NC, NS = 2, 16
EW = E_PAD // (NC * NS)
NG_G = EW // 1024
EWS = E_PAD // NS
CH_S = 1024
NCH_S = EWS // CH_S
RPT = N_PAD // NS

HI = jax.lax.Precision.HIGHEST


def _hdot(a, b):
    return jnp.dot(a, b, precision=HI)


def _b16(v):
    return v.astype(jnp.bfloat16).astype(F32)


def _rep8(v):
    return jnp.broadcast_to(v.reshape(1, -1), (8, v.shape[-1]))


def _padrows(w, r):
    return jnp.concatenate(
        [w, jnp.zeros((r - w.shape[0], w.shape[1]), F32)], axis=0)



def _stats_body(peb, osum, osq):
    @pl.when(pl.program_id(0) == 0)
    def _():
        osum[...] = jnp.zeros_like(osum)
        osq[...] = jnp.zeros_like(osq)
    v = peb[...]
    s = jnp.sum(v, axis=0, keepdims=True)
    q = jnp.sum(v * v, axis=0, keepdims=True)
    osum[...] += jnp.broadcast_to(s, osum.shape)
    osq[...] += jnp.broadcast_to(q, osq.shape)


def _prep_body(hb, peb, teb, ctxb, xb, ssum, ssq,
               node_W, node_b, pe_W, pe_b, bn_w, bn_b, ctx_W, ctx_b,
               inW, inb, o_h1, o_T):
    mean = ssum[0:1] * (1.0 / N)
    var = ssq[0:1] * (1.0 / N) - mean * mean
    hpe = ((peb[...] - mean) / jnp.sqrt(var + 1e-5)) * bn_w[0:1] + bn_b[0:1]
    te = teb[...]
    hc = jnp.concatenate([
        jnp.dot(hb[...], node_W[...]) + node_b[0:1],
        jnp.dot(hpe, pe_W[...]) + pe_b[0:1],
        te,
        jnp.dot(ctxb[...], ctx_W[...]) + ctx_b[0:1],
    ], axis=1)
    h1 = jnp.dot(hc, inW[...]) + inb[0:1]
    o_h1[...] = h1
    o_T[...] = jnp.concatenate([h1, xb[...]], axis=1)


def _te_sel(i, teB, te0):
    rsel = (jax.lax.broadcasted_iota(I32, (BE, 128), 0) // 16
            == jax.lax.broadcasted_iota(I32, (BE, 128), 1)).astype(F32)
    te_e = _hdot(rsel, teB[...])
    gid = i * BE + jax.lax.broadcasted_iota(I32, (BE, 1), 0)
    return jnp.where(gid == E - 1, te0[0:1], te_e)


def _edge_mlp(h1r, h1c, radial, te_e, eab, edW, edb, e1W, e1b, e2W, e2b):
    ea = jnp.dot(eab, edW[...]) + edb[0:1]
    u = jnp.concatenate(
        [h1r, h1c, te_e, ea, radial,
         jnp.zeros((BE, 63), F32)], axis=1)
    z = jnp.dot(u, e1W[...]) + e1b[0:1]
    m = z * jax.nn.sigmoid(z)
    m2 = jnp.dot(m, e2W[...]) + e2b[0:1]
    return m2 * jax.nn.sigmoid(m2)


def _edge1_body(hr, hc, eab, teB, te0, edW, edb, e1W, e1b, e2W, e2b,
                o_lo, o_hi, o_rad):
    i = pl.program_id(0)
    hrv = hr[...]
    hcv = hc[...]
    d = hrv[:, 64:80] - hcv[:, 64:80]
    radial = jnp.sum(d * d, axis=1, keepdims=True)
    o_rad[...] = jnp.broadcast_to(radial, (BE, 8))
    te_e = _te_sel(i, teB, te0)
    m2 = _edge_mlp(hrv[:, :64], hcv[:, :64], radial, te_e, eab[...],
                   edW, edb, e1W, e1b, e2W, e2b)
    o_lo[...] = m2[:, :32]
    o_hi[...] = m2[:, 32:]


def _edge2_body(hr, hc, rad, eab, teB, te0, edW, edb, e1W, e1b, e2W, e2b,
                o_lo, o_hi):
    i = pl.program_id(0)
    te_e = _te_sel(i, teB, te0)
    m2 = _edge_mlp(hr[...], hc[...], rad[:, 0:1], te_e, eab[...],
                   edW, edb, e1W, e1b, e2W, e2b)
    o_lo[...] = m2[:, :32]
    o_hi[...] = m2[:, 32:]


def _node1_body(h1b, a0, a1, n1W, n1b, n2W, n2b, outW, outb,
                inW2, inb2, o_h12, o_T2):
    h1 = h1b[...]
    cat = jnp.concatenate([h1, a0[...], a1[...]], axis=1)
    u = jnp.dot(cat, n1W[...]) + n1b[0:1]
    u = u * jax.nn.sigmoid(u)
    h1n = h1 + jnp.dot(u, n2W[...]) + n2b[0:1]
    hc2 = jnp.dot(h1n, outW[...]) + outb[0:1]
    h12 = jnp.dot(hc2, inW2[...]) + inb2[0:1]
    o_h12[...] = h12
    o_T2[...] = h12


def _node2_body(h1b, a0, a1, n1W, n1b, n2W, n2b, outW, outb, o_hc):
    h1 = h1b[...]
    cat = jnp.concatenate([h1, a0[...], a1[...]], axis=1)
    u = jnp.dot(cat, n1W[...]) + n1b[0:1]
    u = u * jax.nn.sigmoid(u)
    h1n = h1 + jnp.dot(u, n2W[...]) + n2b[0:1]
    o_hc[...] = jnp.dot(h1n, outW[...]) + outb[0:1]


def _pool_body(hcb, bb, m1W, m1b, m2W, m2b, m3W, m3b, out, acc):
    i = pl.program_id(0)
    @pl.when(i == 0)
    def _():
        acc[...] = jnp.zeros_like(acc)
    sel = (bb[0] == jax.lax.broadcasted_iota(I32, (G, BN_), 0)).astype(F32)
    acc[...] += _hdot(sel, hcb[...])
    @pl.when(i == NGRID - 1)
    def _():
        z = jnp.maximum(jnp.dot(acc[...], m1W[...]) + m1b[0:1], 0.0)
        z = jnp.maximum(jnp.dot(z, m2W[...]) + m2b[0:1], 0.0)
        out[...] = jnp.dot(z, m3W[...]) + m3b[0:1]



def _full_spec(shape):
    nd = len(shape)
    return pl.BlockSpec(shape, lambda i: (0,) * nd)


def _nblk_spec(k):
    return pl.BlockSpec((BN_, k), lambda i: (i, 0))


def _eblk_spec(k):
    return pl.BlockSpec((BE, k), lambda i: (i, 0))


def _stats_call(pe_p):
    return pl.pallas_call(
        _stats_body,
        grid=(NGRID,),
        in_specs=[_nblk_spec(24)],
        out_specs=[_full_spec((8, 24)), _full_spec((8, 24))],
        out_shape=[jax.ShapeDtypeStruct((8, 24), F32)] * 2,
    )(pe_p)


def _prep_call(h_p, pe_p, te_p, ctx_p, x16, ssum, ssq, weights):
    nspec = [_nblk_spec(64), _nblk_spec(24), _nblk_spec(8), _nblk_spec(64),
             _nblk_spec(16)]
    wspec = [_full_spec(w.shape) for w in (ssum, ssq) + weights]
    return pl.pallas_call(
        _prep_body,
        grid=(NGRID,),
        in_specs=nspec + wspec,
        out_specs=[_nblk_spec(64), _nblk_spec(80)],
        out_shape=[jax.ShapeDtypeStruct((N_PAD, 64), F32),
                   jax.ShapeDtypeStruct((N_PAD, 80), F32)],
    )(h_p, pe_p, te_p, ctx_p, x16, ssum, ssq, *weights)


def _edge1_call(hr, hc, ea_p, te_p, weights):
    especs = [_eblk_spec(80), _eblk_spec(80), _eblk_spec(8),
              pl.BlockSpec((128, 8), lambda i: (i, 0))]
    wspec = [_full_spec(w.shape) for w in weights]
    return pl.pallas_call(
        _edge1_body,
        grid=(EGRID,),
        in_specs=especs + wspec,
        out_specs=[_eblk_spec(32), _eblk_spec(32), _eblk_spec(8)],
        out_shape=[jax.ShapeDtypeStruct((E_PAD, 32), F32)] * 2
        + [jax.ShapeDtypeStruct((E_PAD, 8), F32)],
    )(hr, hc, ea_p, te_p, *weights)


def _edge2_call(hr, hc, rad, ea_p, te_p, weights):
    especs = [_eblk_spec(64), _eblk_spec(64), _eblk_spec(8), _eblk_spec(8),
              pl.BlockSpec((128, 8), lambda i: (i, 0))]
    wspec = [_full_spec(w.shape) for w in weights]
    return pl.pallas_call(
        _edge2_body,
        grid=(EGRID,),
        in_specs=especs + wspec,
        out_specs=[_eblk_spec(32)] * 2,
        out_shape=[jax.ShapeDtypeStruct((E_PAD, 32), F32)] * 2,
    )(hr, hc, rad, ea_p, te_p, *weights)


def _node_call(body, h1, a0, a1, weights, n_out=1):
    specs = [_nblk_spec(64), _nblk_spec(32), _nblk_spec(32)]
    wspec = [_full_spec(w.shape) for w in weights]
    return pl.pallas_call(
        body,
        grid=(NGRID,),
        in_specs=specs + wspec,
        out_specs=[_nblk_spec(64)] * n_out,
        out_shape=[jax.ShapeDtypeStruct((N_PAD, 64), F32)] * n_out,
    )(h1, a0, a1, *weights)


def _pool_call(hc, batch3, weights):
    specs = [_nblk_spec(64), pl.BlockSpec((1, 1, BN_), lambda i: (i, 0, 0))]
    wspec = [_full_spec(w.shape) for w in weights]
    return pl.pallas_call(
        _pool_body,
        grid=(NGRID,),
        in_specs=specs + wspec,
        out_specs=[_full_spec((G, 8))],
        out_shape=[jax.ShapeDtypeStruct((G, 8), F32)],
        scratch_shapes=[pltpu.VMEM((G, 64), F32)],
    )(hc, batch3, *weights)



def _sc_mesh():
    return plsc.VectorSubcoreMesh(core_axis_name="c", subcore_axis_name="s",
                                  num_cores=NC, num_subcores=NS)


def _gather(tbl, rows2, cols2, width):
    outs = [jax.ShapeDtypeStruct((E_PAD, width), F32)] * 2
    scratch = [pltpu.VMEM((8, 128), I32), pltpu.VMEM((8, 128), I32),
               pltpu.VMEM((512, width), F32), pltpu.VMEM((512, width), F32),
               pltpu.SemaphoreType.DMA]

    @functools.partial(pl.kernel, out_type=outs, mesh=_sc_mesh(),
                       scratch_types=scratch,
                       compiler_params=pltpu.CompilerParams(
                           use_tc_tiling_on_sc=False))
    def gk(t_h, r_h, c_h, hr_o, hc_o, idxr, idxc, bufR, bufC, sem):
        wid = lax.axis_index("s") * NC + lax.axis_index("c")
        base = wid * EW
        g0 = wid * NG_G

        def group(j, carry):
            pltpu.sync_copy(r_h.at[g0 + j], idxr)
            pltpu.sync_copy(c_h.at[g0 + j], idxc)
            for half in range(2):
                e0 = base + j * 1024 + half * 512
                descs = []
                for q in range(4):
                    iq = half * 4 + q
                    sl = pl.ds(q * 128, 128)
                    descs.append(pltpu.async_copy(
                        t_h.at[idxr.at[iq]], bufR.at[sl], sem))
                    descs.append(pltpu.async_copy(
                        t_h.at[idxc.at[iq]], bufC.at[sl], sem))
                for dsc in descs:
                    dsc.wait()
                pltpu.sync_copy(bufR, hr_o.at[pl.ds(e0, 512)])
                pltpu.sync_copy(bufC, hc_o.at[pl.ds(e0, 512)])
            return carry

        lax.fori_loop(0, NG_G, group, 0)

    return gk(tbl, rows2, cols2)


def _scatter(m2lo, m2hi, rows2, zrows):
    outs = [jax.ShapeDtypeStruct((2, N_PAD, 32), F32)]
    scratch = [pltpu.VMEM((8, 128), I32), pltpu.VMEM((512, 32), F32),
               pltpu.VMEM_SHARED((N_PAD, 32), F32)]

    @functools.partial(pl.kernel, out_type=outs, mesh=_sc_mesh(),
                       scratch_types=scratch,
                       compiler_params=pltpu.CompilerParams(
                           use_tc_tiling_on_sc=False))
    def sk(lo_h, hi_h, r_h, z_h, agg_o, idxb, valb, acc):
        cid = lax.axis_index("c")
        sid = lax.axis_index("s")
        r0 = sid * RPT
        pltpu.sync_copy(z_h, acc.at[pl.ds(r0, RPT)])
        plsc.subcore_barrier()
        base = sid * EWS
        g0 = base // 1024

        def chunk(j, carry):
            pltpu.sync_copy(r_h.at[g0 + j], idxb)
            for half in range(2):
                e0 = base + j * CH_S + half * 512

                @pl.when(cid == 0)
                def _():
                    pltpu.sync_copy(lo_h.at[pl.ds(e0, 512)], valb)

                @pl.when(cid == 1)
                def _():
                    pltpu.sync_copy(hi_h.at[pl.ds(e0, 512)], valb)

                for q in range(4):
                    pltpu.sync_copy(valb.at[pl.ds(q * 128, 128)],
                                    acc.at[idxb.at[half * 4 + q]], add=True)
            return carry

        lax.fori_loop(0, NCH_S, chunk, 0)
        plsc.subcore_barrier()
        pltpu.sync_copy(acc.at[pl.ds(r0, RPT)],
                        agg_o.at[cid, pl.ds(r0, RPT)])

    return sk(m2lo, m2hi, rows2, zrows)[0]



def kernel(h, pe, x, t, context, edges, edge_index, edge_attr, batch, params):
    p = params
    convs = p['convs']

    znp = lambda r, k: jnp.zeros((r, k), F32)
    h_p = jnp.concatenate([h, znp(N_PAD - N, 64)], 0)
    pe_p = jnp.concatenate(
        [jnp.concatenate([pe, znp(N, 4)], 1), znp(N_PAD - N, 24)], 0)
    freqs = jnp.exp(-math.log(10000.0) * jnp.arange(4, dtype=F32) / 4.0)
    targ = t[:, None] * freqs[None]
    te_p = jnp.concatenate([jnp.cos(targ), jnp.sin(targ)], axis=1)
    te_p = jnp.concatenate([te_p, znp(N_PAD - N, 8)], 0)
    ctx_p = jnp.concatenate([context, znp(N_PAD - N, 64)], 0)
    x16 = jnp.concatenate(
        [jnp.concatenate([x, znp(N, 13)], 1), znp(N_PAD - N, 16)], 0)
    ea_p = jnp.concatenate(
        [jnp.concatenate([edge_attr, znp(E, 4)], 1), znp(E_PAD - E, 8)], 0)
    rows2 = jnp.concatenate(
        [edges[0], jnp.full((E_PAD - E,), N, I32)]).reshape(
            E_PAD // 1024, 8, 128)
    cols2 = jnp.concatenate(
        [edges[1], jnp.full((E_PAD - E,), N, I32)]).reshape(
            E_PAD // 1024, 8, 128)
    batch3 = jnp.concatenate(
        [batch, jnp.full((N_PAD - N,), G, I32)]).reshape(NGRID, 1, BN_)
    zrows = znp(RPT, 32)
    te0 = jnp.broadcast_to(te_p[0:1], (8, 8))

    prep_w = (p['node_W'], _rep8(p['node_b']), _padrows(p['pe_W'], 24),
              _rep8(p['pe_b']),
              _rep8(jnp.concatenate([p['bn_w'], jnp.zeros(4, F32)])),
              _rep8(jnp.concatenate([p['bn_b'], jnp.zeros(4, F32)])),
              p['ctx_W'], _rep8(p['ctx_b']),
              convs[0]['in_W'], _rep8(convs[0]['in_b']))

    def edge_w(c):
        e1 = c['e1_W']
        e1p = jnp.concatenate([
            e1[0:128], e1[185:193], e1[129:185], e1[128:129],
            jnp.zeros((63, 64), F32)], axis=0)
        return (_padrows(p['edge_W'], 8), _rep8(p['edge_b']),
                e1p, _rep8(c['e1_b']), c['e2_W'], _rep8(c['e2_b']))

    def node_w(c):
        return (c['n1_W'], _rep8(c['n1_b']), c['n2_W'], _rep8(c['n2_b']),
                c['out_W'], _rep8(c['out_b']))

    node1_w = node_w(convs[0]) + (convs[1]['in_W'], _rep8(convs[1]['in_b']))
    node2_w = node_w(convs[1])

    pool_w = (p['m1_W'], _rep8(p['m1_b']), p['m2_W'], _rep8(p['m2_b']),
              jnp.concatenate([p['m3_W'], jnp.zeros((16, 7), F32)], 1),
              _rep8(jnp.concatenate([p['m3_b'], jnp.zeros(7, F32)])))

    ssum, ssq = _stats_call(pe_p)
    h1_1, T1 = _prep_call(h_p, pe_p, te_p, ctx_p, x16, ssum, ssq, prep_w)

    hr1, hc1 = _gather(T1, rows2, cols2, 80)
    m2lo, m2hi, rad = _edge1_call(hr1, hc1, ea_p, te_p,
                                  (te0,) + edge_w(convs[0]))
    agg1 = _scatter(m2lo, m2hi, rows2, zrows)
    h1_2, T2 = _node_call(_node1_body, h1_1, agg1[0], agg1[1], node1_w,
                          n_out=2)

    hr2, hc2 = _gather(T2, rows2, cols2, 64)
    m2lo2, m2hi2 = _edge2_call(hr2, hc2, rad, ea_p, te_p,
                               (te0,) + edge_w(convs[1]))
    agg2 = _scatter(m2lo2, m2hi2, rows2, zrows)
    hcF = _node_call(_node2_body, h1_2, agg2[0], agg2[1], node2_w)[0]

    out8 = _pool_call(hcF, batch3, pool_w)[0]
    return out8[:, :1]

# --- scband reference (transcript-rebuilt; emitter-appended) ---
"""Pipeline reference for scband-graph-model-6347961663560 (READ-ONLY COPY).

The authoritative reference and input builder live on the scoring server;
editing this copy changes nothing except your own understanding.
"""

import jax, jax.numpy as jnp
import numpy as np
import math


def timestep_embedding(t, dim, max_period=10000):
    half = dim // 2
    freqs = jnp.exp(-math.log(max_period) * jnp.arange(half, dtype=jnp.float32) / half)
    args = t[:, None].astype(jnp.float32) * freqs[None]
    return jnp.concatenate([jnp.cos(args), jnp.sin(args)], axis=-1)


def _lin(x, W, b):
    return x @ W + b


def _fwd(h, pe, x, t, context, edge_attr, params, edges, batch, num_graphs=512):
    p = params
    # BatchNorm1d(20), training-mode batch statistics, affine weight=1 bias=0 at init
    mean = jnp.mean(pe, axis=0)
    var = jnp.var(pe, axis=0)
    h_pe = (pe - mean) / jnp.sqrt(var + 1e-5) * p['bn_w'] + p['bn_b']
    time_emb = timestep_embedding(t, 8)
    ctx = _lin(context, p['ctx_W'], p['ctx_b'])
    hc = jnp.concatenate([_lin(h, p['node_W'], p['node_b']), _lin(h_pe, p['pe_W'], p['pe_b']), time_emb, ctx], axis=1)
    ea = _lin(edge_attr, p['edge_W'], p['edge_b'])
    N = h.shape[0]
    E = edge_attr.shape[0]
    rep = E // N
    rem = E % N
    te = jnp.repeat(time_emb, rep, axis=0)
    te = jnp.concatenate([te, time_emb[:rem]], axis=0)
    ea = jnp.concatenate([ea, te], axis=-1)
    rows, cols = edges[0], edges[1]
    for c in p['convs']:
        # EGNN (E_GCL style): embed-in, edge MLP on [h_i,h_j,||x_i-x_j||^2,edge_attr], sum-aggregate, node MLP residual, embed-out
        h1 = _lin(hc, c['in_W'], c['in_b'])
        d = x[rows] - x[cols]
        radial = jnp.sum(d * d, axis=1, keepdims=True)
        m = jax.nn.silu(_lin(jnp.concatenate([h1[rows], h1[cols], radial, ea], axis=1), c['e1_W'], c['e1_b']))
        m = jax.nn.silu(_lin(m, c['e2_W'], c['e2_b']))
        agg = jax.ops.segment_sum(m, rows, num_segments=N)
        upd = _lin(jax.nn.silu(_lin(jnp.concatenate([h1, agg], axis=1), c['n1_W'], c['n1_b'])), c['n2_W'], c['n2_b'])
        h1 = h1 + upd
        hc = _lin(h1, c['out_W'], c['out_b'])
    pooled = jax.ops.segment_sum(hc, batch, num_segments=num_graphs)
    z = jax.nn.relu(_lin(pooled, p['m1_W'], p['m1_b']))
    z = jax.nn.relu(_lin(z, p['m2_W'], p['m2_b']))
    return _lin(z, p['m3_W'], p['m3_b'])


def setup_inputs(seed: int = 0) -> dict:
    key = jax.random.key(seed)
    it = iter(jax.random.split(key, 80))
    def nk():
        return next(it)
    def W(shape, s=0.05):
        return jax.random.normal(nk(), shape, dtype=jnp.float32) * s
    N = 50000
    E = 800001
    G = 512
    inp = {}
    inp['h'] = jax.random.normal(nk(), (N, 64), dtype=jnp.float32)
    inp['pe'] = jax.random.normal(nk(), (N, 20), dtype=jnp.float32)
    inp['x'] = jax.random.normal(nk(), (N, 3), dtype=jnp.float32)
    inp['t'] = jax.random.uniform(nk(), (N,), dtype=jnp.float32) * 1000.0
    inp['context'] = jax.random.normal(nk(), (N, 64), dtype=jnp.float32)
    inp['edges'] = jax.random.randint(nk(), (2, E), 0, N, dtype=jnp.int32)
    inp['edge_index'] = jax.random.randint(nk(), (2, E), 0, N, dtype=jnp.int32)
    inp['edge_attr'] = jax.random.normal(nk(), (E, 4), dtype=jnp.float32)
    inp['batch'] = jnp.sort(jax.random.randint(nk(), (N,), 0, G, dtype=jnp.int32))
    convs = []
    for _ in range(2):
        convs.append({'in_W': W((64, 64)), 'in_b': jnp.zeros(64, jnp.float32), 'e1_W': W((193, 64)), 'e1_b': jnp.zeros(64, jnp.float32), 'e2_W': W((64, 64)), 'e2_b': jnp.zeros(64, jnp.float32), 'n1_W': W((128, 64)), 'n1_b': jnp.zeros(64, jnp.float32), 'n2_W': W((64, 64)), 'n2_b': jnp.zeros(64, jnp.float32), 'out_W': W((64, 64)), 'out_b': jnp.zeros(64, jnp.float32)})
    inp['params'] = {'node_W': W((64, 32)), 'node_b': jnp.zeros(32, jnp.float32), 'ctx_W': W((64, 16)), 'ctx_b': jnp.zeros(16, jnp.float32), 'pe_W': W((20, 8)), 'pe_b': jnp.zeros(8, jnp.float32), 'bn_w': jnp.ones(20, jnp.float32), 'bn_b': jnp.zeros(20, jnp.float32), 'edge_W': W((4, 56)), 'edge_b': jnp.zeros(56, jnp.float32), 'convs': convs, 'm1_W': W((64, 32)), 'm1_b': jnp.zeros(32, jnp.float32), 'm2_W': W((32, 16)), 'm2_b': jnp.zeros(16, jnp.float32), 'm3_W': W((16, 1)), 'm3_b': jnp.zeros(1, jnp.float32)}
    return inp


def reference(h, pe, x, t, context, edges, edge_index, edge_attr, batch, params):
    return _fwd(h, pe, x, t, context, edge_attr, params, edges, batch, num_graphs=512)

if __name__ == "__main__":
    import jax
    _d = setup_inputs()
    print(jax.jit(kernel)(*tuple(_d.values())))

</pallas_src>

<mosaic_0001>
#map = affine_map<(d0, d1) -> (0, 0)>
#map1 = affine_map<(d0, d1) -> (0, 0, 0)>
module attributes {stable_mosaic.version = 14 : i64} {
  func.func @sk(%arg0: i32, %arg1: i32, %arg2: memref<819200x32xf32, #tpu.memory_space<hbm>>, %arg3: memref<819200x32xf32, #tpu.memory_space<hbm>>, %arg4: memref<800x8x128xi32, #tpu.memory_space<hbm>>, %arg5: memref<3200x32xf32, #tpu.memory_space<hbm>>, %arg6: memref<2x51200x32xf32, #tpu.memory_space<hbm>>, %arg7: memref<8x128xi32, #tpu.memory_space<vmem>>, %arg8: memref<512x32xf32, #tpu.memory_space<vmem>>, %arg9: memref<51200x32xf32, #tpu.memory_space<vmem_shared>>) attributes {dimension_semantics = [#tpu.dimension_semantics<core_parallel>, #tpu.dimension_semantics<subcore_parallel>], iteration_bounds = array<i64: 2, 16>, scalar_prefetch = 0 : i64, scratch_operands = 3 : i64, tpu.core_type = #tpu.core_type<sc_vector_subcore>, window_params = [{transform_indices = #map}, {transform_indices = #map}, {transform_indices = #map1}, {transform_indices = #map}, {transform_indices = #map1}]} {
    %mul3A = arith.constant 3200 : i32
    %mul3A_0 = arith.muli %arg1, %mul3A : i32
    "tpu.region"() ({
      %run_scoped3A = tpu.sem_alloc : memref<!tpu.dma_semaphore, #tpu.memory_space<semaphore_mem>>
      %dma_start3A = arith.constant 0 : i32
      %dma_start3A_25 = tpu.memref_slice %arg9[%mul3A_0, %dma_start3A] : memref<51200x32xf32, #tpu.memory_space<vmem_shared>> -> memref<3200x32xf32, #tpu.memory_space<vmem_shared>>
      tpu.enqueue_dma source(%arg5 : memref<3200x32xf32, #tpu.memory_space<hbm>>) target(%dma_start3A_25 : memref<3200x32xf32, #tpu.memory_space<vmem_shared>>) target_semaphore(%run_scoped3A : memref<!tpu.dma_semaphore, #tpu.memory_space<semaphore_mem>>)
      %dma_wait3A = arith.constant 0 : i32
      %dma_wait3A_26 = tpu.memref_slice %arg9[%mul3A_0, %dma_wait3A] : memref<51200x32xf32, #tpu.memory_space<vmem_shared>> -> memref<3200x32xf32, #tpu.memory_space<vmem_shared>>
      tpu.wait_dma2 semaphore(%run_scoped3A : memref<!tpu.dma_semaphore, #tpu.memory_space<semaphore_mem>>) src(%arg5 : memref<3200x32xf32, #tpu.memory_space<hbm>>) dst(%dma_wait3A_26 : memref<3200x32xf32, #tpu.memory_space<vmem_shared>>)
      tpu.yield
    }) : () -> ()
    %barrier3A = arith.constant 0 : index
    tpu.barrier barrier_id(%barrier3A)
    %mul3A_1 = arith.constant 51200 : i32
    %mul3A_2 = arith.muli %arg1, %mul3A_1 : i32
    %jit3A = arith.constant 1024 : i32
    %div3A = arith.divsi %mul3A_2, %jit3A : i32
    %sign3A = arith.constant 0 : i32
    %sign3A_3 = arith.cmpi sgt, %mul3A_2, %sign3A : i32
    %sign3A_4 = arith.extui %sign3A_3 : i1 to i32
    %sign3A_5 = arith.constant 0 : i32
    %sign3A_6 = arith.cmpi slt, %mul3A_2, %sign3A_5 : i32
    %sign3A_7 = arith.extui %sign3A_6 : i1 to i32
    %sign3A_8 = arith.subi %sign3A_4, %sign3A_7 : i32
    %sign3A_9 = arith.constant 0 : i32
    %sign3A_10 = arith.cmpi sgt, %jit3A, %sign3A_9 : i32
    %sign3A_11 = arith.extui %sign3A_10 : i1 to i32
    %sign3A_12 = arith.constant 0 : i32
    %sign3A_13 = arith.cmpi slt, %jit3A, %sign3A_12 : i32
    %sign3A_14 = arith.extui %sign3A_13 : i1 to i32
    %sign3A_15 = arith.subi %sign3A_11, %sign3A_14 : i32
    %ne3A = arith.cmpi ne, %sign3A_8, %sign3A_15 : i32
    %rem3A = arith.remsi %mul3A_2, %jit3A : i32
    %ne3A_16 = arith.constant 0 : i32
    %ne3A_17 = arith.cmpi ne, %rem3A, %ne3A_16 : i32
    %and3A = arith.andi %ne3A, %ne3A_17 : i1
    %sub3A = arith.constant 1 : i32
    %sub3A_18 = arith.subi %div3A, %sub3A : i32
    %select_n3A = arith.select %and3A, %sub3A_18, %div3A : i32
    %scan3A = arith.constant 0 : i32
    %scan3A_19 = arith.constant 0 : i32
    %scan3A_20 = arith.constant 50 : i32
    %scan3A_21 = arith.addi %scan3A_19, %scan3A_20 : i32
    %scan3A_22 = arith.constant 1 : i32
    scf.for %scan3A_25 = %scan3A_19 to %scan3A_21 step %scan3A_22  : i32 {
      %add3A = arith.addi %select_n3A, %scan3A_25 : i32
      "tpu.region"() ({
        %run_scoped3A_60 = tpu.sem_alloc : memref<!tpu.dma_semaphore, #tpu.memory_space<semaphore_mem>>
        %dma_start3A = arith.constant 0 : i32
        %dma_start3A_61 = arith.constant 0 : i32
        %dma_start3A_62 = tpu.memref_slice %arg4[%add3A, %dma_start3A, %dma_start3A_61] : memref<800x8x128xi32, #tpu.memory_space<hbm>> -> memref<1x8x128xi32, #tpu.memory_space<hbm>>
        %dma_start3A_63 = tpu.memref_squeeze %dma_start3A_62 : memref<1x8x128xi32, #tpu.memory_space<hbm>> -> memref<8x128xi32, #tpu.memory_space<hbm>>
        %dma_start3A_64 = arith.constant 0 : i32
        %dma_start3A_65 = arith.constant 0 : i32
        %dma_start3A_66 = tpu.memref_slice %arg4[%add3A, %dma_start3A_64, %dma_start3A_65] : memref<800x8x128xi32, #tpu.memory_space<hbm>> -> memref<1x8x128xi32, #tpu.memory_space<hbm>>
        %dma_start3A_67 = tpu.memref_squeeze %dma_start3A_66 : memref<1x8x128xi32, #tpu.memory_space<hbm>> -> memref<8x128xi32, #tpu.memory_space<hbm>>
        tpu.enqueue_dma source(%dma_start3A_67 : memref<8x128xi32, #tpu.memory_space<hbm>>) target(%arg7 : memref<8x128xi32, #tpu.memory_space<vmem>>) target_semaphore(%run_scoped3A_60 : memref<!tpu.dma_semaphore, #tpu.memory_space<semaphore_mem>>)
        %dma_wait3A = arith.constant 0 : i32
        %dma_wait3A_68 = arith.constant 0 : i32
        %dma_wait3A_69 = tpu.memref_slice %arg4[%add3A, %dma_wait3A, %dma_wait3A_68] : memref<800x8x128xi32, #tpu.memory_space<hbm>> -> memref<1x8x128xi32, #tpu.memory_space<hbm>>
        %dma_wait3A_70 = tpu.memref_squeeze %dma_wait3A_69 : memref<1x8x128xi32, #tpu.memory_space<hbm>> -> memref<8x128xi32, #tpu.memory_space<hbm>>
        %dma_wait3A_71 = arith.constant 0 : i32
        %dma_wait3A_72 = arith.constant 0 : i32
        %dma_wait3A_73 = tpu.memref_slice %arg4[%add3A, %dma_wait3A_71, %dma_wait3A_72] : memref<800x8x128xi32, #tpu.memory_space<hbm>> -> memref<1x8x128xi32, #tpu.memory_space<hbm>>
        %dma_wait3A_74 = tpu.memref_squeeze %dma_wait3A_73 : memref<1x8x128xi32, #tpu.memory_space<hbm>> -> memref<8x128xi32, #tpu.memory_space<hbm>>
        tpu.wait_dma2 semaphore(%run_scoped3A_60 : memref<!tpu.dma_semaphore, #tpu.memory_space<semaphore_mem>>) src(%dma_wait3A_74 : memref<8x128xi32, #tpu.memory_space<hbm>>) dst(%arg7 : memref<8x128xi32, #tpu.memory_space<vmem>>)
        tpu.yield
      }) : () -> ()
      %mul3A_26 = arith.constant 1024 : i32
      %mul3A_27 = arith.muli %scan3A_25, %mul3A_26 : i32
      %add3A_28 = arith.addi %mul3A_2, %mul3A_27 : i32
      %add3A_29 = arith.constant 0 : i32
      %add3A_30 = arith.addi %add3A_28, %add3A_29 : i32
      %eq3A = arith.constant 0 : i32
      %eq3A_31 = arith.cmpi eq, %arg0, %eq3A : i32
      %convert_element_type3A = arith.extui %eq3A_31 : i1 to i32
      %cond3A = arith.constant 0 : i32
      %cond3A_32 = arith.cmpi ne, %convert_element_type3A, %cond3A : i32
      scf.if %cond3A_32 {
        "tpu.region"() ({
          %run_scoped3A_60 = tpu.sem_alloc : memref<!tpu.dma_semaphore, #tpu.memory_space<semaphore_mem>>
          %dma_start3A = arith.constant 0 : i32
          %dma_start3A_61 = tpu.memref_slice %arg2[%add3A_30, %dma_start3A] : memref<819200x32xf32, #tpu.memory_space<hbm>> -> memref<512x32xf32, #tpu.memory_space<hbm>>
          %dma_start3A_62 = arith.constant 0 : i32
          %dma_start3A_63 = tpu.memref_slice %arg2[%add3A_30, %dma_start3A_62] : memref<819200x32xf32, #tpu.memory_space<hbm>> -> memref<512x32xf32, #tpu.memory_space<hbm>>
          tpu.enqueue_dma source(%dma_start3A_63 : memref<512x32xf32, #tpu.memory_space<hbm>>) target(%arg8 : memref<512x32xf32, #tpu.memory_space<vmem>>) target_semaphore(%run_scoped3A_60 : memref<!tpu.dma_semaphore, #tpu.memory_space<semaphore_mem>>)
          %dma_wait3A = arith.constant 0 : i32
          %dma_wait3A_64 = tpu.memref_slice %arg2[%add3A_30, %dma_wait3A] : memref<819200x32xf32, #tpu.memory_space<hbm>> -> memref<512x32xf32, #tpu.memory_space<hbm>>
          %dma_wait3A_65 = arith.constant 0 : i32
          %dma_wait3A_66 = tpu.memref_slice %arg2[%add3A_30, %dma_wait3A_65] : memref<819200x32xf32, #tpu.memory_space<hbm>> -> memref<512x32xf32, #tpu.memory_space<hbm>>
          tpu.wait_dma2 semaphore(%run_scoped3A_60 : memref<!tpu.dma_semaphore, #tpu.memory_space<semaphore_mem>>) src(%dma_wait3A_66 : memref<512x32xf32, #tpu.memory_space<hbm>>) dst(%arg8 : memref<512x32xf32, #tpu.memory_space<vmem>>)
          tpu.yield
        }) : () -> ()
      } else {
      }
      %eq3A_33 = arith.constant 1 : i32
      %eq3A_34 = arith.cmpi eq, %arg0, %eq3A_33 : i32
      %convert_element_type3A_35 = arith.extui %eq3A_34 : i1 to i32
      %cond3A_36 = arith.constant 0 : i32
      %cond3A_37 = arith.cmpi ne, %convert_element_type3A_35, %cond3A_36 : i32
      scf.if %cond3A_37 {
        "tpu.region"() ({
          %run_scoped3A_60 = tpu.sem_alloc : memref<!tpu.dma_semaphore, #tpu.memory_space<semaphore_mem>>
          %dma_start3A = arith.constant 0 : i32
          %dma_start3A_61 = tpu.memref_slice %arg3[%add3A_30, %dma_start3A] : memref<819200x32xf32, #tpu.memory_space<hbm>> -> memref<512x32xf32, #tpu.memory_space<hbm>>
          %dma_start3A_62 = arith.constant 0 : i32
          %dma_start3A_63 = tpu.memref_slice %arg3[%add3A_30, %dma_start3A_62] : memref<819200x32xf32, #tpu.memory_space<hbm>> -> memref<512x32xf32, #tpu.memory_space<hbm>>
          tpu.enqueue_dma source(%dma_start3A_63 : memref<512x32xf32, #tpu.memory_space<hbm>>) target(%arg8 : memref<512x32xf32, #tpu.memory_space<vmem>>) target_semaphore(%run_scoped3A_60 : memref<!tpu.dma_semaphore, #tpu.memory_space<semaphore_mem>>)
          %dma_wait3A = arith.constant 0 : i32
          %dma_wait3A_64 = tpu.memref_slice %arg3[%add3A_30, %dma_wait3A] : memref<819200x32xf32, #tpu.memory_space<hbm>> -> memref<512x32xf32, #tpu.memory_space<hbm>>
          %dma_wait3A_65 = arith.constant 0 : i32
          %dma_wait3A_66 = tpu.memref_slice %arg3[%add3A_30, %dma_wait3A_65] : memref<819200x32xf32, #tpu.memory_space<hbm>> -> memref<512x32xf32, #tpu.memory_space<hbm>>
          tpu.wait_dma2 semaphore(%run_scoped3A_60 : memref<!tpu.dma_semaphore, #tpu.memory_space<semaphore_mem>>) src(%dma_wait3A_66 : memref<512x32xf32, #tpu.memory_space<hbm>>) dst(%arg8 : memref<512x32xf32, #tpu.memory_space<vmem>>)
          tpu.yield
        }) : () -> ()
      } else {
      }
      %run_scoped3A = arith.constant 0 : i32
      "tpu.region"() ({
        %run_scoped3A_60 = tpu.sem_alloc : memref<!tpu.dma_semaphore, #tpu.memory_space<semaphore_mem>>
        %dma_start3A = arith.constant 0 : i32
        %dma_start3A_61 = arith.constant 0 : i32
        %dma_start3A_62 = tpu.memref_slice %arg8[%dma_start3A, %dma_start3A_61] : memref<512x32xf32, #tpu.memory_space<vmem>> -> memref<128x32xf32, #tpu.memory_space<vmem>>
        %dma_start3A_63 = arith.constant 0 : i32
        %dma_start3A_64 = tpu.memref_slice %arg7[%run_scoped3A, %dma_start3A_63] : memref<8x128xi32, #tpu.memory_space<vmem>> -> memref<1x128xi32, #tpu.memory_space<vmem>>
        %dma_start3A_65 = tpu.memref_squeeze %dma_start3A_64 : memref<1x128xi32, #tpu.memory_space<vmem>> -> memref<128xi32, #tpu.memory_space<vmem>>
        %dma_start3A_66 = arith.constant 0 : i32
        %dma_start3A_67 = arith.constant 0 : i32
        %dma_start3A_68 = tpu.memref_slice %arg9[%dma_start3A_66, %dma_start3A_67] : memref<51200x32xf32, #tpu.memory_space<vmem_shared>> -> memref<51200x32xf32, #tpu.memory_space<vmem_shared>>
        tpu.enqueue_indirect_dma source(%dma_start3A_62 : memref<128x32xf32, #tpu.memory_space<vmem>>) target(%dma_start3A_68 : memref<51200x32xf32, #tpu.memory_space<vmem_shared>>) offsets(%dma_start3A_65 : memref<128xi32, #tpu.memory_space<vmem>>) semaphore(%run_scoped3A_60 : memref<!tpu.dma_semaphore, #tpu.memory_space<semaphore_mem>>) {add = true}
        %dma_wait3A = arith.constant 0 : i32
        %dma_wait3A_69 = arith.constant 0 : i32
        %dma_wait3A_70 = tpu.memref_slice %arg8[%dma_wait3A, %dma_wait3A_69] : memref<512x32xf32, #tpu.memory_space<vmem>> -> memref<128x32xf32, #tpu.memory_space<vmem>>
        %dma_wait3A_71 = arith.constant 0 : i32
        %dma_wait3A_72 = tpu.memref_slice %arg7[%run_scoped3A, %dma_wait3A_71] : memref<8x128xi32, #tpu.memory_space<vmem>> -> memref<1x128xi32, #tpu.memory_space<vmem>>
        %dma_wait3A_73 = tpu.memref_squeeze %dma_wait3A_72 : memref<1x128xi32, #tpu.memory_space<vmem>> -> memref<128xi32, #tpu.memory_space<vmem>>
        %dma_wait3A_74 = arith.constant 0 : i32
        %dma_wait3A_75 = arith.constant 0 : i32
        %dma_wait3A_76 = tpu.memref_slice %arg9[%dma_wait3A_74, %dma_wait3A_75] : memref<51200x32xf32, #tpu.memory_space<vmem_shared>> -> memref<51200x32xf32, #tpu.memory_space<vmem_shared>>
        tpu.wait_indirect_dma semaphore(%run_scoped3A_60 : memref<!tpu.dma_semaphore, #tpu.memory_space<semaphore_mem>>) src(%dma_wait3A_70 : memref<128x32xf32, #tpu.memory_space<vmem>>) dst(%dma_wait3A_76 : memref<51200x32xf32, #tpu.memory_space<vmem_shared>>)
        tpu.yield
      }) : () -> ()
      %run_scoped3A_38 = arith.constant 1 : i32
      "tpu.region"() ({
        %run_scoped3A_60 = tpu.sem_alloc : memref<!tpu.dma_semaphore, #tpu.memory_space<semaphore_mem>>
        %dma_start3A = arith.constant 128 : i32
        %dma_start3A_61 = arith.constant 0 : i32
        %dma_start3A_62 = tpu.memref_slice %arg8[%dma_start3A, %dma_start3A_61] : memref<512x32xf32, #tpu.memory_space<vmem>> -> memref<128x32xf32, #tpu.memory_space<vmem>>
        %dma_start3A_63 = arith.constant 0 : i32
        %dma_start3A_64 = tpu.memref_slice %arg7[%run_scoped3A_38, %dma_start3A_63] : memref<8x128xi32, #tpu.memory_space<vmem>> -> memref<1x128xi32, #tpu.memory_space<vmem>>
        %dma_start3A_65 = tpu.memref_squeeze %dma_start3A_64 : memref<1x128xi32, #tpu.memory_space<vmem>> -> memref<128xi32, #tpu.memory_space<vmem>>
        %dma_start3A_66 = arith.constant 0 : i32
        %dma_start3A_67 = arith.constant 0 : i32
        %dma_start3A_68 = tpu.memref_slice %arg9[%dma_start3A_66, %dma_start3A_67] : memref<51200x32xf32, #tpu.memory_space<vmem_shared>> -> memref<51200x32xf32, #tpu.memory_space<vmem_shared>>
        tpu.enqueue_indirect_dma source(%dma_start3A_62 : memref<128x32xf32, #tpu.memory_space<vmem>>) target(%dma_start3A_68 : memref<51200x32xf32, #tpu.memory_space<vmem_shared>>) offsets(%dma_start3A_65 : memref<128xi32, #tpu.memory_space<vmem>>) semaphore(%run_scoped3A_60 : memref<!tpu.dma_semaphore, #tpu.memory_space<semaphore_mem>>) {add = true}
        %dma_wait3A = arith.constant 128 : i32
        %dma_wait3A_69 = arith.constant 0 : i32
        %dma_wait3A_70 = tpu.memref_slice %arg8[%dma_wait3A, %dma_wait3A_69] : memref<512x32xf32, #tpu.memory_space<vmem>> -> memref<128x32xf32, #tpu.memory_space<vmem>>
        %dma_wait3A_71 = arith.constant 0 : i32
        %dma_wait3A_72 = tpu.memref_slice %arg7[%run_scoped3A_38, %dma_wait3A_71] : memref<8x128xi32, #tpu.memory_space<vmem>> -> memref<1x128xi32, #tpu.memory_space<vmem>>
        %dma_wait3A_73 = tpu.memref_squeeze %dma_wait3A_72 : memref<1x128xi32, #tpu.memory_space<vmem>> -> memref<128xi32, #tpu.memory_space<vmem>>
        %dma_wait3A_74 = arith.constant 0 : i32
        %dma_wait3A_75 = arith.constant 0 : i32
        %dma_wait3A_76 = tpu.memref_slice %arg9[%dma_wait3A_74, %dma_wait3A_75] : memref<51200x32xf32, #tpu.memory_space<vmem_shared>> -> memref<51200x32xf32, #tpu.memory_space<vmem_shared>>
        tpu.wait_indirect_dma semaphore(%run_scoped3A_60 : memref<!tpu.dma_semaphore, #tpu.memory_space<semaphore_mem>>) src(%dma_wait3A_70 : memref<128x32xf32, #tpu.memory_space<vmem>>) dst(%dma_wait3A_76 : memref<51200x32xf32, #tpu.memory_space<vmem_shared>>)
        tpu.yield
      }) : () -> ()
      %run_scoped3A_39 = arith.constant 2 : i32
      "tpu.region"() ({
        %run_scoped3A_60 = tpu.sem_alloc : memref<!tpu.dma_semaphore, #tpu.memory_space<semaphore_mem>>
        %dma_start3A = arith.constant 256 : i32
        %dma_start3A_61 = arith.constant 0 : i32
        %dma_start3A_62 = tpu.memref_slice %arg8[%dma_start3A, %dma_start3A_61] : memref<512x32xf32, #tpu.memory_space<vmem>> -> memref<128x32xf32, #tpu.memory_space<vmem>>
        %dma_start3A_63 = arith.constant 0 : i32
        %dma_start3A_64 = tpu.memref_slice %arg7[%run_scoped3A_39, %dma_start3A_63] : memref<8x128xi32, #tpu.memory_space<vmem>> -> memref<1x128xi32, #tpu.memory_space<vmem>>
        %dma_start3A_65 = tpu.memref_squeeze %dma_start3A_64 : memref<1x128xi32, #tpu.memory_space<vmem>> -> memref<128xi32, #tpu.memory_space<vmem>>
        %dma_start3A_66 = arith.constant 0 : i32
        %dma_start3A_67 = arith.constant 0 : i32
        %dma_start3A_68 = tpu.memref_slice %arg9[%dma_start3A_66, %dma_start3A_67] : memref<51200x32xf32, #tpu.memory_space<vmem_shared>> -> memref<51200x32xf32, #tpu.memory_space<vmem_shared>>
        tpu.enqueue_indirect_dma source(%dma_start3A_62 : memref<128x32xf32, #tpu.memory_space<vmem>>) target(%dma_start3A_68 : memref<51200x32xf32, #tpu.memory_space<vmem_shared>>) offsets(%dma_start3A_65 : memref<128xi32, #tpu.memory_space<vmem>>) semaphore(%run_scoped3A_60 : memref<!tpu.dma_semaphore, #tpu.memory_space<semaphore_mem>>) {add = true}
        %dma_wait3A = arith.constant 256 : i32
        %dma_wait3A_69 = arith.constant 0 : i32
        %dma_wait3A_70 = tpu.memref_slice %arg8[%dma_wait3A, %dma_wait3A_69] : memref<512x32xf32, #tpu.memory_space<vmem>> -> memref<128x32xf32, #tpu.memory_space<vmem>>
        %dma_wait3A_71 = arith.constant 0 : i32
        %dma_wait3A_72 = tpu.memref_slice %arg7[%run_scoped3A_39, %dma_wait3A_71] : memref<8x128xi32, #tpu.memory_space<vmem>> -> memref<1x128xi32, #tpu.memory_space<vmem>>
        %dma_wait3A_73 = tpu.memref_squeeze %dma_wait3A_72 : memref<1x128xi32, #tpu.memory_space<vmem>> -> memref<128xi32, #tpu.memory_space<vmem>>
        %dma_wait3A_74 = arith.constant 0 : i32
        %dma_wait3A_75 = arith.constant 0 : i32
        %dma_wait3A_76 = tpu.memref_slice %arg9[%dma_wait3A_74, %dma_wait3A_75] : memref<51200x32xf32, #tpu.memory_space<vmem_shared>> -> memref<51200x32xf32, #tpu.memory_space<vmem_shared>>
        tpu.wait_indirect_dma semaphore(%run_scoped3A_60 : memref<!tpu.dma_semaphore, #tpu.memory_space<semaphore_mem>>) src(%dma_wait3A_70 : memref<128x32xf32, #tpu.memory_space<vmem>>) dst(%dma_wait3A_76 : memref<51200x32xf32, #tpu.memory_space<vmem_shared>>)
        tpu.yield
      }) : () -> ()
      %run_scoped3A_40 = arith.constant 3 : i32
      "tpu.region"() ({
        %run_scoped3A_60 = tpu.sem_alloc : memref<!tpu.dma_semaphore, #tpu.memory_space<semaphore_mem>>
        %dma_start3A = arith.constant 384 : i32
        %dma_start3A_61 = arith.constant 0 : i32
        %dma_start3A_62 = tpu.memref_slice %arg8[%dma_start3A, %dma_start3A_61] : memref<512x32xf32, #tpu.memory_space<vmem>> -> memref<128x32xf32, #tpu.memory_space<vmem>>
        %dma_start3A_63 = arith.constant 0 : i32
        %dma_start3A_64 = tpu.memref_slice %arg7[%run_scoped3A_40, %dma_start3A_63] : memref<8x128xi32, #tpu.memory_space<vmem>> -> memref<1x128xi32, #tpu.memory_space<vmem>>
        %dma_start3A_65 = tpu.memref_squeeze %dma_start3A_64 : memref<1x128xi32, #tpu.memory_space<vmem>> -> memref<128xi32, #tpu.memory_space<vmem>>
        %dma_start3A_66 = arith.constant 0 : i32
        %dma_start3A_67 = arith.constant 0 : i32
        %dma_start3A_68 = tpu.memref_slice %arg9[%dma_start3A_66, %dma_start3A_67] : memref<51200x32xf32, #tpu.memory_space<vmem_shared>> -> memref<51200x32xf32, #tpu.memory_space<vmem_shared>>
        tpu.enqueue_indirect_dma source(%dma_start3A_62 : memref<128x32xf32, #tpu.memory_space<vmem>>) target(%dma_start3A_68 : memref<51200x32xf32, #tpu.memory_space<vmem_shared>>) offsets(%dma_start3A_65 : memref<128xi32, #tpu.memory_space<vmem>>) semaphore(%run_scoped3A_60 : memref<!tpu.dma_semaphore, #tpu.memory_space<semaphore_mem>>) {add = true}
        %dma_wait3A = arith.constant 384 : i32
        %dma_wait3A_69 = arith.constant 0 : i32
        %dma_wait3A_70 = tpu.memref_slice %arg8[%dma_wait3A, %dma_wait3A_69] : memref<512x32xf32, #tpu.memory_space<vmem>> -> memref<128x32xf32, #tpu.memory_space<vmem>>
        %dma_wait3A_71 = arith.constant 0 : i32
        %dma_wait3A_72 = tpu.memref_slice %arg7[%run_scoped3A_40, %dma_wait3A_71] : memref<8x128xi32, #tpu.memory_space<vmem>> -> memref<1x128xi32, #tpu.memory_space<vmem>>
        %dma_wait3A_73 = tpu.memref_squeeze %dma_wait3A_72 : memref<1x128xi32, #tpu.memory_space<vmem>> -> memref<128xi32, #tpu.memory_space<vmem>>
        %dma_wait3A_74 = arith.constant 0 : i32
        %dma_wait3A_75 = arith.constant 0 : i32
        %dma_wait3A_76 = tpu.memref_slice %arg9[%dma_wait3A_74, %dma_wait3A_75] : memref<51200x32xf32, #tpu.memory_space<vmem_shared>> -> memref<51200x32xf32, #tpu.memory_space<vmem_shared>>
        tpu.wait_indirect_dma semaphore(%run_scoped3A_60 : memref<!tpu.dma_semaphore, #tpu.memory_space<semaphore_mem>>) src(%dma_wait3A_70 : memref<128x32xf32, #tpu.memory_space<vmem>>) dst(%dma_wait3A_76 : memref<51200x32xf32, #tpu.memory_space<vmem_shared>>)
        tpu.yield
      }) : () -> ()
      %mul3A_41 = arith.constant 1024 : i32
      %mul3A_42 = arith.muli %scan3A_25, %mul3A_41 : i32
      %add3A_43 = arith.addi %mul3A_2, %mul3A_42 : i32
      %add3A_44 = arith.constant 512 : i32
      %add3A_45 = arith.addi %add3A_43, %add3A_44 : i32
      %eq3A_46 = arith.constant 0 : i32
      %eq3A_47 = arith.cmpi eq, %arg0, %eq3A_46 : i32
      %convert_element_type3A_48 = arith.extui %eq3A_47 : i1 to i32
      %cond3A_49 = arith.constant 0 : i32
      %cond3A_50 = arith.cmpi ne, %convert_element_type3A_48, %cond3A_49 : i32
      scf.if %cond3A_50 {
        "tpu.region"() ({
          %run_scoped3A_60 = tpu.sem_alloc : memref<!tpu.dma_semaphore, #tpu.memory_space<semaphore_mem>>
          %dma_start3A = arith.constant 0 : i32
          %dma_start3A_61 = tpu.memref_slice %arg2[%add3A_45, %dma_start3A] : memref<819200x32xf32, #tpu.memory_space<hbm>> -> memref<512x32xf32, #tpu.memory_space<hbm>>
          %dma_start3A_62 = arith.constant 0 : i32
          %dma_start3A_63 = tpu.memref_slice %arg2[%add3A_45, %dma_start3A_62] : memref<819200x32xf32, #tpu.memory_space<hbm>> -> memref<512x32xf32, #tpu.memory_space<hbm>>
          tpu.enqueue_dma source(%dma_start3A_63 : memref<512x32xf32, #tpu.memory_space<hbm>>) target(%arg8 : memref<512x32xf32, #tpu.memory_space<vmem>>) target_semaphore(%run_scoped3A_60 : memref<!tpu.dma_semaphore, #tpu.memory_space<semaphore_mem>>)
          %dma_wait3A = arith.constant 0 : i32
          %dma_wait3A_64 = tpu.memref_slice %arg2[%add3A_45, %dma_wait3A] : memref<819200x32xf32, #tpu.memory_space<hbm>> -> memref<512x32xf32, #tpu.memory_space<hbm>>
          %dma_wait3A_65 = arith.constant 0 : i32
          %dma_wait3A_66 = tpu.memref_slice %arg2[%add3A_45, %dma_wait3A_65] : memref<819200x32xf32, #tpu.memory_space<hbm>> -> memref<512x32xf32, #tpu.memory_space<hbm>>
          tpu.wait_dma2 semaphore(%run_scoped3A_60 : memref<!tpu.dma_semaphore, #tpu.memory_space<semaphore_mem>>) src(%dma_wait3A_66 : memref<512x32xf32, #tpu.memory_space<hbm>>) dst(%arg8 : memref<512x32xf32, #tpu.memory_space<vmem>>)
          tpu.yield
        }) : () -> ()
      } else {
      }
      %eq3A_51 = arith.constant 1 : i32
      %eq3A_52 = arith.cmpi eq, %arg0, %eq3A_51 : i32
      %convert_element_type3A_53 = arith.extui %eq3A_52 : i1 to i32
      %cond3A_54 = arith.constant 0 : i32
      %cond3A_55 = arith.cmpi ne, %convert_element_type3A_53, %cond3A_54 : i32
      scf.if %cond3A_55 {
        "tpu.region"() ({
          %run_scoped3A_60 = tpu.sem_alloc : memref<!tpu.dma_semaphore, #tpu.memory_space<semaphore_mem>>
          %dma_start3A = arith.constant 0 : i32
          %dma_start3A_61 = tpu.memref_slice %arg3[%add3A_45, %dma_start3A] : memref<819200x32xf32, #tpu.memory_space<hbm>> -> memref<512x32xf32, #tpu.memory_space<hbm>>
          %dma_start3A_62 = arith.constant 0 : i32
          %dma_start3A_63 = tpu.memref_slice %arg3[%add3A_45, %dma_start3A_62] : memref<819200x32xf32, #tpu.memory_space<hbm>> -> memref<512x32xf32, #tpu.memory_space<hbm>>
          tpu.enqueue_dma source(%dma_start3A_63 : memref<512x32xf32, #tpu.memory_space<hbm>>) target(%arg8 : memref<512x32xf32, #tpu.memory_space<vmem>>) target_semaphore(%run_scoped3A_60 : memref<!tpu.dma_semaphore, #tpu.memory_space<semaphore_mem>>)
          %dma_wait3A = arith.constant 0 : i32
          %dma_wait3A_64 = tpu.memref_slice %arg3[%add3A_45, %dma_wait3A] : memref<819200x32xf32, #tpu.memory_space<hbm>> -> memref<512x32xf32, #tpu.memory_space<hbm>>
          %dma_wait3A_65 = arith.constant 0 : i32
          %dma_wait3A_66 = tpu.memref_slice %arg3[%add3A_45, %dma_wait3A_65] : memref<819200x32xf32, #tpu.memory_space<hbm>> -> memref<512x32xf32, #tpu.memory_space<hbm>>
          tpu.wait_dma2 semaphore(%run_scoped3A_60 : memref<!tpu.dma_semaphore, #tpu.memory_space<semaphore_mem>>) src(%dma_wait3A_66 : memref<512x32xf32, #tpu.memory_space<hbm>>) dst(%arg8 : memref<512x32xf32, #tpu.memory_space<vmem>>)
          tpu.yield
        }) : () -> ()
      } else {
      }
      %run_scoped3A_56 = arith.constant 4 : i32
      "tpu.region"() ({
        %run_scoped3A_60 = tpu.sem_alloc : memref<!tpu.dma_semaphore, #tpu.memory_space<semaphore_mem>>
        %dma_start3A = arith.constant 0 : i32
        %dma_start3A_61 = arith.constant 0 : i32
        %dma_start3A_62 = tpu.memref_slice %arg8[%dma_start3A, %dma_start3A_61] : memref<512x32xf32, #tpu.memory_space<vmem>> -> memref<128x32xf32, #tpu.memory_space<vmem>>
        %dma_start3A_63 = arith.constant 0 : i32
        %dma_start3A_64 = tpu.memref_slice %arg7[%run_scoped3A_56, %dma_start3A_63] : memref<8x128xi32, #tpu.memory_space<vmem>> -> memref<1x128xi32, #tpu.memory_space<vmem>>
        %dma_start3A_65 = tpu.memref_squeeze %dma_start3A_64 : memref<1x128xi32, #tpu.memory_space<vmem>> -> memref<128xi32, #tpu.memory_space<vmem>>
        %dma_start3A_66 = arith.constant 0 : i32
        %dma_start3A_67 = arith.constant 0 : i32
        %dma_start3A_68 = tpu.memref_slice %arg9[%dma_start3A_66, %dma_start3A_67] : memref<51200x32xf32, #tpu.memory_space<vmem_shared>> -> memref<51200x32xf32, #tpu.memory_space<vmem_shared>>
        tpu.enqueue_indirect_dma source(%dma_start3A_62 : memref<128x32xf32, #tpu.memory_space<vmem>>) target(%dma_start3A_68 : memref<51200x32xf32, #tpu.memory_space<vmem_shared>>) offsets(%dma_start3A_65 : memref<128xi32, #tpu.memory_space<vmem>>) semaphore(%run_scoped3A_60 : memref<!tpu.dma_semaphore, #tpu.memory_space<semaphore_mem>>) {add = true}
        %dma_wait3A = arith.constant 0 : i32
        %dma_wait3A_69 = arith.constant 0 : i32
        %dma_wait3A_70 = tpu.memref_slice %arg8[%dma_wait3A, %dma_wait3A_69] : memref<512x32xf32, #tpu.memory_space<vmem>> -> memref<128x32xf32, #tpu.memory_space<vmem>>
        %dma_wait3A_71 = arith.constant 0 : i32
        %dma_wait3A_72 = tpu.memref_slice %arg7[%run_scoped3A_56, %dma_wait3A_71] : memref<8x128xi32, #tpu.memory_space<vmem>> -> memref<1x128xi32, #tpu.memory_space<vmem>>
        %dma_wait3A_73 = tpu.memref_squeeze %dma_wait3A_72 : memref<1x128xi32, #tpu.memory_space<vmem>> -> memref<128xi32, #tpu.memory_space<vmem>>
        %dma_wait3A_74 = arith.constant 0 : i32
        %dma_wait3A_75 = arith.constant 0 : i32
        %dma_wait3A_76 = tpu.memref_slice %arg9[%dma_wait3A_74, %dma_wait3A_75] : memref<51200x32xf32, #tpu.memory_space<vmem_shared>> -> memref<51200x32xf32, #tpu.memory_space<vmem_shared>>
        tpu.wait_indirect_dma semaphore(%run_scoped3A_60 : memref<!tpu.dma_semaphore, #tpu.memory_space<semaphore_mem>>) src(%dma_wait3A_70 : memref<128x32xf32, #tpu.memory_space<vmem>>) dst(%dma_wait3A_76 : memref<51200x32xf32, #tpu.memory_space<vmem_shared>>)
        tpu.yield
      }) : () -> ()
      %run_scoped3A_57 = arith.constant 5 : i32
      "tpu.region"() ({
        %run_scoped3A_60 = tpu.sem_alloc : memref<!tpu.dma_semaphore, #tpu.memory_space<semaphore_mem>>
        %dma_start3A = arith.constant 128 : i32
        %dma_start3A_61 = arith.constant 0 : i32
        %dma_start3A_62 = tpu.memref_slice %arg8[%dma_start3A, %dma_start3A_61] : memref<512x32xf32, #tpu.memory_space<vmem>> -> memref<128x32xf32, #tpu.memory_space<vmem>>
        %dma_start3A_63 = arith.constant 0 : i32
        %dma_start3A_64 = tpu.memref_slice %arg7[%run_scoped3A_57, %dma_start3A_63] : memref<8x128xi32, #tpu.memory_space<vmem>> -> memref<1x128xi32, #tpu.memory_space<vmem>>
        %dma_start3A_65 = tpu.memref_squeeze %dma_start3A_64 : memref<1x128xi32, #tpu.memory_space<vmem>> -> memref<128xi32, #tpu.memory_space<vmem>>
        %dma_start3A_66 = arith.constant 0 : i32
        %dma_start3A_67 = arith.constant 0 : i32
        %dma_start3A_68 = tpu.memref_slice %arg9[%dma_start3A_66, %dma_start3A_67] : memref<51200x32xf32, #tpu.memory_space<vmem_shared>> -> memref<51200x32xf32, #tpu.memory_space<vmem_shared>>
        tpu.enqueue_indirect_dma source(%dma_start3A_62 : memref<128x32xf32, #tpu.memory_space<vmem>>) target(%dma_start3A_68 : memref<51200x32xf32, #tpu.memory_space<vmem_shared>>) offsets(%dma_start3A_65 : memref<128xi32, #tpu.memory_space<vmem>>) semaphore(%run_scoped3A_60 : memref<!tpu.dma_semaphore, #tpu.memory_space<semaphore_mem>>) {add = true}
        %dma_wait3A = arith.constant 128 : i32
        %dma_wait3A_69 = arith.constant 0 : i32
        %dma_wait3A_70 = tpu.memref_slice %arg8[%dma_wait3A, %dma_wait3A_69] : memref<512x32xf32, #tpu.memory_space<vmem>> -> memref<128x32xf32, #tpu.memory_space<vmem>>
        %dma_wait3A_71 = arith.constant 0 : i32
        %dma_wait3A_72 = tpu.memref_slice %arg7[%run_scoped3A_57, %dma_wait3A_71] : memref<8x128xi32, #tpu.memory_space<vmem>> -> memref<1x128xi32, #tpu.memory_space<vmem>>
        %dma_wait3A_73 = tpu.memref_squeeze %dma_wait3A_72 : memref<1x128xi32, #tpu.memory_space<vmem>> -> memref<128xi32, #tpu.memory_space<vmem>>
        %dma_wait3A_74 = arith.constant 0 : i32
        %dma_wait3A_75 = arith.constant 0 : i32
        %dma_wait3A_76 = tpu.memref_slice %arg9[%dma_wait3A_74, %dma_wait3A_75] : memref<51200x32xf32, #tpu.memory_space<vmem_shared>> -> memref<51200x32xf32, #tpu.memory_space<vmem_shared>>
        tpu.wait_indirect_dma semaphore(%run_scoped3A_60 : memref<!tpu.dma_semaphore, #tpu.memory_space<semaphore_mem>>) src(%dma_wait3A_70 : memref<128x32xf32, #tpu.memory_space<vmem>>) dst(%dma_wait3A_76 : memref<51200x32xf32, #tpu.memory_space<vmem_shared>>)
        tpu.yield
      }) : () -> ()
      %run_scoped3A_58 = arith.constant 6 : i32
      "tpu.region"() ({
        %run_scoped3A_60 = tpu.sem_alloc : memref<!tpu.dma_semaphore, #tpu.memory_space<semaphore_mem>>
        %dma_start3A = arith.constant 256 : i32
        %dma_start3A_61 = arith.constant 0 : i32
        %dma_start3A_62 = tpu.memref_slice %arg8[%dma_start3A, %dma_start3A_61] : memref<512x32xf32, #tpu.memory_space<vmem>> -> memref<128x32xf32, #tpu.memory_space<vmem>>
        %dma_start3A_63 = arith.constant 0 : i32
        %dma_start3A_64 = tpu.memref_slice %arg7[%run_scoped3A_58, %dma_start3A_63] : memref<8x128xi32, #tpu.memory_space<vmem>> -> memref<1x128xi32, #tpu.memory_space<vmem>>
        %dma_start3A_65 = tpu.memref_squeeze %dma_start3A_64 : memref<1x128xi32, #tpu.memory_space<vmem>> -> memref<128xi32, #tpu.memory_space<vmem>>
        %dma_start3A_66 = arith.constant 0 : i32
        %dma_start3A_67 = arith.constant 0 : i32
        %dma_start3A_68 = tpu.memref_slice %arg9[%dma_start3A_66, %dma_start3A_67] : memref<51200x32xf32, #tpu.memory_space<vmem_shared>> -> memref<51200x32xf32, #tpu.memory_space<vmem_shared>>
        tpu.enqueue_indirect_dma source(%dma_start3A_62 : memref<128x32xf32, #tpu.memory_space<vmem>>) target(%dma_start3A_68 : memref<51200x32xf32, #tpu.memory_space<vmem_shared>>) offsets(%dma_start3A_65 : memref<128xi32, #tpu.memory_space<vmem>>) semaphore(%run_scoped3A_60 : memref<!tpu.dma_semaphore, #tpu.memory_space<semaphore_mem>>) {add = true}
        %dma_wait3A = arith.constant 256 : i32
        %dma_wait3A_69 = arith.constant 0 : i32
        %dma_wait3A_70 = tpu.memref_slice %arg8[%dma_wait3A, %dma_wait3A_69] : memref<512x32xf32, #tpu.memory_space<vmem>> -> memref<128x32xf32, #tpu.memory_space<vmem>>
        %dma_wait3A_71 = arith.constant 0 : i32
        %dma_wait3A_72 = tpu.memref_slice %arg7[%run_scoped3A_58, %dma_wait3A_71] : memref<8x128xi32, #tpu.memory_space<vmem>> -> memref<1x128xi32, #tpu.memory_space<vmem>>
        %dma_wait3A_73 = tpu.memref_squeeze %dma_wait3A_72 : memref<1x128xi32, #tpu.memory_space<vmem>> -> memref<128xi32, #tpu.memory_space<vmem>>
        %dma_wait3A_74 = arith.constant 0 : i32
        %dma_wait3A_75 = arith.constant 0 : i32
        %dma_wait3A_76 = tpu.memref_slice %arg9[%dma_wait3A_74, %dma_wait3A_75] : memref<51200x32xf32, #tpu.memory_space<vmem_shared>> -> memref<51200x32xf32, #tpu.memory_space<vmem_shared>>
        tpu.wait_indirect_dma semaphore(%run_scoped3A_60 : memref<!tpu.dma_semaphore, #tpu.memory_space<semaphore_mem>>) src(%dma_wait3A_70 : memref<128x32xf32, #tpu.memory_space<vmem>>) dst(%dma_wait3A_76 : memref<51200x32xf32, #tpu.memory_space<vmem_shared>>)
        tpu.yield
      }) : () -> ()
      %run_scoped3A_59 = arith.constant 7 : i32
      "tpu.region"() ({
        %run_scoped3A_60 = tpu.sem_alloc : memref<!tpu.dma_semaphore, #tpu.memory_space<semaphore_mem>>
        %dma_start3A = arith.constant 384 : i32
        %dma_start3A_61 = arith.constant 0 : i32
        %dma_start3A_62 = tpu.memref_slice %arg8[%dma_start3A, %dma_start3A_61] : memref<512x32xf32, #tpu.memory_space<vmem>> -> memref<128x32xf32, #tpu.memory_space<vmem>>
        %dma_start3A_63 = arith.constant 0 : i32
        %dma_start3A_64 = tpu.memref_slice %arg7[%run_scoped3A_59, %dma_start3A_63] : memref<8x128xi32, #tpu.memory_space<vmem>> -> memref<1x128xi32, #tpu.memory_space<vmem>>
        %dma_start3A_65 = tpu.memref_squeeze %dma_start3A_64 : memref<1x128xi32, #tpu.memory_space<vmem>> -> memref<128xi32, #tpu.memory_space<vmem>>
        %dma_start3A_66 = arith.constant 0 : i32
        %dma_start3A_67 = arith.constant 0 : i32
        %dma_start3A_68 = tpu.memref_slice %arg9[%dma_start3A_66, %dma_start3A_67] : memref<51200x32xf32, #tpu.memory_space<vmem_shared>> -> memref<51200x32xf32, #tpu.memory_space<vmem_shared>>
        tpu.enqueue_indirect_dma source(%dma_start3A_62 : memref<128x32xf32, #tpu.memory_space<vmem>>) target(%dma_start3A_68 : memref<51200x32xf32, #tpu.memory_space<vmem_shared>>) offsets(%dma_start3A_65 : memref<128xi32, #tpu.memory_space<vmem>>) semaphore(%run_scoped3A_60 : memref<!tpu.dma_semaphore, #tpu.memory_space<semaphore_mem>>) {add = true}
        %dma_wait3A = arith.constant 384 : i32
        %dma_wait3A_69 = arith.constant 0 : i32
        %dma_wait3A_70 = tpu.memref_slice %arg8[%dma_wait3A, %dma_wait3A_69] : memref<512x32xf32, #tpu.memory_space<vmem>> -> memref<128x32xf32, #tpu.memory_space<vmem>>
        %dma_wait3A_71 = arith.constant 0 : i32
        %dma_wait3A_72 = tpu.memref_slice %arg7[%run_scoped3A_59, %dma_wait3A_71] : memref<8x128xi32, #tpu.memory_space<vmem>> -> memref<1x128xi32, #tpu.memory_space<vmem>>
        %dma_wait3A_73 = tpu.memref_squeeze %dma_wait3A_72 : memref<1x128xi32, #tpu.memory_space<vmem>> -> memref<128xi32, #tpu.memory_space<vmem>>
        %dma_wait3A_74 = arith.constant 0 : i32
        %dma_wait3A_75 = arith.constant 0 : i32
        %dma_wait3A_76 = tpu.memref_slice %arg9[%dma_wait3A_74, %dma_wait3A_75] : memref<51200x32xf32, #tpu.memory_space<vmem_shared>> -> memref<51200x32xf32, #tpu.memory_space<vmem_shared>>
        tpu.wait_indirect_dma semaphore(%run_scoped3A_60 : memref<!tpu.dma_semaphore, #tpu.memory_space<semaphore_mem>>) src(%dma_wait3A_70 : memref<128x32xf32, #tpu.memory_space<vmem>>) dst(%dma_wait3A_76 : memref<51200x32xf32, #tpu.memory_space<vmem_shared>>)
        tpu.yield
      }) : () -> ()
    }
    %scan3A_23 = arith.constant 50 : i32
    %barrier3A_24 = arith.constant 0 : index
    tpu.barrier barrier_id(%barrier3A_24)
    "tpu.region"() ({
      %run_scoped3A = tpu.sem_alloc : memref<!tpu.dma_semaphore, #tpu.memory_space<semaphore_mem>>
      %dma_start3A = arith.constant 0 : i32
      %dma_start3A_25 = tpu.memref_slice %arg6[%arg0, %mul3A_0, %dma_start3A] : memref<2x51200x32xf32, #tpu.memory_space<hbm>> -> memref<1x3200x32xf32, #tpu.memory_space<hbm>>
      %dma_start3A_26 = tpu.memref_squeeze %dma_start3A_25 : memref<1x3200x32xf32, #tpu.memory_space<hbm>> -> memref<3200x32xf32, #tpu.memory_space<hbm>>
      %dma_start3A_27 = arith.constant 0 : i32
      %dma_start3A_28 = tpu.memref_slice %arg9[%mul3A_0, %dma_start3A_27] : memref<51200x32xf32, #tpu.memory_space<vmem_shared>> -> memref<3200x32xf32, #tpu.memory_space<vmem_shared>>
      tpu.enqueue_dma source(%dma_start3A_28 : memref<3200x32xf32, #tpu.memory_space<vmem_shared>>) target(%dma_start3A_26 : memref<3200x32xf32, #tpu.memory_space<hbm>>) target_semaphore(%run_scoped3A : memref<!tpu.dma_semaphore, #tpu.memory_space<semaphore_mem>>)
      %dma_wait3A = arith.constant 0 : i32
      %dma_wait3A_29 = tpu.memref_slice %arg6[%arg0, %mul3A_0, %dma_wait3A] : memref<2x51200x32xf32, #tpu.memory_space<hbm>> -> memref<1x3200x32xf32, #tpu.memory_space<hbm>>
      %dma_wait3A_30 = tpu.memref_squeeze %dma_wait3A_29 : memref<1x3200x32xf32, #tpu.memory_space<hbm>> -> memref<3200x32xf32, #tpu.memory_space<hbm>>
      %dma_wait3A_31 = arith.constant 0 : i32
      %dma_wait3A_32 = tpu.memref_slice %arg9[%mul3A_0, %dma_wait3A_31] : memref<51200x32xf32, #tpu.memory_space<vmem_shared>> -> memref<3200x32xf32, #tpu.memory_space<vmem_shared>>
      tpu.wait_dma2 semaphore(%run_scoped3A : memref<!tpu.dma_semaphore, #tpu.memory_space<semaphore_mem>>) src(%dma_wait3A_32 : memref<3200x32xf32, #tpu.memory_space<vmem_shared>>) dst(%dma_wait3A_30 : memref<3200x32xf32, #tpu.memory_space<hbm>>)
      tpu.yield
    }) : () -> ()
    return
  }
}

#map = affine_map<(d0, d1) -> (0, 0)>
#map1 = affine_map<(d0, d1) -> (0, 0, 0)>
module attributes {stable_mosaic.version = 14 : i64} {
  func.func @gk(%arg0: i32, %arg1: i32, %arg2: memref<51200x80xf32, #tpu.memory_space<hbm>>, %arg3: memref<800x8x128xi32, #tpu.memory_space<hbm>>, %arg4: memref<800x8x128xi32, #tpu.memory_space<hbm>>, %arg5: memref<819200x80xf32, #tpu.memory_space<hbm>>, %arg6: memref<819200x80xf32, #tpu.memory_space<hbm>>, %arg7: memref<8x128xi32, #tpu.memory_space<vmem>>, %arg8: memref<8x128xi32, #tpu.memory_space<vmem>>, %arg9: memref<512x80xf32, #tpu.memory_space<vmem>>, %arg10: memref<512x80xf32, #tpu.memory_space<vmem>>, %arg11: memref<!tpu.dma_semaphore, #tpu.memory_space<semaphore_mem>>) attributes {dimension_semantics = [#tpu.dimension_semantics<core_parallel>, #tpu.dimension_semantics<subcore_parallel>], iteration_bounds = array<i64: 2, 16>, scalar_prefetch = 0 : i64, scratch_operands = 5 : i64, tpu.core_type = #tpu.core_type<sc_vector_subcore>, window_params = [{transform_indices = #map}, {transform_indices = #map1}, {transform_indices = #map1}, {transform_indices = #map}, {transform_indices = #map}]} {
    %mul3A = arith.constant 2 : i32
    %mul3A_0 = arith.muli %arg1, %mul3A : i32
    %add3A = arith.addi %mul3A_0, %arg0 : i32
    %mul3A_1 = arith.constant 25600 : i32
    %mul3A_2 = arith.muli %add3A, %mul3A_1 : i32
    %mul3A_3 = arith.constant 25 : i32
    %mul3A_4 = arith.muli %add3A, %mul3A_3 : i32
    %scan3A = arith.constant 0 : i32
    %scan3A_5 = arith.constant 0 : i32
    %scan3A_6 = arith.constant 25 : i32
    %scan3A_7 = arith.addi %scan3A_5, %scan3A_6 : i32
    %scan3A_8 = arith.constant 1 : i32
    scf.for %scan3A_10 = %scan3A_5 to %scan3A_7 step %scan3A_8  : i32 {
      %add3A_11 = arith.addi %mul3A_4, %scan3A_10 : i32
      "tpu.region"() ({
        %run_scoped3A = tpu.sem_alloc : memref<!tpu.dma_semaphore, #tpu.memory_space<semaphore_mem>>
        %dma_start3A_341 = arith.constant 0 : i32
        %dma_start3A_342 = arith.constant 0 : i32
        %dma_start3A_343 = tpu.memref_slice %arg3[%add3A_11, %dma_start3A_341, %dma_start3A_342] : memref<800x8x128xi32, #tpu.memory_space<hbm>> -> memref<1x8x128xi32, #tpu.memory_space<hbm>>
        %dma_start3A_344 = tpu.memref_squeeze %dma_start3A_343 : memref<1x8x128xi32, #tpu.memory_space<hbm>> -> memref<8x128xi32, #tpu.memory_space<hbm>>
        %dma_start3A_345 = arith.constant 0 : i32
        %dma_start3A_346 = arith.constant 0 : i32
        %dma_start3A_347 = tpu.memref_slice %arg3[%add3A_11, %dma_start3A_345, %dma_start3A_346] : memref<800x8x128xi32, #tpu.memory_space<hbm>> -> memref<1x8x128xi32, #tpu.memory_space<hbm>>
        %dma_start3A_348 = tpu.memref_squeeze %dma_start3A_347 : memref<1x8x128xi32, #tpu.memory_space<hbm>> -> memref<8x128xi32, #tpu.memory_space<hbm>>
        tpu.enqueue_dma source(%dma_start3A_348 : memref<8x128xi32, #tpu.memory_space<hbm>>) target(%arg7 : memref<8x128xi32, #tpu.memory_space<vmem>>) target_semaphore(%run_scoped3A : memref<!tpu.dma_semaphore, #tpu.memory_space<semaphore_mem>>)
        %dma_wait3A_349 = arith.constant 0 : i32
        %dma_wait3A_350 = arith.constant 0 : i32
        %dma_wait3A_351 = tpu.memref_slice %arg3[%add3A_11, %dma_wait3A_349, %dma_wait3A_350] : memref<800x8x128xi32, #tpu.memory_space<hbm>> -> memref<1x8x128xi32, #tpu.memory_space<hbm>>
        %dma_wait3A_352 = tpu.memref_squeeze %dma_wait3A_351 : memref<1x8x128xi32, #tpu.memory_space<hbm>> -> memref<8x128xi32, #tpu.memory_space<hbm>>
        %dma_wait3A_353 = arith.constant 0 : i32
        %dma_wait3A_354 = arith.constant 0 : i32
        %dma_wait3A_355 = tpu.memref_slice %arg3[%add3A_11, %dma_wait3A_353, %dma_wait3A_354] : memref<800x8x128xi32, #tpu.memory_space<hbm>> -> memref<1x8x128xi32, #tpu.memory_space<hbm>>
        %dma_wait3A_356 = tpu.memref_squeeze %dma_wait3A_355 : memref<1x8x128xi32, #tpu.memory_space<hbm>> -> memref<8x128xi32, #tpu.memory_space<hbm>>
        tpu.wait_dma2 semaphore(%run_scoped3A : memref<!tpu.dma_semaphore, #tpu.memory_space<semaphore_mem>>) src(%dma_wait3A_356 : memref<8x128xi32, #tpu.memory_space<hbm>>) dst(%arg7 : memref<8x128xi32, #tpu.memory_space<vmem>>)
        tpu.yield
      }) : () -> ()
      %add3A_12 = arith.addi %mul3A_4, %scan3A_10 : i32
      "tpu.region"() ({
        %run_scoped3A = tpu.sem_alloc : memref<!tpu.dma_semaphore, #tpu.memory_space<semaphore_mem>>
        %dma_start3A_341 = arith.constant 0 : i32
        %dma_start3A_342 = arith.constant 0 : i32
        %dma_start3A_343 = tpu.memref_slice %arg4[%add3A_12, %dma_start3A_341, %dma_start3A_342] : memref<800x8x128xi32, #tpu.memory_space<hbm>> -> memref<1x8x128xi32, #tpu.memory_space<hbm>>
        %dma_start3A_344 = tpu.memref_squeeze %dma_start3A_343 : memref<1x8x128xi32, #tpu.memory_space<hbm>> -> memref<8x128xi32, #tpu.memory_space<hbm>>
        %dma_start3A_345 = arith.constant 0 : i32
        %dma_start3A_346 = arith.constant 0 : i32
        %dma_start3A_347 = tpu.memref_slice %arg4[%add3A_12, %dma_start3A_345, %dma_start3A_346] : memref<800x8x128xi32, #tpu.memory_space<hbm>> -> memref<1x8x128xi32, #tpu.memory_space<hbm>>
        %dma_start3A_348 = tpu.memref_squeeze %dma_start3A_347 : memref<1x8x128xi32, #tpu.memory_space<hbm>> -> memref<8x128xi32, #tpu.memory_space<hbm>>
        tpu.enqueue_dma source(%dma_start3A_348 : memref<8x128xi32, #tpu.memory_space<hbm>>) target(%arg8 : memref<8x128xi32, #tpu.memory_space<vmem>>) target_semaphore(%run_scoped3A : memref<!tpu.dma_semaphore, #tpu.memory_space<semaphore_mem>>)
        %dma_wait3A_349 = arith.constant 0 : i32
        %dma_wait3A_350 = arith.constant 0 : i32
        %dma_wait3A_351 = tpu.memref_slice %arg4[%add3A_12, %dma_wait3A_349, %dma_wait3A_350] : memref<800x8x128xi32, #tpu.memory_space<hbm>> -> memref<1x8x128xi32, #tpu.memory_space<hbm>>
        %dma_wait3A_352 = tpu.memref_squeeze %dma_wait3A_351 : memref<1x8x128xi32, #tpu.memory_space<hbm>> -> memref<8x128xi32, #tpu.memory_space<hbm>>
        %dma_wait3A_353 = arith.constant 0 : i32
        %dma_wait3A_354 = arith.constant 0 : i32
        %dma_wait3A_355 = tpu.memref_slice %arg4[%add3A_12, %dma_wait3A_353, %dma_wait3A_354] : memref<800x8x128xi32, #tpu.memory_space<hbm>> -> memref<1x8x128xi32, #tpu.memory_space<hbm>>
        %dma_wait3A_356 = tpu.memref_squeeze %dma_wait3A_355 : memref<1x8x128xi32, #tpu.memory_space<hbm>> -> memref<8x128xi32, #tpu.memory_space<hbm>>
        tpu.wait_dma2 semaphore(%run_scoped3A : memref<!tpu.dma_semaphore, #tpu.memory_space<semaphore_mem>>) src(%dma_wait3A_356 : memref<8x128xi32, #tpu.memory_space<hbm>>) dst(%arg8 : memref<8x128xi32, #tpu.memory_space<vmem>>)
        tpu.yield
      }) : () -> ()
      %mul3A_13 = arith.constant 1024 : i32
      %mul3A_14 = arith.muli %scan3A_10, %mul3A_13 : i32
      %add3A_15 = arith.addi %mul3A_2, %mul3A_14 : i32
      %add3A_16 = arith.constant 0 : i32
      %add3A_17 = arith.addi %add3A_15, %add3A_16 : i32
      %dma_start3A = arith.constant 0 : i32
      %dma_start3A_18 = arith.constant 0 : i32
      %dma_start3A_19 = arith.constant 0 : i32
      %dma_start3A_20 = tpu.memref_slice %arg9[%dma_start3A_18, %dma_start3A_19] : memref<512x80xf32, #tpu.memory_space<vmem>> -> memref<128x80xf32, #tpu.memory_space<vmem>>
      %dma_start3A_21 = arith.constant 0 : i32
      %dma_start3A_22 = tpu.memref_slice %arg7[%dma_start3A, %dma_start3A_21] : memref<8x128xi32, #tpu.memory_space<vmem>> -> memref<1x128xi32, #tpu.memory_space<vmem>>
      %dma_start3A_23 = tpu.memref_squeeze %dma_start3A_22 : memref<1x128xi32, #tpu.memory_space<vmem>> -> memref<128xi32, #tpu.memory_space<vmem>>
      %dma_start3A_24 = arith.constant 0 : i32
      %dma_start3A_25 = arith.constant 0 : i32
      %dma_start3A_26 = tpu.memref_slice %arg2[%dma_start3A_24, %dma_start3A_25] : memref<51200x80xf32, #tpu.memory_space<hbm>> -> memref<51200x80xf32, #tpu.memory_space<hbm>>
      tpu.enqueue_indirect_dma source(%dma_start3A_26 : memref<51200x80xf32, #tpu.memory_space<hbm>>) target(%dma_start3A_20 : memref<128x80xf32, #tpu.memory_space<vmem>>) offsets(%dma_start3A_23 : memref<128xi32, #tpu.memory_space<vmem>>) semaphore(%arg11 : memref<!tpu.dma_semaphore, #tpu.memory_space<semaphore_mem>>)
      %dma_start3A_27 = arith.constant 0 : i32
      %dma_start3A_28 = arith.constant 0 : i32
      %dma_start3A_29 = arith.constant 0 : i32
      %dma_start3A_30 = tpu.memref_slice %arg10[%dma_start3A_28, %dma_start3A_29] : memref<512x80xf32, #tpu.memory_space<vmem>> -> memref<128x80xf32, #tpu.memory_space<vmem>>
      %dma_start3A_31 = arith.constant 0 : i32
      %dma_start3A_32 = tpu.memref_slice %arg8[%dma_start3A_27, %dma_start3A_31] : memref<8x128xi32, #tpu.memory_space<vmem>> -> memref<1x128xi32, #tpu.memory_space<vmem>>
      %dma_start3A_33 = tpu.memref_squeeze %dma_start3A_32 : memref<1x128xi32, #tpu.memory_space<vmem>> -> memref<128xi32, #tpu.memory_space<vmem>>
      %dma_start3A_34 = arith.constant 0 : i32
      %dma_start3A_35 = arith.constant 0 : i32
      %dma_start3A_36 = tpu.memref_slice %arg2[%dma_start3A_34, %dma_start3A_35] : memref<51200x80xf32, #tpu.memory_space<hbm>> -> memref<51200x80xf32, #tpu.memory_space<hbm>>
      tpu.enqueue_indirect_dma source(%dma_start3A_36 : memref<51200x80xf32, #tpu.memory_space<hbm>>) target(%dma_start3A_30 : memref<128x80xf32, #tpu.memory_space<vmem>>) offsets(%dma_start3A_33 : memref<128xi32, #tpu.memory_space<vmem>>) semaphore(%arg11 : memref<!tpu.dma_semaphore, #tpu.memory_space<semaphore_mem>>)
      %dma_start3A_37 = arith.constant 1 : i32
      %dma_start3A_38 = arith.constant 128 : i32
      %dma_start3A_39 = arith.constant 0 : i32
      %dma_start3A_40 = tpu.memref_slice %arg9[%dma_start3A_38, %dma_start3A_39] : memref<512x80xf32, #tpu.memory_space<vmem>> -> memref<128x80xf32, #tpu.memory_space<vmem>>
      %dma_start3A_41 = arith.constant 0 : i32
      %dma_start3A_42 = tpu.memref_slice %arg7[%dma_start3A_37, %dma_start3A_41] : memref<8x128xi32, #tpu.memory_space<vmem>> -> memref<1x128xi32, #tpu.memory_space<vmem>>
      %dma_start3A_43 = tpu.memref_squeeze %dma_start3A_42 : memref<1x128xi32, #tpu.memory_space<vmem>> -> memref<128xi32, #tpu.memory_space<vmem>>
      %dma_start3A_44 = arith.constant 0 : i32
      %dma_start3A_45 = arith.constant 0 : i32
      %dma_start3A_46 = tpu.memref_slice %arg2[%dma_start3A_44, %dma_start3A_45] : memref<51200x80xf32, #tpu.memory_space<hbm>> -> memref<51200x80xf32, #tpu.memory_space<hbm>>
      tpu.enqueue_indirect_dma source(%dma_start3A_46 : memref<51200x80xf32, #tpu.memory_space<hbm>>) target(%dma_start3A_40 : memref<128x80xf32, #tpu.memory_space<vmem>>) offsets(%dma_start3A_43 : memref<128xi32, #tpu.memory_space<vmem>>) semaphore(%arg11 : memref<!tpu.dma_semaphore, #tpu.memory_space<semaphore_mem>>)
      %dma_start3A_47 = arith.constant 1 : i32
      %dma_start3A_48 = arith.constant 128 : i32
      %dma_start3A_49 = arith.constant 0 : i32
      %dma_start3A_50 = tpu.memref_slice %arg10[%dma_start3A_48, %dma_start3A_49] : memref<512x80xf32, #tpu.memory_space<vmem>> -> memref<128x80xf32, #tpu.memory_space<vmem>>
      %dma_start3A_51 = arith.constant 0 : i32
      %dma_start3A_52 = tpu.memref_slice %arg8[%dma_start3A_47, %dma_start3A_51] : memref<8x128xi32, #tpu.memory_space<vmem>> -> memref<1x128xi32, #tpu.memory_space<vmem>>
      %dma_start3A_53 = tpu.memref_squeeze %dma_start3A_52 : memref<1x128xi32, #tpu.memory_space<vmem>> -> memref<128xi32, #tpu.memory_space<vmem>>
      %dma_start3A_54 = arith.constant 0 : i32
      %dma_start3A_55 = arith.constant 0 : i32
      %dma_start3A_56 = tpu.memref_slice %arg2[%dma_start3A_54, %dma_start3A_55] : memref<51200x80xf32, #tpu.memory_space<hbm>> -> memref<51200x80xf32, #tpu.memory_space<hbm>>
      tpu.enqueue_indirect_dma source(%dma_start3A_56 : memref<51200x80xf32, #tpu.memory_space<hbm>>) target(%dma_start3A_50 : memref<128x80xf32, #tpu.memory_space<vmem>>) offsets(%dma_start3A_53 : memref<128xi32, #tpu.memory_space<vmem>>) semaphore(%arg11 : memref<!tpu.dma_semaphore, #tpu.memory_space<semaphore_mem>>)
      %dma_start3A_57 = arith.constant 2 : i32
      %dma_start3A_58 = arith.constant 256 : i32
      %dma_start3A_59 = arith.constant 0 : i32
      %dma_start3A_60 = tpu.memref_slice %arg9[%dma_start3A_58, %dma_start3A_59] : memref<512x80xf32, #tpu.memory_space<vmem>> -> memref<128x80xf32, #tpu.memory_space<vmem>>
      %dma_start3A_61 = arith.constant 0 : i32
      %dma_start3A_62 = tpu.memref_slice %arg7[%dma_start3A_57, %dma_start3A_61] : memref<8x128xi32, #tpu.memory_space<vmem>> -> memref<1x128xi32, #tpu.memory_space<vmem>>
      %dma_start3A_63 = tpu.memref_squeeze %dma_start3A_62 : memref<1x128xi32, #tpu.memory_space<vmem>> -> memref<128xi32, #tpu.memory_space<vmem>>
      %dma_start3A_64 = arith.constant 0 : i32
      %dma_start3A_65 = arith.constant 0 : i32
      %dma_start3A_66 = tpu.memref_slice %arg2[%dma_start3A_64, %dma_start3A_65] : memref<51200x80xf32, #tpu.memory_space<hbm>> -> memref<51200x80xf32, #tpu.memory_space<hbm>>
      tpu.enqueue_indirect_dma source(%dma_start3A_66 : memref<51200x80xf32, #tpu.memory_space<hbm>>) target(%dma_start3A_60 : memref<128x80xf32, #tpu.memory_space<vmem>>) offsets(%dma_start3A_63 : memref<128xi32, #tpu.memory_space<vmem>>) semaphore(%arg11 : memref<!tpu.dma_semaphore, #tpu.memory_space<semaphore_mem>>)
      %dma_start3A_67 = arith.constant 2 : i32
      %dma_start3A_68 = arith.constant 256 : i32
      %dma_start3A_69 = arith.constant 0 : i32
      %dma_start3A_70 = tpu.memref_slice %arg10[%dma_start3A_68, %dma_start3A_69] : memref<512x80xf32, #tpu.memory_space<vmem>> -> memref<128x80xf32, #tpu.memory_space<vmem>>
      %dma_start3A_71 = arith.constant 0 : i32
      %dma_start3A_72 = tpu.memref_slice %arg8[%dma_start3A_67, %dma_start3A_71] : memref<8x128xi32, #tpu.memory_space<vmem>> -> memref<1x128xi32, #tpu.memory_space<vmem>>
      %dma_start3A_73 = tpu.memref_squeeze %dma_start3A_72 : memref<1x128xi32, #tpu.memory_space<vmem>> -> memref<128xi32, #tpu.memory_space<vmem>>
      %dma_start3A_74 = arith.constant 0 : i32
      %dma_start3A_75 = arith.constant 0 : i32
      %dma_start3A_76 = tpu.memref_slice %arg2[%dma_start3A_74, %dma_start3A_75] : memref<51200x80xf32, #tpu.memory_space<hbm>> -> memref<51200x80xf32, #tpu.memory_space<hbm>>
      tpu.enqueue_indirect_dma source(%dma_start3A_76 : memref<51200x80xf32, #tpu.memory_space<hbm>>) target(%dma_start3A_70 : memref<128x80xf32, #tpu.memory_space<vmem>>) offsets(%dma_start3A_73 : memref<128xi32, #tpu.memory_space<vmem>>) semaphore(%arg11 : memref<!tpu.dma_semaphore, #tpu.memory_space<semaphore_mem>>)
      %dma_start3A_77 = arith.constant 3 : i32
      %dma_start3A_78 = arith.constant 384 : i32
      %dma_start3A_79 = arith.constant 0 : i32
      %dma_start3A_80 = tpu.memref_slice %arg9[%dma_start3A_78, %dma_start3A_79] : memref<512x80xf32, #tpu.memory_space<vmem>> -> memref<128x80xf32, #tpu.memory_space<vmem>>
      %dma_start3A_81 = arith.constant 0 : i32
      %dma_start3A_82 = tpu.memref_slice %arg7[%dma_start3A_77, %dma_start3A_81] : memref<8x128xi32, #tpu.memory_space<vmem>> -> memref<1x128xi32, #tpu.memory_space<vmem>>
      %dma_start3A_83 = tpu.memref_squeeze %dma_start3A_82 : memref<1x128xi32, #tpu.memory_space<vmem>> -> memref<128xi32, #tpu.memory_space<vmem>>
      %dma_start3A_84 = arith.constant 0 : i32
      %dma_start3A_85 = arith.constant 0 : i32
      %dma_start3A_86 = tpu.memref_slice %arg2[%dma_start3A_84, %dma_start3A_85] : memref<51200x80xf32, #tpu.memory_space<hbm>> -> memref<51200x80xf32, #tpu.memory_space<hbm>>
      tpu.enqueue_indirect_dma source(%dma_start3A_86 : memref<51200x80xf32, #tpu.memory_space<hbm>>) target(%dma_start3A_80 : memref<128x80xf32, #tpu.memory_space<vmem>>) offsets(%dma_start3A_83 : memref<128xi32, #tpu.memory_space<vmem>>) semaphore(%arg11 : memref<!tpu.dma_semaphore, #tpu.memory_space<semaphore_mem>>)
      %dma_start3A_87 = arith.constant 3 : i32
      %dma_start3A_88 = arith.constant 384 : i32
      %dma_start3A_89 = arith.constant 0 : i32
      %dma_start3A_90 = tpu.memref_slice %arg10[%dma_start3A_88, %dma_start3A_89] : memref<512x80xf32, #tpu.memory_space<vmem>> -> memref<128x80xf32, #tpu.memory_space<vmem>>
      %dma_start3A_91 = arith.constant 0 : i32
      %dma_start3A_92 = tpu.memref_slice %arg8[%dma_start3A_87, %dma_start3A_91] : memref<8x128xi32, #tpu.memory_space<vmem>> -> memref<1x128xi32, #tpu.memory_space<vmem>>
      %dma_start3A_93 = tpu.memref_squeeze %dma_start3A_92 : memref<1x128xi32, #tpu.memory_space<vmem>> -> memref<128xi32, #tpu.memory_space<vmem>>
      %dma_start3A_94 = arith.constant 0 : i32
      %dma_start3A_95 = arith.constant 0 : i32
      %dma_start3A_96 = tpu.memref_slice %arg2[%dma_start3A_94, %dma_start3A_95] : memref<51200x80xf32, #tpu.memory_space<hbm>> -> memref<51200x80xf32, #tpu.memory_space<hbm>>
      tpu.enqueue_indirect_dma source(%dma_start3A_96 : memref<51200x80xf32, #tpu.memory_space<hbm>>) target(%dma_start3A_90 : memref<128x80xf32, #tpu.memory_space<vmem>>) offsets(%dma_start3A_93 : memref<128xi32, #tpu.memory_space<vmem>>) semaphore(%arg11 : memref<!tpu.dma_semaphore, #tpu.memory_space<semaphore_mem>>)
      %dma_wait3A = arith.constant 0 : i32
      %dma_wait3A_97 = arith.constant 0 : i32
      %dma_wait3A_98 = arith.constant 0 : i32
      %dma_wait3A_99 = tpu.memref_slice %arg9[%dma_wait3A_97, %dma_wait3A_98] : memref<512x80xf32, #tpu.memory_space<vmem>> -> memref<128x80xf32, #tpu.memory_space<vmem>>
      %dma_wait3A_100 = arith.constant 0 : i32
      %dma_wait3A_101 = tpu.memref_slice %arg7[%dma_wait3A, %dma_wait3A_100] : memref<8x128xi32, #tpu.memory_space<vmem>> -> memref<1x128xi32, #tpu.memory_space<vmem>>
      %dma_wait3A_102 = tpu.memref_squeeze %dma_wait3A_101 : memref<1x128xi32, #tpu.memory_space<vmem>> -> memref<128xi32, #tpu.memory_space<vmem>>
      %dma_wait3A_103 = arith.constant 0 : i32
      %dma_wait3A_104 = arith.constant 0 : i32
      %dma_wait3A_105 = tpu.memref_slice %arg2[%dma_wait3A_103, %dma_wait3A_104] : memref<51200x80xf32, #tpu.memory_space<hbm>> -> memref<51200x80xf32, #tpu.memory_space<hbm>>
      tpu.wait_indirect_dma semaphore(%arg11 : memref<!tpu.dma_semaphore, #tpu.memory_space<semaphore_mem>>) src(%dma_wait3A_105 : memref<51200x80xf32, #tpu.memory_space<hbm>>) dst(%dma_wait3A_99 : memref<128x80xf32, #tpu.memory_space<vmem>>)
      %dma_wait3A_106 = arith.constant 0 : i32
      %dma_wait3A_107 = arith.constant 0 : i32
      %dma_wait3A_108 = arith.constant 0 : i32
      %dma_wait3A_109 = tpu.memref_slice %arg10[%dma_wait3A_107, %dma_wait3A_108] : memref<512x80xf32, #tpu.memory_space<vmem>> -> memref<128x80xf32, #tpu.memory_space<vmem>>
      %dma_wait3A_110 = arith.constant 0 : i32
      %dma_wait3A_111 = tpu.memref_slice %arg8[%dma_wait3A_106, %dma_wait3A_110] : memref<8x128xi32, #tpu.memory_space<vmem>> -> memref<1x128xi32, #tpu.memory_space<vmem>>
      %dma_wait3A_112 = tpu.memref_squeeze %dma_wait3A_111 : memref<1x128xi32, #tpu.memory_space<vmem>> -> memref<128xi32, #tpu.memory_space<vmem>>
      %dma_wait3A_113 = arith.constant 0 : i32
      %dma_wait3A_114 = arith.constant 0 : i32
      %dma_wait3A_115 = tpu.memref_slice %arg2[%dma_wait3A_113, %dma_wait3A_114] : memref<51200x80xf32, #tpu.memory_space<hbm>> -> memref<51200x80xf32, #tpu.memory_space<hbm>>
      tpu.wait_indirect_dma semaphore(%arg11 : memref<!tpu.dma_semaphore, #tpu.memory_space<semaphore_mem>>) src(%dma_wait3A_115 : memref<51200x80xf32, #tpu.memory_space<hbm>>) dst(%dma_wait3A_109 : memref<128x80xf32, #tpu.memory_space<vmem>>)
      %dma_wait3A_116 = arith.constant 1 : i32
      %dma_wait3A_117 = arith.constant 128 : i32
      %dma_wait3A_118 = arith.constant 0 : i32
      %dma_wait3A_119 = tpu.memref_slice %arg9[%dma_wait3A_117, %dma_wait3A_118] : memref<512x80xf32, #tpu.memory_space<vmem>> -> memref<128x80xf32, #tpu.memory_space<vmem>>
      %dma_wait3A_120 = arith.constant 0 : i32
      %dma_wait3A_121 = tpu.memref_slice %arg7[%dma_wait3A_116, %dma_wait3A_120] : memref<8x128xi32, #tpu.memory_space<vmem>> -> memref<1x128xi32, #tpu.memory_space<vmem>>
      %dma_wait3A_122 = tpu.memref_squeeze %dma_wait3A_121 : memref<1x128xi32, #tpu.memory_space<vmem>> -> memref<128xi32, #tpu.memory_space<vmem>>
      %dma_wait3A_123 = arith.constant 0 : i32
      %dma_wait3A_124 = arith.constant 0 : i32
      %dma_wait3A_125 = tpu.memref_slice %arg2[%dma_wait3A_123, %dma_wait3A_124] : memref<51200x80xf32, #tpu.memory_space<hbm>> -> memref<51200x80xf32, #tpu.memory_space<hbm>>
      tpu.wait_indirect_dma semaphore(%arg11 : memref<!tpu.dma_semaphore, #tpu.memory_space<semaphore_mem>>) src(%dma_wait3A_125 : memref<51200x80xf32, #tpu.memory_space<hbm>>) dst(%dma_wait3A_119 : memref<128x80xf32, #tpu.memory_space<vmem>>)
      %dma_wait3A_126 = arith.constant 1 : i32
      %dma_wait3A_127 = arith.constant 128 : i32
      %dma_wait3A_128 = arith.constant 0 : i32
      %dma_wait3A_129 = tpu.memref_slice %arg10[%dma_wait3A_127, %dma_wait3A_128] : memref<512x80xf32, #tpu.memory_space<vmem>> -> memref<128x80xf32, #tpu.memory_space<vmem>>
      %dma_wait3A_130 = arith.constant 0 : i32
      %dma_wait3A_131 = tpu.memref_slice %arg8[%dma_wait3A_126, %dma_wait3A_130] : memref<8x128xi32, #tpu.memory_space<vmem>> -> memref<1x128xi32, #tpu.memory_space<vmem>>
      %dma_wait3A_132 = tpu.memref_squeeze %dma_wait3A_131 : memref<1x128xi32, #tpu.memory_space<vmem>> -> memref<128xi32, #tpu.memory_space<vmem>>
      %dma_wait3A_133 = arith.constant 0 : i32
      %dma_wait3A_134 = arith.constant 0 : i32
      %dma_wait3A_135 = tpu.memref_slice %arg2[%dma_wait3A_133, %dma_wait3A_134] : memref<51200x80xf32, #tpu.memory_space<hbm>> -> memref<51200x80xf32, #tpu.memory_space<hbm>>
      tpu.wait_indirect_dma semaphore(%arg11 : memref<!tpu.dma_semaphore, #tpu.memory_space<semaphore_mem>>) src(%dma_wait3A_135 : memref<51200x80xf32, #tpu.memory_space<hbm>>) dst(%dma_wait3A_129 : memref<128x80xf32, #tpu.memory_space<vmem>>)
      %dma_wait3A_136 = arith.constant 2 : i32
      %dma_wait3A_137 = arith.constant 256 : i32
      %dma_wait3A_138 = arith.constant 0 : i32
      %dma_wait3A_139 = tpu.memref_slice %arg9[%dma_wait3A_137, %dma_wait3A_138] : memref<512x80xf32, #tpu.memory_space<vmem>> -> memref<128x80xf32, #tpu.memory_space<vmem>>
      %dma_wait3A_140 = arith.constant 0 : i32
      %dma_wait3A_141 = tpu.memref_slice %arg7[%dma_wait3A_136, %dma_wait3A_140] : memref<8x128xi32, #tpu.memory_space<vmem>> -> memref<1x128xi32, #tpu.memory_space<vmem>>
      %dma_wait3A_142 = tpu.memref_squeeze %dma_wait3A_141 : memref<1x128xi32, #tpu.memory_space<vmem>> -> memref<128xi32, #tpu.memory_space<vmem>>
      %dma_wait3A_143 = arith.constant 0 : i32
      %dma_wait3A_144 = arith.constant 0 : i32
      %dma_wait3A_145 = tpu.memref_slice %arg2[%dma_wait3A_143, %dma_wait3A_144] : memref<51200x80xf32, #tpu.memory_space<hbm>> -> memref<51200x80xf32, #tpu.memory_space<hbm>>
      tpu.wait_indirect_dma semaphore(%arg11 : memref<!tpu.dma_semaphore, #tpu.memory_space<semaphore_mem>>) src(%dma_wait3A_145 : memref<51200x80xf32, #tpu.memory_space<hbm>>) dst(%dma_wait3A_139 : memref<128x80xf32, #tpu.memory_space<vmem>>)
      %dma_wait3A_146 = arith.constant 2 : i32
      %dma_wait3A_147 = arith.constant 256 : i32
      %dma_wait3A_148 = arith.constant 0 : i32
      %dma_wait3A_149 = tpu.memref_slice %arg10[%dma_wait3A_147, %dma_wait3A_148] : memref<512x80xf32, #tpu.memory_space<vmem>> -> memref<128x80xf32, #tpu.memory_space<vmem>>
      %dma_wait3A_150 = arith.constant 0 : i32
      %dma_wait3A_151 = tpu.memref_slice %arg8[%dma_wait3A_146, %dma_wait3A_150] : memref<8x128xi32, #tpu.memory_space<vmem>> -> memref<1x128xi32, #tpu.memory_space<vmem>>
      %dma_wait3A_152 = tpu.memref_squeeze %dma_wait3A_151 : memref<1x128xi32, #tpu.memory_space<vmem>> -> memref<128xi32, #tpu.memory_space<vmem>>
      %dma_wait3A_153 = arith.constant 0 : i32
      %dma_wait3A_154 = arith.constant 0 : i32
      %dma_wait3A_155 = tpu.memref_slice %arg2[%dma_wait3A_153, %dma_wait3A_154] : memref<51200x80xf32, #tpu.memory_space<hbm>> -> memref<51200x80xf32, #tpu.memory_space<hbm>>
      tpu.wait_indirect_dma semaphore(%arg11 : memref<!tpu.dma_semaphore, #tpu.memory_space<semaphore_mem>>) src(%dma_wait3A_155 : memref<51200x80xf32, #tpu.memory_space<hbm>>) dst(%dma_wait3A_149 : memref<128x80xf32, #tpu.memory_space<vmem>>)
      %dma_wait3A_156 = arith.constant 3 : i32
      %dma_wait3A_157 = arith.constant 384 : i32
      %dma_wait3A_158 = arith.constant 0 : i32
      %dma_wait3A_159 = tpu.memref_slice %arg9[%dma_wait3A_157, %dma_wait3A_158] : memref<512x80xf32, #tpu.memory_space<vmem>> -> memref<128x80xf32, #tpu.memory_space<vmem>>
      %dma_wait3A_160 = arith.constant 0 : i32
      %dma_wait3A_161 = tpu.memref_slice %arg7[%dma_wait3A_156, %dma_wait3A_160] : memref<8x128xi32, #tpu.memory_space<vmem>> -> memref<1x128xi32, #tpu.memory_space<vmem>>
      %dma_wait3A_162 = tpu.memref_squeeze %dma_wait3A_161 : memref<1x128xi32, #tpu.memory_space<vmem>> -> memref<128xi32, #tpu.memory_space<vmem>>
      %dma_wait3A_163 = arith.constant 0 : i32
      %dma_wait3A_164 = arith.constant 0 : i32
      %dma_wait3A_165 = tpu.memref_slice %arg2[%dma_wait3A_163, %dma_wait3A_164] : memref<51200x80xf32, #tpu.memory_space<hbm>> -> memref<51200x80xf32, #tpu.memory_space<hbm>>
      tpu.wait_indirect_dma semaphore(%arg11 : memref<!tpu.dma_semaphore, #tpu.memory_space<semaphore_mem>>) src(%dma_wait3A_165 : memref<51200x80xf32, #tpu.memory_space<hbm>>) dst(%dma_wait3A_159 : memref<128x80xf32, #tpu.memory_space<vmem>>)
      %dma_wait3A_166 = arith.constant 3 : i32
      %dma_wait3A_167 = arith.constant 384 : i32
      %dma_wait3A_168 = arith.constant 0 : i32
      %dma_wait3A_169 = tpu.memref_slice %arg10[%dma_wait3A_167, %dma_wait3A_168] : memref<512x80xf32, #tpu.memory_space<vmem>> -> memref<128x80xf32, #tpu.memory_space<vmem>>
      %dma_wait3A_170 = arith.constant 0 : i32
      %dma_wait3A_171 = tpu.memref_slice %arg8[%dma_wait3A_166, %dma_wait3A_170] : memref<8x128xi32, #tpu.memory_space<vmem>> -> memref<1x128xi32, #tpu.memory_space<vmem>>
      %dma_wait3A_172 = tpu.memref_squeeze %dma_wait3A_171 : memref<1x128xi32, #tpu.memory_space<vmem>> -> memref<128xi32, #tpu.memory_space<vmem>>
      %dma_wait3A_173 = arith.constant 0 : i32
      %dma_wait3A_174 = arith.constant 0 : i32
      %dma_wait3A_175 = tpu.memref_slice %arg2[%dma_wait3A_173, %dma_wait3A_174] : memref<51200x80xf32, #tpu.memory_space<hbm>> -> memref<51200x80xf32, #tpu.memory_space<hbm>>
      tpu.wait_indirect_dma semaphore(%arg11 : memref<!tpu.dma_semaphore, #tpu.memory_space<semaphore_mem>>) src(%dma_wait3A_175 : memref<51200x80xf32, #tpu.memory_space<hbm>>) dst(%dma_wait3A_169 : memref<128x80xf32, #tpu.memory_space<vmem>>)
      "tpu.region"() ({
        %run_scoped3A = tpu.sem_alloc : memref<!tpu.dma_semaphore, #tpu.memory_space<semaphore_mem>>
        %dma_start3A_341 = arith.constant 0 : i32
        %dma_start3A_342 = tpu.memref_slice %arg5[%add3A_17, %dma_start3A_341] : memref<819200x80xf32, #tpu.memory_space<hbm>> -> memref<512x80xf32, #tpu.memory_space<hbm>>
        %dma_start3A_343 = arith.constant 0 : i32
        %dma_start3A_344 = tpu.memref_slice %arg5[%add3A_17, %dma_start3A_343] : memref<819200x80xf32, #tpu.memory_space<hbm>> -> memref<512x80xf32, #tpu.memory_space<hbm>>
        tpu.enqueue_dma source(%arg9 : memref<512x80xf32, #tpu.memory_space<vmem>>) target(%dma_start3A_344 : memref<512x80xf32, #tpu.memory_space<hbm>>) target_semaphore(%run_scoped3A : memref<!tpu.dma_semaphore, #tpu.memory_space<semaphore_mem>>)
        %dma_wait3A_345 = arith.constant 0 : i32
        %dma_wait3A_346 = tpu.memref_slice %arg5[%add3A_17, %dma_wait3A_345] : memref<819200x80xf32, #tpu.memory_space<hbm>> -> memref<512x80xf32, #tpu.memory_space<hbm>>
        %dma_wait3A_347 = arith.constant 0 : i32
        %dma_wait3A_348 = tpu.memref_slice %arg5[%add3A_17, %dma_wait3A_347] : memref<819200x80xf32, #tpu.memory_space<hbm>> -> memref<512x80xf32, #tpu.memory_space<hbm>>
        tpu.wait_dma2 semaphore(%run_scoped3A : memref<!tpu.dma_semaphore, #tpu.memory_space<semaphore_mem>>) src(%arg9 : memref<512x80xf32, #tpu.memory_space<vmem>>) dst(%dma_wait3A_348 : memref<512x80xf32, #tpu.memory_space<hbm>>)
        tpu.yield
      }) : () -> ()
      "tpu.region"() ({
        %run_scoped3A = tpu.sem_alloc : memref<!tpu.dma_semaphore, #tpu.memory_space<semaphore_mem>>
        %dma_start3A_341 = arith.constant 0 : i32
        %dma_start3A_342 = tpu.memref_slice %arg6[%add3A_17, %dma_start3A_341] : memref<819200x80xf32, #tpu.memory_space<hbm>> -> memref<512x80xf32, #tpu.memory_space<hbm>>
        %dma_start3A_343 = arith.constant 0 : i32
        %dma_start3A_344 = tpu.memref_slice %arg6[%add3A_17, %dma_start3A_343] : memref<819200x80xf32, #tpu.memory_space<hbm>> -> memref<512x80xf32, #tpu.memory_space<hbm>>
        tpu.enqueue_dma source(%arg10 : memref<512x80xf32, #tpu.memory_space<vmem>>) target(%dma_start3A_344 : memref<512x80xf32, #tpu.memory_space<hbm>>) target_semaphore(%run_scoped3A : memref<!tpu.dma_semaphore, #tpu.memory_space<semaphore_mem>>)
        %dma_wait3A_345 = arith.constant 0 : i32
        %dma_wait3A_346 = tpu.memref_slice %arg6[%add3A_17, %dma_wait3A_345] : memref<819200x80xf32, #tpu.memory_space<hbm>> -> memref<512x80xf32, #tpu.memory_space<hbm>>
        %dma_wait3A_347 = arith.constant 0 : i32
        %dma_wait3A_348 = tpu.memref_slice %arg6[%add3A_17, %dma_wait3A_347] : memref<819200x80xf32, #tpu.memory_space<hbm>> -> memref<512x80xf32, #tpu.memory_space<hbm>>
        tpu.wait_dma2 semaphore(%run_scoped3A : memref<!tpu.dma_semaphore, #tpu.memory_space<semaphore_mem>>) src(%arg10 : memref<512x80xf32, #tpu.memory_space<vmem>>) dst(%dma_wait3A_348 : memref<512x80xf32, #tpu.memory_space<hbm>>)
        tpu.yield
      }) : () -> ()
      %mul3A_176 = arith.constant 1024 : i32
      %mul3A_177 = arith.muli %scan3A_10, %mul3A_176 : i32
      %add3A_178 = arith.addi %mul3A_2, %mul3A_177 : i32
      %add3A_179 = arith.constant 512 : i32
      %add3A_180 = arith.addi %add3A_178, %add3A_179 : i32
      %dma_start3A_181 = arith.constant 4 : i32
      %dma_start3A_182 = arith.constant 0 : i32
      %dma_start3A_183 = arith.constant 0 : i32
      %dma_start3A_184 = tpu.memref_slice %arg9[%dma_start3A_182, %dma_start3A_183] : memref<512x80xf32, #tpu.memory_space<vmem>> -> memref<128x80xf32, #tpu.memory_space<vmem>>
      %dma_start3A_185 = arith.constant 0 : i32
      %dma_start3A_186 = tpu.memref_slice %arg7[%dma_start3A_181, %dma_start3A_185] : memref<8x128xi32, #tpu.memory_space<vmem>> -> memref<1x128xi32, #tpu.memory_space<vmem>>
      %dma_start3A_187 = tpu.memref_squeeze %dma_start3A_186 : memref<1x128xi32, #tpu.memory_space<vmem>> -> memref<128xi32, #tpu.memory_space<vmem>>
      %dma_start3A_188 = arith.constant 0 : i32
      %dma_start3A_189 = arith.constant 0 : i32
      %dma_start3A_190 = tpu.memref_slice %arg2[%dma_start3A_188, %dma_start3A_189] : memref<51200x80xf32, #tpu.memory_space<hbm>> -> memref<51200x80xf32, #tpu.memory_space<hbm>>
      tpu.enqueue_indirect_dma source(%dma_start3A_190 : memref<51200x80xf32, #tpu.memory_space<hbm>>) target(%dma_start3A_184 : memref<128x80xf32, #tpu.memory_space<vmem>>) offsets(%dma_start3A_187 : memref<128xi32, #tpu.memory_space<vmem>>) semaphore(%arg11 : memref<!tpu.dma_semaphore, #tpu.memory_space<semaphore_mem>>)
      %dma_start3A_191 = arith.constant 4 : i32
      %dma_start3A_192 = arith.constant 0 : i32
      %dma_start3A_193 = arith.constant 0 : i32
      %dma_start3A_194 = tpu.memref_slice %arg10[%dma_start3A_192, %dma_start3A_193] : memref<512x80xf32, #tpu.memory_space<vmem>> -> memref<128x80xf32, #tpu.memory_space<vmem>>
      %dma_start3A_195 = arith.constant 0 : i32
      %dma_start3A_196 = tpu.memref_slice %arg8[%dma_start3A_191, %dma_start3A_195] : memref<8x128xi32, #tpu.memory_space<vmem>> -> memref<1x128xi32, #tpu.memory_space<vmem>>
      %dma_start3A_197 = tpu.memref_squeeze %dma_start3A_196 : memref<1x128xi32, #tpu.memory_space<vmem>> -> memref<128xi32, #tpu.memory_space<vmem>>
      %dma_start3A_198 = arith.constant 0 : i32
      %dma_start3A_199 = arith.constant 0 : i32
      %dma_start3A_200 = tpu.memref_slice %arg2[%dma_start3A_198, %dma_start3A_199] : memref<51200x80xf32, #tpu.memory_space<hbm>> -> memref<51200x80xf32, #tpu.memory_space<hbm>>
      tpu.enqueue_indirect_dma source(%dma_start3A_200 : memref<51200x80xf32, #tpu.memory_space<hbm>>) target(%dma_start3A_194 : memref<128x80xf32, #tpu.memory_space<vmem>>) offsets(%dma_start3A_197 : memref<128xi32, #tpu.memory_space<vmem>>) semaphore(%arg11 : memref<!tpu.dma_semaphore, #tpu.memory_space<semaphore_mem>>)
      %dma_start3A_201 = arith.constant 5 : i32
      %dma_start3A_202 = arith.constant 128 : i32
      %dma_start3A_203 = arith.constant 0 : i32
      %dma_start3A_204 = tpu.memref_slice %arg9[%dma_start3A_202, %dma_start3A_203] : memref<512x80xf32, #tpu.memory_space<vmem>> -> memref<128x80xf32, #tpu.memory_space<vmem>>
      %dma_start3A_205 = arith.constant 0 : i32
      %dma_start3A_206 = tpu.memref_slice %arg7[%dma_start3A_201, %dma_start3A_205] : memref<8x128xi32, #tpu.memory_space<vmem>> -> memref<1x128xi32, #tpu.memory_space<vmem>>
      %dma_start3A_207 = tpu.memref_squeeze %dma_start3A_206 : memref<1x128xi32, #tpu.memory_space<vmem>> -> memref<128xi32, #tpu.memory_space<vmem>>
      %dma_start3A_208 = arith.constant 0 : i32
      %dma_start3A_209 = arith.constant 0 : i32
      %dma_start3A_210 = tpu.memref_slice %arg2[%dma_start3A_208, %dma_start3A_209] : memref<51200x80xf32, #tpu.memory_space<hbm>> -> memref<51200x80xf32, #tpu.memory_space<hbm>>
      tpu.enqueue_indirect_dma source(%dma_start3A_210 : memref<51200x80xf32, #tpu.memory_space<hbm>>) target(%dma_start3A_204 : memref<128x80xf32, #tpu.memory_space<vmem>>) offsets(%dma_start3A_207 : memref<128xi32, #tpu.memory_space<vmem>>) semaphore(%arg11 : memref<!tpu.dma_semaphore, #tpu.memory_space<semaphore_mem>>)
      %dma_start3A_211 = arith.constant 5 : i32
      %dma_start3A_212 = arith.constant 128 : i32
      %dma_start3A_213 = arith.constant 0 : i32
      %dma_start3A_214 = tpu.memref_slice %arg10[%dma_start3A_212, %dma_start3A_213] : memref<512x80xf32, #tpu.memory_space<vmem>> -> memref<128x80xf32, #tpu.memory_space<vmem>>
      %dma_start3A_215 = arith.constant 0 : i32
      %dma_start3A_216 = tpu.memref_slice %arg8[%dma_start3A_211, %dma_start3A_215] : memref<8x128xi32, #tpu.memory_space<vmem>> -> memref<1x128xi32, #tpu.memory_space<vmem>>
      %dma_start3A_217 = tpu.memref_squeeze %dma_start3A_216 : memref<1x128xi32, #tpu.memory_space<vmem>> -> memref<128xi32, #tpu.memory_space<vmem>>
      %dma_start3A_218 = arith.constant 0 : i32
      %dma_start3A_219 = arith.constant 0 : i32
      %dma_start3A_220 = tpu.memref_slice %arg2[%dma_start3A_218, %dma_start3A_219] : memref<51200x80xf32, #tpu.memory_space<hbm>> -> memref<51200x80xf32, #tpu.memory_space<hbm>>
      tpu.enqueue_indirect_dma source(%dma_start3A_220 : memref<51200x80xf32, #tpu.memory_space<hbm>>) target(%dma_start3A_214 : memref<128x80xf32, #tpu.memory_space<vmem>>) offsets(%dma_start3A_217 : memref<128xi32, #tpu.memory_space<vmem>>) semaphore(%arg11 : memref<!tpu.dma_semaphore, #tpu.memory_space<semaphore_mem>>)
      %dma_start3A_221 = arith.constant 6 : i32
      %dma_start3A_222 = arith.constant 256 : i32
      %dma_start3A_223 = arith.constant 0 : i32
      %dma_start3A_224 = tpu.memref_slice %arg9[%dma_start3A_222, %dma_start3A_223] : memref<512x80xf32, #tpu.memory_space<vmem>> -> memref<128x80xf32, #tpu.memory_space<vmem>>
      %dma_start3A_225 = arith.constant 0 : i32
      %dma_start3A_226 = tpu.memref_slice %arg7[%dma_start3A_221, %dma_start3A_225] : memref<8x128xi32, #tpu.memory_space<vmem>> -> memref<1x128xi32, #tpu.memory_space<vmem>>
      %dma_start3A_227 = tpu.memref_squeeze %dma_start3A_226 : memref<1x128xi32, #tpu.memory_space<vmem>> -> memref<128xi32, #tpu.memory_space<vmem>>
      %dma_start3A_228 = arith.constant 0 : i32
      %dma_start3A_229 = arith.constant 0 : i32
      %dma_start3A_230 = tpu.memref_slice %arg2[%dma_start3A_228, %dma_start3A_229] : memref<51200x80xf32, #tpu.memory_space<hbm>> -> memref<51200x80xf32, #tpu.memory_space<hbm>>
      tpu.enqueue_indirect_dma source(%dma_start3A_230 : memref<51200x80xf32, #tpu.memory_space<hbm>>) target(%dma_start3A_224 : memref<128x80xf32, #tpu.memory_space<vmem>>) offsets(%dma_start3A_227 : memref<128xi32, #tpu.memory_space<vmem>>) semaphore(%arg11 : memref<!tpu.dma_semaphore, #tpu.memory_space<semaphore_mem>>)
      %dma_start3A_231 = arith.constant 6 : i32
      %dma_start3A_232 = arith.constant 256 : i32
      %dma_start3A_233 = arith.constant 0 : i32
      %dma_start3A_234 = tpu.memref_slice %arg10[%dma_start3A_232, %dma_start3A_233] : memref<512x80xf32, #tpu.memory_space<vmem>> -> memref<128x80xf32, #tpu.memory_space<vmem>>
      %dma_start3A_235 = arith.constant 0 : i32
      %dma_start3A_236 = tpu.memref_slice %arg8[%dma_start3A_231, %dma_start3A_235] : memref<8x128xi32, #tpu.memory_space<vmem>> -> memref<1x128xi32, #tpu.memory_space<vmem>>
      %dma_start3A_237 = tpu.memref_squeeze %dma_start3A_236 : memref<1x128xi32, #tpu.memory_space<vmem>> -> memref<128xi32, #tpu.memory_space<vmem>>
      %dma_start3A_238 = arith.constant 0 : i32
      %dma_start3A_239 = arith.constant 0 : i32
      %dma_start3A_240 = tpu.memref_slice %arg2[%dma_start3A_238, %dma_start3A_239] : memref<51200x80xf32, #tpu.memory_space<hbm>> -> memref<51200x80xf32, #tpu.memory_space<hbm>>
      tpu.enqueue_indirect_dma source(%dma_start3A_240 : memref<51200x80xf32, #tpu.memory_space<hbm>>) target(%dma_start3A_234 : memref<128x80xf32, #tpu.memory_space<vmem>>) offsets(%dma_start3A_237 : memref<128xi32, #tpu.memory_space<vmem>>) semaphore(%arg11 : memref<!tpu.dma_semaphore, #tpu.memory_space<semaphore_mem>>)
      %dma_start3A_241 = arith.constant 7 : i32
      %dma_start3A_242 = arith.constant 384 : i32
      %dma_start3A_243 = arith.constant 0 : i32
      %dma_start3A_244 = tpu.memref_slice %arg9[%dma_start3A_242, %dma_start3A_243] : memref<512x80xf32, #tpu.memory_space<vmem>> -> memref<128x80xf32, #tpu.memory_space<vmem>>
      %dma_start3A_245 = arith.constant 0 : i32
      %dma_start3A_246 = tpu.memref_slice %arg7[%dma_start3A_241, %dma_start3A_245] : memref<8x128xi32, #tpu.memory_space<vmem>> -> memref<1x128xi32, #tpu.memory_space<vmem>>
      %dma_start3A_247 = tpu.memref_squeeze %dma_start3A_246 : memref<1x128xi32, #tpu.memory_space<vmem>> -> memref<128xi32, #tpu.memory_space<vmem>>
      %dma_start3A_248 = arith.constant 0 : i32
      %dma_start3A_249 = arith.constant 0 : i32
      %dma_start3A_250 = tpu.memref_slice %arg2[%dma_start3A_248, %dma_start3A_249] : memref<51200x80xf32, #tpu.memory_space<hbm>> -> memref<51200x80xf32, #tpu.memory_space<hbm>>
      tpu.enqueue_indirect_dma source(%dma_start3A_250 : memref<51200x80xf32, #tpu.memory_space<hbm>>) target(%dma_start3A_244 : memref<128x80xf32, #tpu.memory_space<vmem>>) offsets(%dma_start3A_247 : memref<128xi32, #tpu.memory_space<vmem>>) semaphore(%arg11 : memref<!tpu.dma_semaphore, #tpu.memory_space<semaphore_mem>>)
      %dma_start3A_251 = arith.constant 7 : i32
      %dma_start3A_252 = arith.constant 384 : i32
      %dma_start3A_253 = arith.constant 0 : i32
      %dma_start3A_254 = tpu.memref_slice %arg10[%dma_start3A_252, %dma_start3A_253] : memref<512x80xf32, #tpu.memory_space<vmem>> -> memref<128x80xf32, #tpu.memory_space<vmem>>
      %dma_start3A_255 = arith.constant 0 : i32
      %dma_start3A_256 = tpu.memref_slice %arg8[%dma_start3A_251, %dma_start3A_255] : memref<8x128xi32, #tpu.memory_space<vmem>> -> memref<1x128xi32, #tpu.memory_space<vmem>>
      %dma_start3A_257 = tpu.memref_squeeze %dma_start3A_256 : memref<1x128xi32, #tpu.memory_space<vmem>> -> memref<128xi32, #tpu.memory_space<vmem>>
      %dma_start3A_258 = arith.constant 0 : i32
      %dma_start3A_259 = arith.constant 0 : i32
      %dma_start3A_260 = tpu.memref_slice %arg2[%dma_start3A_258, %dma_start3A_259] : memref<51200x80xf32, #tpu.memory_space<hbm>> -> memref<51200x80xf32, #tpu.memory_space<hbm>>
      tpu.enqueue_indirect_dma source(%dma_start3A_260 : memref<51200x80xf32, #tpu.memory_space<hbm>>) target(%dma_start3A_254 : memref<128x80xf32, #tpu.memory_space<vmem>>) offsets(%dma_start3A_257 : memref<128xi32, #tpu.memory_space<vmem>>) semaphore(%arg11 : memref<!tpu.dma_semaphore, #tpu.memory_space<semaphore_mem>>)
      %dma_wait3A_261 = arith.constant 4 : i32
      %dma_wait3A_262 = arith.constant 0 : i32
      %dma_wait3A_263 = arith.constant 0 : i32
      %dma_wait3A_264 = tpu.memref_slice %arg9[%dma_wait3A_262, %dma_wait3A_263] : memref<512x80xf32, #tpu.memory_space<vmem>> -> memref<128x80xf32, #tpu.memory_space<vmem>>
      %dma_wait3A_265 = arith.constant 0 : i32
      %dma_wait3A_266 = tpu.memref_slice %arg7[%dma_wait3A_261, %dma_wait3A_265] : memref<8x128xi32, #tpu.memory_space<vmem>> -> memref<1x128xi32, #tpu.memory_space<vmem>>
      %dma_wait3A_267 = tpu.memref_squeeze %dma_wait3A_266 : memref<1x128xi32, #tpu.memory_space<vmem>> -> memref<128xi32, #tpu.memory_space<vmem>>
      %dma_wait3A_268 = arith.constant 0 : i32
      %dma_wait3A_269 = arith.constant 0 : i32
      %dma_wait3A_270 = tpu.memref_slice %arg2[%dma_wait3A_268, %dma_wait3A_269] : memref<51200x80xf32, #tpu.memory_space<hbm>> -> memref<51200x80xf32, #tpu.memory_space<hbm>>
      tpu.wait_indirect_dma semaphore(%arg11 : memref<!tpu.dma_semaphore, #tpu.memory_space<semaphore_mem>>) src(%dma_wait3A_270 : memref<51200x80xf32, #tpu.memory_space<hbm>>) dst(%dma_wait3A_264 : memref<128x80xf32, #tpu.memory_space<vmem>>)
      %dma_wait3A_271 = arith.constant 4 : i32
      %dma_wait3A_272 = arith.constant 0 : i32
      %dma_wait3A_273 = arith.constant 0 : i32
      %dma_wait3A_274 = tpu.memref_slice %arg10[%dma_wait3A_272, %dma_wait3A_273] : memref<512x80xf32, #tpu.memory_space<vmem>> -> memref<128x80xf32, #tpu.memory_space<vmem>>
      %dma_wait3A_275 = arith.constant 0 : i32
      %dma_wait3A_276 = tpu.memref_slice %arg8[%dma_wait3A_271, %dma_wait3A_275] : memref<8x128xi32, #tpu.memory_space<vmem>> -> memref<1x128xi32, #tpu.memory_space<vmem>>
      %dma_wait3A_277 = tpu.memref_squeeze %dma_wait3A_276 : memref<1x128xi32, #tpu.memory_space<vmem>> -> memref<128xi32, #tpu.memory_space<vmem>>
      %dma_wait3A_278 = arith.constant 0 : i32
      %dma_wait3A_279 = arith.constant 0 : i32
      %dma_wait3A_280 = tpu.memref_slice %arg2[%dma_wait3A_278, %dma_wait3A_279] : memref<51200x80xf32, #tpu.memory_space<hbm>> -> memref<51200x80xf32, #tpu.memory_space<hbm>>
      tpu.wait_indirect_dma semaphore(%arg11 : memref<!tpu.dma_semaphore, #tpu.memory_space<semaphore_mem>>) src(%dma_wait3A_280 : memref<51200x80xf32, #tpu.memory_space<hbm>>) dst(%dma_wait3A_274 : memref<128x80xf32, #tpu.memory_space<vmem>>)
      %dma_wait3A_281 = arith.constant 5 : i32
      %dma_wait3A_282 = arith.constant 128 : i32
      %dma_wait3A_283 = arith.constant 0 : i32
      %dma_wait3A_284 = tpu.memref_slice %arg9[%dma_wait3A_282, %dma_wait3A_283] : memref<512x80xf32, #tpu.memory_space<vmem>> -> memref<128x80xf32, #tpu.memory_space<vmem>>
      %dma_wait3A_285 = arith.constant 0 : i32
      %dma_wait3A_286 = tpu.memref_slice %arg7[%dma_wait3A_281, %dma_wait3A_285] : memref<8x128xi32, #tpu.memory_space<vmem>> -> memref<1x128xi32, #tpu.memory_space<vmem>>
      %dma_wait3A_287 = tpu.memref_squeeze %dma_wait3A_286 : memref<1x128xi32, #tpu.memory_space<vmem>> -> memref<128xi32, #tpu.memory_space<vmem>>
      %dma_wait3A_288 = arith.constant 0 : i32
      %dma_wait3A_289 = arith.constant 0 : i32
      %dma_wait3A_290 = tpu.memref_slice %arg2[%dma_wait3A_288, %dma_wait3A_289] : memref<51200x80xf32, #tpu.memory_space<hbm>> -> memref<51200x80xf32, #tpu.memory_space<hbm>>
      tpu.wait_indirect_dma semaphore(%arg11 : memref<!tpu.dma_semaphore, #tpu.memory_space<semaphore_mem>>) src(%dma_wait3A_290 : memref<51200x80xf32, #tpu.memory_space<hbm>>) dst(%dma_wait3A_284 : memref<128x80xf32, #tpu.memory_space<vmem>>)
      %dma_wait3A_291 = arith.constant 5 : i32
      %dma_wait3A_292 = arith.constant 128 : i32
      %dma_wait3A_293 = arith.constant 0 : i32
      %dma_wait3A_294 = tpu.memref_slice %arg10[%dma_wait3A_292, %dma_wait3A_293] : memref<512x80xf32, #tpu.memory_space<vmem>> -> memref<128x80xf32, #tpu.memory_space<vmem>>
      %dma_wait3A_295 = arith.constant 0 : i32
      %dma_wait3A_296 = tpu.memref_slice %arg8[%dma_wait3A_291, %dma_wait3A_295] : memref<8x128xi32, #tpu.memory_space<vmem>> -> memref<1x128xi32, #tpu.memory_space<vmem>>
      %dma_wait3A_297 = tpu.memref_squeeze %dma_wait3A_296 : memref<1x128xi32, #tpu.memory_space<vmem>> -> memref<128xi32, #tpu.memory_space<vmem>>
      %dma_wait3A_298 = arith.constant 0 : i32
      %dma_wait3A_299 = arith.constant 0 : i32
      %dma_wait3A_300 = tpu.memref_slice %arg2[%dma_wait3A_298, %dma_wait3A_299] : memref<51200x80xf32, #tpu.memory_space<hbm>> -> memref<51200x80xf32, #tpu.memory_space<hbm>>
      tpu.wait_indirect_dma semaphore(%arg11 : memref<!tpu.dma_semaphore, #tpu.memory_space<semaphore_mem>>) src(%dma_wait3A_300 : memref<51200x80xf32, #tpu.memory_space<hbm>>) dst(%dma_wait3A_294 : memref<128x80xf32, #tpu.memory_space<vmem>>)
      %dma_wait3A_301 = arith.constant 6 : i32
      %dma_wait3A_302 = arith.constant 256 : i32
      %dma_wait3A_303 = arith.constant 0 : i32
      %dma_wait3A_304 = tpu.memref_slice %arg9[%dma_wait3A_302, %dma_wait3A_303] : memref<512x80xf32, #tpu.memory_space<vmem>> -> memref<128x80xf32, #tpu.memory_space<vmem>>
      %dma_wait3A_305 = arith.constant 0 : i32
      %dma_wait3A_306 = tpu.memref_slice %arg7[%dma_wait3A_301, %dma_wait3A_305] : memref<8x128xi32, #tpu.memory_space<vmem>> -> memref<1x128xi32, #tpu.memory_space<vmem>>
      %dma_wait3A_307 = tpu.memref_squeeze %dma_wait3A_306 : memref<1x128xi32, #tpu.memory_space<vmem>> -> memref<128xi32, #tpu.memory_space<vmem>>
      %dma_wait3A_308 = arith.constant 0 : i32
      %dma_wait3A_309 = arith.constant 0 : i32
      %dma_wait3A_310 = tpu.memref_slice %arg2[%dma_wait3A_308, %dma_wait3A_309] : memref<51200x80xf32, #tpu.memory_space<hbm>> -> memref<51200x80xf32, #tpu.memory_space<hbm>>
      tpu.wait_indirect_dma semaphore(%arg11 : memref<!tpu.dma_semaphore, #tpu.memory_space<semaphore_mem>>) src(%dma_wait3A_310 : memref<51200x80xf32, #tpu.memory_space<hbm>>) dst(%dma_wait3A_304 : memref<128x80xf32, #tpu.memory_space<vmem>>)
      %dma_wait3A_311 = arith.constant 6 : i32
      %dma_wait3A_312 = arith.constant 256 : i32
      %dma_wait3A_313 = arith.constant 0 : i32
      %dma_wait3A_314 = tpu.memref_slice %arg10[%dma_wait3A_312, %dma_wait3A_313] : memref<512x80xf32, #tpu.memory_space<vmem>> -> memref<128x80xf32, #tpu.memory_space<vmem>>
      %dma_wait3A_315 = arith.constant 0 : i32
      %dma_wait3A_316 = tpu.memref_slice %arg8[%dma_wait3A_311, %dma_wait3A_315] : memref<8x128xi32, #tpu.memory_space<vmem>> -> memref<1x128xi32, #tpu.memory_space<vmem>>
      %dma_wait3A_317 = tpu.memref_squeeze %dma_wait3A_316 : memref<1x128xi32, #tpu.memory_space<vmem>> -> memref<128xi32, #tpu.memory_space<vmem>>
      %dma_wait3A_318 = arith.constant 0 : i32
      %dma_wait3A_319 = arith.constant 0 : i32
      %dma_wait3A_320 = tpu.memref_slice %arg2[%dma_wait3A_318, %dma_wait3A_319] : memref<51200x80xf32, #tpu.memory_space<hbm>> -> memref<51200x80xf32, #tpu.memory_space<hbm>>
      tpu.wait_indirect_dma semaphore(%arg11 : memref<!tpu.dma_semaphore, #tpu.memory_space<semaphore_mem>>) src(%dma_wait3A_320 : memref<51200x80xf32, #tpu.memory_space<hbm>>) dst(%dma_wait3A_314 : memref<128x80xf32, #tpu.memory_space<vmem>>)
      %dma_wait3A_321 = arith.constant 7 : i32
      %dma_wait3A_322 = arith.constant 384 : i32
      %dma_wait3A_323 = arith.constant 0 : i32
      %dma_wait3A_324 = tpu.memref_slice %arg9[%dma_wait3A_322, %dma_wait3A_323] : memref<512x80xf32, #tpu.memory_space<vmem>> -> memref<128x80xf32, #tpu.memory_space<vmem>>
      %dma_wait3A_325 = arith.constant 0 : i32
      %dma_wait3A_326 = tpu.memref_slice %arg7[%dma_wait3A_321, %dma_wait3A_325] : memref<8x128xi32, #tpu.memory_space<vmem>> -> memref<1x128xi32, #tpu.memory_space<vmem>>
      %dma_wait3A_327 = tpu.memref_squeeze %dma_wait3A_326 : memref<1x128xi32, #tpu.memory_space<vmem>> -> memref<128xi32, #tpu.memory_space<vmem>>
      %dma_wait3A_328 = arith.constant 0 : i32
      %dma_wait3A_329 = arith.constant 0 : i32
      %dma_wait3A_330 = tpu.memref_slice %arg2[%dma_wait3A_328, %dma_wait3A_329] : memref<51200x80xf32, #tpu.memory_space<hbm>> -> memref<51200x80xf32, #tpu.memory_space<hbm>>
      tpu.wait_indirect_dma semaphore(%arg11 : memref<!tpu.dma_semaphore, #tpu.memory_space<semaphore_mem>>) src(%dma_wait3A_330 : memref<51200x80xf32, #tpu.memory_space<hbm>>) dst(%dma_wait3A_324 : memref<128x80xf32, #tpu.memory_space<vmem>>)
      %dma_wait3A_331 = arith.constant 7 : i32
      %dma_wait3A_332 = arith.constant 384 : i32
      %dma_wait3A_333 = arith.constant 0 : i32
      %dma_wait3A_334 = tpu.memref_slice %arg10[%dma_wait3A_332, %dma_wait3A_333] : memref<512x80xf32, #tpu.memory_space<vmem>> -> memref<128x80xf32, #tpu.memory_space<vmem>>
      %dma_wait3A_335 = arith.constant 0 : i32
      %dma_wait3A_336 = tpu.memref_slice %arg8[%dma_wait3A_331, %dma_wait3A_335] : memref<8x128xi32, #tpu.memory_space<vmem>> -> memref<1x128xi32, #tpu.memory_space<vmem>>
      %dma_wait3A_337 = tpu.memref_squeeze %dma_wait3A_336 : memref<1x128xi32, #tpu.memory_space<vmem>> -> memref<128xi32, #tpu.memory_space<vmem>>
      %dma_wait3A_338 = arith.constant 0 : i32
      %dma_wait3A_339 = arith.constant 0 : i32
      %dma_wait3A_340 = tpu.memref_slice %arg2[%dma_wait3A_338, %dma_wait3A_339] : memref<51200x80xf32, #tpu.memory_space<hbm>> -> memref<51200x80xf32, #tpu.memory_space<hbm>>
      tpu.wait_indirect_dma semaphore(%arg11 : memref<!tpu.dma_semaphore, #tpu.memory_space<semaphore_mem>>) src(%dma_wait3A_340 : memref<51200x80xf32, #tpu.memory_space<hbm>>) dst(%dma_wait3A_334 : memref<128x80xf32, #tpu.memory_space<vmem>>)
      "tpu.region"() ({
        %run_scoped3A = tpu.sem_alloc : memref<!tpu.dma_semaphore, #tpu.memory_space<semaphore_mem>>
        %dma_start3A_341 = arith.constant 0 : i32
        %dma_start3A_342 = tpu.memref_slice %arg5[%add3A_180, %dma_start3A_341] : memref<819200x80xf32, #tpu.memory_space<hbm>> -> memref<512x80xf32, #tpu.memory_space<hbm>>
        %dma_start3A_343 = arith.constant 0 : i32
        %dma_start3A_344 = tpu.memref_slice %arg5[%add3A_180, %dma_start3A_343] : memref<819200x80xf32, #tpu.memory_space<hbm>> -> memref<512x80xf32, #tpu.memory_space<hbm>>
        tpu.enqueue_dma source(%arg9 : memref<512x80xf32, #tpu.memory_space<vmem>>) target(%dma_start3A_344 : memref<512x80xf32, #tpu.memory_space<hbm>>) target_semaphore(%run_scoped3A : memref<!tpu.dma_semaphore, #tpu.memory_space<semaphore_mem>>)
        %dma_wait3A_345 = arith.constant 0 : i32
        %dma_wait3A_346 = tpu.memref_slice %arg5[%add3A_180, %dma_wait3A_345] : memref<819200x80xf32, #tpu.memory_space<hbm>> -> memref<512x80xf32, #tpu.memory_space<hbm>>
        %dma_wait3A_347 = arith.constant 0 : i32
        %dma_wait3A_348 = tpu.memref_slice %arg5[%add3A_180, %dma_wait3A_347] : memref<819200x80xf32, #tpu.memory_space<hbm>> -> memref<512x80xf32, #tpu.memory_space<hbm>>
        tpu.wait_dma2 semaphore(%run_scoped3A : memref<!tpu.dma_semaphore, #tpu.memory_space<semaphore_mem>>) src(%arg9 : memref<512x80xf32, #tpu.memory_space<vmem>>) dst(%dma_wait3A_348 : memref<512x80xf32, #tpu.memory_space<hbm>>)
        tpu.yield
      }) : () -> ()
      "tpu.region"() ({
        %run_scoped3A = tpu.sem_alloc : memref<!tpu.dma_semaphore, #tpu.memory_space<semaphore_mem>>
        %dma_start3A_341 = arith.constant 0 : i32
        %dma_start3A_342 = tpu.memref_slice %arg6[%add3A_180, %dma_start3A_341] : memref<819200x80xf32, #tpu.memory_space<hbm>> -> memref<512x80xf32, #tpu.memory_space<hbm>>
        %dma_start3A_343 = arith.constant 0 : i32
        %dma_start3A_344 = tpu.memref_slice %arg6[%add3A_180, %dma_start3A_343] : memref<819200x80xf32, #tpu.memory_space<hbm>> -> memref<512x80xf32, #tpu.memory_space<hbm>>
        tpu.enqueue_dma source(%arg10 : memref<512x80xf32, #tpu.memory_space<vmem>>) target(%dma_start3A_344 : memref<512x80xf32, #tpu.memory_space<hbm>>) target_semaphore(%run_scoped3A : memref<!tpu.dma_semaphore, #tpu.memory_space<semaphore_mem>>)
        %dma_wait3A_345 = arith.constant 0 : i32
        %dma_wait3A_346 = tpu.memref_slice %arg6[%add3A_180, %dma_wait3A_345] : memref<819200x80xf32, #tpu.memory_space<hbm>> -> memref<512x80xf32, #tpu.memory_space<hbm>>
        %dma_wait3A_347 = arith.constant 0 : i32
        %dma_wait3A_348 = tpu.memref_slice %arg6[%add3A_180, %dma_wait3A_347] : memref<819200x80xf32, #tpu.memory_space<hbm>> -> memref<512x80xf32, #tpu.memory_space<hbm>>
        tpu.wait_dma2 semaphore(%run_scoped3A : memref<!tpu.dma_semaphore, #tpu.memory_space<semaphore_mem>>) src(%arg10 : memref<512x80xf32, #tpu.memory_space<vmem>>) dst(%dma_wait3A_348 : memref<512x80xf32, #tpu.memory_space<hbm>>)
        tpu.yield
      }) : () -> ()
    }
    %scan3A_9 = arith.constant 25 : i32
    return
  }
}

#map = affine_map<(d0, d1) -> (0, 0)>
#map1 = affine_map<(d0, d1) -> (0, 0, 0)>
module attributes {stable_mosaic.version = 14 : i64} {
  func.func @sk(%arg0: i32, %arg1: i32, %arg2: memref<819200x32xf32, #tpu.memory_space<hbm>>, %arg3: memref<819200x32xf32, #tpu.memory_space<hbm>>, %arg4: memref<800x8x128xi32, #tpu.memory_space<hbm>>, %arg5: memref<3200x32xf32, #tpu.memory_space<hbm>>, %arg6: memref<2x51200x32xf32, #tpu.memory_space<hbm>>, %arg7: memref<8x128xi32, #tpu.memory_space<vmem>>, %arg8: memref<512x32xf32, #tpu.memory_space<vmem>>, %arg9: memref<51200x32xf32, #tpu.memory_space<vmem_shared>>) attributes {dimension_semantics = [#tpu.dimension_semantics<core_parallel>, #tpu.dimension_semantics<subcore_parallel>], iteration_bounds = array<i64: 2, 16>, scalar_prefetch = 0 : i64, scratch_operands = 3 : i64, tpu.core_type = #tpu.core_type<sc_vector_subcore>, window_params = [{transform_indices = #map}, {transform_indices = #map}, {transform_indices = #map1}, {transform_indices = #map}, {transform_indices = #map1}]} {
    %mul3A = arith.constant 3200 : i32
    %mul3A_0 = arith.muli %arg1, %mul3A : i32
    "tpu.region"() ({
      %run_scoped3A = tpu.sem_alloc : memref<!tpu.dma_semaphore, #tpu.memory_space<semaphore_mem>>
      %dma_start3A = arith.constant 0 : i32
      %dma_start3A_25 = tpu.memref_slice %arg9[%mul3A_0, %dma_start3A] : memref<51200x32xf32, #tpu.memory_space<vmem_shared>> -> memref<3200x32xf32, #tpu.memory_space<vmem_shared>>
      tpu.enqueue_dma source(%arg5 : memref<3200x32xf32, #tpu.memory_space<hbm>>) target(%dma_start3A_25 : memref<3200x32xf32, #tpu.memory_space<vmem_shared>>) target_semaphore(%run_scoped3A : memref<!tpu.dma_semaphore, #tpu.memory_space<semaphore_mem>>)
      %dma_wait3A = arith.constant 0 : i32
      %dma_wait3A_26 = tpu.memref_slice %arg9[%mul3A_0, %dma_wait3A] : memref<51200x32xf32, #tpu.memory_space<vmem_shared>> -> memref<3200x32xf32, #tpu.memory_space<vmem_shared>>
      tpu.wait_dma2 semaphore(%run_scoped3A : memref<!tpu.dma_semaphore, #tpu.memory_space<semaphore_mem>>) src(%arg5 : memref<3200x32xf32, #tpu.memory_space<hbm>>) dst(%dma_wait3A_26 : memref<3200x32xf32, #tpu.memory_space<vmem_shared>>)
      tpu.yield
    }) : () -> ()
    %barrier3A = arith.constant 0 : index
    tpu.barrier barrier_id(%barrier3A)
    %mul3A_1 = arith.constant 51200 : i32
    %mul3A_2 = arith.muli %arg1, %mul3A_1 : i32
    %jit3A = arith.constant 1024 : i32
    %div3A = arith.divsi %mul3A_2, %jit3A : i32
    %sign3A = arith.constant 0 : i32
    %sign3A_3 = arith.cmpi sgt, %mul3A_2, %sign3A : i32
    %sign3A_4 = arith.extui %sign3A_3 : i1 to i32
    %sign3A_5 = arith.constant 0 : i32
    %sign3A_6 = arith.cmpi slt, %mul3A_2, %sign3A_5 : i32
    %sign3A_7 = arith.extui %sign3A_6 : i1 to i32
    %sign3A_8 = arith.subi %sign3A_4, %sign3A_7 : i32
    %sign3A_9 = arith.constant 0 : i32
    %sign3A_10 = arith.cmpi sgt, %jit3A, %sign3A_9 : i32
    %sign3A_11 = arith.extui %sign3A_10 : i1 to i32
    %sign3A_12 = arith.constant 0 : i32
    %sign3A_13 = arith.cmpi slt, %jit3A, %sign3A_12 : i32
    %sign3A_14 = arith.extui %sign3A_13 : i1 to i32
    %sign3A_15 = arith.subi %sign3A_11, %sign3A_14 : i32
    %ne3A = arith.cmpi ne, %sign3A_8, %sign3A_15 : i32
    %rem3A = arith.remsi %mul3A_2, %jit3A : i32
    %ne3A_16 = arith.constant 0 : i32
    %ne3A_17 = arith.cmpi ne, %rem3A, %ne3A_16 : i32
    %and3A = arith.andi %ne3A, %ne3A_17 : i1
    %sub3A = arith.constant 1 : i32
    %sub3A_18 = arith.subi %div3A, %sub3A : i32
    %select_n3A = arith.select %and3A, %sub3A_18, %div3A : i32
    %scan3A = arith.constant 0 : i32
    %scan3A_19 = arith.constant 0 : i32
    %scan3A_20 = arith.constant 50 : i32
    %scan3A_21 = arith.addi %scan3A_19, %scan3A_20 : i32
    %scan3A_22 = arith.constant 1 : i32
    scf.for %scan3A_25 = %scan3A_19 to %scan3A_21 step %scan3A_22  : i32 {
      %add3A = arith.addi %select_n3A, %scan3A_25 : i32
      "tpu.region"() ({
        %run_scoped3A_60 = tpu.sem_alloc : memref<!tpu.dma_semaphore, #tpu.memory_space<semaphore_mem>>
        %dma_start3A = arith.constant 0 : i32
        %dma_start3A_61 = arith.constant 0 : i32
        %dma_start3A_62 = tpu.memref_slice %arg4[%add3A, %dma_start3A, %dma_start3A_61] : memref<800x8x128xi32, #tpu.memory_space<hbm>> -> memref<1x8x128xi32, #tpu.memory_space<hbm>>
        %dma_start3A_63 = tpu.memref_squeeze %dma_start3A_62 : memref<1x8x128xi32, #tpu.memory_space<hbm>> -> memref<8x128xi32, #tpu.memory_space<hbm>>
        %dma_start3A_64 = arith.constant 0 : i32
        %dma_start3A_65 = arith.constant 0 : i32
        %dma_start3A_66 = tpu.memref_slice %arg4[%add3A, %dma_start3A_64, %dma_start3A_65] : memref<800x8x128xi32, #tpu.memory_space<hbm>> -> memref<1x8x128xi32, #tpu.memory_space<hbm>>
        %dma_start3A_67 = tpu.memref_squeeze %dma_start3A_66 : memref<1x8x128xi32, #tpu.memory_space<hbm>> -> memref<8x128xi32, #tpu.memory_space<hbm>>
        tpu.enqueue_dma source(%dma_start3A_67 : memref<8x128xi32, #tpu.memory_space<hbm>>) target(%arg7 : memref<8x128xi32, #tpu.memory_space<vmem>>) target_semaphore(%run_scoped3A_60 : memref<!tpu.dma_semaphore, #tpu.memory_space<semaphore_mem>>)
        %dma_wait3A = arith.constant 0 : i32
        %dma_wait3A_68 = arith.constant 0 : i32
        %dma_wait3A_69 = tpu.memref_slice %arg4[%add3A, %dma_wait3A, %dma_wait3A_68] : memref<800x8x128xi32, #tpu.memory_space<hbm>> -> memref<1x8x128xi32, #tpu.memory_space<hbm>>
        %dma_wait3A_70 = tpu.memref_squeeze %dma_wait3A_69 : memref<1x8x128xi32, #tpu.memory_space<hbm>> -> memref<8x128xi32, #tpu.memory_space<hbm>>
        %dma_wait3A_71 = arith.constant 0 : i32
        %dma_wait3A_72 = arith.constant 0 : i32
        %dma_wait3A_73 = tpu.memref_slice %arg4[%add3A, %dma_wait3A_71, %dma_wait3A_72] : memref<800x8x128xi32, #tpu.memory_space<hbm>> -> memref<1x8x128xi32, #tpu.memory_space<hbm>>
        %dma_wait3A_74 = tpu.memref_squeeze %dma_wait3A_73 : memref<1x8x128xi32, #tpu.memory_space<hbm>> -> memref<8x128xi32, #tpu.memory_space<hbm>>
        tpu.wait_dma2 semaphore(%run_scoped3A_60 : memref<!tpu.dma_semaphore, #tpu.memory_space<semaphore_mem>>) src(%dma_wait3A_74 : memref<8x128xi32, #tpu.memory_space<hbm>>) dst(%arg7 : memref<8x128xi32, #tpu.memory_space<vmem>>)
        tpu.yield
      }) : () -> ()
      %mul3A_26 = arith.constant 1024 : i32
      %mul3A_27 = arith.muli %scan3A_25, %mul3A_26 : i32
      %add3A_28 = arith.addi %mul3A_2, %mul3A_27 : i32
      %add3A_29 = arith.constant 0 : i32
      %add3A_30 = arith.addi %add3A_28, %add3A_29 : i32
      %eq3A = arith.constant 0 : i32
      %eq3A_31 = arith.cmpi eq, %arg0, %eq3A : i32
      %convert_element_type3A = arith.extui %eq3A_31 : i1 to i32
      %cond3A = arith.constant 0 : i32
      %cond3A_32 = arith.cmpi ne, %convert_element_type3A, %cond3A : i32
      scf.if %cond3A_32 {
        "tpu.region"() ({
          %run_scoped3A_60 = tpu.sem_alloc : memref<!tpu.dma_semaphore, #tpu.memory_space<semaphore_mem>>
          %dma_start3A = arith.constant 0 : i32
          %dma_start3A_61 = tpu.memref_slice %arg2[%add3A_30, %dma_start3A] : memref<819200x32xf32, #tpu.memory_space<hbm>> -> memref<512x32xf32, #tpu.memory_space<hbm>>
          %dma_start3A_62 = arith.constant 0 : i32
          %dma_start3A_63 = tpu.memref_slice %arg2[%add3A_30, %dma_start3A_62] : memref<819200x32xf32, #tpu.memory_space<hbm>> -> memref<512x32xf32, #tpu.memory_space<hbm>>
          tpu.enqueue_dma source(%dma_start3A_63 : memref<512x32xf32, #tpu.memory_space<hbm>>) target(%arg8 : memref<512x32xf32, #tpu.memory_space<vmem>>) target_semaphore(%run_scoped3A_60 : memref<!tpu.dma_semaphore, #tpu.memory_space<semaphore_mem>>)
          %dma_wait3A = arith.constant 0 : i32
          %dma_wait3A_64 = tpu.memref_slice %arg2[%add3A_30, %dma_wait3A] : memref<819200x32xf32, #tpu.memory_space<hbm>> -> memref<512x32xf32, #tpu.memory_space<hbm>>
          %dma_wait3A_65 = arith.constant 0 : i32
          %dma_wait3A_66 = tpu.memref_slice %arg2[%add3A_30, %dma_wait3A_65] : memref<819200x32xf32, #tpu.memory_space<hbm>> -> memref<512x32xf32, #tpu.memory_space<hbm>>
          tpu.wait_dma2 semaphore(%run_scoped3A_60 : memref<!tpu.dma_semaphore, #tpu.memory_space<semaphore_mem>>) src(%dma_wait3A_66 : memref<512x32xf32, #tpu.memory_space<hbm>>) dst(%arg8 : memref<512x32xf32, #tpu.memory_space<vmem>>)
          tpu.yield
        }) : () -> ()
      } else {
      }
      %eq3A_33 = arith.constant 1 : i32
      %eq3A_34 = arith.cmpi eq, %arg0, %eq3A_33 : i32
      %convert_element_type3A_35 = arith.extui %eq3A_34 : i1 to i32
      %cond3A_36 = arith.constant 0 : i32
      %cond3A_37 = arith.cmpi ne, %convert_element_type3A_35, %cond3A_36 : i32
      scf.if %cond3A_37 {
        "tpu.region"() ({
          %run_scoped3A_60 = tpu.sem_alloc : memref<!tpu.dma_semaphore, #tpu.memory_space<semaphore_mem>>
          %dma_start3A = arith.constant 0 : i32
          %dma_start3A_61 = tpu.memref_slice %arg3[%add3A_30, %dma_start3A] : memref<819200x32xf32, #tpu.memory_space<hbm>> -> memref<512x32xf32, #tpu.memory_space<hbm>>
          %dma_start3A_62 = arith.constant 0 : i32
          %dma_start3A_63 = tpu.memref_slice %arg3[%add3A_30, %dma_start3A_62] : memref<819200x32xf32, #tpu.memory_space<hbm>> -> memref<512x32xf32, #tpu.memory_space<hbm>>
          tpu.enqueue_dma source(%dma_start3A_63 : memref<512x32xf32, #tpu.memory_space<hbm>>) target(%arg8 : memref<512x32xf32, #tpu.memory_space<vmem>>) target_semaphore(%run_scoped3A_60 : memref<!tpu.dma_semaphore, #tpu.memory_space<semaphore_mem>>)
          %dma_wait3A = arith.constant 0 : i32
          %dma_wait3A_64 = tpu.memref_slice %arg3[%add3A_30, %dma_wait3A] : memref<819200x32xf32, #tpu.memory_space<hbm>> -> memref<512x32xf32, #tpu.memory_space<hbm>>
          %dma_wait3A_65 = arith.constant 0 : i32
          %dma_wait3A_66 = tpu.memref_slice %arg3[%add3A_30, %dma_wait3A_65] : memref<819200x32xf32, #tpu.memory_space<hbm>> -> memref<512x32xf32, #tpu.memory_space<hbm>>
          tpu.wait_dma2 semaphore(%run_scoped3A_60 : memref<!tpu.dma_semaphore, #tpu.memory_space<semaphore_mem>>) src(%dma_wait3A_66 : memref<512x32xf32, #tpu.memory_space<hbm>>) dst(%arg8 : memref<512x32xf32, #tpu.memory_space<vmem>>)
          tpu.yield
        }) : () -> ()
      } else {
      }
      %run_scoped3A = arith.constant 0 : i32
      "tpu.region"() ({
        %run_scoped3A_60 = tpu.sem_alloc : memref<!tpu.dma_semaphore, #tpu.memory_space<semaphore_mem>>
        %dma_start3A = arith.constant 0 : i32
        %dma_start3A_61 = arith.constant 0 : i32
        %dma_start3A_62 = tpu.memref_slice %arg8[%dma_start3A, %dma_start3A_61] : memref<512x32xf32, #tpu.memory_space<vmem>> -> memref<128x32xf32, #tpu.memory_space<vmem>>
        %dma_start3A_63 = arith.constant 0 : i32
        %dma_start3A_64 = tpu.memref_slice %arg7[%run_scoped3A, %dma_start3A_63] : memref<8x128xi32, #tpu.memory_space<vmem>> -> memref<1x128xi32, #tpu.memory_space<vmem>>
        %dma_start3A_65 = tpu.memref_squeeze %dma_start3A_64 : memref<1x128xi32, #tpu.memory_space<vmem>> -> memref<128xi32, #tpu.memory_space<vmem>>
        %dma_start3A_66 = arith.constant 0 : i32
        %dma_start3A_67 = arith.constant 0 : i32
        %dma_start3A_68 = tpu.memref_slice %arg9[%dma_start3A_66, %dma_start3A_67] : memref<51200x32xf32, #tpu.memory_space<vmem_shared>> -> memref<51200x32xf32, #tpu.memory_space<vmem_shared>>
        tpu.enqueue_indirect_dma source(%dma_start3A_62 : memref<128x32xf32, #tpu.memory_space<vmem>>) target(%dma_start3A_68 : memref<51200x32xf32, #tpu.memory_space<vmem_shared>>) offsets(%dma_start3A_65 : memref<128xi32, #tpu.memory_space<vmem>>) semaphore(%run_scoped3A_60 : memref<!tpu.dma_semaphore, #tpu.memory_space<semaphore_mem>>) {add = true}
        %dma_wait3A = arith.constant 0 : i32
        %dma_wait3A_69 = arith.constant 0 : i32
        %dma_wait3A_70 = tpu.memref_slice %arg8[%dma_wait3A, %dma_wait3A_69] : memref<512x32xf32, #tpu.memory_space<vmem>> -> memref<128x32xf32, #tpu.memory_space<vmem>>
        %dma_wait3A_71 = arith.constant 0 : i32
        %dma_wait3A_72 = tpu.memref_slice %arg7[%run_scoped3A, %dma_wait3A_71] : memref<8x128xi32, #tpu.memory_space<vmem>> -> memref<1x128xi32, #tpu.memory_space<vmem>>
        %dma_wait3A_73 = tpu.memref_squeeze %dma_wait3A_72 : memref<1x128xi32, #tpu.memory_space<vmem>> -> memref<128xi32, #tpu.memory_space<vmem>>
        %dma_wait3A_74 = arith.constant 0 : i32
        %dma_wait3A_75 = arith.constant 0 : i32
        %dma_wait3A_76 = tpu.memref_slice %arg9[%dma_wait3A_74, %dma_wait3A_75] : memref<51200x32xf32, #tpu.memory_space<vmem_shared>> -> memref<51200x32xf32, #tpu.memory_space<vmem_shared>>
        tpu.wait_indirect_dma semaphore(%run_scoped3A_60 : memref<!tpu.dma_semaphore, #tpu.memory_space<semaphore_mem>>) src(%dma_wait3A_70 : memref<128x32xf32, #tpu.memory_space<vmem>>) dst(%dma_wait3A_76 : memref<51200x32xf32, #tpu.memory_space<vmem_shared>>)
        tpu.yield
      }) : () -> ()
      %run_scoped3A_38 = arith.constant 1 : i32
      "tpu.region"() ({
        %run_scoped3A_60 = tpu.sem_alloc : memref<!tpu.dma_semaphore, #tpu.memory_space<semaphore_mem>>
        %dma_start3A = arith.constant 128 : i32
        %dma_start3A_61 = arith.constant 0 : i32
        %dma_start3A_62 = tpu.memref_slice %arg8[%dma_start3A, %dma_start3A_61] : memref<512x32xf32, #tpu.memory_space<vmem>> -> memref<128x32xf32, #tpu.memory_space<vmem>>
        %dma_start3A_63 = arith.constant 0 : i32
        %dma_start3A_64 = tpu.memref_slice %arg7[%run_scoped3A_38, %dma_start3A_63] : memref<8x128xi32, #tpu.memory_space<vmem>> -> memref<1x128xi32, #tpu.memory_space<vmem>>
        %dma_start3A_65 = tpu.memref_squeeze %dma_start3A_64 : memref<1x128xi32, #tpu.memory_space<vmem>> -> memref<128xi32, #tpu.memory_space<vmem>>
        %dma_start3A_66 = arith.constant 0 : i32
        %dma_start3A_67 = arith.constant 0 : i32
        %dma_start3A_68 = tpu.memref_slice %arg9[%dma_start3A_66, %dma_start3A_67] : memref<51200x32xf32, #tpu.memory_space<vmem_shared>> -> memref<51200x32xf32, #tpu.memory_space<vmem_shared>>
        tpu.enqueue_indirect_dma source(%dma_start3A_62 : memref<128x32xf32, #tpu.memory_space<vmem>>) target(%dma_start3A_68 : memref<51200x32xf32, #tpu.memory_space<vmem_shared>>) offsets(%dma_start3A_65 : memref<128xi32, #tpu.memory_space<vmem>>) semaphore(%run_scoped3A_60 : memref<!tpu.dma_semaphore, #tpu.memory_space<semaphore_mem>>) {add = true}
        %dma_wait3A = arith.constant 128 : i32
        %dma_wait3A_69 = arith.constant 0 : i32
        %dma_wait3A_70 = tpu.memref_slice %arg8[%dma_wait3A, %dma_wait3A_69] : memref<512x32xf32, #tpu.memory_space<vmem>> -> memref<128x32xf32, #tpu.memory_space<vmem>>
        %dma_wait3A_71 = arith.constant 0 : i32
        %dma_wait3A_72 = tpu.memref_slice %arg7[%run_scoped3A_38, %dma_wait3A_71] : memref<8x128xi32, #tpu.memory_space<vmem>> -> memref<1x128xi32, #tpu.memory_space<vmem>>
        %dma_wait3A_73 = tpu.memref_squeeze %dma_wait3A_72 : memref<1x128xi32, #tpu.memory_space<vmem>> -> memref<128xi32, #tpu.memory_space<vmem>>
        %dma_wait3A_74 = arith.constant 0 : i32
        %dma_wait3A_75 = arith.constant 0 : i32
        %dma_wait3A_76 = tpu.memref_slice %arg9[%dma_wait3A_74, %dma_wait3A_75] : memref<51200x32xf32, #tpu.memory_space<vmem_shared>> -> memref<51200x32xf32, #tpu.memory_space<vmem_shared>>
        tpu.wait_indirect_dma semaphore(%run_scoped3A_60 : memref<!tpu.dma_semaphore, #tpu.memory_space<semaphore_mem>>) src(%dma_wait3A_70 : memref<128x32xf32, #tpu.memory_space<vmem>>) dst(%dma_wait3A_76 : memref<51200x32xf32, #tpu.memory_space<vmem_shared>>)
        tpu.yield
      }) : () -> ()
      %run_scoped3A_39 = arith.constant 2 : i32
      "tpu.region"() ({
        %run_scoped3A_60 = tpu.sem_alloc : memref<!tpu.dma_semaphore, #tpu.memory_space<semaphore_mem>>
        %dma_start3A = arith.constant 256 : i32
        %dma_start3A_61 = arith.constant 0 : i32
        %dma_start3A_62 = tpu.memref_slice %arg8[%dma_start3A, %dma_start3A_61] : memref<512x32xf32, #tpu.memory_space<vmem>> -> memref<128x32xf32, #tpu.memory_space<vmem>>
        %dma_start3A_63 = arith.constant 0 : i32
        %dma_start3A_64 = tpu.memref_slice %arg7[%run_scoped3A_39, %dma_start3A_63] : memref<8x128xi32, #tpu.memory_space<vmem>> -> memref<1x128xi32, #tpu.memory_space<vmem>>
        %dma_start3A_65 = tpu.memref_squeeze %dma_start3A_64 : memref<1x128xi32, #tpu.memory_space<vmem>> -> memref<128xi32, #tpu.memory_space<vmem>>
        %dma_start3A_66 = arith.constant 0 : i32
        %dma_start3A_67 = arith.constant 0 : i32
        %dma_start3A_68 = tpu.memref_slice %arg9[%dma_start3A_66, %dma_start3A_67] : memref<51200x32xf32, #tpu.memory_space<vmem_shared>> -> memref<51200x32xf32, #tpu.memory_space<vmem_shared>>
        tpu.enqueue_indirect_dma source(%dma_start3A_62 : memref<128x32xf32, #tpu.memory_space<vmem>>) target(%dma_start3A_68 : memref<51200x32xf32, #tpu.memory_space<vmem_shared>>) offsets(%dma_start3A_65 : memref<128xi32, #tpu.memory_space<vmem>>) semaphore(%run_scoped3A_60 : memref<!tpu.dma_semaphore, #tpu.memory_space<semaphore_mem>>) {add = true}
        %dma_wait3A = arith.constant 256 : i32
        %dma_wait3A_69 = arith.constant 0 : i32
        %dma_wait3A_70 = tpu.memref_slice %arg8[%dma_wait3A, %dma_wait3A_69] : memref<512x32xf32, #tpu.memory_space<vmem>> -> memref<128x32xf32, #tpu.memory_space<vmem>>
        %dma_wait3A_71 = arith.constant 0 : i32
        %dma_wait3A_72 = tpu.memref_slice %arg7[%run_scoped3A_39, %dma_wait3A_71] : memref<8x128xi32, #tpu.memory_space<vmem>> -> memref<1x128xi32, #tpu.memory_space<vmem>>
        %dma_wait3A_73 = tpu.memref_squeeze %dma_wait3A_72 : memref<1x128xi32, #tpu.memory_space<vmem>> -> memref<128xi32, #tpu.memory_space<vmem>>
        %dma_wait3A_74 = arith.constant 0 : i32
        %dma_wait3A_75 = arith.constant 0 : i32
        %dma_wait3A_76 = tpu.memref_slice %arg9[%dma_wait3A_74, %dma_wait3A_75] : memref<51200x32xf32, #tpu.memory_space<vmem_shared>> -> memref<51200x32xf32, #tpu.memory_space<vmem_shared>>
        tpu.wait_indirect_dma semaphore(%run_scoped3A_60 : memref<!tpu.dma_semaphore, #tpu.memory_space<semaphore_mem>>) src(%dma_wait3A_70 : memref<128x32xf32, #tpu.memory_space<vmem>>) dst(%dma_wait3A_76 : memref<51200x32xf32, #tpu.memory_space<vmem_shared>>)
        tpu.yield
      }) : () -> ()
      %run_scoped3A_40 = arith.constant 3 : i32
      "tpu.region"() ({
        %run_scoped3A_60 = tpu.sem_alloc : memref<!tpu.dma_semaphore, #tpu.memory_space<semaphore_mem>>
        %dma_start3A = arith.constant 384 : i32
        %dma_start3A_61 = arith.constant 0 : i32
        %dma_start3A_62 = tpu.memref_slice %arg8[%dma_start3A, %dma_start3A_61] : memref<512x32xf32, #tpu.memory_space<vmem>> -> memref<128x32xf32, #tpu.memory_space<vmem>>
        %dma_start3A_63 = arith.constant 0 : i32
        %dma_start3A_64 = tpu.memref_slice %arg7[%run_scoped3A_40, %dma_start3A_63] : memref<8x128xi32, #tpu.memory_space<vmem>> -> memref<1x128xi32, #tpu.memory_space<vmem>>
        %dma_start3A_65 = tpu.memref_squeeze %dma_start3A_64 : memref<1x128xi32, #tpu.memory_space<vmem>> -> memref<128xi32, #tpu.memory_space<vmem>>
        %dma_start3A_66 = arith.constant 0 : i32
        %dma_start3A_67 = arith.constant 0 : i32
        %dma_start3A_68 = tpu.memref_slice %arg9[%dma_start3A_66, %dma_start3A_67] : memref<51200x32xf32, #tpu.memory_space<vmem_shared>> -> memref<51200x32xf32, #tpu.memory_space<vmem_shared>>
        tpu.enqueue_indirect_dma source(%dma_start3A_62 : memref<128x32xf32, #tpu.memory_space<vmem>>) target(%dma_start3A_68 : memref<51200x32xf32, #tpu.memory_space<vmem_shared>>) offsets(%dma_start3A_65 : memref<128xi32, #tpu.memory_space<vmem>>) semaphore(%run_scoped3A_60 : memref<!tpu.dma_semaphore, #tpu.memory_space<semaphore_mem>>) {add = true}
        %dma_wait3A = arith.constant 384 : i32
        %dma_wait3A_69 = arith.constant 0 : i32
        %dma_wait3A_70 = tpu.memref_slice %arg8[%dma_wait3A, %dma_wait3A_69] : memref<512x32xf32, #tpu.memory_space<vmem>> -> memref<128x32xf32, #tpu.memory_space<vmem>>
        %dma_wait3A_71 = arith.constant 0 : i32
        %dma_wait3A_72 = tpu.memref_slice %arg7[%run_scoped3A_40, %dma_wait3A_71] : memref<8x128xi32, #tpu.memory_space<vmem>> -> memref<1x128xi32, #tpu.memory_space<vmem>>
        %dma_wait3A_73 = tpu.memref_squeeze %dma_wait3A_72 : memref<1x128xi32, #tpu.memory_space<vmem>> -> memref<128xi32, #tpu.memory_space<vmem>>
        %dma_wait3A_74 = arith.constant 0 : i32
        %dma_wait3A_75 = arith.constant 0 : i32
        %dma_wait3A_76 = tpu.memref_slice %arg9[%dma_wait3A_74, %dma_wait3A_75] : memref<51200x32xf32, #tpu.memory_space<vmem_shared>> -> memref<51200x32xf32, #tpu.memory_space<vmem_shared>>
        tpu.wait_indirect_dma semaphore(%run_scoped3A_60 : memref<!tpu.dma_semaphore, #tpu.memory_space<semaphore_mem>>) src(%dma_wait3A_70 : memref<128x32xf32, #tpu.memory_space<vmem>>) dst(%dma_wait3A_76 : memref<51200x32xf32, #tpu.memory_space<vmem_shared>>)
        tpu.yield
      }) : () -> ()
      %mul3A_41 = arith.constant 1024 : i32
      %mul3A_42 = arith.muli %scan3A_25, %mul3A_41 : i32
      %add3A_43 = arith.addi %mul3A_2, %mul3A_42 : i32
      %add3A_44 = arith.constant 512 : i32
      %add3A_45 = arith.addi %add3A_43, %add3A_44 : i32
      %eq3A_46 = arith.constant 0 : i32
      %eq3A_47 = arith.cmpi eq, %arg0, %eq3A_46 : i32
      %convert_element_type3A_48 = arith.extui %eq3A_47 : i1 to i32
      %cond3A_49 = arith.constant 0 : i32
      %cond3A_50 = arith.cmpi ne, %convert_element_type3A_48, %cond3A_49 : i32
      scf.if %cond3A_50 {
        "tpu.region"() ({
          %run_scoped3A_60 = tpu.sem_alloc : memref<!tpu.dma_semaphore, #tpu.memory_space<semaphore_mem>>
          %dma_start3A = arith.constant 0 : i32
          %dma_start3A_61 = tpu.memref_slice %arg2[%add3A_45, %dma_start3A] : memref<819200x32xf32, #tpu.memory_space<hbm>> -> memref<512x32xf32, #tpu.memory_space<hbm>>
          %dma_start3A_62 = arith.constant 0 : i32
          %dma_start3A_63 = tpu.memref_slice %arg2[%add3A_45, %dma_start3A_62] : memref<819200x32xf32, #tpu.memory_space<hbm>> -> memref<512x32xf32, #tpu.memory_space<hbm>>
          tpu.enqueue_dma source(%dma_start3A_63 : memref<512x32xf32, #tpu.memory_space<hbm>>) target(%arg8 : memref<512x32xf32, #tpu.memory_space<vmem>>) target_semaphore(%run_scoped3A_60 : memref<!tpu.dma_semaphore, #tpu.memory_space<semaphore_mem>>)
          %dma_wait3A = arith.constant 0 : i32
          %dma_wait3A_64 = tpu.memref_slice %arg2[%add3A_45, %dma_wait3A] : memref<819200x32xf32, #tpu.memory_space<hbm>> -> memref<512x32xf32, #tpu.memory_space<hbm>>
          %dma_wait3A_65 = arith.constant 0 : i32
          %dma_wait3A_66 = tpu.memref_slice %arg2[%add3A_45, %dma_wait3A_65] : memref<819200x32xf32, #tpu.memory_space<hbm>> -> memref<512x32xf32, #tpu.memory_space<hbm>>
          tpu.wait_dma2 semaphore(%run_scoped3A_60 : memref<!tpu.dma_semaphore, #tpu.memory_space<semaphore_mem>>) src(%dma_wait3A_66 : memref<512x32xf32, #tpu.memory_space<hbm>>) dst(%arg8 : memref<512x32xf32, #tpu.memory_space<vmem>>)
          tpu.yield
        }) : () -> ()
      } else {
      }
      %eq3A_51 = arith.constant 1 : i32
      %eq3A_52 = arith.cmpi eq, %arg0, %eq3A_51 : i32
      %convert_element_type3A_53 = arith.extui %eq3A_52 : i1 to i32
      %cond3A_54 = arith.constant 0 : i32
      %cond3A_55 = arith.cmpi ne, %convert_element_type3A_53, %cond3A_54 : i32
      scf.if %cond3A_55 {
        "tpu.region"() ({
          %run_scoped3A_60 = tpu.sem_alloc : memref<!tpu.dma_semaphore, #tpu.memory_space<semaphore_mem>>
          %dma_start3A = arith.constant 0 : i32
          %dma_start3A_61 = tpu.memref_slice %arg3[%add3A_45, %dma_start3A] : memref<819200x32xf32, #tpu.memory_space<hbm>> -> memref<512x32xf32, #tpu.memory_space<hbm>>
          %dma_start3A_62 = arith.constant 0 : i32
          %dma_start3A_63 = tpu.memref_slice %arg3[%add3A_45, %dma_start3A_62] : memref<819200x32xf32, #tpu.memory_space<hbm>> -> memref<512x32xf32, #tpu.memory_space<hbm>>
          tpu.enqueue_dma source(%dma_start3A_63 : memref<512x32xf32, #tpu.memory_space<hbm>>) target(%arg8 : memref<512x32xf32, #tpu.memory_space<vmem>>) target_semaphore(%run_scoped3A_60 : memref<!tpu.dma_semaphore, #tpu.memory_space<semaphore_mem>>)
          %dma_wait3A = arith.constant 0 : i32
          %dma_wait3A_64 = tpu.memref_slice %arg3[%add3A_45, %dma_wait3A] : memref<819200x32xf32, #tpu.memory_space<hbm>> -> memref<512x32xf32, #tpu.memory_space<hbm>>
          %dma_wait3A_65 = arith.constant 0 : i32
          %dma_wait3A_66 = tpu.memref_slice %arg3[%add3A_45, %dma_wait3A_65] : memref<819200x32xf32, #tpu.memory_space<hbm>> -> memref<512x32xf32, #tpu.memory_space<hbm>>
          tpu.wait_dma2 semaphore(%run_scoped3A_60 : memref<!tpu.dma_semaphore, #tpu.memory_space<semaphore_mem>>) src(%dma_wait3A_66 : memref<512x32xf32, #tpu.memory_space<hbm>>) dst(%arg8 : memref<512x32xf32, #tpu.memory_space<vmem>>)
          tpu.yield
        }) : () -> ()
      } else {
      }
      %run_scoped3A_56 = arith.constant 4 : i32
      "tpu.region"() ({
        %run_scoped3A_60 = tpu.sem_alloc : memref<!tpu.dma_semaphore, #tpu.memory_space<semaphore_mem>>
        %dma_start3A = arith.constant 0 : i32
        %dma_start3A_61 = arith.constant 0 : i32
        %dma_start3A_62 = tpu.memref_slice %arg8[%dma_start3A, %dma_start3A_61] : memref<512x32xf32, #tpu.memory_space<vmem>> -> memref<128x32xf32, #tpu.memory_space<vmem>>
        %dma_start3A_63 = arith.constant 0 : i32
        %dma_start3A_64 = tpu.memref_slice %arg7[%run_scoped3A_56, %dma_start3A_63] : memref<8x128xi32, #tpu.memory_space<vmem>> -> memref<1x128xi32, #tpu.memory_space<vmem>>
        %dma_start3A_65 = tpu.memref_squeeze %dma_start3A_64 : memref<1x128xi32, #tpu.memory_space<vmem>> -> memref<128xi32, #tpu.memory_space<vmem>>
        %dma_start3A_66 = arith.constant 0 : i32
        %dma_start3A_67 = arith.constant 0 : i32
        %dma_start3A_68 = tpu.memref_slice %arg9[%dma_start3A_66, %dma_start3A_67] : memref<51200x32xf32, #tpu.memory_space<vmem_shared>> -> memref<51200x32xf32, #tpu.memory_space<vmem_shared>>
        tpu.enqueue_indirect_dma source(%dma_start3A_62 : memref<128x32xf32, #tpu.memory_space<vmem>>) target(%dma_start3A_68 : memref<51200x32xf32, #tpu.memory_space<vmem_shared>>) offsets(%dma_start3A_65 : memref<128xi32, #tpu.memory_space<vmem>>) semaphore(%run_scoped3A_60 : memref<!tpu.dma_semaphore, #tpu.memory_space<semaphore_mem>>) {add = true}
        %dma_wait3A = arith.constant 0 : i32
        %dma_wait3A_69 = arith.constant 0 : i32
        %dma_wait3A_70 = tpu.memref_slice %arg8[%dma_wait3A, %dma_wait3A_69] : memref<512x32xf32, #tpu.memory_space<vmem>> -> memref<128x32xf32, #tpu.memory_space<vmem>>
        %dma_wait3A_71 = arith.constant 0 : i32
        %dma_wait3A_72 = tpu.memref_slice %arg7[%run_scoped3A_56, %dma_wait3A_71] : memref<8x128xi32, #tpu.memory_space<vmem>> -> memref<1x128xi32, #tpu.memory_space<vmem>>
        %dma_wait3A_73 = tpu.memref_squeeze %dma_wait3A_72 : memref<1x128xi32, #tpu.memory_space<vmem>> -> memref<128xi32, #tpu.memory_space<vmem>>
        %dma_wait3A_74 = arith.constant 0 : i32
        %dma_wait3A_75 = arith.constant 0 : i32
        %dma_wait3A_76 = tpu.memref_slice %arg9[%dma_wait3A_74, %dma_wait3A_75] : memref<51200x32xf32, #tpu.memory_space<vmem_shared>> -> memref<51200x32xf32, #tpu.memory_space<vmem_shared>>
        tpu.wait_indirect_dma semaphore(%run_scoped3A_60 : memref<!tpu.dma_semaphore, #tpu.memory_space<semaphore_mem>>) src(%dma_wait3A_70 : memref<128x32xf32, #tpu.memory_space<vmem>>) dst(%dma_wait3A_76 : memref<51200x32xf32, #tpu.memory_space<vmem_shared>>)
        tpu.yield
      }) : () -> ()
      %run_scoped3A_57 = arith.constant 5 : i32
      "tpu.region"() ({
        %run_scoped3A_60 = tpu.sem_alloc : memref<!tpu.dma_semaphore, #tpu.memory_space<semaphore_mem>>
        %dma_start3A = arith.constant 128 : i32
        %dma_start3A_61 = arith.constant 0 : i32
        %dma_start3A_62 = tpu.memref_slice %arg8[%dma_start3A, %dma_start3A_61] : memref<512x32xf32, #tpu.memory_space<vmem>> -> memref<128x32xf32, #tpu.memory_space<vmem>>
        %dma_start3A_63 = arith.constant 0 : i32
        %dma_start3A_64 = tpu.memref_slice %arg7[%run_scoped3A_57, %dma_start3A_63] : memref<8x128xi32, #tpu.memory_space<vmem>> -> memref<1x128xi32, #tpu.memory_space<vmem>>
        %dma_start3A_65 = tpu.memref_squeeze %dma_start3A_64 : memref<1x128xi32, #tpu.memory_space<vmem>> -> memref<128xi32, #tpu.memory_space<vmem>>
        %dma_start3A_66 = arith.constant 0 : i32
        %dma_start3A_67 = arith.constant 0 : i32
        %dma_start3A_68 = tpu.memref_slice %arg9[%dma_start3A_66, %dma_start3A_67] : memref<51200x32xf32, #tpu.memory_space<vmem_shared>> -> memref<51200x32xf32, #tpu.memory_space<vmem_shared>>
        tpu.enqueue_indirect_dma source(%dma_start3A_62 : memref<128x32xf32, #tpu.memory_space<vmem>>) target(%dma_start3A_68 : memref<51200x32xf32, #tpu.memory_space<vmem_shared>>) offsets(%dma_start3A_65 : memref<128xi32, #tpu.memory_space<vmem>>) semaphore(%run_scoped3A_60 : memref<!tpu.dma_semaphore, #tpu.memory_space<semaphore_mem>>) {add = true}
        %dma_wait3A = arith.constant 128 : i32
        %dma_wait3A_69 = arith.constant 0 : i32
        %dma_wait3A_70 = tpu.memref_slice %arg8[%dma_wait3A, %dma_wait3A_69] : memref<512x32xf32, #tpu.memory_space<vmem>> -> memref<128x32xf32, #tpu.memory_space<vmem>>
        %dma_wait3A_71 = arith.constant 0 : i32
        %dma_wait3A_72 = tpu.memref_slice %arg7[%run_scoped3A_57, %dma_wait3A_71] : memref<8x128xi32, #tpu.memory_space<vmem>> -> memref<1x128xi32, #tpu.memory_space<vmem>>
        %dma_wait3A_73 = tpu.memref_squeeze %dma_wait3A_72 : memref<1x128xi32, #tpu.memory_space<vmem>> -> memref<128xi32, #tpu.memory_space<vmem>>
        %dma_wait3A_74 = arith.constant 0 : i32
        %dma_wait3A_75 = arith.constant 0 : i32
        %dma_wait3A_76 = tpu.memref_slice %arg9[%dma_wait3A_74, %dma_wait3A_75] : memref<51200x32xf32, #tpu.memory_space<vmem_shared>> -> memref<51200x32xf32, #tpu.memory_space<vmem_shared>>
        tpu.wait_indirect_dma semaphore(%run_scoped3A_60 : memref<!tpu.dma_semaphore, #tpu.memory_space<semaphore_mem>>) src(%dma_wait3A_70 : memref<128x32xf32, #tpu.memory_space<vmem>>) dst(%dma_wait3A_76 : memref<51200x32xf32, #tpu.memory_space<vmem_shared>>)
        tpu.yield
      }) : () -> ()
      %run_scoped3A_58 = arith.constant 6 : i32
      "tpu.region"() ({
        %run_scoped3A_60 = tpu.sem_alloc : memref<!tpu.dma_semaphore, #tpu.memory_space<semaphore_mem>>
        %dma_start3A = arith.constant 256 : i32
        %dma_start3A_61 = arith.constant 0 : i32
        %dma_start3A_62 = tpu.memref_slice %arg8[%dma_start3A, %dma_start3A_61] : memref<512x32xf32, #tpu.memory_space<vmem>> -> memref<128x32xf32, #tpu.memory_space<vmem>>
        %dma_start3A_63 = arith.constant 0 : i32
        %dma_start3A_64 = tpu.memref_slice %arg7[%run_scoped3A_58, %dma_start3A_63] : memref<8x128xi32, #tpu.memory_space<vmem>> -> memref<1x128xi32, #tpu.memory_space<vmem>>
        %dma_start3A_65 = tpu.memref_squeeze %dma_start3A_64 : memref<1x128xi32, #tpu.memory_space<vmem>> -> memref<128xi32, #tpu.memory_space<vmem>>
        %dma_start3A_66 = arith.constant 0 : i32
        %dma_start3A_67 = arith.constant 0 : i32
        %dma_start3A_68 = tpu.memref_slice %arg9[%dma_start3A_66, %dma_start3A_67] : memref<51200x32xf32, #tpu.memory_space<vmem_shared>> -> memref<51200x32xf32, #tpu.memory_space<vmem_shared>>
        tpu.enqueue_indirect_dma source(%dma_start3A_62 : memref<128x32xf32, #tpu.memory_space<vmem>>) target(%dma_start3A_68 : memref<51200x32xf32, #tpu.memory_space<vmem_shared>>) offsets(%dma_start3A_65 : memref<128xi32, #tpu.memory_space<vmem>>) semaphore(%run_scoped3A_60 : memref<!tpu.dma_semaphore, #tpu.memory_space<semaphore_mem>>) {add = true}
        %dma_wait3A = arith.constant 256 : i32
        %dma_wait3A_69 = arith.constant 0 : i32
        %dma_wait3A_70 = tpu.memref_slice %arg8[%dma_wait3A, %dma_wait3A_69] : memref<512x32xf32, #tpu.memory_space<vmem>> -> memref<128x32xf32, #tpu.memory_space<vmem>>
        %dma_wait3A_71 = arith.constant 0 : i32
        %dma_wait3A_72 = tpu.memref_slice %arg7[%run_scoped3A_58, %dma_wait3A_71] : memref<8x128xi32, #tpu.memory_space<vmem>> -> memref<1x128xi32, #tpu.memory_space<vmem>>
        %dma_wait3A_73 = tpu.memref_squeeze %dma_wait3A_72 : memref<1x128xi32, #tpu.memory_space<vmem>> -> memref<128xi32, #tpu.memory_space<vmem>>
        %dma_wait3A_74 = arith.constant 0 : i32
        %dma_wait3A_75 = arith.constant 0 : i32
        %dma_wait3A_76 = tpu.memref_slice %arg9[%dma_wait3A_74, %dma_wait3A_75] : memref<51200x32xf32, #tpu.memory_space<vmem_shared>> -> memref<51200x32xf32, #tpu.memory_space<vmem_shared>>
        tpu.wait_indirect_dma semaphore(%run_scoped3A_60 : memref<!tpu.dma_semaphore, #tpu.memory_space<semaphore_mem>>) src(%dma_wait3A_70 : memref<128x32xf32, #tpu.memory_space<vmem>>) dst(%dma_wait3A_76 : memref<51200x32xf32, #tpu.memory_space<vmem_shared>>)
        tpu.yield
      }) : () -> ()
      %run_scoped3A_59 = arith.constant 7 : i32
      "tpu.region"() ({
        %run_scoped3A_60 = tpu.sem_alloc : memref<!tpu.dma_semaphore, #tpu.memory_space<semaphore_mem>>
        %dma_start3A = arith.constant 384 : i32
        %dma_start3A_61 = arith.constant 0 : i32
        %dma_start3A_62 = tpu.memref_slice %arg8[%dma_start3A, %dma_start3A_61] : memref<512x32xf32, #tpu.memory_space<vmem>> -> memref<128x32xf32, #tpu.memory_space<vmem>>
        %dma_start3A_63 = arith.constant 0 : i32
        %dma_start3A_64 = tpu.memref_slice %arg7[%run_scoped3A_59, %dma_start3A_63] : memref<8x128xi32, #tpu.memory_space<vmem>> -> memref<1x128xi32, #tpu.memory_space<vmem>>
        %dma_start3A_65 = tpu.memref_squeeze %dma_start3A_64 : memref<1x128xi32, #tpu.memory_space<vmem>> -> memref<128xi32, #tpu.memory_space<vmem>>
        %dma_start3A_66 = arith.constant 0 : i32
        %dma_start3A_67 = arith.constant 0 : i32
        %dma_start3A_68 = tpu.memref_slice %arg9[%dma_start3A_66, %dma_start3A_67] : memref<51200x32xf32, #tpu.memory_space<vmem_shared>> -> memref<51200x32xf32, #tpu.memory_space<vmem_shared>>
        tpu.enqueue_indirect_dma source(%dma_start3A_62 : memref<128x32xf32, #tpu.memory_space<vmem>>) target(%dma_start3A_68 : memref<51200x32xf32, #tpu.memory_space<vmem_shared>>) offsets(%dma_start3A_65 : memref<128xi32, #tpu.memory_space<vmem>>) semaphore(%run_scoped3A_60 : memref<!tpu.dma_semaphore, #tpu.memory_space<semaphore_mem>>) {add = true}
        %dma_wait3A = arith.constant 384 : i32
        %dma_wait3A_69 = arith.constant 0 : i32
        %dma_wait3A_70 = tpu.memref_slice %arg8[%dma_wait3A, %dma_wait3A_69] : memref<512x32xf32, #tpu.memory_space<vmem>> -> memref<128x32xf32, #tpu.memory_space<vmem>>
        %dma_wait3A_71 = arith.constant 0 : i32
        %dma_wait3A_72 = tpu.memref_slice %arg7[%run_scoped3A_59, %dma_wait3A_71] : memref<8x128xi32, #tpu.memory_space<vmem>> -> memref<1x128xi32, #tpu.memory_space<vmem>>
        %dma_wait3A_73 = tpu.memref_squeeze %dma_wait3A_72 : memref<1x128xi32, #tpu.memory_space<vmem>> -> memref<128xi32, #tpu.memory_space<vmem>>
        %dma_wait3A_74 = arith.constant 0 : i32
        %dma_wait3A_75 = arith.constant 0 : i32
        %dma_wait3A_76 = tpu.memref_slice %arg9[%dma_wait3A_74, %dma_wait3A_75] : memref<51200x32xf32, #tpu.memory_space<vmem_shared>> -> memref<51200x32xf32, #tpu.memory_space<vmem_shared>>
        tpu.wait_indirect_dma semaphore(%run_scoped3A_60 : memref<!tpu.dma_semaphore, #tpu.memory_space<semaphore_mem>>) src(%dma_wait3A_70 : memref<128x32xf32, #tpu.memory_space<vmem>>) dst(%dma_wait3A_76 : memref<51200x32xf32, #tpu.memory_space<vmem_shared>>)
        tpu.yield
      }) : () -> ()
    }
    %scan3A_23 = arith.constant 50 : i32
    %barrier3A_24 = arith.constant 0 : index
    tpu.barrier barrier_id(%barrier3A_24)
    "tpu.region"() ({
      %run_scoped3A = tpu.sem_alloc : memref<!tpu.dma_semaphore, #tpu.memory_space<semaphore_mem>>
      %dma_start3A = arith.constant 0 : i32
      %dma_start3A_25 = tpu.memref_slice %arg6[%arg0, %mul3A_0, %dma_start3A] : memref<2x51200x32xf32, #tpu.memory_space<hbm>> -> memref<1x3200x32xf32, #tpu.memory_space<hbm>>
      %dma_start3A_26 = tpu.memref_squeeze %dma_start3A_25 : memref<1x3200x32xf32, #tpu.memory_space<hbm>> -> memref<3200x32xf32, #tpu.memory_space<hbm>>
      %dma_start3A_27 = arith.constant 0 : i32
      %dma_start3A_28 = tpu.memref_slice %arg9[%mul3A_0, %dma_start3A_27] : memref<51200x32xf32, #tpu.memory_space<vmem_shared>> -> memref<3200x32xf32, #tpu.memory_space<vmem_shared>>
      tpu.enqueue_dma source(%dma_start3A_28 : memref<3200x32xf32, #tpu.memory_space<vmem_shared>>) target(%dma_start3A_26 : memref<3200x32xf32, #tpu.memory_space<hbm>>) target_semaphore(%run_scoped3A : memref<!tpu.dma_semaphore, #tpu.memory_space<semaphore_mem>>)
      %dma_wait3A = arith.constant 0 : i32
      %dma_wait3A_29 = tpu.memref_slice %arg6[%arg0, %mul3A_0, %dma_wait3A] : memref<2x51200x32xf32, #tpu.memory_space<hbm>> -> memref<1x3200x32xf32, #tpu.memory_space<hbm>>
      %dma_wait3A_30 = tpu.memref_squeeze %dma_wait3A_29 : memref<1x3200x32xf32, #tpu.memory_space<hbm>> -> memref<3200x32xf32, #tpu.memory_space<hbm>>
      %dma_wait3A_31 = arith.constant 0 : i32
      %dma_wait3A_32 = tpu.memref_slice %arg9[%mul3A_0, %dma_wait3A_31] : memref<51200x32xf32, #tpu.memory_space<vmem_shared>> -> memref<3200x32xf32, #tpu.memory_space<vmem_shared>>
      tpu.wait_dma2 semaphore(%run_scoped3A : memref<!tpu.dma_semaphore, #tpu.memory_space<semaphore_mem>>) src(%dma_wait3A_32 : memref<3200x32xf32, #tpu.memory_space<vmem_shared>>) dst(%dma_wait3A_30 : memref<3200x32xf32, #tpu.memory_space<hbm>>)
      tpu.yield
    }) : () -> ()
    return
  }
}

#map = affine_map<(d0, d1) -> (0, 0)>
#map1 = affine_map<(d0, d1) -> (0, 0, 0)>
module attributes {stable_mosaic.version = 14 : i64} {
  func.func @gk(%arg0: i32, %arg1: i32, %arg2: memref<51200x64xf32, #tpu.memory_space<hbm>>, %arg3: memref<800x8x128xi32, #tpu.memory_space<hbm>>, %arg4: memref<800x8x128xi32, #tpu.memory_space<hbm>>, %arg5: memref<819200x64xf32, #tpu.memory_space<hbm>>, %arg6: memref<819200x64xf32, #tpu.memory_space<hbm>>, %arg7: memref<8x128xi32, #tpu.memory_space<vmem>>, %arg8: memref<8x128xi32, #tpu.memory_space<vmem>>, %arg9: memref<512x64xf32, #tpu.memory_space<vmem>>, %arg10: memref<512x64xf32, #tpu.memory_space<vmem>>, %arg11: memref<!tpu.dma_semaphore, #tpu.memory_space<semaphore_mem>>) attributes {dimension_semantics = [#tpu.dimension_semantics<core_parallel>, #tpu.dimension_semantics<subcore_parallel>], iteration_bounds = array<i64: 2, 16>, scalar_prefetch = 0 : i64, scratch_operands = 5 : i64, tpu.core_type = #tpu.core_type<sc_vector_subcore>, window_params = [{transform_indices = #map}, {transform_indices = #map1}, {transform_indices = #map1}, {transform_indices = #map}, {transform_indices = #map}]} {
    %mul3A = arith.constant 2 : i32
    %mul3A_0 = arith.muli %arg1, %mul3A : i32
    %add3A = arith.addi %mul3A_0, %arg0 : i32
    %mul3A_1 = arith.constant 25600 : i32
    %mul3A_2 = arith.muli %add3A, %mul3A_1 : i32
    %mul3A_3 = arith.constant 25 : i32
    %mul3A_4 = arith.muli %add3A, %mul3A_3 : i32
    %scan3A = arith.constant 0 : i32
    %scan3A_5 = arith.constant 0 : i32
    %scan3A_6 = arith.constant 25 : i32
    %scan3A_7 = arith.addi %scan3A_5, %scan3A_6 : i32
    %scan3A_8 = arith.constant 1 : i32
    scf.for %scan3A_10 = %scan3A_5 to %scan3A_7 step %scan3A_8  : i32 {
      %add3A_11 = arith.addi %mul3A_4, %scan3A_10 : i32
      "tpu.region"() ({
        %run_scoped3A = tpu.sem_alloc : memref<!tpu.dma_semaphore, #tpu.memory_space<semaphore_mem>>
        %dma_start3A_341 = arith.constant 0 : i32
        %dma_start3A_342 = arith.constant 0 : i32
        %dma_start3A_343 = tpu.memref_slice %arg3[%add3A_11, %dma_start3A_341, %dma_start3A_342] : memref<800x8x128xi32, #tpu.memory_space<hbm>> -> memref<1x8x128xi32, #tpu.memory_space<hbm>>
        %dma_start3A_344 = tpu.memref_squeeze %dma_start3A_343 : memref<1x8x128xi32, #tpu.memory_space<hbm>> -> memref<8x128xi32, #tpu.memory_space<hbm>>
        %dma_start3A_345 = arith.constant 0 : i32
        %dma_start3A_346 = arith.constant 0 : i32
        %dma_start3A_347 = tpu.memref_slice %arg3[%add3A_11, %dma_start3A_345, %dma_start3A_346] : memref<800x8x128xi32, #tpu.memory_space<hbm>> -> memref<1x8x128xi32, #tpu.memory_space<hbm>>
        %dma_start3A_348 = tpu.memref_squeeze %dma_start3A_347 : memref<1x8x128xi32, #tpu.memory_space<hbm>> -> memref<8x128xi32, #tpu.memory_space<hbm>>
        tpu.enqueue_dma source(%dma_start3A_348 : memref<8x128xi32, #tpu.memory_space<hbm>>) target(%arg7 : memref<8x128xi32, #tpu.memory_space<vmem>>) target_semaphore(%run_scoped3A : memref<!tpu.dma_semaphore, #tpu.memory_space<semaphore_mem>>)
        %dma_wait3A_349 = arith.constant 0 : i32
        %dma_wait3A_350 = arith.constant 0 : i32
        %dma_wait3A_351 = tpu.memref_slice %arg3[%add3A_11, %dma_wait3A_349, %dma_wait3A_350] : memref<800x8x128xi32, #tpu.memory_space<hbm>> -> memref<1x8x128xi32, #tpu.memory_space<hbm>>
        %dma_wait3A_352 = tpu.memref_squeeze %dma_wait3A_351 : memref<1x8x128xi32, #tpu.memory_space<hbm>> -> memref<8x128xi32, #tpu.memory_space<hbm>>
        %dma_wait3A_353 = arith.constant 0 : i32
        %dma_wait3A_354 = arith.constant 0 : i32
        %dma_wait3A_355 = tpu.memref_slice %arg3[%add3A_11, %dma_wait3A_353, %dma_wait3A_354] : memref<800x8x128xi32, #tpu.memory_space<hbm>> -> memref<1x8x128xi32, #tpu.memory_space<hbm>>
        %dma_wait3A_356 = tpu.memref_squeeze %dma_wait3A_355 : memref<1x8x128xi32, #tpu.memory_space<hbm>> -> memref<8x128xi32, #tpu.memory_space<hbm>>
        tpu.wait_dma2 semaphore(%run_scoped3A : memref<!tpu.dma_semaphore, #tpu.memory_space<semaphore_mem>>) src(%dma_wait3A_356 : memref<8x128xi32, #tpu.memory_space<hbm>>) dst(%arg7 : memref<8x128xi32, #tpu.memory_space<vmem>>)
        tpu.yield
      }) : () -> ()
      %add3A_12 = arith.addi %mul3A_4, %scan3A_10 : i32
      "tpu.region"() ({
        %run_scoped3A = tpu.sem_alloc : memref<!tpu.dma_semaphore, #tpu.memory_space<semaphore_mem>>
        %dma_start3A_341 = arith.constant 0 : i32
        %dma_start3A_342 = arith.constant 0 : i32
        %dma_start3A_343 = tpu.memref_slice %arg4[%add3A_12, %dma_start3A_341, %dma_start3A_342] : memref<800x8x128xi32, #tpu.memory_space<hbm>> -> memref<1x8x128xi32, #tpu.memory_space<hbm>>
        %dma_start3A_344 = tpu.memref_squeeze %dma_start3A_343 : memref<1x8x128xi32, #tpu.memory_space<hbm>> -> memref<8x128xi32, #tpu.memory_space<hbm>>
        %dma_start3A_345 = arith.constant 0 : i32
        %dma_start3A_346 = arith.constant 0 : i32
        %dma_start3A_347 = tpu.memref_slice %arg4[%add3A_12, %dma_start3A_345, %dma_start3A_346] : memref<800x8x128xi32, #tpu.memory_space<hbm>> -> memref<1x8x128xi32, #tpu.memory_space<hbm>>
        %dma_start3A_348 = tpu.memref_squeeze %dma_start3A_347 : memref<1x8x128xi32, #tpu.memory_space<hbm>> -> memref<8x128xi32, #tpu.memory_space<hbm>>
        tpu.enqueue_dma source(%dma_start3A_348 : memref<8x128xi32, #tpu.memory_space<hbm>>) target(%arg8 : memref<8x128xi32, #tpu.memory_space<vmem>>) target_semaphore(%run_scoped3A : memref<!tpu.dma_semaphore, #tpu.memory_space<semaphore_mem>>)
        %dma_wait3A_349 = arith.constant 0 : i32
        %dma_wait3A_350 = arith.constant 0 : i32
        %dma_wait3A_351 = tpu.memref_slice %arg4[%add3A_12, %dma_wait3A_349, %dma_wait3A_350] : memref<800x8x128xi32, #tpu.memory_space<hbm>> -> memref<1x8x128xi32, #tpu.memory_space<hbm>>
        %dma_wait3A_352 = tpu.memref_squeeze %dma_wait3A_351 : memref<1x8x128xi32, #tpu.memory_space<hbm>> -> memref<8x128xi32, #tpu.memory_space<hbm>>
        %dma_wait3A_353 = arith.constant 0 : i32
        %dma_wait3A_354 = arith.constant 0 : i32
        %dma_wait3A_355 = tpu.memref_slice %arg4[%add3A_12, %dma_wait3A_353, %dma_wait3A_354] : memref<800x8x128xi32, #tpu.memory_space<hbm>> -> memref<1x8x128xi32, #tpu.memory_space<hbm>>
        %dma_wait3A_356 = tpu.memref_squeeze %dma_wait3A_355 : memref<1x8x128xi32, #tpu.memory_space<hbm>> -> memref<8x128xi32, #tpu.memory_space<hbm>>
        tpu.wait_dma2 semaphore(%run_scoped3A : memref<!tpu.dma_semaphore, #tpu.memory_space<semaphore_mem>>) src(%dma_wait3A_356 : memref<8x128xi32, #tpu.memory_space<hbm>>) dst(%arg8 : memref<8x128xi32, #tpu.memory_space<vmem>>)
        tpu.yield
      }) : () -> ()
      %mul3A_13 = arith.constant 1024 : i32
      %mul3A_14 = arith.muli %scan3A_10, %mul3A_13 : i32
      %add3A_15 = arith.addi %mul3A_2, %mul3A_14 : i32
      %add3A_16 = arith.constant 0 : i32
      %add3A_17 = arith.addi %add3A_15, %add3A_16 : i32
      %dma_start3A = arith.constant 0 : i32
      %dma_start3A_18 = arith.constant 0 : i32
      %dma_start3A_19 = arith.constant 0 : i32
      %dma_start3A_20 = tpu.memref_slice %arg9[%dma_start3A_18, %dma_start3A_19] : memref<512x64xf32, #tpu.memory_space<vmem>> -> memref<128x64xf32, #tpu.memory_space<vmem>>
      %dma_start3A_21 = arith.constant 0 : i32
      %dma_start3A_22 = tpu.memref_slice %arg7[%dma_start3A, %dma_start3A_21] : memref<8x128xi32, #tpu.memory_space<vmem>> -> memref<1x128xi32, #tpu.memory_space<vmem>>
      %dma_start3A_23 = tpu.memref_squeeze %dma_start3A_22 : memref<1x128xi32, #tpu.memory_space<vmem>> -> memref<128xi32, #tpu.memory_space<vmem>>
      %dma_start3A_24 = arith.constant 0 : i32
      %dma_start3A_25 = arith.constant 0 : i32
      %dma_start3A_26 = tpu.memref_slice %arg2[%dma_start3A_24, %dma_start3A_25] : memref<51200x64xf32, #tpu.memory_space<hbm>> -> memref<51200x64xf32, #tpu.memory_space<hbm>>
      tpu.enqueue_indirect_dma source(%dma_start3A_26 : memref<51200x64xf32, #tpu.memory_space<hbm>>) target(%dma_start3A_20 : memref<128x64xf32, #tpu.memory_space<vmem>>) offsets(%dma_start3A_23 : memref<128xi32, #tpu.memory_space<vmem>>) semaphore(%arg11 : memref<!tpu.dma_semaphore, #tpu.memory_space<semaphore_mem>>)
      %dma_start3A_27 = arith.constant 0 : i32
      %dma_start3A_28 = arith.constant 0 : i32
      %dma_start3A_29 = arith.constant 0 : i32
      %dma_start3A_30 = tpu.memref_slice %arg10[%dma_start3A_28, %dma_start3A_29] : memref<512x64xf32, #tpu.memory_space<vmem>> -> memref<128x64xf32, #tpu.memory_space<vmem>>
      %dma_start3A_31 = arith.constant 0 : i32
      %dma_start3A_32 = tpu.memref_slice %arg8[%dma_start3A_27, %dma_start3A_31] : memref<8x128xi32, #tpu.memory_space<vmem>> -> memref<1x128xi32, #tpu.memory_space<vmem>>
      %dma_start3A_33 = tpu.memref_squeeze %dma_start3A_32 : memref<1x128xi32, #tpu.memory_space<vmem>> -> memref<128xi32, #tpu.memory_space<vmem>>
      %dma_start3A_34 = arith.constant 0 : i32
      %dma_start3A_35 = arith.constant 0 : i32
      %dma_start3A_36 = tpu.memref_slice %arg2[%dma_start3A_34, %dma_start3A_35] : memref<51200x64xf32, #tpu.memory_space<hbm>> -> memref<51200x64xf32, #tpu.memory_space<hbm>>
      tpu.enqueue_indirect_dma source(%dma_start3A_36 : memref<51200x64xf32, #tpu.memory_space<hbm>>) target(%dma_start3A_30 : memref<128x64xf32, #tpu.memory_space<vmem>>) offsets(%dma_start3A_33 : memref<128xi32, #tpu.memory_space<vmem>>) semaphore(%arg11 : memref<!tpu.dma_semaphore, #tpu.memory_space<semaphore_mem>>)
      %dma_start3A_37 = arith.constant 1 : i32
      %dma_start3A_38 = arith.constant 128 : i32
      %dma_start3A_39 = arith.constant 0 : i32
      %dma_start3A_40 = tpu.memref_slice %arg9[%dma_start3A_38, %dma_start3A_39] : memref<512x64xf32, #tpu.memory_space<vmem>> -> memref<128x64xf32, #tpu.memory_space<vmem>>
      %dma_start3A_41 = arith.constant 0 : i32
      %dma_start3A_42 = tpu.memref_slice %arg7[%dma_start3A_37, %dma_start3A_41] : memref<8x128xi32, #tpu.memory_space<vmem>> -> memref<1x128xi32, #tpu.memory_space<vmem>>
      %dma_start3A_43 = tpu.memref_squeeze %dma_start3A_42 : memref<1x128xi32, #tpu.memory_space<vmem>> -> memref<128xi32, #tpu.memory_space<vmem>>
      %dma_start3A_44 = arith.constant 0 : i32
      %dma_start3A_45 = arith.constant 0 : i32
      %dma_start3A_46 = tpu.memref_slice %arg2[%dma_start3A_44, %dma_start3A_45] : memref<51200x64xf32, #tpu.memory_space<hbm>> -> memref<51200x64xf32, #tpu.memory_space<hbm>>
      tpu.enqueue_indirect_dma source(%dma_start3A_46 : memref<51200x64xf32, #tpu.memory_space<hbm>>) target(%dma_start3A_40 : memref<128x64xf32, #tpu.memory_space<vmem>>) offsets(%dma_start3A_43 : memref<128xi32, #tpu.memory_space<vmem>>) semaphore(%arg11 : memref<!tpu.dma_semaphore, #tpu.memory_space<semaphore_mem>>)
      %dma_start3A_47 = arith.constant 1 : i32
      %dma_start3A_48 = arith.constant 128 : i32
      %dma_start3A_49 = arith.constant 0 : i32
      %dma_start3A_50 = tpu.memref_slice %arg10[%dma_start3A_48, %dma_start3A_49] : memref<512x64xf32, #tpu.memory_space<vmem>> -> memref<128x64xf32, #tpu.memory_space<vmem>>
      %dma_start3A_51 = arith.constant 0 : i32
      %dma_start3A_52 = tpu.memref_slice %arg8[%dma_start3A_47, %dma_start3A_51] : memref<8x128xi32, #tpu.memory_space<vmem>> -> memref<1x128xi32, #tpu.memory_space<vmem>>
      %dma_start3A_53 = tpu.memref_squeeze %dma_start3A_52 : memref<1x128xi32, #tpu.memory_space<vmem>> -> memref<128xi32, #tpu.memory_space<vmem>>
      %dma_start3A_54 = arith.constant 0 : i32
      %dma_start3A_55 = arith.constant 0 : i32
      %dma_start3A_56 = tpu.memref_slice %arg2[%dma_start3A_54, %dma_start3A_55] : memref<51200x64xf32, #tpu.memory_space<hbm>> -> memref<51200x64xf32, #tpu.memory_space<hbm>>
      tpu.enqueue_indirect_dma source(%dma_start3A_56 : memref<51200x64xf32, #tpu.memory_space<hbm>>) target(%dma_start3A_50 : memref<128x64xf32, #tpu.memory_space<vmem>>) offsets(%dma_start3A_53 : memref<128xi32, #tpu.memory_space<vmem>>) semaphore(%arg11 : memref<!tpu.dma_semaphore, #tpu.memory_space<semaphore_mem>>)
      %dma_start3A_57 = arith.constant 2 : i32
      %dma_start3A_58 = arith.constant 256 : i32
      %dma_start3A_59 = arith.constant 0 : i32
      %dma_start3A_60 = tpu.memref_slice %arg9[%dma_start3A_58, %dma_start3A_59] : memref<512x64xf32, #tpu.memory_space<vmem>> -> memref<128x64xf32, #tpu.memory_space<vmem>>
      %dma_start3A_61 = arith.constant 0 : i32
      %dma_start3A_62 = tpu.memref_slice %arg7[%dma_start3A_57, %dma_start3A_61] : memref<8x128xi32, #tpu.memory_space<vmem>> -> memref<1x128xi32, #tpu.memory_space<vmem>>
      %dma_start3A_63 = tpu.memref_squeeze %dma_start3A_62 : memref<1x128xi32, #tpu.memory_space<vmem>> -> memref<128xi32, #tpu.memory_space<vmem>>
      %dma_start3A_64 = arith.constant 0 : i32
      %dma_start3A_65 = arith.constant 0 : i32
      %dma_start3A_66 = tpu.memref_slice %arg2[%dma_start3A_64, %dma_start3A_65] : memref<51200x64xf32, #tpu.memory_space<hbm>> -> memref<51200x64xf32, #tpu.memory_space<hbm>>
      tpu.enqueue_indirect_dma source(%dma_start3A_66 : memref<51200x64xf32, #tpu.memory_space<hbm>>) target(%dma_start3A_60 : memref<128x64xf32, #tpu.memory_space<vmem>>) offsets(%dma_start3A_63 : memref<128xi32, #tpu.memory_space<vmem>>) semaphore(%arg11 : memref<!tpu.dma_semaphore, #tpu.memory_space<semaphore_mem>>)
      %dma_start3A_67 = arith.constant 2 : i32
      %dma_start3A_68 = arith.constant 256 : i32
      %dma_start3A_69 = arith.constant 0 : i32
      %dma_start3A_70 = tpu.memref_slice %arg10[%dma_start3A_68, %dma_start3A_69] : memref<512x64xf32, #tpu.memory_space<vmem>> -> memref<128x64xf32, #tpu.memory_space<vmem>>
      %dma_start3A_71 = arith.constant 0 : i32
      %dma_start3A_72 = tpu.memref_slice %arg8[%dma_start3A_67, %dma_start3A_71] : memref<8x128xi32, #tpu.memory_space<vmem>> -> memref<1x128xi32, #tpu.memory_space<vmem>>
      %dma_start3A_73 = tpu.memref_squeeze %dma_start3A_72 : memref<1x128xi32, #tpu.memory_space<vmem>> -> memref<128xi32, #tpu.memory_space<vmem>>
      %dma_start3A_74 = arith.constant 0 : i32
      %dma_start3A_75 = arith.constant 0 : i32
      %dma_start3A_76 = tpu.memref_slice %arg2[%dma_start3A_74, %dma_start3A_75] : memref<51200x64xf32, #tpu.memory_space<hbm>> -> memref<51200x64xf32, #tpu.memory_space<hbm>>
      tpu.enqueue_indirect_dma source(%dma_start3A_76 : memref<51200x64xf32, #tpu.memory_space<hbm>>) target(%dma_start3A_70 : memref<128x64xf32, #tpu.memory_space<vmem>>) offsets(%dma_start3A_73 : memref<128xi32, #tpu.memory_space<vmem>>) semaphore(%arg11 : memref<!tpu.dma_semaphore, #tpu.memory_space<semaphore_mem>>)
      %dma_start3A_77 = arith.constant 3 : i32
      %dma_start3A_78 = arith.constant 384 : i32
      %dma_start3A_79 = arith.constant 0 : i32
      %dma_start3A_80 = tpu.memref_slice %arg9[%dma_start3A_78, %dma_start3A_79] : memref<512x64xf32, #tpu.memory_space<vmem>> -> memref<128x64xf32, #tpu.memory_space<vmem>>
      %dma_start3A_81 = arith.constant 0 : i32
      %dma_start3A_82 = tpu.memref_slice %arg7[%dma_start3A_77, %dma_start3A_81] : memref<8x128xi32, #tpu.memory_space<vmem>> -> memref<1x128xi32, #tpu.memory_space<vmem>>
      %dma_start3A_83 = tpu.memref_squeeze %dma_start3A_82 : memref<1x128xi32, #tpu.memory_space<vmem>> -> memref<128xi32, #tpu.memory_space<vmem>>
      %dma_start3A_84 = arith.constant 0 : i32
      %dma_start3A_85 = arith.constant 0 : i32
      %dma_start3A_86 = tpu.memref_slice %arg2[%dma_start3A_84, %dma_start3A_85] : memref<51200x64xf32, #tpu.memory_space<hbm>> -> memref<51200x64xf32, #tpu.memory_space<hbm>>
      tpu.enqueue_indirect_dma source(%dma_start3A_86 : memref<51200x64xf32, #tpu.memory_space<hbm>>) target(%dma_start3A_80 : memref<128x64xf32, #tpu.memory_space<vmem>>) offsets(%dma_start3A_83 : memref<128xi32, #tpu.memory_space<vmem>>) semaphore(%arg11 : memref<!tpu.dma_semaphore, #tpu.memory_space<semaphore_mem>>)
      %dma_start3A_87 = arith.constant 3 : i32
      %dma_start3A_88 = arith.constant 384 : i32
      %dma_start3A_89 = arith.constant 0 : i32
      %dma_start3A_90 = tpu.memref_slice %arg10[%dma_start3A_88, %dma_start3A_89] : memref<512x64xf32, #tpu.memory_space<vmem>> -> memref<128x64xf32, #tpu.memory_space<vmem>>
      %dma_start3A_91 = arith.constant 0 : i32
      %dma_start3A_92 = tpu.memref_slice %arg8[%dma_start3A_87, %dma_start3A_91] : memref<8x128xi32, #tpu.memory_space<vmem>> -> memref<1x128xi32, #tpu.memory_space<vmem>>
      %dma_start3A_93 = tpu.memref_squeeze %dma_start3A_92 : memref<1x128xi32, #tpu.memory_space<vmem>> -> memref<128xi32, #tpu.memory_space<vmem>>
      %dma_start3A_94 = arith.constant 0 : i32
      %dma_start3A_95 = arith.constant 0 : i32
      %dma_start3A_96 = tpu.memref_slice %arg2[%dma_start3A_94, %dma_start3A_95] : memref<51200x64xf32, #tpu.memory_space<hbm>> -> memref<51200x64xf32, #tpu.memory_space<hbm>>
      tpu.enqueue_indirect_dma source(%dma_start3A_96 : memref<51200x64xf32, #tpu.memory_space<hbm>>) target(%dma_start3A_90 : memref<128x64xf32, #tpu.memory_space<vmem>>) offsets(%dma_start3A_93 : memref<128xi32, #tpu.memory_space<vmem>>) semaphore(%arg11 : memref<!tpu.dma_semaphore, #tpu.memory_space<semaphore_mem>>)
      %dma_wait3A = arith.constant 0 : i32
      %dma_wait3A_97 = arith.constant 0 : i32
      %dma_wait3A_98 = arith.constant 0 : i32
      %dma_wait3A_99 = tpu.memref_slice %arg9[%dma_wait3A_97, %dma_wait3A_98] : memref<512x64xf32, #tpu.memory_space<vmem>> -> memref<128x64xf32, #tpu.memory_space<vmem>>
      %dma_wait3A_100 = arith.constant 0 : i32
      %dma_wait3A_101 = tpu.memref_slice %arg7[%dma_wait3A, %dma_wait3A_100] : memref<8x128xi32, #tpu.memory_space<vmem>> -> memref<1x128xi32, #tpu.memory_space<vmem>>
      %dma_wait3A_102 = tpu.memref_squeeze %dma_wait3A_101 : memref<1x128xi32, #tpu.memory_space<vmem>> -> memref<128xi32, #tpu.memory_space<vmem>>
      %dma_wait3A_103 = arith.constant 0 : i32
      %dma_wait3A_104 = arith.constant 0 : i32
      %dma_wait3A_105 = tpu.memref_slice %arg2[%dma_wait3A_103, %dma_wait3A_104] : memref<51200x64xf32, #tpu.memory_space<hbm>> -> memref<51200x64xf32, #tpu.memory_space<hbm>>
      tpu.wait_indirect_dma semaphore(%arg11 : memref<!tpu.dma_semaphore, #tpu.memory_space<semaphore_mem>>) src(%dma_wait3A_105 : memref<51200x64xf32, #tpu.memory_space<hbm>>) dst(%dma_wait3A_99 : memref<128x64xf32, #tpu.memory_space<vmem>>)
      %dma_wait3A_106 = arith.constant 0 : i32
      %dma_wait3A_107 = arith.constant 0 : i32
      %dma_wait3A_108 = arith.constant 0 : i32
      %dma_wait3A_109 = tpu.memref_slice %arg10[%dma_wait3A_107, %dma_wait3A_108] : memref<512x64xf32, #tpu.memory_space<vmem>> -> memref<128x64xf32, #tpu.memory_space<vmem>>
      %dma_wait3A_110 = arith.constant 0 : i32
      %dma_wait3A_111 = tpu.memref_slice %arg8[%dma_wait3A_106, %dma_wait3A_110] : memref<8x128xi32, #tpu.memory_space<vmem>> -> memref<1x128xi32, #tpu.memory_space<vmem>>
      %dma_wait3A_112 = tpu.memref_squeeze %dma_wait3A_111 : memref<1x128xi32, #tpu.memory_space<vmem>> -> memref<128xi32, #tpu.memory_space<vmem>>
      %dma_wait3A_113 = arith.constant 0 : i32
      %dma_wait3A_114 = arith.constant 0 : i32
      %dma_wait3A_115 = tpu.memref_slice %arg2[%dma_wait3A_113, %dma_wait3A_114] : memref<51200x64xf32, #tpu.memory_space<hbm>> -> memref<51200x64xf32, #tpu.memory_space<hbm>>
      tpu.wait_indirect_dma semaphore(%arg11 : memref<!tpu.dma_semaphore, #tpu.memory_space<semaphore_mem>>) src(%dma_wait3A_115 : memref<51200x64xf32, #tpu.memory_space<hbm>>) dst(%dma_wait3A_109 : memref<128x64xf32, #tpu.memory_space<vmem>>)
      %dma_wait3A_116 = arith.constant 1 : i32
      %dma_wait3A_117 = arith.constant 128 : i32
      %dma_wait3A_118 = arith.constant 0 : i32
      %dma_wait3A_119 = tpu.memref_slice %arg9[%dma_wait3A_117, %dma_wait3A_118] : memref<512x64xf32, #tpu.memory_space<vmem>> -> memref<128x64xf32, #tpu.memory_space<vmem>>
      %dma_wait3A_120 = arith.constant 0 : i32
      %dma_wait3A_121 = tpu.memref_slice %arg7[%dma_wait3A_116, %dma_wait3A_120] : memref<8x128xi32, #tpu.memory_space<vmem>> -> memref<1x128xi32, #tpu.memory_space<vmem>>
      %dma_wait3A_122 = tpu.memref_squeeze %dma_wait3A_121 : memref<1x128xi32, #tpu.memory_space<vmem>> -> memref<128xi32, #tpu.memory_space<vmem>>
      %dma_wait3A_123 = arith.constant 0 : i32
      %dma_wait3A_124 = arith.constant 0 : i32
      %dma_wait3A_125 = tpu.memref_slice %arg2[%dma_wait3A_123, %dma_wait3A_124] : memref<51200x64xf32, #tpu.memory_space<hbm>> -> memref<51200x64xf32, #tpu.memory_space<hbm>>
      tpu.wait_indirect_dma semaphore(%arg11 : memref<!tpu.dma_semaphore, #tpu.memory_space<semaphore_mem>>) src(%dma_wait3A_125 : memref<51200x64xf32, #tpu.memory_space<hbm>>) dst(%dma_wait3A_119 : memref<128x64xf32, #tpu.memory_space<vmem>>)
      %dma_wait3A_126 = arith.constant 1 : i32
      %dma_wait3A_127 = arith.constant 128 : i32
      %dma_wait3A_128 = arith.constant 0 : i32
      %dma_wait3A_129 = tpu.memref_slice %arg10[%dma_wait3A_127, %dma_wait3A_128] : memref<512x64xf32, #tpu.memory_space<vmem>> -> memref<128x64xf32, #tpu.memory_space<vmem>>
      %dma_wait3A_130 = arith.constant 0 : i32
      %dma_wait3A_131 = tpu.memref_slice %arg8[%dma_wait3A_126, %dma_wait3A_130] : memref<8x128xi32, #tpu.memory_space<vmem>> -> memref<1x128xi32, #tpu.memory_space<vmem>>
      %dma_wait3A_132 = tpu.memref_squeeze %dma_wait3A_131 : memref<1x128xi32, #tpu.memory_space<vmem>> -> memref<128xi32, #tpu.memory_space<vmem>>
      %dma_wait3A_133 = arith.constant 0 : i32
      %dma_wait3A_134 = arith.constant 0 : i32
      %dma_wait3A_135 = tpu.memref_slice %arg2[%dma_wait3A_133, %dma_wait3A_134] : memref<51200x64xf32, #tpu.memory_space<hbm>> -> memref<51200x64xf32, #tpu.memory_space<hbm>>
      tpu.wait_indirect_dma semaphore(%arg11 : memref<!tpu.dma_semaphore, #tpu.memory_space<semaphore_mem>>) src(%dma_wait3A_135 : memref<51200x64xf32, #tpu.memory_space<hbm>>) dst(%dma_wait3A_129 : memref<128x64xf32, #tpu.memory_space<vmem>>)
      %dma_wait3A_136 = arith.constant 2 : i32
      %dma_wait3A_137 = arith.constant 256 : i32
      %dma_wait3A_138 = arith.constant 0 : i32
      %dma_wait3A_139 = tpu.memref_slice %arg9[%dma_wait3A_137, %dma_wait3A_138] : memref<512x64xf32, #tpu.memory_space<vmem>> -> memref<128x64xf32, #tpu.memory_space<vmem>>
      %dma_wait3A_140 = arith.constant 0 : i32
      %dma_wait3A_141 = tpu.memref_slice %arg7[%dma_wait3A_136, %dma_wait3A_140] : memref<8x128xi32, #tpu.memory_space<vmem>> -> memref<1x128xi32, #tpu.memory_space<vmem>>
      %dma_wait3A_142 = tpu.memref_squeeze %dma_wait3A_141 : memref<1x128xi32, #tpu.memory_space<vmem>> -> memref<128xi32, #tpu.memory_space<vmem>>
      %dma_wait3A_143 = arith.constant 0 : i32
      %dma_wait3A_144 = arith.constant 0 : i32
      %dma_wait3A_145 = tpu.memref_slice %arg2[%dma_wait3A_143, %dma_wait3A_144] : memref<51200x64xf32, #tpu.memory_space<hbm>> -> memref<51200x64xf32, #tpu.memory_space<hbm>>
      tpu.wait_indirect_dma semaphore(%arg11 : memref<!tpu.dma_semaphore, #tpu.memory_space<semaphore_mem>>) src(%dma_wait3A_145 : memref<51200x64xf32, #tpu.memory_space<hbm>>) dst(%dma_wait3A_139 : memref<128x64xf32, #tpu.memory_space<vmem>>)
      %dma_wait3A_146 = arith.constant 2 : i32
      %dma_wait3A_147 = arith.constant 256 : i32
      %dma_wait3A_148 = arith.constant 0 : i32
      %dma_wait3A_149 = tpu.memref_slice %arg10[%dma_wait3A_147, %dma_wait3A_148] : memref<512x64xf32, #tpu.memory_space<vmem>> -> memref<128x64xf32, #tpu.memory_space<vmem>>
      %dma_wait3A_150 = arith.constant 0 : i32
      %dma_wait3A_151 = tpu.memref_slice %arg8[%dma_wait3A_146, %dma_wait3A_150] : memref<8x128xi32, #tpu.memory_space<vmem>> -> memref<1x128xi32, #tpu.memory_space<vmem>>
      %dma_wait3A_152 = tpu.memref_squeeze %dma_wait3A_151 : memref<1x128xi32, #tpu.memory_space<vmem>> -> memref<128xi32, #tpu.memory_space<vmem>>
      %dma_wait3A_153 = arith.constant 0 : i32
      %dma_wait3A_154 = arith.constant 0 : i32
      %dma_wait3A_155 = tpu.memref_slice %arg2[%dma_wait3A_153, %dma_wait3A_154] : memref<51200x64xf32, #tpu.memory_space<hbm>> -> memref<51200x64xf32, #tpu.memory_space<hbm>>
      tpu.wait_indirect_dma semaphore(%arg11 : memref<!tpu.dma_semaphore, #tpu.memory_space<semaphore_mem>>) src(%dma_wait3A_155 : memref<51200x64xf32, #tpu.memory_space<hbm>>) dst(%dma_wait3A_149 : memref<128x64xf32, #tpu.memory_space<vmem>>)
      %dma_wait3A_156 = arith.constant 3 : i32
      %dma_wait3A_157 = arith.constant 384 : i32
      %dma_wait3A_158 = arith.constant 0 : i32
      %dma_wait3A_159 = tpu.memref_slice %arg9[%dma_wait3A_157, %dma_wait3A_158] : memref<512x64xf32, #tpu.memory_space<vmem>> -> memref<128x64xf32, #tpu.memory_space<vmem>>
      %dma_wait3A_160 = arith.constant 0 : i32
      %dma_wait3A_161 = tpu.memref_slice %arg7[%dma_wait3A_156, %dma_wait3A_160] : memref<8x128xi32, #tpu.memory_space<vmem>> -> memref<1x128xi32, #tpu.memory_space<vmem>>
      %dma_wait3A_162 = tpu.memref_squeeze %dma_wait3A_161 : memref<1x128xi32, #tpu.memory_space<vmem>> -> memref<128xi32, #tpu.memory_space<vmem>>
      %dma_wait3A_163 = arith.constant 0 : i32
      %dma_wait3A_164 = arith.constant 0 : i32
      %dma_wait3A_165 = tpu.memref_slice %arg2[%dma_wait3A_163, %dma_wait3A_164] : memref<51200x64xf32, #tpu.memory_space<hbm>> -> memref<51200x64xf32, #tpu.memory_space<hbm>>
      tpu.wait_indirect_dma semaphore(%arg11 : memref<!tpu.dma_semaphore, #tpu.memory_space<semaphore_mem>>) src(%dma_wait3A_165 : memref<51200x64xf32, #tpu.memory_space<hbm>>) dst(%dma_wait3A_159 : memref<128x64xf32, #tpu.memory_space<vmem>>)
      %dma_wait3A_166 = arith.constant 3 : i32
      %dma_wait3A_167 = arith.constant 384 : i32
      %dma_wait3A_168 = arith.constant 0 : i32
      %dma_wait3A_169 = tpu.memref_slice %arg10[%dma_wait3A_167, %dma_wait3A_168] : memref<512x64xf32, #tpu.memory_space<vmem>> -> memref<128x64xf32, #tpu.memory_space<vmem>>
      %dma_wait3A_170 = arith.constant 0 : i32
      %dma_wait3A_171 = tpu.memref_slice %arg8[%dma_wait3A_166, %dma_wait3A_170] : memref<8x128xi32, #tpu.memory_space<vmem>> -> memref<1x128xi32, #tpu.memory_space<vmem>>
      %dma_wait3A_172 = tpu.memref_squeeze %dma_wait3A_171 : memref<1x128xi32, #tpu.memory_space<vmem>> -> memref<128xi32, #tpu.memory_space<vmem>>
      %dma_wait3A_173 = arith.constant 0 : i32
      %dma_wait3A_174 = arith.constant 0 : i32
      %dma_wait3A_175 = tpu.memref_slice %arg2[%dma_wait3A_173, %dma_wait3A_174] : memref<51200x64xf32, #tpu.memory_space<hbm>> -> memref<51200x64xf32, #tpu.memory_space<hbm>>
      tpu.wait_indirect_dma semaphore(%arg11 : memref<!tpu.dma_semaphore, #tpu.memory_space<semaphore_mem>>) src(%dma_wait3A_175 : memref<51200x64xf32, #tpu.memory_space<hbm>>) dst(%dma_wait3A_169 : memref<128x64xf32, #tpu.memory_space<vmem>>)
      "tpu.region"() ({
        %run_scoped3A = tpu.sem_alloc : memref<!tpu.dma_semaphore, #tpu.memory_space<semaphore_mem>>
        %dma_start3A_341 = arith.constant 0 : i32
        %dma_start3A_342 = tpu.memref_slice %arg5[%add3A_17, %dma_start3A_341] : memref<819200x64xf32, #tpu.memory_space<hbm>> -> memref<512x64xf32, #tpu.memory_space<hbm>>
        %dma_start3A_343 = arith.constant 0 : i32
        %dma_start3A_344 = tpu.memref_slice %arg5[%add3A_17, %dma_start3A_343] : memref<819200x64xf32, #tpu.memory_space<hbm>> -> memref<512x64xf32, #tpu.memory_space<hbm>>
        tpu.enqueue_dma source(%arg9 : memref<512x64xf32, #tpu.memory_space<vmem>>) target(%dma_start3A_344 : memref<512x64xf32, #tpu.memory_space<hbm>>) target_semaphore(%run_scoped3A : memref<!tpu.dma_semaphore, #tpu.memory_space<semaphore_mem>>)
        %dma_wait3A_345 = arith.constant 0 : i32
        %dma_wait3A_346 = tpu.memref_slice %arg5[%add3A_17, %dma_wait3A_345] : memref<819200x64xf32, #tpu.memory_space<hbm>> -> memref<512x64xf32, #tpu.memory_space<hbm>>
        %dma_wait3A_347 = arith.constant 0 : i32
        %dma_wait3A_348 = tpu.memref_slice %arg5[%add3A_17, %dma_wait3A_347] : memref<819200x64xf32, #tpu.memory_space<hbm>> -> memref<512x64xf32, #tpu.memory_space<hbm>>
        tpu.wait_dma2 semaphore(%run_scoped3A : memref<!tpu.dma_semaphore, #tpu.memory_space<semaphore_mem>>) src(%arg9 : memref<512x64xf32, #tpu.memory_space<vmem>>) dst(%dma_wait3A_348 : memref<512x64xf32, #tpu.memory_space<hbm>>)
        tpu.yield
      }) : () -> ()
      "tpu.region"() ({
        %run_scoped3A = tpu.sem_alloc : memref<!tpu.dma_semaphore, #tpu.memory_space<semaphore_mem>>
        %dma_start3A_341 = arith.constant 0 : i32
        %dma_start3A_342 = tpu.memref_slice %arg6[%add3A_17, %dma_start3A_341] : memref<819200x64xf32, #tpu.memory_space<hbm>> -> memref<512x64xf32, #tpu.memory_space<hbm>>
        %dma_start3A_343 = arith.constant 0 : i32
        %dma_start3A_344 = tpu.memref_slice %arg6[%add3A_17, %dma_start3A_343] : memref<819200x64xf32, #tpu.memory_space<hbm>> -> memref<512x64xf32, #tpu.memory_space<hbm>>
        tpu.enqueue_dma source(%arg10 : memref<512x64xf32, #tpu.memory_space<vmem>>) target(%dma_start3A_344 : memref<512x64xf32, #tpu.memory_space<hbm>>) target_semaphore(%run_scoped3A : memref<!tpu.dma_semaphore, #tpu.memory_space<semaphore_mem>>)
        %dma_wait3A_345 = arith.constant 0 : i32
        %dma_wait3A_346 = tpu.memref_slice %arg6[%add3A_17, %dma_wait3A_345] : memref<819200x64xf32, #tpu.memory_space<hbm>> -> memref<512x64xf32, #tpu.memory_space<hbm>>
        %dma_wait3A_347 = arith.constant 0 : i32
        %dma_wait3A_348 = tpu.memref_slice %arg6[%add3A_17, %dma_wait3A_347] : memref<819200x64xf32, #tpu.memory_space<hbm>> -> memref<512x64xf32, #tpu.memory_space<hbm>>
        tpu.wait_dma2 semaphore(%run_scoped3A : memref<!tpu.dma_semaphore, #tpu.memory_space<semaphore_mem>>) src(%arg10 : memref<512x64xf32, #tpu.memory_space<vmem>>) dst(%dma_wait3A_348 : memref<512x64xf32, #tpu.memory_space<hbm>>)
        tpu.yield
      }) : () -> ()
      %mul3A_176 = arith.constant 1024 : i32
      %mul3A_177 = arith.muli %scan3A_10, %mul3A_176 : i32
      %add3A_178 = arith.addi %mul3A_2, %mul3A_177 : i32
      %add3A_179 = arith.constant 512 : i32
      %add3A_180 = arith.addi %add3A_178, %add3A_179 : i32
      %dma_start3A_181 = arith.constant 4 : i32
      %dma_start3A_182 = arith.constant 0 : i32
      %dma_start3A_183 = arith.constant 0 : i32
      %dma_start3A_184 = tpu.memref_slice %arg9[%dma_start3A_182, %dma_start3A_183] : memref<512x64xf32, #tpu.memory_space<vmem>> -> memref<128x64xf32, #tpu.memory_space<vmem>>
      %dma_start3A_185 = arith.constant 0 : i32
      %dma_start3A_186 = tpu.memref_slice %arg7[%dma_start3A_181, %dma_start3A_185] : memref<8x128xi32, #tpu.memory_space<vmem>> -> memref<1x128xi32, #tpu.memory_space<vmem>>
      %dma_start3A_187 = tpu.memref_squeeze %dma_start3A_186 : memref<1x128xi32, #tpu.memory_space<vmem>> -> memref<128xi32, #tpu.memory_space<vmem>>
      %dma_start3A_188 = arith.constant 0 : i32
      %dma_start3A_189 = arith.constant 0 : i32
      %dma_start3A_190 = tpu.memref_slice %arg2[%dma_start3A_188, %dma_start3A_189] : memref<51200x64xf32, #tpu.memory_space<hbm>> -> memref<51200x64xf32, #tpu.memory_space<hbm>>
      tpu.enqueue_indirect_dma source(%dma_start3A_190 : memref<51200x64xf32, #tpu.memory_space<hbm>>) target(%dma_start3A_184 : memref<128x64xf32, #tpu.memory_space<vmem>>) offsets(%dma_start3A_187 : memref<128xi32, #tpu.memory_space<vmem>>) semaphore(%arg11 : memref<!tpu.dma_semaphore, #tpu.memory_space<semaphore_mem>>)
      %dma_start3A_191 = arith.constant 4 : i32
      %dma_start3A_192 = arith.constant 0 : i32
      %dma_start3A_193 = arith.constant 0 : i32
      %dma_start3A_194 = tpu.memref_slice %arg10[%dma_start3A_192, %dma_start3A_193] : memref<512x64xf32, #tpu.memory_space<vmem>> -> memref<128x64xf32, #tpu.memory_space<vmem>>
      %dma_start3A_195 = arith.constant 0 : i32
      %dma_start3A_196 = tpu.memref_slice %arg8[%dma_start3A_191, %dma_start3A_195] : memref<8x128xi32, #tpu.memory_space<vmem>> -> memref<1x128xi32, #tpu.memory_space<vmem>>
      %dma_start3A_197 = tpu.memref_squeeze %dma_start3A_196 : memref<1x128xi32, #tpu.memory_space<vmem>> -> memref<128xi32, #tpu.memory_space<vmem>>
      %dma_start3A_198 = arith.constant 0 : i32
      %dma_start3A_199 = arith.constant 0 : i32
      %dma_start3A_200 = tpu.memref_slice %arg2[%dma_start3A_198, %dma_start3A_199] : memref<51200x64xf32, #tpu.memory_space<hbm>> -> memref<51200x64xf32, #tpu.memory_space<hbm>>
      tpu.enqueue_indirect_dma source(%dma_start3A_200 : memref<51200x64xf32, #tpu.memory_space<hbm>>) target(%dma_start3A_194 : memref<128x64xf32, #tpu.memory_space<vmem>>) offsets(%dma_start3A_197 : memref<128xi32, #tpu.memory_space<vmem>>) semaphore(%arg11 : memref<!tpu.dma_semaphore, #tpu.memory_space<semaphore_mem>>)
      %dma_start3A_201 = arith.constant 5 : i32
      %dma_start3A_202 = arith.constant 128 : i32
      %dma_start3A_203 = arith.constant 0 : i32
      %dma_start3A_204 = tpu.memref_slice %arg9[%dma_start3A_202, %dma_start3A_203] : memref<512x64xf32, #tpu.memory_space<vmem>> -> memref<128x64xf32, #tpu.memory_space<vmem>>
      %dma_start3A_205 = arith.constant 0 : i32
      %dma_start3A_206 = tpu.memref_slice %arg7[%dma_start3A_201, %dma_start3A_205] : memref<8x128xi32, #tpu.memory_space<vmem>> -> memref<1x128xi32, #tpu.memory_space<vmem>>
      %dma_start3A_207 = tpu.memref_squeeze %dma_start3A_206 : memref<1x128xi32, #tpu.memory_space<vmem>> -> memref<128xi32, #tpu.memory_space<vmem>>
      %dma_start3A_208 = arith.constant 0 : i32
      %dma_start3A_209 = arith.constant 0 : i32
      %dma_start3A_210 = tpu.memref_slice %arg2[%dma_start3A_208, %dma_start3A_209] : memref<51200x64xf32, #tpu.memory_space<hbm>> -> memref<51200x64xf32, #tpu.memory_space<hbm>>
      tpu.enqueue_indirect_dma source(%dma_start3A_210 : memref<51200x64xf32, #tpu.memory_space<hbm>>) target(%dma_start3A_204 : memref<128x64xf32, #tpu.memory_space<vmem>>) offsets(%dma_start3A_207 : memref<128xi32, #tpu.memory_space<vmem>>) semaphore(%arg11 : memref<!tpu.dma_semaphore, #tpu.memory_space<semaphore_mem>>)
      %dma_start3A_211 = arith.constant 5 : i32
      %dma_start3A_212 = arith.constant 128 : i32
      %dma_start3A_213 = arith.constant 0 : i32
      %dma_start3A_214 = tpu.memref_slice %arg10[%dma_start3A_212, %dma_start3A_213] : memref<512x64xf32, #tpu.memory_space<vmem>> -> memref<128x64xf32, #tpu.memory_space<vmem>>
      %dma_start3A_215 = arith.constant 0 : i32
      %dma_start3A_216 = tpu.memref_slice %arg8[%dma_start3A_211, %dma_start3A_215] : memref<8x128xi32, #tpu.memory_space<vmem>> -> memref<1x128xi32, #tpu.memory_space<vmem>>
      %dma_start3A_217 = tpu.memref_squeeze %dma_start3A_216 : memref<1x128xi32, #tpu.memory_space<vmem>> -> memref<128xi32, #tpu.memory_space<vmem>>
      %dma_start3A_218 = arith.constant 0 : i32
      %dma_start3A_219 = arith.constant 0 : i32
      %dma_start3A_220 = tpu.memref_slice %arg2[%dma_start3A_218, %dma_start3A_219] : memref<51200x64xf32, #tpu.memory_space<hbm>> -> memref<51200x64xf32, #tpu.memory_space<hbm>>
      tpu.enqueue_indirect_dma source(%dma_start3A_220 : memref<51200x64xf32, #tpu.memory_space<hbm>>) target(%dma_start3A_214 : memref<128x64xf32, #tpu.memory_space<vmem>>) offsets(%dma_start3A_217 : memref<128xi32, #tpu.memory_space<vmem>>) semaphore(%arg11 : memref<!tpu.dma_semaphore, #tpu.memory_space<semaphore_mem>>)
      %dma_start3A_221 = arith.constant 6 : i32
      %dma_start3A_222 = arith.constant 256 : i32
      %dma_start3A_223 = arith.constant 0 : i32
      %dma_start3A_224 = tpu.memref_slice %arg9[%dma_start3A_222, %dma_start3A_223] : memref<512x64xf32, #tpu.memory_space<vmem>> -> memref<128x64xf32, #tpu.memory_space<vmem>>
      %dma_start3A_225 = arith.constant 0 : i32
      %dma_start3A_226 = tpu.memref_slice %arg7[%dma_start3A_221, %dma_start3A_225] : memref<8x128xi32, #tpu.memory_space<vmem>> -> memref<1x128xi32, #tpu.memory_space<vmem>>
      %dma_start3A_227 = tpu.memref_squeeze %dma_start3A_226 : memref<1x128xi32, #tpu.memory_space<vmem>> -> memref<128xi32, #tpu.memory_space<vmem>>
      %dma_start3A_228 = arith.constant 0 : i32
      %dma_start3A_229 = arith.constant 0 : i32
      %dma_start3A_230 = tpu.memref_slice %arg2[%dma_start3A_228, %dma_start3A_229] : memref<51200x64xf32, #tpu.memory_space<hbm>> -> memref<51200x64xf32, #tpu.memory_space<hbm>>
      tpu.enqueue_indirect_dma source(%dma_start3A_230 : memref<51200x64xf32, #tpu.memory_space<hbm>>) target(%dma_start3A_224 : memref<128x64xf32, #tpu.memory_space<vmem>>) offsets(%dma_start3A_227 : memref<128xi32, #tpu.memory_space<vmem>>) semaphore(%arg11 : memref<!tpu.dma_semaphore, #tpu.memory_space<semaphore_mem>>)
      %dma_start3A_231 = arith.constant 6 : i32
      %dma_start3A_232 = arith.constant 256 : i32
      %dma_start3A_233 = arith.constant 0 : i32
      %dma_start3A_234 = tpu.memref_slice %arg10[%dma_start3A_232, %dma_start3A_233] : memref<512x64xf32, #tpu.memory_space<vmem>> -> memref<128x64xf32, #tpu.memory_space<vmem>>
      %dma_start3A_235 = arith.constant 0 : i32
      %dma_start3A_236 = tpu.memref_slice %arg8[%dma_start3A_231, %dma_start3A_235] : memref<8x128xi32, #tpu.memory_space<vmem>> -> memref<1x128xi32, #tpu.memory_space<vmem>>
      %dma_start3A_237 = tpu.memref_squeeze %dma_start3A_236 : memref<1x128xi32, #tpu.memory_space<vmem>> -> memref<128xi32, #tpu.memory_space<vmem>>
      %dma_start3A_238 = arith.constant 0 : i32
      %dma_start3A_239 = arith.constant 0 : i32
      %dma_start3A_240 = tpu.memref_slice %arg2[%dma_start3A_238, %dma_start3A_239] : memref<51200x64xf32, #tpu.memory_space<hbm>> -> memref<51200x64xf32, #tpu.memory_space<hbm>>
      tpu.enqueue_indirect_dma source(%dma_start3A_240 : memref<51200x64xf32, #tpu.memory_space<hbm>>) target(%dma_start3A_234 : memref<128x64xf32, #tpu.memory_space<vmem>>) offsets(%dma_start3A_237 : memref<128xi32, #tpu.memory_space<vmem>>) semaphore(%arg11 : memref<!tpu.dma_semaphore, #tpu.memory_space<semaphore_mem>>)
      %dma_start3A_241 = arith.constant 7 : i32
      %dma_start3A_242 = arith.constant 384 : i32
      %dma_start3A_243 = arith.constant 0 : i32
      %dma_start3A_244 = tpu.memref_slice %arg9[%dma_start3A_242, %dma_start3A_243] : memref<512x64xf32, #tpu.memory_space<vmem>> -> memref<128x64xf32, #tpu.memory_space<vmem>>
      %dma_start3A_245 = arith.constant 0 : i32
      %dma_start3A_246 = tpu.memref_slice %arg7[%dma_start3A_241, %dma_start3A_245] : memref<8x128xi32, #tpu.memory_space<vmem>> -> memref<1x128xi32, #tpu.memory_space<vmem>>
      %dma_start3A_247 = tpu.memref_squeeze %dma_start3A_246 : memref<1x128xi32, #tpu.memory_space<vmem>> -> memref<128xi32, #tpu.memory_space<vmem>>
      %dma_start3A_248 = arith.constant 0 : i32
      %dma_start3A_249 = arith.constant 0 : i32
      %dma_start3A_250 = tpu.memref_slice %arg2[%dma_start3A_248, %dma_start3A_249] : memref<51200x64xf32, #tpu.memory_space<hbm>> -> memref<51200x64xf32, #tpu.memory_space<hbm>>
      tpu.enqueue_indirect_dma source(%dma_start3A_250 : memref<51200x64xf32, #tpu.memory_space<hbm>>) target(%dma_start3A_244 : memref<128x64xf32, #tpu.memory_space<vmem>>) offsets(%dma_start3A_247 : memref<128xi32, #tpu.memory_space<vmem>>) semaphore(%arg11 : memref<!tpu.dma_semaphore, #tpu.memory_space<semaphore_mem>>)
      %dma_start3A_251 = arith.constant 7 : i32
      %dma_start3A_252 = arith.constant 384 : i32
      %dma_start3A_253 = arith.constant 0 : i32
      %dma_start3A_254 = tpu.memref_slice %arg10[%dma_start3A_252, %dma_start3A_253] : memref<512x64xf32, #tpu.memory_space<vmem>> -> memref<128x64xf32, #tpu.memory_space<vmem>>
      %dma_start3A_255 = arith.constant 0 : i32
      %dma_start3A_256 = tpu.memref_slice %arg8[%dma_start3A_251, %dma_start3A_255] : memref<8x128xi32, #tpu.memory_space<vmem>> -> memref<1x128xi32, #tpu.memory_space<vmem>>
      %dma_start3A_257 = tpu.memref_squeeze %dma_start3A_256 : memref<1x128xi32, #tpu.memory_space<vmem>> -> memref<128xi32, #tpu.memory_space<vmem>>
      %dma_start3A_258 = arith.constant 0 : i32
      %dma_start3A_259 = arith.constant 0 : i32
      %dma_start3A_260 = tpu.memref_slice %arg2[%dma_start3A_258, %dma_start3A_259] : memref<51200x64xf32, #tpu.memory_space<hbm>> -> memref<51200x64xf32, #tpu.memory_space<hbm>>
      tpu.enqueue_indirect_dma source(%dma_start3A_260 : memref<51200x64xf32, #tpu.memory_space<hbm>>) target(%dma_start3A_254 : memref<128x64xf32, #tpu.memory_space<vmem>>) offsets(%dma_start3A_257 : memref<128xi32, #tpu.memory_space<vmem>>) semaphore(%arg11 : memref<!tpu.dma_semaphore, #tpu.memory_space<semaphore_mem>>)
      %dma_wait3A_261 = arith.constant 4 : i32
      %dma_wait3A_262 = arith.constant 0 : i32
      %dma_wait3A_263 = arith.constant 0 : i32
      %dma_wait3A_264 = tpu.memref_slice %arg9[%dma_wait3A_262, %dma_wait3A_263] : memref<512x64xf32, #tpu.memory_space<vmem>> -> memref<128x64xf32, #tpu.memory_space<vmem>>
      %dma_wait3A_265 = arith.constant 0 : i32
      %dma_wait3A_266 = tpu.memref_slice %arg7[%dma_wait3A_261, %dma_wait3A_265] : memref<8x128xi32, #tpu.memory_space<vmem>> -> memref<1x128xi32, #tpu.memory_space<vmem>>
      %dma_wait3A_267 = tpu.memref_squeeze %dma_wait3A_266 : memref<1x128xi32, #tpu.memory_space<vmem>> -> memref<128xi32, #tpu.memory_space<vmem>>
      %dma_wait3A_268 = arith.constant 0 : i32
      %dma_wait3A_269 = arith.constant 0 : i32
      %dma_wait3A_270 = tpu.memref_slice %arg2[%dma_wait3A_268, %dma_wait3A_269] : memref<51200x64xf32, #tpu.memory_space<hbm>> -> memref<51200x64xf32, #tpu.memory_space<hbm>>
      tpu.wait_indirect_dma semaphore(%arg11 : memref<!tpu.dma_semaphore, #tpu.memory_space<semaphore_mem>>) src(%dma_wait3A_270 : memref<51200x64xf32, #tpu.memory_space<hbm>>) dst(%dma_wait3A_264 : memref<128x64xf32, #tpu.memory_space<vmem>>)
      %dma_wait3A_271 = arith.constant 4 : i32
      %dma_wait3A_272 = arith.constant 0 : i32
      %dma_wait3A_273 = arith.constant 0 : i32
      %dma_wait3A_274 = tpu.memref_slice %arg10[%dma_wait3A_272, %dma_wait3A_273] : memref<512x64xf32, #tpu.memory_space<vmem>> -> memref<128x64xf32, #tpu.memory_space<vmem>>
      %dma_wait3A_275 = arith.constant 0 : i32
      %dma_wait3A_276 = tpu.memref_slice %arg8[%dma_wait3A_271, %dma_wait3A_275] : memref<8x128xi32, #tpu.memory_space<vmem>> -> memref<1x128xi32, #tpu.memory_space<vmem>>
      %dma_wait3A_277 = tpu.memref_squeeze %dma_wait3A_276 : memref<1x128xi32, #tpu.memory_space<vmem>> -> memref<128xi32, #tpu.memory_space<vmem>>
      %dma_wait3A_278 = arith.constant 0 : i32
      %dma_wait3A_279 = arith.constant 0 : i32
      %dma_wait3A_280 = tpu.memref_slice %arg2[%dma_wait3A_278, %dma_wait3A_279] : memref<51200x64xf32, #tpu.memory_space<hbm>> -> memref<51200x64xf32, #tpu.memory_space<hbm>>
      tpu.wait_indirect_dma semaphore(%arg11 : memref<!tpu.dma_semaphore, #tpu.memory_space<semaphore_mem>>) src(%dma_wait3A_280 : memref<51200x64xf32, #tpu.memory_space<hbm>>) dst(%dma_wait3A_274 : memref<128x64xf32, #tpu.memory_space<vmem>>)
      %dma_wait3A_281 = arith.constant 5 : i32
      %dma_wait3A_282 = arith.constant 128 : i32
      %dma_wait3A_283 = arith.constant 0 : i32
      %dma_wait3A_284 = tpu.memref_slice %arg9[%dma_wait3A_282, %dma_wait3A_283] : memref<512x64xf32, #tpu.memory_space<vmem>> -> memref<128x64xf32, #tpu.memory_space<vmem>>
      %dma_wait3A_285 = arith.constant 0 : i32
      %dma_wait3A_286 = tpu.memref_slice %arg7[%dma_wait3A_281, %dma_wait3A_285] : memref<8x128xi32, #tpu.memory_space<vmem>> -> memref<1x128xi32, #tpu.memory_space<vmem>>
      %dma_wait3A_287 = tpu.memref_squeeze %dma_wait3A_286 : memref<1x128xi32, #tpu.memory_space<vmem>> -> memref<128xi32, #tpu.memory_space<vmem>>
      %dma_wait3A_288 = arith.constant 0 : i32
      %dma_wait3A_289 = arith.constant 0 : i32
      %dma_wait3A_290 = tpu.memref_slice %arg2[%dma_wait3A_288, %dma_wait3A_289] : memref<51200x64xf32, #tpu.memory_space<hbm>> -> memref<51200x64xf32, #tpu.memory_space<hbm>>
      tpu.wait_indirect_dma semaphore(%arg11 : memref<!tpu.dma_semaphore, #tpu.memory_space<semaphore_mem>>) src(%dma_wait3A_290 : memref<51200x64xf32, #tpu.memory_space<hbm>>) dst(%dma_wait3A_284 : memref<128x64xf32, #tpu.memory_space<vmem>>)
      %dma_wait3A_291 = arith.constant 5 : i32
      %dma_wait3A_292 = arith.constant 128 : i32
      %dma_wait3A_293 = arith.constant 0 : i32
      %dma_wait3A_294 = tpu.memref_slice %arg10[%dma_wait3A_292, %dma_wait3A_293] : memref<512x64xf32, #tpu.memory_space<vmem>> -> memref<128x64xf32, #tpu.memory_space<vmem>>
      %dma_wait3A_295 = arith.constant 0 : i32
      %dma_wait3A_296 = tpu.memref_slice %arg8[%dma_wait3A_291, %dma_wait3A_295] : memref<8x128xi32, #tpu.memory_space<vmem>> -> memref<1x128xi32, #tpu.memory_space<vmem>>
      %dma_wait3A_297 = tpu.memref_squeeze %dma_wait3A_296 : memref<1x128xi32, #tpu.memory_space<vmem>> -> memref<128xi32, #tpu.memory_space<vmem>>
      %dma_wait3A_298 = arith.constant 0 : i32
      %dma_wait3A_299 = arith.constant 0 : i32
      %dma_wait3A_300 = tpu.memref_slice %arg2[%dma_wait3A_298, %dma_wait3A_299] : memref<51200x64xf32, #tpu.memory_space<hbm>> -> memref<51200x64xf32, #tpu.memory_space<hbm>>
      tpu.wait_indirect_dma semaphore(%arg11 : memref<!tpu.dma_semaphore, #tpu.memory_space<semaphore_mem>>) src(%dma_wait3A_300 : memref<51200x64xf32, #tpu.memory_space<hbm>>) dst(%dma_wait3A_294 : memref<128x64xf32, #tpu.memory_space<vmem>>)
      %dma_wait3A_301 = arith.constant 6 : i32
      %dma_wait3A_302 = arith.constant 256 : i32
      %dma_wait3A_303 = arith.constant 0 : i32
      %dma_wait3A_304 = tpu.memref_slice %arg9[%dma_wait3A_302, %dma_wait3A_303] : memref<512x64xf32, #tpu.memory_space<vmem>> -> memref<128x64xf32, #tpu.memory_space<vmem>>
      %dma_wait3A_305 = arith.constant 0 : i32
      %dma_wait3A_306 = tpu.memref_slice %arg7[%dma_wait3A_301, %dma_wait3A_305] : memref<8x128xi32, #tpu.memory_space<vmem>> -> memref<1x128xi32, #tpu.memory_space<vmem>>
      %dma_wait3A_307 = tpu.memref_squeeze %dma_wait3A_306 : memref<1x128xi32, #tpu.memory_space<vmem>> -> memref<128xi32, #tpu.memory_space<vmem>>
      %dma_wait3A_308 = arith.constant 0 : i32
      %dma_wait3A_309 = arith.constant 0 : i32
      %dma_wait3A_310 = tpu.memref_slice %arg2[%dma_wait3A_308, %dma_wait3A_309] : memref<51200x64xf32, #tpu.memory_space<hbm>> -> memref<51200x64xf32, #tpu.memory_space<hbm>>
      tpu.wait_indirect_dma semaphore(%arg11 : memref<!tpu.dma_semaphore, #tpu.memory_space<semaphore_mem>>) src(%dma_wait3A_310 : memref<51200x64xf32, #tpu.memory_space<hbm>>) dst(%dma_wait3A_304 : memref<128x64xf32, #tpu.memory_space<vmem>>)
      %dma_wait3A_311 = arith.constant 6 : i32
      %dma_wait3A_312 = arith.constant 256 : i32
      %dma_wait3A_313 = arith.constant 0 : i32
      %dma_wait3A_314 = tpu.memref_slice %arg10[%dma_wait3A_312, %dma_wait3A_313] : memref<512x64xf32, #tpu.memory_space<vmem>> -> memref<128x64xf32, #tpu.memory_space<vmem>>
      %dma_wait3A_315 = arith.constant 0 : i32
      %dma_wait3A_316 = tpu.memref_slice %arg8[%dma_wait3A_311, %dma_wait3A_315] : memref<8x128xi32, #tpu.memory_space<vmem>> -> memref<1x128xi32, #tpu.memory_space<vmem>>
      %dma_wait3A_317 = tpu.memref_squeeze %dma_wait3A_316 : memref<1x128xi32, #tpu.memory_space<vmem>> -> memref<128xi32, #tpu.memory_space<vmem>>
      %dma_wait3A_318 = arith.constant 0 : i32
      %dma_wait3A_319 = arith.constant 0 : i32
      %dma_wait3A_320 = tpu.memref_slice %arg2[%dma_wait3A_318, %dma_wait3A_319] : memref<51200x64xf32, #tpu.memory_space<hbm>> -> memref<51200x64xf32, #tpu.memory_space<hbm>>
      tpu.wait_indirect_dma semaphore(%arg11 : memref<!tpu.dma_semaphore, #tpu.memory_space<semaphore_mem>>) src(%dma_wait3A_320 : memref<51200x64xf32, #tpu.memory_space<hbm>>) dst(%dma_wait3A_314 : memref<128x64xf32, #tpu.memory_space<vmem>>)
      %dma_wait3A_321 = arith.constant 7 : i32
      %dma_wait3A_322 = arith.constant 384 : i32
      %dma_wait3A_323 = arith.constant 0 : i32
      %dma_wait3A_324 = tpu.memref_slice %arg9[%dma_wait3A_322, %dma_wait3A_323] : memref<512x64xf32, #tpu.memory_space<vmem>> -> memref<128x64xf32, #tpu.memory_space<vmem>>
      %dma_wait3A_325 = arith.constant 0 : i32
      %dma_wait3A_326 = tpu.memref_slice %arg7[%dma_wait3A_321, %dma_wait3A_325] : memref<8x128xi32, #tpu.memory_space<vmem>> -> memref<1x128xi32, #tpu.memory_space<vmem>>
      %dma_wait3A_327 = tpu.memref_squeeze %dma_wait3A_326 : memref<1x128xi32, #tpu.memory_space<vmem>> -> memref<128xi32, #tpu.memory_space<vmem>>
      %dma_wait3A_328 = arith.constant 0 : i32
      %dma_wait3A_329 = arith.constant 0 : i32
      %dma_wait3A_330 = tpu.memref_slice %arg2[%dma_wait3A_328, %dma_wait3A_329] : memref<51200x64xf32, #tpu.memory_space<hbm>> -> memref<51200x64xf32, #tpu.memory_space<hbm>>
      tpu.wait_indirect_dma semaphore(%arg11 : memref<!tpu.dma_semaphore, #tpu.memory_space<semaphore_mem>>) src(%dma_wait3A_330 : memref<51200x64xf32, #tpu.memory_space<hbm>>) dst(%dma_wait3A_324 : memref<128x64xf32, #tpu.memory_space<vmem>>)
      %dma_wait3A_331 = arith.constant 7 : i32
      %dma_wait3A_332 = arith.constant 384 : i32
      %dma_wait3A_333 = arith.constant 0 : i32
      %dma_wait3A_334 = tpu.memref_slice %arg10[%dma_wait3A_332, %dma_wait3A_333] : memref<512x64xf32, #tpu.memory_space<vmem>> -> memref<128x64xf32, #tpu.memory_space<vmem>>
      %dma_wait3A_335 = arith.constant 0 : i32
      %dma_wait3A_336 = tpu.memref_slice %arg8[%dma_wait3A_331, %dma_wait3A_335] : memref<8x128xi32, #tpu.memory_space<vmem>> -> memref<1x128xi32, #tpu.memory_space<vmem>>
      %dma_wait3A_337 = tpu.memref_squeeze %dma_wait3A_336 : memref<1x128xi32, #tpu.memory_space<vmem>> -> memref<128xi32, #tpu.memory_space<vmem>>
      %dma_wait3A_338 = arith.constant 0 : i32
      %dma_wait3A_339 = arith.constant 0 : i32
      %dma_wait3A_340 = tpu.memref_slice %arg2[%dma_wait3A_338, %dma_wait3A_339] : memref<51200x64xf32, #tpu.memory_space<hbm>> -> memref<51200x64xf32, #tpu.memory_space<hbm>>
      tpu.wait_indirect_dma semaphore(%arg11 : memref<!tpu.dma_semaphore, #tpu.memory_space<semaphore_mem>>) src(%dma_wait3A_340 : memref<51200x64xf32, #tpu.memory_space<hbm>>) dst(%dma_wait3A_334 : memref<128x64xf32, #tpu.memory_space<vmem>>)
      "tpu.region"() ({
        %run_scoped3A = tpu.sem_alloc : memref<!tpu.dma_semaphore, #tpu.memory_space<semaphore_mem>>
        %dma_start3A_341 = arith.constant 0 : i32
        %dma_start3A_342 = tpu.memref_slice %arg5[%add3A_180, %dma_start3A_341] : memref<819200x64xf32, #tpu.memory_space<hbm>> -> memref<512x64xf32, #tpu.memory_space<hbm>>
        %dma_start3A_343 = arith.constant 0 : i32
        %dma_start3A_344 = tpu.memref_slice %arg5[%add3A_180, %dma_start3A_343] : memref<819200x64xf32, #tpu.memory_space<hbm>> -> memref<512x64xf32, #tpu.memory_space<hbm>>
        tpu.enqueue_dma source(%arg9 : memref<512x64xf32, #tpu.memory_space<vmem>>) target(%dma_start3A_344 : memref<512x64xf32, #tpu.memory_space<hbm>>) target_semaphore(%run_scoped3A : memref<!tpu.dma_semaphore, #tpu.memory_space<semaphore_mem>>)
        %dma_wait3A_345 = arith.constant 0 : i32
        %dma_wait3A_346 = tpu.memref_slice %arg5[%add3A_180, %dma_wait3A_345] : memref<819200x64xf32, #tpu.memory_space<hbm>> -> memref<512x64xf32, #tpu.memory_space<hbm>>
        %dma_wait3A_347 = arith.constant 0 : i32
        %dma_wait3A_348 = tpu.memref_slice %arg5[%add3A_180, %dma_wait3A_347] : memref<819200x64xf32, #tpu.memory_space<hbm>> -> memref<512x64xf32, #tpu.memory_space<hbm>>
        tpu.wait_dma2 semaphore(%run_scoped3A : memref<!tpu.dma_semaphore, #tpu.memory_space<semaphore_mem>>) src(%arg9 : memref<512x64xf32, #tpu.memory_space<vmem>>) dst(%dma_wait3A_348 : memref<512x64xf32, #tpu.memory_space<hbm>>)
        tpu.yield
      }) : () -> ()
      "tpu.region"() ({
        %run_scoped3A = tpu.sem_alloc : memref<!tpu.dma_semaphore, #tpu.memory_space<semaphore_mem>>
        %dma_start3A_341 = arith.constant 0 : i32
        %dma_start3A_342 = tpu.memref_slice %arg6[%add3A_180, %dma_start3A_341] : memref<819200x64xf32, #tpu.memory_space<hbm>> -> memref<512x64xf32, #tpu.memory_space<hbm>>
        %dma_start3A_343 = arith.constant 0 : i32
        %dma_start3A_344 = tpu.memref_slice %arg6[%add3A_180, %dma_start3A_343] : memref<819200x64xf32, #tpu.memory_space<hbm>> -> memref<512x64xf32, #tpu.memory_space<hbm>>
        tpu.enqueue_dma source(%arg10 : memref<512x64xf32, #tpu.memory_space<vmem>>) target(%dma_start3A_344 : memref<512x64xf32, #tpu.memory_space<hbm>>) target_semaphore(%run_scoped3A : memref<!tpu.dma_semaphore, #tpu.memory_space<semaphore_mem>>)
        %dma_wait3A_345 = arith.constant 0 : i32
        %dma_wait3A_346 = tpu.memref_slice %arg6[%add3A_180, %dma_wait3A_345] : memref<819200x64xf32, #tpu.memory_space<hbm>> -> memref<512x64xf32, #tpu.memory_space<hbm>>
        %dma_wait3A_347 = arith.constant 0 : i32
        %dma_wait3A_348 = tpu.memref_slice %arg6[%add3A_180, %dma_wait3A_347] : memref<819200x64xf32, #tpu.memory_space<hbm>> -> memref<512x64xf32, #tpu.memory_space<hbm>>
        tpu.wait_dma2 semaphore(%run_scoped3A : memref<!tpu.dma_semaphore, #tpu.memory_space<semaphore_mem>>) src(%arg10 : memref<512x64xf32, #tpu.memory_space<vmem>>) dst(%dma_wait3A_348 : memref<512x64xf32, #tpu.memory_space<hbm>>)
        tpu.yield
      }) : () -> ()
    }
    %scan3A_9 = arith.constant 25 : i32
    return
  }
}

module attributes {stable_mosaic.version = 14 : i64} {
  func.func @_stats_body(%arg0: i32, %arg1: memref<1024x24xf32, #tpu.memory_space<vmem>>, %arg2: memref<8x24xf32, #tpu.memory_space<vmem>>, %arg3: memref<8x24xf32, #tpu.memory_space<vmem>>) attributes {dimension_semantics = [#tpu.dimension_semantics<arbitrary>], iteration_bounds = array<i64: 50>, scalar_prefetch = 0 : i64, scratch_operands = 0 : i64, tpu.core_type = #tpu.core_type<tc>, window_params = [{transform_indices = @transform_0, window_bounds = array<i64: 1024, 24>}, {pipeline_mode = #tpu.pipeline_mode<synchronous>, transform_indices = @transform_1, window_bounds = array<i64: 8, 24>}, {pipeline_mode = #tpu.pipeline_mode<synchronous>, transform_indices = @transform_2, window_bounds = array<i64: 8, 24>}]} {
    %eq3A = arith.constant 0 : i32
    %eq3A_0 = arith.cmpi eq, %arg0, %eq3A : i32
    %convert_element_type3A = arith.extui %eq3A_0 : i1 to i32
    %cond3A = arith.constant 0 : i32
    %cond3A_1 = arith.cmpi ne, %convert_element_type3A, %cond3A : i32
    scf.if %cond3A_1 {
      %broadcast_in_dim3A_24 = arith.constant 0.000000e+00 : f32
      %broadcast_in_dim3A_25 = vector.broadcast %broadcast_in_dim3A_24 : f32 to vector<8x24xf32>
      %swap3A_26 = arith.constant 0 : index
      %swap3A_27 = arith.constant 0 : index
      %swap3A_28 = vector.load %arg2[%swap3A_26, %swap3A_27] : memref<8x24xf32, #tpu.memory_space<vmem>>, vector<8x24xf32>
      tpu.vector_store %arg2[%swap3A_26, %swap3A_27], %broadcast_in_dim3A_25 {strides = array<i32>} : memref<8x24xf32, #tpu.memory_space<vmem>>, vector<8x24xf32>,
      %broadcast_in_dim3A_29 = arith.constant 0.000000e+00 : f32
      %broadcast_in_dim3A_30 = vector.broadcast %broadcast_in_dim3A_29 : f32 to vector<8x24xf32>
      %swap3A_31 = arith.constant 0 : index
      %swap3A_32 = arith.constant 0 : index
      %swap3A_33 = vector.load %arg3[%swap3A_31, %swap3A_32] : memref<8x24xf32, #tpu.memory_space<vmem>>, vector<8x24xf32>
      tpu.vector_store %arg3[%swap3A_31, %swap3A_32], %broadcast_in_dim3A_30 {strides = array<i32>} : memref<8x24xf32, #tpu.memory_space<vmem>>, vector<8x24xf32>,
    } else {
    }
    %get3A = arith.constant 0 : index
    %get3A_2 = arith.constant 0 : index
    %get3A_3 = vector.load %arg1[%get3A, %get3A_2] : memref<1024x24xf32, #tpu.memory_space<vmem>>, vector<1024x24xf32>
    %reduce_sum3A = arith.constant dense<0.000000e+00> : vector<24xf32>
    %reduce_sum3A_4 = vector.multi_reduction <add>, %get3A_3, %reduce_sum3A [0] : vector<1024x24xf32> to vector<24xf32>
    %broadcast_in_dim3A = vector.shape_cast %reduce_sum3A_4 : vector<24xf32> to vector<1x24xf32>
    %mul3A = arith.mulf %get3A_3, %get3A_3 : vector<1024x24xf32>
    %reduce_sum3A_5 = arith.constant dense<0.000000e+00> : vector<24xf32>
    %reduce_sum3A_6 = vector.multi_reduction <add>, %mul3A, %reduce_sum3A_5 [0] : vector<1024x24xf32> to vector<24xf32>
    %broadcast_in_dim3A_7 = vector.shape_cast %reduce_sum3A_6 : vector<24xf32> to vector<1x24xf32>
    %get3A_8 = arith.constant 0 : index
    %get3A_9 = arith.constant 0 : index
    %get3A_10 = vector.load %arg2[%get3A_8, %get3A_9] : memref<8x24xf32, #tpu.memory_space<vmem>>, vector<8x24xf32>
    %broadcast_in_dim3A_11 = vector.shape_cast %broadcast_in_dim3A : vector<1x24xf32> to vector<1x24xf32>
    %broadcast_in_dim3A_12 = vector.broadcast %broadcast_in_dim3A_11 : vector<1x24xf32> to vector<8x24xf32>
    %add3A = arith.addf %get3A_10, %broadcast_in_dim3A_12 : vector<8x24xf32>
    %swap3A = arith.constant 0 : index
    %swap3A_13 = arith.constant 0 : index
    %swap3A_14 = vector.load %arg2[%swap3A, %swap3A_13] : memref<8x24xf32, #tpu.memory_space<vmem>>, vector<8x24xf32>
    tpu.vector_store %arg2[%swap3A, %swap3A_13], %add3A {strides = array<i32>} : memref<8x24xf32, #tpu.memory_space<vmem>>, vector<8x24xf32>,
    %get3A_15 = arith.constant 0 : index
    %get3A_16 = arith.constant 0 : index
    %get3A_17 = vector.load %arg3[%get3A_15, %get3A_16] : memref<8x24xf32, #tpu.memory_space<vmem>>, vector<8x24xf32>
    %broadcast_in_dim3A_18 = vector.shape_cast %broadcast_in_dim3A_7 : vector<1x24xf32> to vector<1x24xf32>
    %broadcast_in_dim3A_19 = vector.broadcast %broadcast_in_dim3A_18 : vector<1x24xf32> to vector<8x24xf32>
    %add3A_20 = arith.addf %get3A_17, %broadcast_in_dim3A_19 : vector<8x24xf32>
    %swap3A_21 = arith.constant 0 : index
    %swap3A_22 = arith.constant 0 : index
    %swap3A_23 = vector.load %arg3[%swap3A_21, %swap3A_22] : memref<8x24xf32, #tpu.memory_space<vmem>>, vector<8x24xf32>
    tpu.vector_store %arg3[%swap3A_21, %swap3A_22], %add3A_20 {strides = array<i32>} : memref<8x24xf32, #tpu.memory_space<vmem>>, vector<8x24xf32>,
    return
  }
  func.func @transform_0(%arg0: i32) -> (i32, i32) {
    %c0_i32 = arith.constant 0 : i32
    %c0_i32_0 = arith.constant 0 : i32
    return %arg0, %c0_i32 : i32, i32
  }
  func.func @transform_1(%arg0: i32) -> (i32, i32) {
    %c0_i32 = arith.constant 0 : i32
    %c0_i32_0 = arith.constant 0 : i32
    %c0_i32_1 = arith.constant 0 : i32
    return %c0_i32, %c0_i32_0 : i32, i32
  }
  func.func @transform_2(%arg0: i32) -> (i32, i32) {
    %c0_i32 = arith.constant 0 : i32
    %c0_i32_0 = arith.constant 0 : i32
    %c0_i32_1 = arith.constant 0 : i32
    return %c0_i32, %c0_i32_0 : i32, i32
  }
}

module attributes {stable_mosaic.version = 14 : i64} {
  func.func @_prep_body(%arg0: i32, %arg1: memref<1024x64xf32, #tpu.memory_space<vmem>>, %arg2: memref<1024x24xf32, #tpu.memory_space<vmem>>, %arg3: memref<1024x8xf32, #tpu.memory_space<vmem>>, %arg4: memref<1024x64xf32, #tpu.memory_space<vmem>>, %arg5: memref<1024x16xf32, #tpu.memory_space<vmem>>, %arg6: memref<8x24xf32, #tpu.memory_space<vmem>>, %arg7: memref<8x24xf32, #tpu.memory_space<vmem>>, %arg8: memref<64x32xf32, #tpu.memory_space<vmem>>, %arg9: memref<8x32xf32, #tpu.memory_space<vmem>>, %arg10: memref<24x8xf32, #tpu.memory_space<vmem>>, %arg11: memref<8x8xf32, #tpu.memory_space<vmem>>, %arg12: memref<8x24xf32, #tpu.memory_space<vmem>>, %arg13: memref<8x24xf32, #tpu.memory_space<vmem>>, %arg14: memref<64x16xf32, #tpu.memory_space<vmem>>, %arg15: memref<8x16xf32, #tpu.memory_space<vmem>>, %arg16: memref<64x64xf32, #tpu.memory_space<vmem>>, %arg17: memref<8x64xf32, #tpu.memory_space<vmem>>, %arg18: memref<1024x64xf32, #tpu.memory_space<vmem>>, %arg19: memref<1024x80xf32, #tpu.memory_space<vmem>>) attributes {dimension_semantics = [#tpu.dimension_semantics<arbitrary>], iteration_bounds = array<i64: 50>, scalar_prefetch = 0 : i64, scratch_operands = 0 : i64, tpu.core_type = #tpu.core_type<tc>, window_params = [{transform_indices = @transform_0, window_bounds = array<i64: 1024, 64>}, {transform_indices = @transform_1, window_bounds = array<i64: 1024, 24>}, {transform_indices = @transform_2, window_bounds = array<i64: 1024, 8>}, {transform_indices = @transform_3, window_bounds = array<i64: 1024, 64>}, {transform_indices = @transform_4, window_bounds = array<i64: 1024, 16>}, {pipeline_mode = #tpu.pipeline_mode<synchronous>, transform_indices = @transform_5, window_bounds = array<i64: 8, 24>}, {pipeline_mode = #tpu.pipeline_mode<synchronous>, transform_indices = @transform_6, window_bounds = array<i64: 8, 24>}, {pipeline_mode = #tpu.pipeline_mode<synchronous>, transform_indices = @transform_7, window_bounds = array<i64: 64, 32>}, {pipeline_mode = #tpu.pipeline_mode<synchronous>, transform_indices = @transform_8, window_bounds = array<i64: 8, 32>}, {pipeline_mode = #tpu.pipeline_mode<synchronous>, transform_indices = @transform_9, window_bounds = array<i64: 24, 8>}, {pipeline_mode = #tpu.pipeline_mode<synchronous>, transform_indices = @transform_10, window_bounds = array<i64: 8, 8>}, {pipeline_mode = #tpu.pipeline_mode<synchronous>, transform_indices = @transform_11, window_bounds = array<i64: 8, 24>}, {pipeline_mode = #tpu.pipeline_mode<synchronous>, transform_indices = @transform_12, window_bounds = array<i64: 8, 24>}, {pipeline_mode = #tpu.pipeline_mode<synchronous>, transform_indices = @transform_13, window_bounds = array<i64: 64, 16>}, {pipeline_mode = #tpu.pipeline_mode<synchronous>, transform_indices = @transform_14, window_bounds = array<i64: 8, 16>}, {pipeline_mode = #tpu.pipeline_mode<synchronous>, transform_indices = @transform_15, window_bounds = array<i64: 64, 64>}, {pipeline_mode = #tpu.pipeline_mode<synchronous>, transform_indices = @transform_16, window_bounds = array<i64: 8, 64>}, {transform_indices = @transform_17, window_bounds = array<i64: 1024, 64>}, {transform_indices = @transform_18, window_bounds = array<i64: 1024, 80>}]} {
    %get3A = arith.constant 0 : index
    %get3A_0 = arith.constant 0 : index
    %get3A_1 = vector.load %arg6[%get3A, %get3A_0] : memref<8x24xf32, #tpu.memory_space<vmem>>, vector<1x24xf32>
    %mul3A = arith.constant 2.000000e-05 : f32
    %mul3A_2 = vector.broadcast %mul3A : f32 to vector<1x24xf32>
    %mul3A_3 = arith.mulf %get3A_1, %mul3A_2 : vector<1x24xf32>
    %get3A_4 = arith.constant 0 : index
    %get3A_5 = arith.constant 0 : index
    %get3A_6 = vector.load %arg7[%get3A_4, %get3A_5] : memref<8x24xf32, #tpu.memory_space<vmem>>, vector<1x24xf32>
    %mul3A_7 = arith.constant 2.000000e-05 : f32
    %mul3A_8 = vector.broadcast %mul3A_7 : f32 to vector<1x24xf32>
    %mul3A_9 = arith.mulf %get3A_6, %mul3A_8 : vector<1x24xf32>
    %mul3A_10 = arith.mulf %mul3A_3, %mul3A_3 : vector<1x24xf32>
    %sub3A = arith.subf %mul3A_9, %mul3A_10 : vector<1x24xf32>
    %get3A_11 = arith.constant 0 : index
    %get3A_12 = arith.constant 0 : index
    %get3A_13 = vector.load %arg2[%get3A_11, %get3A_12] : memref<1024x24xf32, #tpu.memory_space<vmem>>, vector<1024x24xf32>
    %sub3A_14 = vector.broadcast %mul3A_3 : vector<1x24xf32> to vector<1024x24xf32>
    %sub3A_15 = arith.subf %get3A_13, %sub3A_14 : vector<1024x24xf32>
    %add3A = arith.constant 9.99999974E-6 : f32
    %add3A_16 = vector.broadcast %add3A : f32 to vector<1x24xf32>
    %add3A_17 = arith.addf %sub3A, %add3A_16 : vector<1x24xf32>
    %sqrt3A = math.sqrt %add3A_17 : vector<1x24xf32>
    %div3A = vector.broadcast %sqrt3A : vector<1x24xf32> to vector<1024x24xf32>
    %div3A_18 = arith.divf %sub3A_15, %div3A : vector<1024x24xf32>
    %get3A_19 = arith.constant 0 : index
    %get3A_20 = arith.constant 0 : index
    %get3A_21 = vector.load %arg12[%get3A_19, %get3A_20] : memref<8x24xf32, #tpu.memory_space<vmem>>, vector<1x24xf32>
    %mul3A_22 = vector.broadcast %get3A_21 : vector<1x24xf32> to vector<1024x24xf32>
    %mul3A_23 = arith.mulf %div3A_18, %mul3A_22 : vector<1024x24xf32>
    %get3A_24 = arith.constant 0 : index
    %get3A_25 = arith.constant 0 : index
    %get3A_26 = vector.load %arg13[%get3A_24, %get3A_25] : memref<8x24xf32, #tpu.memory_space<vmem>>, vector<1x24xf32>
    %add3A_27 = vector.broadcast %get3A_26 : vector<1x24xf32> to vector<1024x24xf32>
    %add3A_28 = arith.addf %mul3A_23, %add3A_27 : vector<1024x24xf32>
    %get3A_29 = arith.constant 0 : index
    %get3A_30 = arith.constant 0 : index
    %get3A_31 = vector.load %arg3[%get3A_29, %get3A_30] : memref<1024x8xf32, #tpu.memory_space<vmem>>, vector<1024x8xf32>
    %get3A_32 = arith.constant 0 : index
    %get3A_33 = arith.constant 0 : index
    %get3A_34 = vector.load %arg1[%get3A_32, %get3A_33] : memref<1024x64xf32, #tpu.memory_space<vmem>>, vector<1024x64xf32>
    %get3A_35 = arith.constant 0 : index
    %get3A_36 = arith.constant 0 : index
    %get3A_37 = vector.load %arg8[%get3A_35, %get3A_36] : memref<64x32xf32, #tpu.memory_space<vmem>>, vector<64x32xf32>
    %dot_general3A = arith.constant dense<0.000000e+00> : vector<1024x32xf32>
    %dot_general3A_38 = tpu.matmul %get3A_34, %get3A_37, %dot_general3A {dimension_numbers = #tpu.dot_dimension_numbers<[1], [0], [0], [1], [0, 0, 1, 1], [], []>, transpose_lhs_hint = false} : vector<1024x64xf32>, vector<64x32xf32>, vector<1024x32xf32> -> vector<1024x32xf32>
    %get3A_39 = arith.constant 0 : index
    %get3A_40 = arith.constant 0 : index
    %get3A_41 = vector.load %arg9[%get3A_39, %get3A_40] : memref<8x32xf32, #tpu.memory_space<vmem>>, vector<1x32xf32>
    %add3A_42 = vector.broadcast %get3A_41 : vector<1x32xf32> to vector<1024x32xf32>
    %add3A_43 = arith.addf %dot_general3A_38, %add3A_42 : vector<1024x32xf32>
    %get3A_44 = arith.constant 0 : index
    %get3A_45 = arith.constant 0 : index
    %get3A_46 = vector.load %arg10[%get3A_44, %get3A_45] : memref<24x8xf32, #tpu.memory_space<vmem>>, vector<24x8xf32>
    %dot_general3A_47 = arith.constant dense<0.000000e+00> : vector<1024x8xf32>
    %dot_general3A_48 = tpu.matmul %add3A_28, %get3A_46, %dot_general3A_47 {dimension_numbers = #tpu.dot_dimension_numbers<[1], [0], [0], [1], [0, 0, 1, 1], [], []>, transpose_lhs_hint = false} : vector<1024x24xf32>, vector<24x8xf32>, vector<1024x8xf32> -> vector<1024x8xf32>
    %get3A_49 = arith.constant 0 : index
    %get3A_50 = arith.constant 0 : index
    %get3A_51 = vector.load %arg11[%get3A_49, %get3A_50] : memref<8x8xf32, #tpu.memory_space<vmem>>, vector<1x8xf32>
    %add3A_52 = vector.broadcast %get3A_51 : vector<1x8xf32> to vector<1024x8xf32>
    %add3A_53 = arith.addf %dot_general3A_48, %add3A_52 : vector<1024x8xf32>
    %get3A_54 = arith.constant 0 : index
    %get3A_55 = arith.constant 0 : index
    %get3A_56 = vector.load %arg4[%get3A_54, %get3A_55] : memref<1024x64xf32, #tpu.memory_space<vmem>>, vector<1024x64xf32>
    %get3A_57 = arith.constant 0 : index
    %get3A_58 = arith.constant 0 : index
    %get3A_59 = vector.load %arg14[%get3A_57, %get3A_58] : memref<64x16xf32, #tpu.memory_space<vmem>>, vector<64x16xf32>
    %dot_general3A_60 = arith.constant dense<0.000000e+00> : vector<1024x16xf32>
    %dot_general3A_61 = tpu.matmul %get3A_56, %get3A_59, %dot_general3A_60 {dimension_numbers = #tpu.dot_dimension_numbers<[1], [0], [0], [1], [0, 0, 1, 1], [], []>, transpose_lhs_hint = false} : vector<1024x64xf32>, vector<64x16xf32>, vector<1024x16xf32> -> vector<1024x16xf32>
    %get3A_62 = arith.constant 0 : index
    %get3A_63 = arith.constant 0 : index
    %get3A_64 = vector.load %arg15[%get3A_62, %get3A_63] : memref<8x16xf32, #tpu.memory_space<vmem>>, vector<1x16xf32>
    %add3A_65 = vector.broadcast %get3A_64 : vector<1x16xf32> to vector<1024x16xf32>
    %add3A_66 = arith.addf %dot_general3A_61, %add3A_65 : vector<1024x16xf32>
    %concatenate3A = tpu.concatenate %add3A_43, %add3A_53, %get3A_31, %add3A_66 in 1 : vector<1024x32xf32>, vector<1024x8xf32>, vector<1024x8xf32>, vector<1024x16xf32> -> vector<1024x64xf32>
    %get3A_67 = arith.constant 0 : index
    %get3A_68 = arith.constant 0 : index
    %get3A_69 = vector.load %arg16[%get3A_67, %get3A_68] : memref<64x64xf32, #tpu.memory_space<vmem>>, vector<64x64xf32>
    %dot_general3A_70 = arith.constant dense<0.000000e+00> : vector<1024x64xf32>
    %dot_general3A_71 = tpu.matmul %concatenate3A, %get3A_69, %dot_general3A_70 {dimension_numbers = #tpu.dot_dimension_numbers<[1], [0], [0], [1], [0, 0, 1, 1], [], []>, transpose_lhs_hint = false} : vector<1024x64xf32>, vector<64x64xf32>, vector<1024x64xf32> -> vector<1024x64xf32>
    %get3A_72 = arith.constant 0 : index
    %get3A_73 = arith.constant 0 : index
    %get3A_74 = vector.load %arg17[%get3A_72, %get3A_73] : memref<8x64xf32, #tpu.memory_space<vmem>>, vector<1x64xf32>
    %add3A_75 = vector.broadcast %get3A_74 : vector<1x64xf32> to vector<1024x64xf32>
    %add3A_76 = arith.addf %dot_general3A_71, %add3A_75 : vector<1024x64xf32>
    %swap3A = arith.constant 0 : index
    %swap3A_77 = arith.constant 0 : index
    %swap3A_78 = vector.load %arg18[%swap3A, %swap3A_77] : memref<1024x64xf32, #tpu.memory_space<vmem>>, vector<1024x64xf32>
    tpu.vector_store %arg18[%swap3A, %swap3A_77], %add3A_76 {strides = array<i32>} : memref<1024x64xf32, #tpu.memory_space<vmem>>, vector<1024x64xf32>,
    %get3A_79 = arith.constant 0 : index
    %get3A_80 = arith.constant 0 : index
    %get3A_81 = vector.load %arg5[%get3A_79, %get3A_80] : memref<1024x16xf32, #tpu.memory_space<vmem>>, vector<1024x16xf32>
    %concatenate3A_82 = tpu.concatenate %add3A_76, %get3A_81 in 1 : vector<1024x64xf32>, vector<1024x16xf32> -> vector<1024x80xf32>
    %swap3A_83 = arith.constant 0 : index
    %swap3A_84 = arith.constant 0 : index
    %swap3A_85 = vector.load %arg19[%swap3A_83, %swap3A_84] : memref<1024x80xf32, #tpu.memory_space<vmem>>, vector<1024x80xf32>
    tpu.vector_store %arg19[%swap3A_83, %swap3A_84], %concatenate3A_82 {strides = array<i32>} : memref<1024x80xf32, #tpu.memory_space<vmem>>, vector<1024x80xf32>,
    return
  }
  func.func @transform_0(%arg0: i32) -> (i32, i32) {
    %c0_i32 = arith.constant 0 : i32
    %c0_i32_0 = arith.constant 0 : i32
    return %arg0, %c0_i32 : i32, i32
  }
  func.func @transform_1(%arg0: i32) -> (i32, i32) {
    %c0_i32 = arith.constant 0 : i32
    %c0_i32_0 = arith.constant 0 : i32
    return %arg0, %c0_i32 : i32, i32
  }
  func.func @transform_2(%arg0: i32) -> (i32, i32) {
    %c0_i32 = arith.constant 0 : i32
    %c0_i32_0 = arith.constant 0 : i32
    return %arg0, %c0_i32 : i32, i32
  }
  func.func @transform_3(%arg0: i32) -> (i32, i32) {
    %c0_i32 = arith.constant 0 : i32
    %c0_i32_0 = arith.constant 0 : i32
    return %arg0, %c0_i32 : i32, i32
  }
  func.func @transform_4(%arg0: i32) -> (i32, i32) {
    %c0_i32 = arith.constant 0 : i32
    %c0_i32_0 = arith.constant 0 : i32
    return %arg0, %c0_i32 : i32, i32
  }
  func.func @transform_5(%arg0: i32) -> (i32, i32) {
    %c0_i32 = arith.constant 0 : i32
    %c0_i32_0 = arith.constant 0 : i32
    %c0_i32_1 = arith.constant 0 : i32
    return %c0_i32, %c0_i32_0 : i32, i32
  }
  func.func @transform_6(%arg0: i32) -> (i32, i32) {
    %c0_i32 = arith.constant 0 : i32
    %c0_i32_0 = arith.constant 0 : i32
    %c0_i32_1 = arith.constant 0 : i32
    return %c0_i32, %c0_i32_0 : i32, i32
  }
  func.func @transform_7(%arg0: i32) -> (i32, i32) {
    %c0_i32 = arith.constant 0 : i32
    %c0_i32_0 = arith.constant 0 : i32
    %c0_i32_1 = arith.constant 0 : i32
    return %c0_i32, %c0_i32_0 : i32, i32
  }
  func.func @transform_8(%arg0: i32) -> (i32, i32) {
    %c0_i32 = arith.constant 0 : i32
    %c0_i32_0 = arith.constant 0 : i32
    %c0_i32_1 = arith.constant 0 : i32
    return %c0_i32, %c0_i32_0 : i32, i32
  }
  func.func @transform_9(%arg0: i32) -> (i32, i32) {
    %c0_i32 = arith.constant 0 : i32
    %c0_i32_0 = arith.constant 0 : i32
    %c0_i32_1 = arith.constant 0 : i32
    return %c0_i32, %c0_i32_0 : i32, i32
  }
  func.func @transform_10(%arg0: i32) -> (i32, i32) {
    %c0_i32 = arith.constant 0 : i32
    %c0_i32_0 = arith.constant 0 : i32
    %c0_i32_1 = arith.constant 0 : i32
    return %c0_i32, %c0_i32_0 : i32, i32
  }
  func.func @transform_11(%arg0: i32) -> (i32, i32) {
    %c0_i32 = arith.constant 0 : i32
    %c0_i32_0 = arith.constant 0 : i32
    %c0_i32_1 = arith.constant 0 : i32
    return %c0_i32, %c0_i32_0 : i32, i32
  }
  func.func @transform_12(%arg0: i32) -> (i32, i32) {
    %c0_i32 = arith.constant 0 : i32
    %c0_i32_0 = arith.constant 0 : i32
    %c0_i32_1 = arith.constant 0 : i32
    return %c0_i32, %c0_i32_0 : i32, i32
  }
  func.func @transform_13(%arg0: i32) -> (i32, i32) {
    %c0_i32 = arith.constant 0 : i32
    %c0_i32_0 = arith.constant 0 : i32
    %c0_i32_1 = arith.constant 0 : i32
    return %c0_i32, %c0_i32_0 : i32, i32
  }
  func.func @transform_14(%arg0: i32) -> (i32, i32) {
    %c0_i32 = arith.constant 0 : i32
    %c0_i32_0 = arith.constant 0 : i32
    %c0_i32_1 = arith.constant 0 : i32
    return %c0_i32, %c0_i32_0 : i32, i32
  }
  func.func @transform_15(%arg0: i32) -> (i32, i32) {
    %c0_i32 = arith.constant 0 : i32
    %c0_i32_0 = arith.constant 0 : i32
    %c0_i32_1 = arith.constant 0 : i32
    return %c0_i32, %c0_i32_0 : i32, i32
  }
  func.func @transform_16(%arg0: i32) -> (i32, i32) {
    %c0_i32 = arith.constant 0 : i32
    %c0_i32_0 = arith.constant 0 : i32
    %c0_i32_1 = arith.constant 0 : i32
    return %c0_i32, %c0_i32_0 : i32, i32
  }
  func.func @transform_17(%arg0: i32) -> (i32, i32) {
    %c0_i32 = arith.constant 0 : i32
    %c0_i32_0 = arith.constant 0 : i32
    return %arg0, %c0_i32 : i32, i32
  }
  func.func @transform_18(%arg0: i32) -> (i32, i32) {
    %c0_i32 = arith.constant 0 : i32
    %c0_i32_0 = arith.constant 0 : i32
    return %arg0, %c0_i32 : i32, i32
  }
}

module attributes {stable_mosaic.version = 14 : i64} {
  func.func @_edge1_body(%arg0: i32, %arg1: memref<2048x80xf32, #tpu.memory_space<vmem>>, %arg2: memref<2048x80xf32, #tpu.memory_space<vmem>>, %arg3: memref<2048x8xf32, #tpu.memory_space<vmem>>, %arg4: memref<128x8xf32, #tpu.memory_space<vmem>>, %arg5: memref<8x8xf32, #tpu.memory_space<vmem>>, %arg6: memref<8x56xf32, #tpu.memory_space<vmem>>, %arg7: memref<8x56xf32, #tpu.memory_space<vmem>>, %arg8: memref<256x64xf32, #tpu.memory_space<vmem>>, %arg9: memref<8x64xf32, #tpu.memory_space<vmem>>, %arg10: memref<64x64xf32, #tpu.memory_space<vmem>>, %arg11: memref<8x64xf32, #tpu.memory_space<vmem>>, %arg12: memref<2048x32xf32, #tpu.memory_space<vmem>>, %arg13: memref<2048x32xf32, #tpu.memory_space<vmem>>, %arg14: memref<2048x8xf32, #tpu.memory_space<vmem>>) attributes {dimension_semantics = [#tpu.dimension_semantics<arbitrary>], iteration_bounds = array<i64: 400>, scalar_prefetch = 0 : i64, scratch_operands = 0 : i64, tpu.core_type = #tpu.core_type<tc>, window_params = [{transform_indices = @transform_0, window_bounds = array<i64: 2048, 80>}, {transform_indices = @transform_1, window_bounds = array<i64: 2048, 80>}, {transform_indices = @transform_2, window_bounds = array<i64: 2048, 8>}, {transform_indices = @transform_3, window_bounds = array<i64: 128, 8>}, {pipeline_mode = #tpu.pipeline_mode<synchronous>, transform_indices = @transform_4, window_bounds = array<i64: 8, 8>}, {pipeline_mode = #tpu.pipeline_mode<synchronous>, transform_indices = @transform_5, window_bounds = array<i64: 8, 56>}, {pipeline_mode = #tpu.pipeline_mode<synchronous>, transform_indices = @transform_6, window_bounds = array<i64: 8, 56>}, {pipeline_mode = #tpu.pipeline_mode<synchronous>, transform_indices = @transform_7, window_bounds = array<i64: 256, 64>}, {pipeline_mode = #tpu.pipeline_mode<synchronous>, transform_indices = @transform_8, window_bounds = array<i64: 8, 64>}, {pipeline_mode = #tpu.pipeline_mode<synchronous>, transform_indices = @transform_9, window_bounds = array<i64: 64, 64>}, {pipeline_mode = #tpu.pipeline_mode<synchronous>, transform_indices = @transform_10, window_bounds = array<i64: 8, 64>}, {transform_indices = @transform_11, window_bounds = array<i64: 2048, 32>}, {transform_indices = @transform_12, window_bounds = array<i64: 2048, 32>}, {transform_indices = @transform_13, window_bounds = array<i64: 2048, 8>}]} {
    %get3A = arith.constant 0 : index
    %get3A_0 = arith.constant 0 : index
    %get3A_1 = vector.load %arg1[%get3A, %get3A_0] : memref<2048x80xf32, #tpu.memory_space<vmem>>, vector<2048x80xf32>
    %get3A_2 = arith.constant 0 : index
    %get3A_3 = arith.constant 0 : index
    %get3A_4 = vector.load %arg2[%get3A_2, %get3A_3] : memref<2048x80xf32, #tpu.memory_space<vmem>>, vector<2048x80xf32>
    %slice3A = vector.extract_strided_slice %get3A_1 {offsets = [0, 64], sizes = [2048, 16], strides = [1, 1]} : vector<2048x80xf32> to vector<2048x16xf32>
    %slice3A_5 = vector.extract_strided_slice %get3A_4 {offsets = [0, 64], sizes = [2048, 16], strides = [1, 1]} : vector<2048x80xf32> to vector<2048x16xf32>
    %sub3A = arith.subf %slice3A, %slice3A_5 : vector<2048x16xf32>
    %mul3A = arith.mulf %sub3A, %sub3A : vector<2048x16xf32>
    %reduce_sum3A = arith.constant dense<0.000000e+00> : vector<2048xf32>
    %reduce_sum3A_6 = vector.multi_reduction <add>, %mul3A, %reduce_sum3A [1] : vector<2048x16xf32> to vector<2048xf32>
    %broadcast_in_dim3A = vector.shape_cast %reduce_sum3A_6 : vector<2048xf32> to vector<2048x1xf32>
    %broadcast_in_dim3A_7 = vector.shape_cast %broadcast_in_dim3A : vector<2048x1xf32> to vector<2048x1xf32>
    %broadcast_in_dim3A_8 = vector.broadcast %broadcast_in_dim3A_7 : vector<2048x1xf32> to vector<2048x8xf32>
    %swap3A = arith.constant 0 : index
    %swap3A_9 = arith.constant 0 : index
    %swap3A_10 = vector.load %arg14[%swap3A, %swap3A_9] : memref<2048x8xf32, #tpu.memory_space<vmem>>, vector<2048x8xf32>
    tpu.vector_store %arg14[%swap3A, %swap3A_9], %broadcast_in_dim3A_8 {strides = array<i32>} : memref<2048x8xf32, #tpu.memory_space<vmem>>, vector<2048x8xf32>,
    %iota3A = tpu.iota {dimensions = array<i32: 0>} : vector<2048x128xi32>
    %jit3A = arith.constant 16 : i32
    %div3A = vector.broadcast %jit3A : i32 to vector<2048x128xi32>
    %div3A_11 = arith.divsi %iota3A, %div3A : vector<2048x128xi32>
    %sign3A = arith.constant 0 : i32
    %sign3A_12 = vector.broadcast %sign3A : i32 to vector<2048x128xi32>
    %sign3A_13 = arith.cmpi sgt, %iota3A, %sign3A_12 : vector<2048x128xi32>
    %sign3A_14 = arith.extui %sign3A_13 : vector<2048x128xi1> to vector<2048x128xi32>
    %sign3A_15 = arith.constant 0 : i32
    %sign3A_16 = vector.broadcast %sign3A_15 : i32 to vector<2048x128xi32>
    %sign3A_17 = arith.cmpi slt, %iota3A, %sign3A_16 : vector<2048x128xi32>
    %sign3A_18 = arith.extui %sign3A_17 : vector<2048x128xi1> to vector<2048x128xi32>
    %sign3A_19 = arith.subi %sign3A_14, %sign3A_18 : vector<2048x128xi32>
    %sign3A_20 = arith.constant 0 : i32
    %sign3A_21 = arith.cmpi sgt, %jit3A, %sign3A_20 : i32
    %sign3A_22 = arith.extui %sign3A_21 : i1 to i32
    %sign3A_23 = arith.constant 0 : i32
    %sign3A_24 = arith.cmpi slt, %jit3A, %sign3A_23 : i32
    %sign3A_25 = arith.extui %sign3A_24 : i1 to i32
    %sign3A_26 = arith.subi %sign3A_22, %sign3A_25 : i32
    %ne3A = vector.broadcast %sign3A_26 : i32 to vector<2048x128xi32>
    %ne3A_27 = arith.cmpi ne, %sign3A_19, %ne3A : vector<2048x128xi32>
    %rem3A = vector.broadcast %jit3A : i32 to vector<2048x128xi32>
    %rem3A_28 = arith.remsi %iota3A, %rem3A : vector<2048x128xi32>
    %ne3A_29 = arith.constant 0 : i32
    %ne3A_30 = vector.broadcast %ne3A_29 : i32 to vector<2048x128xi32>
    %ne3A_31 = arith.cmpi ne, %rem3A_28, %ne3A_30 : vector<2048x128xi32>
    %and3A = arith.andi %ne3A_27, %ne3A_31 : vector<2048x128xi1>
    %sub3A_32 = arith.constant 1 : i32
    %sub3A_33 = vector.broadcast %sub3A_32 : i32 to vector<2048x128xi32>
    %sub3A_34 = arith.subi %div3A_11, %sub3A_33 : vector<2048x128xi32>
    %select_n3A = arith.select %and3A, %sub3A_34, %div3A_11 : vector<2048x128xi1>, vector<2048x128xi32>
    %iota3A_35 = tpu.iota {dimensions = array<i32: 1>} : vector<2048x128xi32>
    %eq3A = arith.cmpi eq, %select_n3A, %iota3A_35 : vector<2048x128xi32>
    %convert_element_type3A = arith.extui %eq3A : vector<2048x128xi1> to vector<2048x128xi32>
    %convert_element_type3A_36 = arith.sitofp %convert_element_type3A : vector<2048x128xi32> to vector<2048x128xf32>
    %get3A_37 = arith.constant 0 : index
    %get3A_38 = arith.constant 0 : index
    %get3A_39 = vector.load %arg4[%get3A_37, %get3A_38] : memref<128x8xf32, #tpu.memory_space<vmem>>, vector<128x8xf32>
    %dot_general3A = arith.constant dense<0.000000e+00> : vector<2048x8xf32>
    %dot_general3A_40 = tpu.matmul %convert_element_type3A_36, %get3A_39, %dot_general3A {dimension_numbers = #tpu.dot_dimension_numbers<[1], [0], [0], [1], [0, 0, 1, 1], [], []>, precision = #tpu.contract_precision<fp32>, transpose_lhs_hint = false} : vector<2048x128xf32>, vector<128x8xf32>, vector<2048x8xf32> -> vector<2048x8xf32>
    %mul3A_41 = arith.constant 2048 : i32
    %mul3A_42 = arith.muli %arg0, %mul3A_41 : i32
    %iota3A_43 = tpu.iota {dimensions = array<i32: 0>} : vector<2048x1xi32>
    %add3A = vector.broadcast %mul3A_42 : i32 to vector<2048x1xi32>
    %add3A_44 = arith.addi %add3A, %iota3A_43 : vector<2048x1xi32>
    %eq3A_45 = arith.constant 800000 : i32
    %eq3A_46 = vector.broadcast %eq3A_45 : i32 to vector<2048x1xi32>
    %eq3A_47 = arith.cmpi eq, %add3A_44, %eq3A_46 : vector<2048x1xi32>
    %get3A_48 = arith.constant 0 : index
    %get3A_49 = arith.constant 0 : index
    %get3A_50 = vector.load %arg5[%get3A_48, %get3A_49] : memref<8x8xf32, #tpu.memory_space<vmem>>, vector<1x8xf32>
    %broadcast_in_dim3A_51 = vector.shape_cast %eq3A_47 : vector<2048x1xi1> to vector<2048x1xi1>
    %broadcast_in_dim3A_52 = vector.broadcast %broadcast_in_dim3A_51 : vector<2048x1xi1> to vector<2048x8xi1>
    %broadcast_in_dim3A_53 = vector.shape_cast %get3A_50 : vector<1x8xf32> to vector<1x8xf32>
    %broadcast_in_dim3A_54 = vector.broadcast %broadcast_in_dim3A_53 : vector<1x8xf32> to vector<2048x8xf32>
    %select_n3A_55 = arith.select %broadcast_in_dim3A_52, %broadcast_in_dim3A_54, %dot_general3A_40 : vector<2048x8xi1>, vector<2048x8xf32>
    %slice3A_56 = vector.extract_strided_slice %get3A_1 {offsets = [0, 0], sizes = [2048, 64], strides = [1, 1]} : vector<2048x80xf32> to vector<2048x64xf32>
    %slice3A_57 = vector.extract_strided_slice %get3A_4 {offsets = [0, 0], sizes = [2048, 64], strides = [1, 1]} : vector<2048x80xf32> to vector<2048x64xf32>
    %get3A_58 = arith.constant 0 : index
    %get3A_59 = arith.constant 0 : index
    %get3A_60 = vector.load %arg3[%get3A_58, %get3A_59] : memref<2048x8xf32, #tpu.memory_space<vmem>>, vector<2048x8xf32>
    %get3A_61 = arith.constant 0 : index
    %get3A_62 = arith.constant 0 : index
    %get3A_63 = vector.load %arg6[%get3A_61, %get3A_62] : memref<8x56xf32, #tpu.memory_space<vmem>>, vector<8x56xf32>
    %dot_general3A_64 = arith.constant dense<0.000000e+00> : vector<2048x56xf32>
    %dot_general3A_65 = tpu.matmul %get3A_60, %get3A_63, %dot_general3A_64 {dimension_numbers = #tpu.dot_dimension_numbers<[1], [0], [0], [1], [0, 0, 1, 1], [], []>, transpose_lhs_hint = false} : vector<2048x8xf32>, vector<8x56xf32>, vector<2048x56xf32> -> vector<2048x56xf32>
    %get3A_66 = arith.constant 0 : index
    %get3A_67 = arith.constant 0 : index
    %get3A_68 = vector.load %arg7[%get3A_66, %get3A_67] : memref<8x56xf32, #tpu.memory_space<vmem>>, vector<1x56xf32>
    %add3A_69 = vector.broadcast %get3A_68 : vector<1x56xf32> to vector<2048x56xf32>
    %add3A_70 = arith.addf %dot_general3A_65, %add3A_69 : vector<2048x56xf32>
    %broadcast_in_dim3A_71 = arith.constant 0.000000e+00 : f32
    %broadcast_in_dim3A_72 = vector.broadcast %broadcast_in_dim3A_71 : f32 to vector<2048x63xf32>
    %concatenate3A = tpu.concatenate %slice3A_56, %slice3A_57, %select_n3A_55, %add3A_70, %broadcast_in_dim3A, %broadcast_in_dim3A_72 in 1 : vector<2048x64xf32>, vector<2048x64xf32>, vector<2048x8xf32>, vector<2048x56xf32>, vector<2048x1xf32>, vector<2048x63xf32> -> vector<2048x256xf32>
    %get3A_73 = arith.constant 0 : index
    %get3A_74 = arith.constant 0 : index
    %get3A_75 = vector.load %arg8[%get3A_73, %get3A_74] : memref<256x64xf32, #tpu.memory_space<vmem>>, vector<256x64xf32>
    %dot_general3A_76 = arith.constant dense<0.000000e+00> : vector<2048x64xf32>
    %dot_general3A_77 = tpu.matmul %concatenate3A, %get3A_75, %dot_general3A_76 {dimension_numbers = #tpu.dot_dimension_numbers<[1], [0], [0], [1], [0, 0, 1, 1], [], []>, transpose_lhs_hint = false} : vector<2048x256xf32>, vector<256x64xf32>, vector<2048x64xf32> -> vector<2048x64xf32>
    %get3A_78 = arith.constant 0 : index
    %get3A_79 = arith.constant 0 : index
    %get3A_80 = vector.load %arg9[%get3A_78, %get3A_79] : memref<8x64xf32, #tpu.memory_space<vmem>>, vector<1x64xf32>
    %add3A_81 = vector.broadcast %get3A_80 : vector<1x64xf32> to vector<2048x64xf32>
    %add3A_82 = arith.addf %dot_general3A_77, %add3A_81 : vector<2048x64xf32>
    %logistic3A = arith.negf %add3A_82 : vector<2048x64xf32>
    %logistic3A_83 = math.exp %logistic3A : vector<2048x64xf32>
    %logistic3A_84 = arith.constant 1.000000e+00 : f32
    %logistic3A_85 = vector.broadcast %logistic3A_84 : f32 to vector<2048x64xf32>
    %logistic3A_86 = arith.addf %logistic3A_85, %logistic3A_83 : vector<2048x64xf32>
    %logistic3A_87 = arith.divf %logistic3A_85, %logistic3A_86 : vector<2048x64xf32>
    %mul3A_88 = arith.mulf %add3A_82, %logistic3A_87 : vector<2048x64xf32>
    %get3A_89 = arith.constant 0 : index
    %get3A_90 = arith.constant 0 : index
    %get3A_91 = vector.load %arg10[%get3A_89, %get3A_90] : memref<64x64xf32, #tpu.memory_space<vmem>>, vector<64x64xf32>
    %dot_general3A_92 = arith.constant dense<0.000000e+00> : vector<2048x64xf32>
    %dot_general3A_93 = tpu.matmul %mul3A_88, %get3A_91, %dot_general3A_92 {dimension_numbers = #tpu.dot_dimension_numbers<[1], [0], [0], [1], [0, 0, 1, 1], [], []>, transpose_lhs_hint = false} : vector<2048x64xf32>, vector<64x64xf32>, vector<2048x64xf32> -> vector<2048x64xf32>
    %get3A_94 = arith.constant 0 : index
    %get3A_95 = arith.constant 0 : index
    %get3A_96 = vector.load %arg11[%get3A_94, %get3A_95] : memref<8x64xf32, #tpu.memory_space<vmem>>, vector<1x64xf32>
    %add3A_97 = vector.broadcast %get3A_96 : vector<1x64xf32> to vector<2048x64xf32>
    %add3A_98 = arith.addf %dot_general3A_93, %add3A_97 : vector<2048x64xf32>
    %logistic3A_99 = arith.negf %add3A_98 : vector<2048x64xf32>
    %logistic3A_100 = math.exp %logistic3A_99 : vector<2048x64xf32>
    %logistic3A_101 = arith.constant 1.000000e+00 : f32
    %logistic3A_102 = vector.broadcast %logistic3A_101 : f32 to vector<2048x64xf32>
    %logistic3A_103 = arith.addf %logistic3A_102, %logistic3A_100 : vector<2048x64xf32>
    %logistic3A_104 = arith.divf %logistic3A_102, %logistic3A_103 : vector<2048x64xf32>
    %mul3A_105 = arith.mulf %add3A_98, %logistic3A_104 : vector<2048x64xf32>
    %slice3A_106 = vector.extract_strided_slice %mul3A_105 {offsets = [0, 0], sizes = [2048, 32], strides = [1, 1]} : vector<2048x64xf32> to vector<2048x32xf32>
    %swap3A_107 = arith.constant 0 : index
    %swap3A_108 = arith.constant 0 : index
    %swap3A_109 = vector.load %arg12[%swap3A_107, %swap3A_108] : memref<2048x32xf32, #tpu.memory_space<vmem>>, vector<2048x32xf32>
    tpu.vector_store %arg12[%swap3A_107, %swap3A_108], %slice3A_106 {strides = array<i32>} : memref<2048x32xf32, #tpu.memory_space<vmem>>, vector<2048x32xf32>,
    %slice3A_110 = vector.extract_strided_slice %mul3A_105 {offsets = [0, 32], sizes = [2048, 32], strides = [1, 1]} : vector<2048x64xf32> to vector<2048x32xf32>
    %swap3A_111 = arith.constant 0 : index
    %swap3A_112 = arith.constant 0 : index
    %swap3A_113 = vector.load %arg13[%swap3A_111, %swap3A_112] : memref<2048x32xf32, #tpu.memory_space<vmem>>, vector<2048x32xf32>
    tpu.vector_store %arg13[%swap3A_111, %swap3A_112], %slice3A_110 {strides = array<i32>} : memref<2048x32xf32, #tpu.memory_space<vmem>>, vector<2048x32xf32>,
    return
  }
  func.func @transform_0(%arg0: i32) -> (i32, i32) {
    %c0_i32 = arith.constant 0 : i32
    %c0_i32_0 = arith.constant 0 : i32
    return %arg0, %c0_i32 : i32, i32
  }
  func.func @transform_1(%arg0: i32) -> (i32, i32) {
    %c0_i32 = arith.constant 0 : i32
    %c0_i32_0 = arith.constant 0 : i32
    return %arg0, %c0_i32 : i32, i32
  }
  func.func @transform_2(%arg0: i32) -> (i32, i32) {
    %c0_i32 = arith.constant 0 : i32
    %c0_i32_0 = arith.constant 0 : i32
    return %arg0, %c0_i32 : i32, i32
  }
  func.func @transform_3(%arg0: i32) -> (i32, i32) {
    %c0_i32 = arith.constant 0 : i32
    %c0_i32_0 = arith.constant 0 : i32
    return %arg0, %c0_i32 : i32, i32
  }
  func.func @transform_4(%arg0: i32) -> (i32, i32) {
    %c0_i32 = arith.constant 0 : i32
    %c0_i32_0 = arith.constant 0 : i32
    %c0_i32_1 = arith.constant 0 : i32
    return %c0_i32, %c0_i32_0 : i32, i32
  }
  func.func @transform_5(%arg0: i32) -> (i32, i32) {
    %c0_i32 = arith.constant 0 : i32
    %c0_i32_0 = arith.constant 0 : i32
    %c0_i32_1 = arith.constant 0 : i32
    return %c0_i32, %c0_i32_0 : i32, i32
  }
  func.func @transform_6(%arg0: i32) -> (i32, i32) {
    %c0_i32 = arith.constant 0 : i32
    %c0_i32_0 = arith.constant 0 : i32
    %c0_i32_1 = arith.constant 0 : i32
    return %c0_i32, %c0_i32_0 : i32, i32
  }
  func.func @transform_7(%arg0: i32) -> (i32, i32) {
    %c0_i32 = arith.constant 0 : i32
    %c0_i32_0 = arith.constant 0 : i32
    %c0_i32_1 = arith.constant 0 : i32
    return %c0_i32, %c0_i32_0 : i32, i32
  }
  func.func @transform_8(%arg0: i32) -> (i32, i32) {
    %c0_i32 = arith.constant 0 : i32
    %c0_i32_0 = arith.constant 0 : i32
    %c0_i32_1 = arith.constant 0 : i32
    return %c0_i32, %c0_i32_0 : i32, i32
  }
  func.func @transform_9(%arg0: i32) -> (i32, i32) {
    %c0_i32 = arith.constant 0 : i32
    %c0_i32_0 = arith.constant 0 : i32
    %c0_i32_1 = arith.constant 0 : i32
    return %c0_i32, %c0_i32_0 : i32, i32
  }
  func.func @transform_10(%arg0: i32) -> (i32, i32) {
    %c0_i32 = arith.constant 0 : i32
    %c0_i32_0 = arith.constant 0 : i32
    %c0_i32_1 = arith.constant 0 : i32
    return %c0_i32, %c0_i32_0 : i32, i32
  }
  func.func @transform_11(%arg0: i32) -> (i32, i32) {
    %c0_i32 = arith.constant 0 : i32
    %c0_i32_0 = arith.constant 0 : i32
    return %arg0, %c0_i32 : i32, i32
  }
  func.func @transform_12(%arg0: i32) -> (i32, i32) {
    %c0_i32 = arith.constant 0 : i32
    %c0_i32_0 = arith.constant 0 : i32
    return %arg0, %c0_i32 : i32, i32
  }
  func.func @transform_13(%arg0: i32) -> (i32, i32) {
    %c0_i32 = arith.constant 0 : i32
    %c0_i32_0 = arith.constant 0 : i32
    return %arg0, %c0_i32 : i32, i32
  }
}

module attributes {stable_mosaic.version = 14 : i64} {
  func.func @_node1_body(%arg0: i32, %arg1: memref<1024x64xf32, #tpu.memory_space<vmem>>, %arg2: memref<1024x32xf32, #tpu.memory_space<vmem>>, %arg3: memref<1024x32xf32, #tpu.memory_space<vmem>>, %arg4: memref<128x64xf32, #tpu.memory_space<vmem>>, %arg5: memref<8x64xf32, #tpu.memory_space<vmem>>, %arg6: memref<64x64xf32, #tpu.memory_space<vmem>>, %arg7: memref<8x64xf32, #tpu.memory_space<vmem>>, %arg8: memref<64x64xf32, #tpu.memory_space<vmem>>, %arg9: memref<8x64xf32, #tpu.memory_space<vmem>>, %arg10: memref<64x64xf32, #tpu.memory_space<vmem>>, %arg11: memref<8x64xf32, #tpu.memory_space<vmem>>, %arg12: memref<1024x64xf32, #tpu.memory_space<vmem>>, %arg13: memref<1024x64xf32, #tpu.memory_space<vmem>>) attributes {dimension_semantics = [#tpu.dimension_semantics<arbitrary>], iteration_bounds = array<i64: 50>, scalar_prefetch = 0 : i64, scratch_operands = 0 : i64, tpu.core_type = #tpu.core_type<tc>, window_params = [{transform_indices = @transform_0, window_bounds = array<i64: 1024, 64>}, {transform_indices = @transform_1, window_bounds = array<i64: 1024, 32>}, {transform_indices = @transform_2, window_bounds = array<i64: 1024, 32>}, {pipeline_mode = #tpu.pipeline_mode<synchronous>, transform_indices = @transform_3, window_bounds = array<i64: 128, 64>}, {pipeline_mode = #tpu.pipeline_mode<synchronous>, transform_indices = @transform_4, window_bounds = array<i64: 8, 64>}, {pipeline_mode = #tpu.pipeline_mode<synchronous>, transform_indices = @transform_5, window_bounds = array<i64: 64, 64>}, {pipeline_mode = #tpu.pipeline_mode<synchronous>, transform_indices = @transform_6, window_bounds = array<i64: 8, 64>}, {pipeline_mode = #tpu.pipeline_mode<synchronous>, transform_indices = @transform_7, window_bounds = array<i64: 64, 64>}, {pipeline_mode = #tpu.pipeline_mode<synchronous>, transform_indices = @transform_8, window_bounds = array<i64: 8, 64>}, {pipeline_mode = #tpu.pipeline_mode<synchronous>, transform_indices = @transform_9, window_bounds = array<i64: 64, 64>}, {pipeline_mode = #tpu.pipeline_mode<synchronous>, transform_indices = @transform_10, window_bounds = array<i64: 8, 64>}, {transform_indices = @transform_11, window_bounds = array<i64: 1024, 64>}, {transform_indices = @transform_12, window_bounds = array<i64: 1024, 64>}]} {
    %get3A = arith.constant 0 : index
    %get3A_0 = arith.constant 0 : index
    %get3A_1 = vector.load %arg1[%get3A, %get3A_0] : memref<1024x64xf32, #tpu.memory_space<vmem>>, vector<1024x64xf32>
    %get3A_2 = arith.constant 0 : index
    %get3A_3 = arith.constant 0 : index
    %get3A_4 = vector.load %arg2[%get3A_2, %get3A_3] : memref<1024x32xf32, #tpu.memory_space<vmem>>, vector<1024x32xf32>
    %get3A_5 = arith.constant 0 : index
    %get3A_6 = arith.constant 0 : index
    %get3A_7 = vector.load %arg3[%get3A_5, %get3A_6] : memref<1024x32xf32, #tpu.memory_space<vmem>>, vector<1024x32xf32>
    %concatenate3A = tpu.concatenate %get3A_1, %get3A_4, %get3A_7 in 1 : vector<1024x64xf32>, vector<1024x32xf32>, vector<1024x32xf32> -> vector<1024x128xf32>
    %get3A_8 = arith.constant 0 : index
    %get3A_9 = arith.constant 0 : index
    %get3A_10 = vector.load %arg4[%get3A_8, %get3A_9] : memref<128x64xf32, #tpu.memory_space<vmem>>, vector<128x64xf32>
    %dot_general3A = arith.constant dense<0.000000e+00> : vector<1024x64xf32>
    %dot_general3A_11 = tpu.matmul %concatenate3A, %get3A_10, %dot_general3A {dimension_numbers = #tpu.dot_dimension_numbers<[1], [0], [0], [1], [0, 0, 1, 1], [], []>, transpose_lhs_hint = false} : vector<1024x128xf32>, vector<128x64xf32>, vector<1024x64xf32> -> vector<1024x64xf32>
    %get3A_12 = arith.constant 0 : index
    %get3A_13 = arith.constant 0 : index
    %get3A_14 = vector.load %arg5[%get3A_12, %get3A_13] : memref<8x64xf32, #tpu.memory_space<vmem>>, vector<1x64xf32>
    %add3A = vector.broadcast %get3A_14 : vector<1x64xf32> to vector<1024x64xf32>
    %add3A_15 = arith.addf %dot_general3A_11, %add3A : vector<1024x64xf32>
    %logistic3A = arith.negf %add3A_15 : vector<1024x64xf32>
    %logistic3A_16 = math.exp %logistic3A : vector<1024x64xf32>
    %logistic3A_17 = arith.constant 1.000000e+00 : f32
    %logistic3A_18 = vector.broadcast %logistic3A_17 : f32 to vector<1024x64xf32>
    %logistic3A_19 = arith.addf %logistic3A_18, %logistic3A_16 : vector<1024x64xf32>
    %logistic3A_20 = arith.divf %logistic3A_18, %logistic3A_19 : vector<1024x64xf32>
    %mul3A = arith.mulf %add3A_15, %logistic3A_20 : vector<1024x64xf32>
    %get3A_21 = arith.constant 0 : index
    %get3A_22 = arith.constant 0 : index
    %get3A_23 = vector.load %arg6[%get3A_21, %get3A_22] : memref<64x64xf32, #tpu.memory_space<vmem>>, vector<64x64xf32>
    %dot_general3A_24 = arith.constant dense<0.000000e+00> : vector<1024x64xf32>
    %dot_general3A_25 = tpu.matmul %mul3A, %get3A_23, %dot_general3A_24 {dimension_numbers = #tpu.dot_dimension_numbers<[1], [0], [0], [1], [0, 0, 1, 1], [], []>, transpose_lhs_hint = false} : vector<1024x64xf32>, vector<64x64xf32>, vector<1024x64xf32> -> vector<1024x64xf32>
    %add3A_26 = arith.addf %get3A_1, %dot_general3A_25 : vector<1024x64xf32>
    %get3A_27 = arith.constant 0 : index
    %get3A_28 = arith.constant 0 : index
    %get3A_29 = vector.load %arg7[%get3A_27, %get3A_28] : memref<8x64xf32, #tpu.memory_space<vmem>>, vector<1x64xf32>
    %add3A_30 = vector.broadcast %get3A_29 : vector<1x64xf32> to vector<1024x64xf32>
    %add3A_31 = arith.addf %add3A_26, %add3A_30 : vector<1024x64xf32>
    %get3A_32 = arith.constant 0 : index
    %get3A_33 = arith.constant 0 : index
    %get3A_34 = vector.load %arg8[%get3A_32, %get3A_33] : memref<64x64xf32, #tpu.memory_space<vmem>>, vector<64x64xf32>
    %dot_general3A_35 = arith.constant dense<0.000000e+00> : vector<1024x64xf32>
    %dot_general3A_36 = tpu.matmul %add3A_31, %get3A_34, %dot_general3A_35 {dimension_numbers = #tpu.dot_dimension_numbers<[1], [0], [0], [1], [0, 0, 1, 1], [], []>, transpose_lhs_hint = false} : vector<1024x64xf32>, vector<64x64xf32>, vector<1024x64xf32> -> vector<1024x64xf32>
    %get3A_37 = arith.constant 0 : index
    %get3A_38 = arith.constant 0 : index
    %get3A_39 = vector.load %arg9[%get3A_37, %get3A_38] : memref<8x64xf32, #tpu.memory_space<vmem>>, vector<1x64xf32>
    %add3A_40 = vector.broadcast %get3A_39 : vector<1x64xf32> to vector<1024x64xf32>
    %add3A_41 = arith.addf %dot_general3A_36, %add3A_40 : vector<1024x64xf32>
    %get3A_42 = arith.constant 0 : index
    %get3A_43 = arith.constant 0 : index
    %get3A_44 = vector.load %arg10[%get3A_42, %get3A_43] : memref<64x64xf32, #tpu.memory_space<vmem>>, vector<64x64xf32>
    %dot_general3A_45 = arith.constant dense<0.000000e+00> : vector<1024x64xf32>
    %dot_general3A_46 = tpu.matmul %add3A_41, %get3A_44, %dot_general3A_45 {dimension_numbers = #tpu.dot_dimension_numbers<[1], [0], [0], [1], [0, 0, 1, 1], [], []>, transpose_lhs_hint = false} : vector<1024x64xf32>, vector<64x64xf32>, vector<1024x64xf32> -> vector<1024x64xf32>
    %get3A_47 = arith.constant 0 : index
    %get3A_48 = arith.constant 0 : index
    %get3A_49 = vector.load %arg11[%get3A_47, %get3A_48] : memref<8x64xf32, #tpu.memory_space<vmem>>, vector<1x64xf32>
    %add3A_50 = vector.broadcast %get3A_49 : vector<1x64xf32> to vector<1024x64xf32>
    %add3A_51 = arith.addf %dot_general3A_46, %add3A_50 : vector<1024x64xf32>
    %swap3A = arith.constant 0 : index
    %swap3A_52 = arith.constant 0 : index
    %swap3A_53 = vector.load %arg12[%swap3A, %swap3A_52] : memref<1024x64xf32, #tpu.memory_space<vmem>>, vector<1024x64xf32>
    tpu.vector_store %arg12[%swap3A, %swap3A_52], %add3A_51 {strides = array<i32>} : memref<1024x64xf32, #tpu.memory_space<vmem>>, vector<1024x64xf32>,
    %swap3A_54 = arith.constant 0 : index
    %swap3A_55 = arith.constant 0 : index
    %swap3A_56 = vector.load %arg13[%swap3A_54, %swap3A_55] : memref<1024x64xf32, #tpu.memory_space<vmem>>, vector<1024x64xf32>
    tpu.vector_store %arg13[%swap3A_54, %swap3A_55], %add3A_51 {strides = array<i32>} : memref<1024x64xf32, #tpu.memory_space<vmem>>, vector<1024x64xf32>,
    return
  }
  func.func @transform_0(%arg0: i32) -> (i32, i32) {
    %c0_i32 = arith.constant 0 : i32
    %c0_i32_0 = arith.constant 0 : i32
    return %arg0, %c0_i32 : i32, i32
  }
  func.func @transform_1(%arg0: i32) -> (i32, i32) {
    %c0_i32 = arith.constant 0 : i32
    %c0_i32_0 = arith.constant 0 : i32
    return %arg0, %c0_i32 : i32, i32
  }
  func.func @transform_2(%arg0: i32) -> (i32, i32) {
    %c0_i32 = arith.constant 0 : i32
    %c0_i32_0 = arith.constant 0 : i32
    return %arg0, %c0_i32 : i32, i32
  }
  func.func @transform_3(%arg0: i32) -> (i32, i32) {
    %c0_i32 = arith.constant 0 : i32
    %c0_i32_0 = arith.constant 0 : i32
    %c0_i32_1 = arith.constant 0 : i32
    return %c0_i32, %c0_i32_0 : i32, i32
  }
  func.func @transform_4(%arg0: i32) -> (i32, i32) {
    %c0_i32 = arith.constant 0 : i32
    %c0_i32_0 = arith.constant 0 : i32
    %c0_i32_1 = arith.constant 0 : i32
    return %c0_i32, %c0_i32_0 : i32, i32
  }
  func.func @transform_5(%arg0: i32) -> (i32, i32) {
    %c0_i32 = arith.constant 0 : i32
    %c0_i32_0 = arith.constant 0 : i32
    %c0_i32_1 = arith.constant 0 : i32
    return %c0_i32, %c0_i32_0 : i32, i32
  }
  func.func @transform_6(%arg0: i32) -> (i32, i32) {
    %c0_i32 = arith.constant 0 : i32
    %c0_i32_0 = arith.constant 0 : i32
    %c0_i32_1 = arith.constant 0 : i32
    return %c0_i32, %c0_i32_0 : i32, i32
  }
  func.func @transform_7(%arg0: i32) -> (i32, i32) {
    %c0_i32 = arith.constant 0 : i32
    %c0_i32_0 = arith.constant 0 : i32
    %c0_i32_1 = arith.constant 0 : i32
    return %c0_i32, %c0_i32_0 : i32, i32
  }
  func.func @transform_8(%arg0: i32) -> (i32, i32) {
    %c0_i32 = arith.constant 0 : i32
    %c0_i32_0 = arith.constant 0 : i32
    %c0_i32_1 = arith.constant 0 : i32
    return %c0_i32, %c0_i32_0 : i32, i32
  }
  func.func @transform_9(%arg0: i32) -> (i32, i32) {
    %c0_i32 = arith.constant 0 : i32
    %c0_i32_0 = arith.constant 0 : i32
    %c0_i32_1 = arith.constant 0 : i32
    return %c0_i32, %c0_i32_0 : i32, i32
  }
  func.func @transform_10(%arg0: i32) -> (i32, i32) {
    %c0_i32 = arith.constant 0 : i32
    %c0_i32_0 = arith.constant 0 : i32
    %c0_i32_1 = arith.constant 0 : i32
    return %c0_i32, %c0_i32_0 : i32, i32
  }
  func.func @transform_11(%arg0: i32) -> (i32, i32) {
    %c0_i32 = arith.constant 0 : i32
    %c0_i32_0 = arith.constant 0 : i32
    return %arg0, %c0_i32 : i32, i32
  }
  func.func @transform_12(%arg0: i32) -> (i32, i32) {
    %c0_i32 = arith.constant 0 : i32
    %c0_i32_0 = arith.constant 0 : i32
    return %arg0, %c0_i32 : i32, i32
  }
}

module attributes {stable_mosaic.version = 14 : i64} {
  func.func @_edge2_body(%arg0: i32, %arg1: memref<2048x64xf32, #tpu.memory_space<vmem>>, %arg2: memref<2048x64xf32, #tpu.memory_space<vmem>>, %arg3: memref<2048x8xf32, #tpu.memory_space<vmem>>, %arg4: memref<2048x8xf32, #tpu.memory_space<vmem>>, %arg5: memref<128x8xf32, #tpu.memory_space<vmem>>, %arg6: memref<8x8xf32, #tpu.memory_space<vmem>>, %arg7: memref<8x56xf32, #tpu.memory_space<vmem>>, %arg8: memref<8x56xf32, #tpu.memory_space<vmem>>, %arg9: memref<256x64xf32, #tpu.memory_space<vmem>>, %arg10: memref<8x64xf32, #tpu.memory_space<vmem>>, %arg11: memref<64x64xf32, #tpu.memory_space<vmem>>, %arg12: memref<8x64xf32, #tpu.memory_space<vmem>>, %arg13: memref<2048x32xf32, #tpu.memory_space<vmem>>, %arg14: memref<2048x32xf32, #tpu.memory_space<vmem>>) attributes {dimension_semantics = [#tpu.dimension_semantics<arbitrary>], iteration_bounds = array<i64: 400>, scalar_prefetch = 0 : i64, scratch_operands = 0 : i64, tpu.core_type = #tpu.core_type<tc>, window_params = [{transform_indices = @transform_0, window_bounds = array<i64: 2048, 64>}, {transform_indices = @transform_1, window_bounds = array<i64: 2048, 64>}, {transform_indices = @transform_2, window_bounds = array<i64: 2048, 8>}, {transform_indices = @transform_3, window_bounds = array<i64: 2048, 8>}, {transform_indices = @transform_4, window_bounds = array<i64: 128, 8>}, {pipeline_mode = #tpu.pipeline_mode<synchronous>, transform_indices = @transform_5, window_bounds = array<i64: 8, 8>}, {pipeline_mode = #tpu.pipeline_mode<synchronous>, transform_indices = @transform_6, window_bounds = array<i64: 8, 56>}, {pipeline_mode = #tpu.pipeline_mode<synchronous>, transform_indices = @transform_7, window_bounds = array<i64: 8, 56>}, {pipeline_mode = #tpu.pipeline_mode<synchronous>, transform_indices = @transform_8, window_bounds = array<i64: 256, 64>}, {pipeline_mode = #tpu.pipeline_mode<synchronous>, transform_indices = @transform_9, window_bounds = array<i64: 8, 64>}, {pipeline_mode = #tpu.pipeline_mode<synchronous>, transform_indices = @transform_10, window_bounds = array<i64: 64, 64>}, {pipeline_mode = #tpu.pipeline_mode<synchronous>, transform_indices = @transform_11, window_bounds = array<i64: 8, 64>}, {transform_indices = @transform_12, window_bounds = array<i64: 2048, 32>}, {transform_indices = @transform_13, window_bounds = array<i64: 2048, 32>}]} {
    %iota3A = tpu.iota {dimensions = array<i32: 0>} : vector<2048x128xi32>
    %jit3A = arith.constant 16 : i32
    %div3A = vector.broadcast %jit3A : i32 to vector<2048x128xi32>
    %div3A_0 = arith.divsi %iota3A, %div3A : vector<2048x128xi32>
    %sign3A = arith.constant 0 : i32
    %sign3A_1 = vector.broadcast %sign3A : i32 to vector<2048x128xi32>
    %sign3A_2 = arith.cmpi sgt, %iota3A, %sign3A_1 : vector<2048x128xi32>
    %sign3A_3 = arith.extui %sign3A_2 : vector<2048x128xi1> to vector<2048x128xi32>
    %sign3A_4 = arith.constant 0 : i32
    %sign3A_5 = vector.broadcast %sign3A_4 : i32 to vector<2048x128xi32>
    %sign3A_6 = arith.cmpi slt, %iota3A, %sign3A_5 : vector<2048x128xi32>
    %sign3A_7 = arith.extui %sign3A_6 : vector<2048x128xi1> to vector<2048x128xi32>
    %sign3A_8 = arith.subi %sign3A_3, %sign3A_7 : vector<2048x128xi32>
    %sign3A_9 = arith.constant 0 : i32
    %sign3A_10 = arith.cmpi sgt, %jit3A, %sign3A_9 : i32
    %sign3A_11 = arith.extui %sign3A_10 : i1 to i32
    %sign3A_12 = arith.constant 0 : i32
    %sign3A_13 = arith.cmpi slt, %jit3A, %sign3A_12 : i32
    %sign3A_14 = arith.extui %sign3A_13 : i1 to i32
    %sign3A_15 = arith.subi %sign3A_11, %sign3A_14 : i32
    %ne3A = vector.broadcast %sign3A_15 : i32 to vector<2048x128xi32>
    %ne3A_16 = arith.cmpi ne, %sign3A_8, %ne3A : vector<2048x128xi32>
    %rem3A = vector.broadcast %jit3A : i32 to vector<2048x128xi32>
    %rem3A_17 = arith.remsi %iota3A, %rem3A : vector<2048x128xi32>
    %ne3A_18 = arith.constant 0 : i32
    %ne3A_19 = vector.broadcast %ne3A_18 : i32 to vector<2048x128xi32>
    %ne3A_20 = arith.cmpi ne, %rem3A_17, %ne3A_19 : vector<2048x128xi32>
    %and3A = arith.andi %ne3A_16, %ne3A_20 : vector<2048x128xi1>
    %sub3A = arith.constant 1 : i32
    %sub3A_21 = vector.broadcast %sub3A : i32 to vector<2048x128xi32>
    %sub3A_22 = arith.subi %div3A_0, %sub3A_21 : vector<2048x128xi32>
    %select_n3A = arith.select %and3A, %sub3A_22, %div3A_0 : vector<2048x128xi1>, vector<2048x128xi32>
    %iota3A_23 = tpu.iota {dimensions = array<i32: 1>} : vector<2048x128xi32>
    %eq3A = arith.cmpi eq, %select_n3A, %iota3A_23 : vector<2048x128xi32>
    %convert_element_type3A = arith.extui %eq3A : vector<2048x128xi1> to vector<2048x128xi32>
    %convert_element_type3A_24 = arith.sitofp %convert_element_type3A : vector<2048x128xi32> to vector<2048x128xf32>
    %get3A = arith.constant 0 : index
    %get3A_25 = arith.constant 0 : index
    %get3A_26 = vector.load %arg5[%get3A, %get3A_25] : memref<128x8xf32, #tpu.memory_space<vmem>>, vector<128x8xf32>
    %dot_general3A = arith.constant dense<0.000000e+00> : vector<2048x8xf32>
    %dot_general3A_27 = tpu.matmul %convert_element_type3A_24, %get3A_26, %dot_general3A {dimension_numbers = #tpu.dot_dimension_numbers<[1], [0], [0], [1], [0, 0, 1, 1], [], []>, precision = #tpu.contract_precision<fp32>, transpose_lhs_hint = false} : vector<2048x128xf32>, vector<128x8xf32>, vector<2048x8xf32> -> vector<2048x8xf32>
    %mul3A = arith.constant 2048 : i32
    %mul3A_28 = arith.muli %arg0, %mul3A : i32
    %iota3A_29 = tpu.iota {dimensions = array<i32: 0>} : vector<2048x1xi32>
    %add3A = vector.broadcast %mul3A_28 : i32 to vector<2048x1xi32>
    %add3A_30 = arith.addi %add3A, %iota3A_29 : vector<2048x1xi32>
    %eq3A_31 = arith.constant 800000 : i32
    %eq3A_32 = vector.broadcast %eq3A_31 : i32 to vector<2048x1xi32>
    %eq3A_33 = arith.cmpi eq, %add3A_30, %eq3A_32 : vector<2048x1xi32>
    %get3A_34 = arith.constant 0 : index
    %get3A_35 = arith.constant 0 : index
    %get3A_36 = vector.load %arg6[%get3A_34, %get3A_35] : memref<8x8xf32, #tpu.memory_space<vmem>>, vector<1x8xf32>
    %broadcast_in_dim3A = vector.shape_cast %eq3A_33 : vector<2048x1xi1> to vector<2048x1xi1>
    %broadcast_in_dim3A_37 = vector.broadcast %broadcast_in_dim3A : vector<2048x1xi1> to vector<2048x8xi1>
    %broadcast_in_dim3A_38 = vector.shape_cast %get3A_36 : vector<1x8xf32> to vector<1x8xf32>
    %broadcast_in_dim3A_39 = vector.broadcast %broadcast_in_dim3A_38 : vector<1x8xf32> to vector<2048x8xf32>
    %select_n3A_40 = arith.select %broadcast_in_dim3A_37, %broadcast_in_dim3A_39, %dot_general3A_27 : vector<2048x8xi1>, vector<2048x8xf32>
    %get3A_41 = arith.constant 0 : index
    %get3A_42 = arith.constant 0 : index
    %get3A_43 = vector.load %arg1[%get3A_41, %get3A_42] : memref<2048x64xf32, #tpu.memory_space<vmem>>, vector<2048x64xf32>
    %get3A_44 = arith.constant 0 : index
    %get3A_45 = arith.constant 0 : index
    %get3A_46 = vector.load %arg2[%get3A_44, %get3A_45] : memref<2048x64xf32, #tpu.memory_space<vmem>>, vector<2048x64xf32>
    %get3A_47 = arith.constant 0 : index
    %get3A_48 = arith.constant 0 : index
    %get3A_49 = vector.load %arg3[%get3A_47, %get3A_48] : memref<2048x8xf32, #tpu.memory_space<vmem>>, vector<2048x1xf32>
    %get3A_50 = arith.constant 0 : index
    %get3A_51 = arith.constant 0 : index
    %get3A_52 = vector.load %arg4[%get3A_50, %get3A_51] : memref<2048x8xf32, #tpu.memory_space<vmem>>, vector<2048x8xf32>
    %get3A_53 = arith.constant 0 : index
    %get3A_54 = arith.constant 0 : index
    %get3A_55 = vector.load %arg7[%get3A_53, %get3A_54] : memref<8x56xf32, #tpu.memory_space<vmem>>, vector<8x56xf32>
    %dot_general3A_56 = arith.constant dense<0.000000e+00> : vector<2048x56xf32>
    %dot_general3A_57 = tpu.matmul %get3A_52, %get3A_55, %dot_general3A_56 {dimension_numbers = #tpu.dot_dimension_numbers<[1], [0], [0], [1], [0, 0, 1, 1], [], []>, transpose_lhs_hint = false} : vector<2048x8xf32>, vector<8x56xf32>, vector<2048x56xf32> -> vector<2048x56xf32>
    %get3A_58 = arith.constant 0 : index
    %get3A_59 = arith.constant 0 : index
    %get3A_60 = vector.load %arg8[%get3A_58, %get3A_59] : memref<8x56xf32, #tpu.memory_space<vmem>>, vector<1x56xf32>
    %add3A_61 = vector.broadcast %get3A_60 : vector<1x56xf32> to vector<2048x56xf32>
    %add3A_62 = arith.addf %dot_general3A_57, %add3A_61 : vector<2048x56xf32>
    %broadcast_in_dim3A_63 = arith.constant 0.000000e+00 : f32
    %broadcast_in_dim3A_64 = vector.broadcast %broadcast_in_dim3A_63 : f32 to vector<2048x63xf32>
    %concatenate3A = tpu.concatenate %get3A_43, %get3A_46, %select_n3A_40, %add3A_62, %get3A_49, %broadcast_in_dim3A_64 in 1 : vector<2048x64xf32>, vector<2048x64xf32>, vector<2048x8xf32>, vector<2048x56xf32>, vector<2048x1xf32>, vector<2048x63xf32> -> vector<2048x256xf32>
    %get3A_65 = arith.constant 0 : index
    %get3A_66 = arith.constant 0 : index
    %get3A_67 = vector.load %arg9[%get3A_65, %get3A_66] : memref<256x64xf32, #tpu.memory_space<vmem>>, vector<256x64xf32>
    %dot_general3A_68 = arith.constant dense<0.000000e+00> : vector<2048x64xf32>
    %dot_general3A_69 = tpu.matmul %concatenate3A, %get3A_67, %dot_general3A_68 {dimension_numbers = #tpu.dot_dimension_numbers<[1], [0], [0], [1], [0, 0, 1, 1], [], []>, transpose_lhs_hint = false} : vector<2048x256xf32>, vector<256x64xf32>, vector<2048x64xf32> -> vector<2048x64xf32>
    %get3A_70 = arith.constant 0 : index
    %get3A_71 = arith.constant 0 : index
    %get3A_72 = vector.load %arg10[%get3A_70, %get3A_71] : memref<8x64xf32, #tpu.memory_space<vmem>>, vector<1x64xf32>
    %add3A_73 = vector.broadcast %get3A_72 : vector<1x64xf32> to vector<2048x64xf32>
    %add3A_74 = arith.addf %dot_general3A_69, %add3A_73 : vector<2048x64xf32>
    %logistic3A = arith.negf %add3A_74 : vector<2048x64xf32>
    %logistic3A_75 = math.exp %logistic3A : vector<2048x64xf32>
    %logistic3A_76 = arith.constant 1.000000e+00 : f32
    %logistic3A_77 = vector.broadcast %logistic3A_76 : f32 to vector<2048x64xf32>
    %logistic3A_78 = arith.addf %logistic3A_77, %logistic3A_75 : vector<2048x64xf32>
    %logistic3A_79 = arith.divf %logistic3A_77, %logistic3A_78 : vector<2048x64xf32>
    %mul3A_80 = arith.mulf %add3A_74, %logistic3A_79 : vector<2048x64xf32>
    %get3A_81 = arith.constant 0 : index
    %get3A_82 = arith.constant 0 : index
    %get3A_83 = vector.load %arg11[%get3A_81, %get3A_82] : memref<64x64xf32, #tpu.memory_space<vmem>>, vector<64x64xf32>
    %dot_general3A_84 = arith.constant dense<0.000000e+00> : vector<2048x64xf32>
    %dot_general3A_85 = tpu.matmul %mul3A_80, %get3A_83, %dot_general3A_84 {dimension_numbers = #tpu.dot_dimension_numbers<[1], [0], [0], [1], [0, 0, 1, 1], [], []>, transpose_lhs_hint = false} : vector<2048x64xf32>, vector<64x64xf32>, vector<2048x64xf32> -> vector<2048x64xf32>
    %get3A_86 = arith.constant 0 : index
    %get3A_87 = arith.constant 0 : index
    %get3A_88 = vector.load %arg12[%get3A_86, %get3A_87] : memref<8x64xf32, #tpu.memory_space<vmem>>, vector<1x64xf32>
    %add3A_89 = vector.broadcast %get3A_88 : vector<1x64xf32> to vector<2048x64xf32>
    %add3A_90 = arith.addf %dot_general3A_85, %add3A_89 : vector<2048x64xf32>
    %logistic3A_91 = arith.negf %add3A_90 : vector<2048x64xf32>
    %logistic3A_92 = math.exp %logistic3A_91 : vector<2048x64xf32>
    %logistic3A_93 = arith.constant 1.000000e+00 : f32
    %logistic3A_94 = vector.broadcast %logistic3A_93 : f32 to vector<2048x64xf32>
    %logistic3A_95 = arith.addf %logistic3A_94, %logistic3A_92 : vector<2048x64xf32>
    %logistic3A_96 = arith.divf %logistic3A_94, %logistic3A_95 : vector<2048x64xf32>
    %mul3A_97 = arith.mulf %add3A_90, %logistic3A_96 : vector<2048x64xf32>
    %slice3A = vector.extract_strided_slice %mul3A_97 {offsets = [0, 0], sizes = [2048, 32], strides = [1, 1]} : vector<2048x64xf32> to vector<2048x32xf32>
    %swap3A = arith.constant 0 : index
    %swap3A_98 = arith.constant 0 : index
    %swap3A_99 = vector.load %arg13[%swap3A, %swap3A_98] : memref<2048x32xf32, #tpu.memory_space<vmem>>, vector<2048x32xf32>
    tpu.vector_store %arg13[%swap3A, %swap3A_98], %slice3A {strides = array<i32>} : memref<2048x32xf32, #tpu.memory_space<vmem>>, vector<2048x32xf32>,
    %slice3A_100 = vector.extract_strided_slice %mul3A_97 {offsets = [0, 32], sizes = [2048, 32], strides = [1, 1]} : vector<2048x64xf32> to vector<2048x32xf32>
    %swap3A_101 = arith.constant 0 : index
    %swap3A_102 = arith.constant 0 : index
    %swap3A_103 = vector.load %arg14[%swap3A_101, %swap3A_102] : memref<2048x32xf32, #tpu.memory_space<vmem>>, vector<2048x32xf32>
    tpu.vector_store %arg14[%swap3A_101, %swap3A_102], %slice3A_100 {strides = array<i32>} : memref<2048x32xf32, #tpu.memory_space<vmem>>, vector<2048x32xf32>,
    return
  }
  func.func @transform_0(%arg0: i32) -> (i32, i32) {
    %c0_i32 = arith.constant 0 : i32
    %c0_i32_0 = arith.constant 0 : i32
    return %arg0, %c0_i32 : i32, i32
  }
  func.func @transform_1(%arg0: i32) -> (i32, i32) {
    %c0_i32 = arith.constant 0 : i32
    %c0_i32_0 = arith.constant 0 : i32
    return %arg0, %c0_i32 : i32, i32
  }
  func.func @transform_2(%arg0: i32) -> (i32, i32) {
    %c0_i32 = arith.constant 0 : i32
    %c0_i32_0 = arith.constant 0 : i32
    return %arg0, %c0_i32 : i32, i32
  }
  func.func @transform_3(%arg0: i32) -> (i32, i32) {
    %c0_i32 = arith.constant 0 : i32
    %c0_i32_0 = arith.constant 0 : i32
    return %arg0, %c0_i32 : i32, i32
  }
  func.func @transform_4(%arg0: i32) -> (i32, i32) {
    %c0_i32 = arith.constant 0 : i32
    %c0_i32_0 = arith.constant 0 : i32
    return %arg0, %c0_i32 : i32, i32
  }
  func.func @transform_5(%arg0: i32) -> (i32, i32) {
    %c0_i32 = arith.constant 0 : i32
    %c0_i32_0 = arith.constant 0 : i32
    %c0_i32_1 = arith.constant 0 : i32
    return %c0_i32, %c0_i32_0 : i32, i32
  }
  func.func @transform_6(%arg0: i32) -> (i32, i32) {
    %c0_i32 = arith.constant 0 : i32
    %c0_i32_0 = arith.constant 0 : i32
    %c0_i32_1 = arith.constant 0 : i32
    return %c0_i32, %c0_i32_0 : i32, i32
  }
  func.func @transform_7(%arg0: i32) -> (i32, i32) {
    %c0_i32 = arith.constant 0 : i32
    %c0_i32_0 = arith.constant 0 : i32
    %c0_i32_1 = arith.constant 0 : i32
    return %c0_i32, %c0_i32_0 : i32, i32
  }
  func.func @transform_8(%arg0: i32) -> (i32, i32) {
    %c0_i32 = arith.constant 0 : i32
    %c0_i32_0 = arith.constant 0 : i32
    %c0_i32_1 = arith.constant 0 : i32
    return %c0_i32, %c0_i32_0 : i32, i32
  }
  func.func @transform_9(%arg0: i32) -> (i32, i32) {
    %c0_i32 = arith.constant 0 : i32
    %c0_i32_0 = arith.constant 0 : i32
    %c0_i32_1 = arith.constant 0 : i32
    return %c0_i32, %c0_i32_0 : i32, i32
  }
  func.func @transform_10(%arg0: i32) -> (i32, i32) {
    %c0_i32 = arith.constant 0 : i32
    %c0_i32_0 = arith.constant 0 : i32
    %c0_i32_1 = arith.constant 0 : i32
    return %c0_i32, %c0_i32_0 : i32, i32
  }
  func.func @transform_11(%arg0: i32) -> (i32, i32) {
    %c0_i32 = arith.constant 0 : i32
    %c0_i32_0 = arith.constant 0 : i32
    %c0_i32_1 = arith.constant 0 : i32
    return %c0_i32, %c0_i32_0 : i32, i32
  }
  func.func @transform_12(%arg0: i32) -> (i32, i32) {
    %c0_i32 = arith.constant 0 : i32
    %c0_i32_0 = arith.constant 0 : i32
    return %arg0, %c0_i32 : i32, i32
  }
  func.func @transform_13(%arg0: i32) -> (i32, i32) {
    %c0_i32 = arith.constant 0 : i32
    %c0_i32_0 = arith.constant 0 : i32
    return %arg0, %c0_i32 : i32, i32
  }
}

module attributes {stable_mosaic.version = 14 : i64} {
  func.func @_node2_body(%arg0: i32, %arg1: memref<1024x64xf32, #tpu.memory_space<vmem>>, %arg2: memref<1024x32xf32, #tpu.memory_space<vmem>>, %arg3: memref<1024x32xf32, #tpu.memory_space<vmem>>, %arg4: memref<128x64xf32, #tpu.memory_space<vmem>>, %arg5: memref<8x64xf32, #tpu.memory_space<vmem>>, %arg6: memref<64x64xf32, #tpu.memory_space<vmem>>, %arg7: memref<8x64xf32, #tpu.memory_space<vmem>>, %arg8: memref<64x64xf32, #tpu.memory_space<vmem>>, %arg9: memref<8x64xf32, #tpu.memory_space<vmem>>, %arg10: memref<1024x64xf32, #tpu.memory_space<vmem>>) attributes {dimension_semantics = [#tpu.dimension_semantics<arbitrary>], iteration_bounds = array<i64: 50>, scalar_prefetch = 0 : i64, scratch_operands = 0 : i64, tpu.core_type = #tpu.core_type<tc>, window_params = [{transform_indices = @transform_0, window_bounds = array<i64: 1024, 64>}, {transform_indices = @transform_1, window_bounds = array<i64: 1024, 32>}, {transform_indices = @transform_2, window_bounds = array<i64: 1024, 32>}, {pipeline_mode = #tpu.pipeline_mode<synchronous>, transform_indices = @transform_3, window_bounds = array<i64: 128, 64>}, {pipeline_mode = #tpu.pipeline_mode<synchronous>, transform_indices = @transform_4, window_bounds = array<i64: 8, 64>}, {pipeline_mode = #tpu.pipeline_mode<synchronous>, transform_indices = @transform_5, window_bounds = array<i64: 64, 64>}, {pipeline_mode = #tpu.pipeline_mode<synchronous>, transform_indices = @transform_6, window_bounds = array<i64: 8, 64>}, {pipeline_mode = #tpu.pipeline_mode<synchronous>, transform_indices = @transform_7, window_bounds = array<i64: 64, 64>}, {pipeline_mode = #tpu.pipeline_mode<synchronous>, transform_indices = @transform_8, window_bounds = array<i64: 8, 64>}, {transform_indices = @transform_9, window_bounds = array<i64: 1024, 64>}]} {
    %get3A = arith.constant 0 : index
    %get3A_0 = arith.constant 0 : index
    %get3A_1 = vector.load %arg1[%get3A, %get3A_0] : memref<1024x64xf32, #tpu.memory_space<vmem>>, vector<1024x64xf32>
    %get3A_2 = arith.constant 0 : index
    %get3A_3 = arith.constant 0 : index
    %get3A_4 = vector.load %arg2[%get3A_2, %get3A_3] : memref<1024x32xf32, #tpu.memory_space<vmem>>, vector<1024x32xf32>
    %get3A_5 = arith.constant 0 : index
    %get3A_6 = arith.constant 0 : index
    %get3A_7 = vector.load %arg3[%get3A_5, %get3A_6] : memref<1024x32xf32, #tpu.memory_space<vmem>>, vector<1024x32xf32>
    %concatenate3A = tpu.concatenate %get3A_1, %get3A_4, %get3A_7 in 1 : vector<1024x64xf32>, vector<1024x32xf32>, vector<1024x32xf32> -> vector<1024x128xf32>
    %get3A_8 = arith.constant 0 : index
    %get3A_9 = arith.constant 0 : index
    %get3A_10 = vector.load %arg4[%get3A_8, %get3A_9] : memref<128x64xf32, #tpu.memory_space<vmem>>, vector<128x64xf32>
    %dot_general3A = arith.constant dense<0.000000e+00> : vector<1024x64xf32>
    %dot_general3A_11 = tpu.matmul %concatenate3A, %get3A_10, %dot_general3A {dimension_numbers = #tpu.dot_dimension_numbers<[1], [0], [0], [1], [0, 0, 1, 1], [], []>, transpose_lhs_hint = false} : vector<1024x128xf32>, vector<128x64xf32>, vector<1024x64xf32> -> vector<1024x64xf32>
    %get3A_12 = arith.constant 0 : index
    %get3A_13 = arith.constant 0 : index
    %get3A_14 = vector.load %arg5[%get3A_12, %get3A_13] : memref<8x64xf32, #tpu.memory_space<vmem>>, vector<1x64xf32>
    %add3A = vector.broadcast %get3A_14 : vector<1x64xf32> to vector<1024x64xf32>
    %add3A_15 = arith.addf %dot_general3A_11, %add3A : vector<1024x64xf32>
    %logistic3A = arith.negf %add3A_15 : vector<1024x64xf32>
    %logistic3A_16 = math.exp %logistic3A : vector<1024x64xf32>
    %logistic3A_17 = arith.constant 1.000000e+00 : f32
    %logistic3A_18 = vector.broadcast %logistic3A_17 : f32 to vector<1024x64xf32>
    %logistic3A_19 = arith.addf %logistic3A_18, %logistic3A_16 : vector<1024x64xf32>
    %logistic3A_20 = arith.divf %logistic3A_18, %logistic3A_19 : vector<1024x64xf32>
    %mul3A = arith.mulf %add3A_15, %logistic3A_20 : vector<1024x64xf32>
    %get3A_21 = arith.constant 0 : index
    %get3A_22 = arith.constant 0 : index
    %get3A_23 = vector.load %arg6[%get3A_21, %get3A_22] : memref<64x64xf32, #tpu.memory_space<vmem>>, vector<64x64xf32>
    %dot_general3A_24 = arith.constant dense<0.000000e+00> : vector<1024x64xf32>
    %dot_general3A_25 = tpu.matmul %mul3A, %get3A_23, %dot_general3A_24 {dimension_numbers = #tpu.dot_dimension_numbers<[1], [0], [0], [1], [0, 0, 1, 1], [], []>, transpose_lhs_hint = false} : vector<1024x64xf32>, vector<64x64xf32>, vector<1024x64xf32> -> vector<1024x64xf32>
    %add3A_26 = arith.addf %get3A_1, %dot_general3A_25 : vector<1024x64xf32>
    %get3A_27 = arith.constant 0 : index
    %get3A_28 = arith.constant 0 : index
    %get3A_29 = vector.load %arg7[%get3A_27, %get3A_28] : memref<8x64xf32, #tpu.memory_space<vmem>>, vector<1x64xf32>
    %add3A_30 = vector.broadcast %get3A_29 : vector<1x64xf32> to vector<1024x64xf32>
    %add3A_31 = arith.addf %add3A_26, %add3A_30 : vector<1024x64xf32>
    %get3A_32 = arith.constant 0 : index
    %get3A_33 = arith.constant 0 : index
    %get3A_34 = vector.load %arg8[%get3A_32, %get3A_33] : memref<64x64xf32, #tpu.memory_space<vmem>>, vector<64x64xf32>
    %dot_general3A_35 = arith.constant dense<0.000000e+00> : vector<1024x64xf32>
    %dot_general3A_36 = tpu.matmul %add3A_31, %get3A_34, %dot_general3A_35 {dimension_numbers = #tpu.dot_dimension_numbers<[1], [0], [0], [1], [0, 0, 1, 1], [], []>, transpose_lhs_hint = false} : vector<1024x64xf32>, vector<64x64xf32>, vector<1024x64xf32> -> vector<1024x64xf32>
    %get3A_37 = arith.constant 0 : index
    %get3A_38 = arith.constant 0 : index
    %get3A_39 = vector.load %arg9[%get3A_37, %get3A_38] : memref<8x64xf32, #tpu.memory_space<vmem>>, vector<1x64xf32>
    %add3A_40 = vector.broadcast %get3A_39 : vector<1x64xf32> to vector<1024x64xf32>
    %add3A_41 = arith.addf %dot_general3A_36, %add3A_40 : vector<1024x64xf32>
    %swap3A = arith.constant 0 : index
    %swap3A_42 = arith.constant 0 : index
    %swap3A_43 = vector.load %arg10[%swap3A, %swap3A_42] : memref<1024x64xf32, #tpu.memory_space<vmem>>, vector<1024x64xf32>
    tpu.vector_store %arg10[%swap3A, %swap3A_42], %add3A_41 {strides = array<i32>} : memref<1024x64xf32, #tpu.memory_space<vmem>>, vector<1024x64xf32>,
    return
  }
  func.func @transform_0(%arg0: i32) -> (i32, i32) {
    %c0_i32 = arith.constant 0 : i32
    %c0_i32_0 = arith.constant 0 : i32
    return %arg0, %c0_i32 : i32, i32
  }
  func.func @transform_1(%arg0: i32) -> (i32, i32) {
    %c0_i32 = arith.constant 0 : i32
    %c0_i32_0 = arith.constant 0 : i32
    return %arg0, %c0_i32 : i32, i32
  }
  func.func @transform_2(%arg0: i32) -> (i32, i32) {
    %c0_i32 = arith.constant 0 : i32
    %c0_i32_0 = arith.constant 0 : i32
    return %arg0, %c0_i32 : i32, i32
  }
  func.func @transform_3(%arg0: i32) -> (i32, i32) {
    %c0_i32 = arith.constant 0 : i32
    %c0_i32_0 = arith.constant 0 : i32
    %c0_i32_1 = arith.constant 0 : i32
    return %c0_i32, %c0_i32_0 : i32, i32
  }
  func.func @transform_4(%arg0: i32) -> (i32, i32) {
    %c0_i32 = arith.constant 0 : i32
    %c0_i32_0 = arith.constant 0 : i32
    %c0_i32_1 = arith.constant 0 : i32
    return %c0_i32, %c0_i32_0 : i32, i32
  }
  func.func @transform_5(%arg0: i32) -> (i32, i32) {
    %c0_i32 = arith.constant 0 : i32
    %c0_i32_0 = arith.constant 0 : i32
    %c0_i32_1 = arith.constant 0 : i32
    return %c0_i32, %c0_i32_0 : i32, i32
  }
  func.func @transform_6(%arg0: i32) -> (i32, i32) {
    %c0_i32 = arith.constant 0 : i32
    %c0_i32_0 = arith.constant 0 : i32
    %c0_i32_1 = arith.constant 0 : i32
    return %c0_i32, %c0_i32_0 : i32, i32
  }
  func.func @transform_7(%arg0: i32) -> (i32, i32) {
    %c0_i32 = arith.constant 0 : i32
    %c0_i32_0 = arith.constant 0 : i32
    %c0_i32_1 = arith.constant 0 : i32
    return %c0_i32, %c0_i32_0 : i32, i32
  }
  func.func @transform_8(%arg0: i32) -> (i32, i32) {
    %c0_i32 = arith.constant 0 : i32
    %c0_i32_0 = arith.constant 0 : i32
    %c0_i32_1 = arith.constant 0 : i32
    return %c0_i32, %c0_i32_0 : i32, i32
  }
  func.func @transform_9(%arg0: i32) -> (i32, i32) {
    %c0_i32 = arith.constant 0 : i32
    %c0_i32_0 = arith.constant 0 : i32
    return %arg0, %c0_i32 : i32, i32
  }
}

module attributes {stable_mosaic.version = 14 : i64} {
  func.func @_pool_body(%arg0: i32, %arg1: memref<1024x64xf32, #tpu.memory_space<vmem>>, %arg2: memref<1x1x1024xi32, #tpu.memory_space<vmem>>, %arg3: memref<64x32xf32, #tpu.memory_space<vmem>>, %arg4: memref<8x32xf32, #tpu.memory_space<vmem>>, %arg5: memref<32x16xf32, #tpu.memory_space<vmem>>, %arg6: memref<8x16xf32, #tpu.memory_space<vmem>>, %arg7: memref<16x8xf32, #tpu.memory_space<vmem>>, %arg8: memref<8x8xf32, #tpu.memory_space<vmem>>, %arg9: memref<512x8xf32, #tpu.memory_space<vmem>>, %arg10: memref<512x64xf32, #tpu.memory_space<vmem>>) attributes {dimension_semantics = [#tpu.dimension_semantics<arbitrary>], iteration_bounds = array<i64: 50>, scalar_prefetch = 0 : i64, scratch_operands = 1 : i64, tpu.core_type = #tpu.core_type<tc>, window_params = [{transform_indices = @transform_0, window_bounds = array<i64: 1024, 64>}, {transform_indices = @transform_1, window_bounds = array<i64: 1, 1, 1024>}, {pipeline_mode = #tpu.pipeline_mode<synchronous>, transform_indices = @transform_2, window_bounds = array<i64: 64, 32>}, {pipeline_mode = #tpu.pipeline_mode<synchronous>, transform_indices = @transform_3, window_bounds = array<i64: 8, 32>}, {pipeline_mode = #tpu.pipeline_mode<synchronous>, transform_indices = @transform_4, window_bounds = array<i64: 32, 16>}, {pipeline_mode = #tpu.pipeline_mode<synchronous>, transform_indices = @transform_5, window_bounds = array<i64: 8, 16>}, {pipeline_mode = #tpu.pipeline_mode<synchronous>, transform_indices = @transform_6, window_bounds = array<i64: 16, 8>}, {pipeline_mode = #tpu.pipeline_mode<synchronous>, transform_indices = @transform_7, window_bounds = array<i64: 8, 8>}, {pipeline_mode = #tpu.pipeline_mode<synchronous>, transform_indices = @transform_8, window_bounds = array<i64: 512, 8>}]} {
    %eq3A = arith.constant 0 : i32
    %eq3A_0 = arith.cmpi eq, %arg0, %eq3A : i32
    %convert_element_type3A = arith.extui %eq3A_0 : i1 to i32
    %cond3A = arith.constant 0 : i32
    %cond3A_1 = arith.cmpi ne, %convert_element_type3A, %cond3A : i32
    scf.if %cond3A_1 {
      %broadcast_in_dim3A = arith.constant 0.000000e+00 : f32
      %broadcast_in_dim3A_24 = vector.broadcast %broadcast_in_dim3A : f32 to vector<512x64xf32>
      %swap3A_25 = arith.constant 0 : index
      %swap3A_26 = arith.constant 0 : index
      %swap3A_27 = vector.load %arg10[%swap3A_25, %swap3A_26] : memref<512x64xf32, #tpu.memory_space<vmem>>, vector<512x64xf32>
      tpu.vector_store %arg10[%swap3A_25, %swap3A_26], %broadcast_in_dim3A_24 {strides = array<i32>} : memref<512x64xf32, #tpu.memory_space<vmem>>, vector<512x64xf32>,
    } else {
    }
    %get3A = arith.constant 0 : index
    %get3A_2 = arith.constant 0 : index
    %get3A_3 = arith.constant 0 : index
    %get3A_4 = vector.load %arg2[%get3A, %get3A_2, %get3A_3] : memref<1x1x1024xi32, #tpu.memory_space<vmem>>, vector<1x1x1024xi32>
    %get3A_5 = vector.shape_cast %get3A_4 : vector<1x1x1024xi32> to vector<1x1024xi32>
    %iota3A = tpu.iota {dimensions = array<i32: 0>} : vector<512x1024xi32>
    %eq3A_6 = vector.broadcast %get3A_5 : vector<1x1024xi32> to vector<512x1024xi32>
    %eq3A_7 = arith.cmpi eq, %eq3A_6, %iota3A : vector<512x1024xi32>
    %convert_element_type3A_8 = arith.extui %eq3A_7 : vector<512x1024xi1> to vector<512x1024xi32>
    %convert_element_type3A_9 = arith.sitofp %convert_element_type3A_8 : vector<512x1024xi32> to vector<512x1024xf32>
    %get3A_10 = arith.constant 0 : index
    %get3A_11 = arith.constant 0 : index
    %get3A_12 = vector.load %arg10[%get3A_10, %get3A_11] : memref<512x64xf32, #tpu.memory_space<vmem>>, vector<512x64xf32>
    %get3A_13 = arith.constant 0 : index
    %get3A_14 = arith.constant 0 : index
    %get3A_15 = vector.load %arg1[%get3A_13, %get3A_14] : memref<1024x64xf32, #tpu.memory_space<vmem>>, vector<1024x64xf32>
    %dot_general3A = arith.constant dense<0.000000e+00> : vector<512x64xf32>
    %dot_general3A_16 = tpu.matmul %convert_element_type3A_9, %get3A_15, %dot_general3A {dimension_numbers = #tpu.dot_dimension_numbers<[1], [0], [0], [1], [0, 0, 1, 1], [], []>, precision = #tpu.contract_precision<fp32>, transpose_lhs_hint = false} : vector<512x1024xf32>, vector<1024x64xf32>, vector<512x64xf32> -> vector<512x64xf32>
    %add3A = arith.addf %get3A_12, %dot_general3A_16 : vector<512x64xf32>
    %swap3A = arith.constant 0 : index
    %swap3A_17 = arith.constant 0 : index
    %swap3A_18 = vector.load %arg10[%swap3A, %swap3A_17] : memref<512x64xf32, #tpu.memory_space<vmem>>, vector<512x64xf32>
    tpu.vector_store %arg10[%swap3A, %swap3A_17], %add3A {strides = array<i32>} : memref<512x64xf32, #tpu.memory_space<vmem>>, vector<512x64xf32>,
    %eq3A_19 = arith.constant 49 : i32
    %eq3A_20 = arith.cmpi eq, %arg0, %eq3A_19 : i32
    %convert_element_type3A_21 = arith.extui %eq3A_20 : i1 to i32
    %cond3A_22 = arith.constant 0 : i32
    %cond3A_23 = arith.cmpi ne, %convert_element_type3A_21, %cond3A_22 : i32
    scf.if %cond3A_23 {
      %get3A_24 = arith.constant 0 : index
      %get3A_25 = arith.constant 0 : index
      %get3A_26 = vector.load %arg10[%get3A_24, %get3A_25] : memref<512x64xf32, #tpu.memory_space<vmem>>, vector<512x64xf32>
      %get3A_27 = arith.constant 0 : index
      %get3A_28 = arith.constant 0 : index
      %get3A_29 = vector.load %arg3[%get3A_27, %get3A_28] : memref<64x32xf32, #tpu.memory_space<vmem>>, vector<64x32xf32>
      %dot_general3A_30 = arith.constant dense<0.000000e+00> : vector<512x32xf32>
      %dot_general3A_31 = tpu.matmul %get3A_26, %get3A_29, %dot_general3A_30 {dimension_numbers = #tpu.dot_dimension_numbers<[1], [0], [0], [1], [0, 0, 1, 1], [], []>, transpose_lhs_hint = false} : vector<512x64xf32>, vector<64x32xf32>, vector<512x32xf32> -> vector<512x32xf32>
      %get3A_32 = arith.constant 0 : index
      %get3A_33 = arith.constant 0 : index
      %get3A_34 = vector.load %arg4[%get3A_32, %get3A_33] : memref<8x32xf32, #tpu.memory_space<vmem>>, vector<1x32xf32>
      %add3A_35 = vector.broadcast %get3A_34 : vector<1x32xf32> to vector<512x32xf32>
      %add3A_36 = arith.addf %dot_general3A_31, %add3A_35 : vector<512x32xf32>
      %max3A = arith.constant 0.000000e+00 : f32
      %max3A_37 = vector.broadcast %max3A : f32 to vector<512x32xf32>
      %max3A_38 = arith.maximumf %add3A_36, %max3A_37 : vector<512x32xf32>
      %get3A_39 = arith.constant 0 : index
      %get3A_40 = arith.constant 0 : index
      %get3A_41 = vector.load %arg5[%get3A_39, %get3A_40] : memref<32x16xf32, #tpu.memory_space<vmem>>, vector<32x16xf32>
      %dot_general3A_42 = arith.constant dense<0.000000e+00> : vector<512x16xf32>
      %dot_general3A_43 = tpu.matmul %max3A_38, %get3A_41, %dot_general3A_42 {dimension_numbers = #tpu.dot_dimension_numbers<[1], [0], [0], [1], [0, 0, 1, 1], [], []>, transpose_lhs_hint = false} : vector<512x32xf32>, vector<32x16xf32>, vector<512x16xf32> -> vector<512x16xf32>
      %get3A_44 = arith.constant 0 : index
      %get3A_45 = arith.constant 0 : index
      %get3A_46 = vector.load %arg6[%get3A_44, %get3A_45] : memref<8x16xf32, #tpu.memory_space<vmem>>, vector<1x16xf32>
      %add3A_47 = vector.broadcast %get3A_46 : vector<1x16xf32> to vector<512x16xf32>
      %add3A_48 = arith.addf %dot_general3A_43, %add3A_47 : vector<512x16xf32>
      %max3A_49 = arith.constant 0.000000e+00 : f32
      %max3A_50 = vector.broadcast %max3A_49 : f32 to vector<512x16xf32>
      %max3A_51 = arith.maximumf %add3A_48, %max3A_50 : vector<512x16xf32>
      %get3A_52 = arith.constant 0 : index
      %get3A_53 = arith.constant 0 : index
      %get3A_54 = vector.load %arg7[%get3A_52, %get3A_53] : memref<16x8xf32, #tpu.memory_space<vmem>>, vector<16x8xf32>
      %dot_general3A_55 = arith.constant dense<0.000000e+00> : vector<512x8xf32>
      %dot_general3A_56 = tpu.matmul %max3A_51, %get3A_54, %dot_general3A_55 {dimension_numbers = #tpu.dot_dimension_numbers<[1], [0], [0], [1], [0, 0, 1, 1], [], []>, transpose_lhs_hint = false} : vector<512x16xf32>, vector<16x8xf32>, vector<512x8xf32> -> vector<512x8xf32>
      %get3A_57 = arith.constant 0 : index
      %get3A_58 = arith.constant 0 : index
      %get3A_59 = vector.load %arg8[%get3A_57, %get3A_58] : memref<8x8xf32, #tpu.memory_space<vmem>>, vector<1x8xf32>
      %add3A_60 = vector.broadcast %get3A_59 : vector<1x8xf32> to vector<512x8xf32>
      %add3A_61 = arith.addf %dot_general3A_56, %add3A_60 : vector<512x8xf32>
      %swap3A_62 = arith.constant 0 : index
      %swap3A_63 = arith.constant 0 : index
      %swap3A_64 = vector.load %arg9[%swap3A_62, %swap3A_63] : memref<512x8xf32, #tpu.memory_space<vmem>>, vector<512x8xf32>
      tpu.vector_store %arg9[%swap3A_62, %swap3A_63], %add3A_61 {strides = array<i32>} : memref<512x8xf32, #tpu.memory_space<vmem>>, vector<512x8xf32>,
    } else {
    }
    return
  }
  func.func @transform_0(%arg0: i32) -> (i32, i32) {
    %c0_i32 = arith.constant 0 : i32
    %c0_i32_0 = arith.constant 0 : i32
    return %arg0, %c0_i32 : i32, i32
  }
  func.func @transform_1(%arg0: i32) -> (i32, i32, i32) {
    %c0_i32 = arith.constant 0 : i32
    %c0_i32_0 = arith.constant 0 : i32
    %c0_i32_1 = arith.constant 0 : i32
    return %arg0, %c0_i32, %c0_i32_0 : i32, i32, i32
  }
  func.func @transform_2(%arg0: i32) -> (i32, i32) {
    %c0_i32 = arith.constant 0 : i32
    %c0_i32_0 = arith.constant 0 : i32
    %c0_i32_1 = arith.constant 0 : i32
    return %c0_i32, %c0_i32_0 : i32, i32
  }
  func.func @transform_3(%arg0: i32) -> (i32, i32) {
    %c0_i32 = arith.constant 0 : i32
    %c0_i32_0 = arith.constant 0 : i32
    %c0_i32_1 = arith.constant 0 : i32
    return %c0_i32, %c0_i32_0 : i32, i32
  }
  func.func @transform_4(%arg0: i32) -> (i32, i32) {
    %c0_i32 = arith.constant 0 : i32
    %c0_i32_0 = arith.constant 0 : i32
    %c0_i32_1 = arith.constant 0 : i32
    return %c0_i32, %c0_i32_0 : i32, i32
  }
  func.func @transform_5(%arg0: i32) -> (i32, i32) {
    %c0_i32 = arith.constant 0 : i32
    %c0_i32_0 = arith.constant 0 : i32
    %c0_i32_1 = arith.constant 0 : i32
    return %c0_i32, %c0_i32_0 : i32, i32
  }
  func.func @transform_6(%arg0: i32) -> (i32, i32) {
    %c0_i32 = arith.constant 0 : i32
    %c0_i32_0 = arith.constant 0 : i32
    %c0_i32_1 = arith.constant 0 : i32
    return %c0_i32, %c0_i32_0 : i32, i32
  }
  func.func @transform_7(%arg0: i32) -> (i32, i32) {
    %c0_i32 = arith.constant 0 : i32
    %c0_i32_0 = arith.constant 0 : i32
    %c0_i32_1 = arith.constant 0 : i32
    return %c0_i32, %c0_i32_0 : i32, i32
  }
  func.func @transform_8(%arg0: i32) -> (i32, i32) {
    %c0_i32 = arith.constant 0 : i32
    %c0_i32_0 = arith.constant 0 : i32
    %c0_i32_1 = arith.constant 0 : i32
    return %c0_i32, %c0_i32_0 : i32, i32
  }
}

</mosaic_0001>

<sc_bundles>
// kernel: kernel.13.cloned.1.call-start
scs
__scs_entry_jumppad:
0x0: {  	(pc) =	sbr.rel $0x88, $3  }
0x1: {  	(tag) =	ssettag $0x0;
	lr =	simm.s32 $0x1  }
0x2: {  	[smem:$0x3F71] =	sst lr;
	_ =	strace $0xD0000000  }
0x3: {  	_ = 	snop  }
0x4: {  	_ = 	snop  }
0x5: {  	_ = 	snop  }
0x6: {  	_ = 	snop  }
0x7: {  	_ = 	snop  }
__scs_overlays_trampoline_lowered:
0x8: {  	[smem:$0x3F80] =	sst s0  }
0x9: {  	[smem:$0x3F81] =	sst s1  }
0xa: {  	[smem:$0x3F82] =	sst s2  }
0xb: {  	[smem:$0x3F83] =	sst s3  }
0xc: {  	[smem:$0x3F84] =	sst s4  }
0xd: {  	[smem:$0x3F85] =	sst s5  }
0xe: {  	[smem:$0x3F86] =	sst s6  }
0xf: {  	[smem:$0x3F87] =	sst s7  }
0x10: {  	[smem:$0x3F88] =	sst s8  }
0x11: {  	[smem:$0x3F89] =	sst s9;
	s0 =	simm.s32 @!p0 $0x0  }
0x12: {  	s1 =	sld [smem:$0x3F6F];
	s0 =	simm.s32 @p0 $0x1  }
0x13: {  	[smem:$0x3F8A] =	sst s0;
	s0 =	simm.s32 @!p1 $0x0  }
0x14: {  	s2 =	sld [smem:$0x3F6E];
	s0 =	simm.s32 @p1 $0x1  }
0x15: {  	[smem:$0x3F8B] =	sst s0;
	s0 =	simm.s32 @!p2 $0x0  }
0x16: {  	s3 =	sld [smem:$0x3FDB];
	s0 =	simm.s32 @p2 $0x1  }
0x17: {  	s4 =	simm.s32 $0x1BF5;
	[smem:$0x3F8D] =	sst s0  }
0x18: {  	s0 =	sld [smem:$0x3F70];
	_ =	swait.ge [sflag:s4], $0x0  }
0x19: {  	s7 =	sld [smem:$0x3F71]  }
0x1a: {  	s8 =	sadd.s32 $0xFFFFE003, lr  }
0x1b: {  	s9 =	sadd.s32 $0xFFFFFEF7, lr;
	s5 =	simm.s32 $0xFFFFFFFF;
	p2 =	slt.u32 s8, $0xFFFFF086  }
0x1c: {  	p1 =	slt.u32 s9, $0xF7A;
	s5 =	simm.s32 @!p2 $0x0  }
0x1d: {  	s5 =	simm.s32 @p1 $0x1;
	p0 =	seq.s32 s7, s2  }
0x1e: {  	s7 =	smul.u32 @!p0 $0xF7A, s2;
	p2 =	seq.s32 @!p0 s5, $0x0  }
0x1f: {  	s9 =	smul.u32 $0xF7A, s1;
	s8 =	simm.s32 @!p0 $0x1BF5;
	p2 =	por !p2, p0  }
0x20: {  	[sflag:s8] =	ssyncset.s32 @!p0 $0xFFFFF086;
	s6 =	sadd.s32 @!p0 s3, s7;
	s7 =	simm.s32 @!p0 $0x108  }
0x21: {  	s3 =	sadd.s32 s3, s9;
	s6 =	sadd.s32 @!p0 $0x88, s6;
	s7 =	simm.s32 @p2 $0x1082  }
0x22: {  	[simem:s7], [sflag:s8] =	dma.local @!p0 [hbm:s6], $0xF7A  }
0x23: {  	s9 =	sor.u32 $0xD0000000, s2;
	s6 =	simm.s32 $0x108;
	_ =	swait.ge @!p0 [sflag:s8], $0x0  }
0x24: {  	s3 =	sadd.s32 $0x88, s3;
	s6 =	simm.s32 @!p1 $0x1082;
	[sflag:s4] =	ssyncset.s32 $0xFFFFF086  }
0x25: {  	[simem:s6], [sflag:s4] =	dma.local [hbm:s3], $0xF7A  }
0x26: {  	[smem:$0x3F71] =	sst s1;
	(tag) =	ssettag s2;
	_ =	strace s9  }
0x27: {  	s1 =	sld [smem:$0x3F81]  }
0x28: {  	s2 =	sld [smem:$0x3F82]  }
0x29: {  	s4 =	sld [smem:$0x3F84]  }
0x2a: {  	p0 =	seq.s32 s5, $0x0;
	s5 =	sld [smem:$0x3F85]  }
0x2b: {  	s6 =	sld [smem:$0x3F86]  }
0x2c: {  	s7 =	sld [smem:$0x3F87]  }
0x2d: {  	s3 =	simm.s32 $0x108;
	s8 =	sld [smem:$0x3F88]  }
0x2e: {  	s3 =	simm.s32 @!p0 $0x1082;
	s9 =	sld [smem:$0x3F89]  }
0x2f: {  	lr =	sadd.s32 s0, s3;
	s0 =	sld [smem:$0x3F80]  }
0x30: {  	s3 =	sld [smem:$0x3F83]  }
0x31: {  	[smem:$0x3F8C] =	sst s10  }
0x32: {  	s10 =	sld [smem:$0x3F8A];
	_ =	sdelay $0x3  }
0x33: {  	p0 =	seq.s32 s10, $0x1;
	s10 =	sld [smem:$0x3F8C];
	_ =	sdelay $0x3  }
0x34: {  	[smem:$0x3F8C] =	sst s10  }
0x35: {  	s10 =	sld [smem:$0x3F8B];
	_ =	sdelay $0x3  }
0x36: {  	p1 =	seq.s32 s10, $0x1;
	s10 =	sld [smem:$0x3F8C];
	_ =	sdelay $0x3  }
0x37: {  	[smem:$0x3F8C] =	sst s10  }
0x38: {  	s10 =	sld [smem:$0x3F8D]  }
0x39: {  	_ = 	snop;
	(pc) =	sbr.ind lr, $3  }
0x3a: {  	_ = 	snop  }
0x3b: {  	_ = 	snop  }
0x3c: {  	p2 =	seq.s32 s10, $0x1;
	s10 =	sld [smem:$0x3F8C]  }
0x3d: {  	_ =	shalt  }
0x3e: {  	_ =	shalt  }
0x3f: {  	_ =	shalt  }
0x40: {  	_ =	shalt  }
0x41: {  	_ =	shalt  }
0x42: {  	_ =	shalt  }
0x43: {  	_ =	shalt  }
0x44: {  	_ =	shalt  }
0x45: {  	_ =	shalt  }
0x46: {  	_ =	shalt  }
0x47: {  	_ =	shalt  }
0x48: {  	_ =	shalt  }
0x49: {  	_ =	shalt  }
0x4a: {  	_ =	shalt  }
0x4b: {  	_ =	shalt  }
0x4c: {  	_ =	shalt  }
0x4d: {  	_ =	shalt  }
0x4e: {  	_ =	shalt  }
0x4f: {  	_ =	shalt  }
0x50: {  	_ =	shalt  }
0x51: {  	_ =	shalt  }
0x52: {  	_ =	shalt  }
0x53: {  	_ =	shalt  }
0x54: {  	_ =	shalt  }
0x55: {  	_ =	shalt  }
0x56: {  	_ =	shalt  }
0x57: {  	_ =	shalt  }
0x58: {  	_ =	shalt  }
0x59: {  	_ =	shalt  }
0x5a: {  	_ =	shalt  }
0x5b: {  	_ =	shalt  }
0x5c: {  	_ =	shalt  }
0x5d: {  	_ =	shalt  }
0x5e: {  	_ =	shalt  }
0x5f: {  	_ =	shalt  }
0x60: {  	_ =	shalt  }
0x61: {  	_ =	shalt  }
0x62: {  	_ =	shalt  }
0x63: {  	_ =	shalt  }
0x64: {  	_ =	shalt  }
0x65: {  	_ =	shalt  }
0x66: {  	_ =	shalt  }
0x67: {  	_ =	shalt  }
0x68: {  	_ =	shalt  }
0x69: {  	_ =	shalt  }
0x6a: {  	_ =	shalt  }
0x6b: {  	_ =	shalt  }
0x6c: {  	_ =	shalt  }
0x6d: {  	_ =	shalt  }
0x6e: {  	_ =	shalt  }
0x6f: {  	_ =	shalt  }
0x70: {  	_ =	shalt  }
0x71: {  	_ =	shalt  }
0x72: {  	_ =	shalt  }
0x73: {  	_ =	shalt  }
0x74: {  	_ =	shalt  }
0x75: {  	_ =	shalt  }
0x76: {  	_ =	shalt  }
0x77: {  	_ =	shalt  }
0x78: {  	_ =	shalt  }
0x79: {  	_ =	shalt  }
0x7a: {  	_ =	shalt  }
0x7b: {  	_ =	shalt  }
0x7c: {  	_ =	shalt  }
0x7d: {  	_ =	shalt  }
0x7e: {  	_ =	shalt  }
0x7f: {  	_ =	shalt  }
0x80: {  	_ =	shalt  }
0x81: {  	_ =	shalt  }
0x82: {  	_ =	shalt  }
0x83: {  	_ =	shalt  }
0x84: {  	_ =	shalt  }
0x85: {  	_ =	shalt  }
0x86: {  	_ =	shalt  }
0x87: {  	_ =	shalt  }
.Lfunc_end0:
.L_simem_size_0:
called_computation_lowered:
.L_overlay_start_0:
0x88: {  	s2 =	sld [smem:$0x3FD9]  }
0x89: {  	s3 =	sld [smem:$0x3FFE];
	_ =	sdelay $0x1  }
0x8a: {  	s1 =	srdreg.scid  }
0x8b: {  	s0 =	sand.u32 $0x1, s1  }
0x8c: {  	s16 =	sshll.u32 s0, $0xA;
	s2 =	sadd.s32 s3, s2  }
0x8d: {  	s2 =	sadd.s32 s2, s16  }
0x8e: {  	[smem:$0x3F98] =	sst s2  }
0x8f: {  	_ = 	snop  }
0x90: {  	(tm) =	ssettm $0x1  }
0x91: {  	s17 =	sld [smem:$0x3FFB];
	_ =	sdelay $0x3  }
0x92: {  	_ =	strace s17  }
0x93: {  	s2 =	sld [smem:$0x3FFC];
	_ =	sdelay $0x3  }
0x94: {  	_ =	strace s2  }
0x95: {  	s2 =	sld [smem:$0x3FFD];
	_ =	sdelay $0x3  }
0x96: {  	_ =	strace s2  }
0x97: {  	_ =	strace $0x8FFFFFFF  }
0x98: {  	s18 =	sld [smem:$0x3FDB];
	_ =	sdelay $0x1  }
0x99: {  	s19 =	simm.s32 $_scs_section_size  }
0x9a: {  	s4 =	simm.s32 $_size__tile_overlayer_lowered;
	s5 =	simm.s32 $_tile_overlayer_lowered  }
0x9b: {  	s22 =	simm.s32 $0x1BFF;
	s21 =	sshll.u32 s5, $0x1;
	s2 =	sadd.s32 s19, s18  }
0x9c: {  	s6 =	simm.s32 $0x0;
	s20 =	sshll.u32 s4, $0x1;
	s4 =	sadd.s32 s21, s2  }
0x9d: {  	[timem:s6], [sflag:s22] =	dma.local [hbm:s4], s20  }
0x9e: {  	_ =	swait.ge [sflag:s22], s20  }
0x9f: {  	s3 =	ssub.s32 $0x0, s20;
	[sflag:s22] =	ssyncset.done $0x0  }
0xa0: {  	[sflag:s22] =	ssyncadd.s32 s3;
	_ =	sdelay $0x1  }
0xa1: {  	s23 =	simm.s32 $0x1B8B  }
0xa2: {  	_ =	swait.ge [sflag:s23], $0x1  }
0xa3: {  	[sflag:s23] =	ssyncset.done $0x0  }
0xa4: {  	s25 =	simm.s32 $0x1B8E;
	s24 =	sld [smem:$0x3FFE];
	[sflag:s23] =	ssyncadd.s32 $0xFFFFFFFF  }
0xa5: {  	s26 =	simm.s32 $execute0_lowered;
	[smem:$0x3FD2] =	sst s25  }
0xa6: {  	s4 =	sshll.u32 s26, $0x1;
	_ =	strace $0x80000046;
	[dreg:$0x1] =	wrdreg $0xFFFFFFFF  }
0xa7: {  	s28 =	simm.s32 $_size_execute0_lowered;
	s2 =	sadd.s32 s2, s4;
	[dreg:$0x0] =	wrdreg $0x0  }
0xa8: {  	s4 =	sshll.u32 s28, $0x1;
	[dreg:$0x2] =	wrdreg s2  }
0xa9: {  	[dreg:$0x3] =	wrdreg s4  }
0xaa: {  	[dreg:$0x4] =	wrdreg $0xC0  }
0xab: {  	_ =	task [dreg:s6], $0x5FFFF  }
0xac: {  	[dreg:$0x1] =	wrdreg $0xFFFFFFFF  }
0xad: {  	[dreg:$0x0] =	wrdreg $0x60  }
0xae: {  	[dreg:$0x2] =	wrdreg s24  }
0xaf: {  	[dreg:$0x3] =	wrdreg $0x9  }
0xb0: {  	_ =	task.clear_ibuf [dreg:s6], $0x4FFFF;
	_ =	strace $0x90000046  }
0xb1: {  	s29 =	simm.s32 $0x9;
	_ =	strace $0x80000048  }
0xb2: {  	_ =	swait.ge [sflag:s29], $0x1  }
0xb3: {  	[sflag:s29] =	ssyncadd.s32 $0xFFFFFFFF  }
0xb4: {  	_ =	strace $0x90000048  }
0xb5: {  	_ =	sfence  }
0xb6: {  	s30 =	sld [smem:$0x0];
	_ =	sdelay $0x2  }
0xb7: {  	s31 =	sshll.u32 s1, $0xD;
	s1 =	sshrl.u32 s1, $0x2  }
0xb8: {  	s3 =	sand.u32 $0x4000, s31;
	s1 =	sadd.s32 s1, s30  }
0xb9: {  	s0 =	sor.u32 s3, s0;
	s1 =	sshll.u32 s1, $0x11  }
0xba: {  	s0 =	sor.u32 s1, s0  }
0xbb: {  	s0 =	sadd.s32 $0x8F2B, s0  }
0xbc: {  	[sflag:s0] =	ssyncadd.remote.s32 $0x1  }
0xbd: {  	_ =	sfence.sel $0xFFFF  }
0xbe: {  	[dreg:$0x0] =	wrdreg $0xFFFFFFFF;
	(pc) =	sbr.abs _section_cstart, $3  }
0xbf: {  	[dreg:$0x1] =	wrdreg $0xFFFFFFFF  }
0xc0: {  	_ =	task.clear_ibuf [dreg:s6], $0x2FFFF;
	_ =	strace $0x9FFFFFFF  }
0xc1: {  	(tm) =	ssettm $0x7FFFFFFF  }
tec
execute0_lowered:
.L_overlay_start_1:
0x0: {  	(tag) =	ssettag $0x1  }
0x1: {  	s0 =	rddreg [dreg:$0x0];
	s2 =	simm.s32 $0x0;
	s1 =	stileid.u32  }
0x2: {  	s5 =	srdreg.scid;
	s25 =	simm.s32 $0x480;
	s26 =	simm.s32 $0x100  }
0x3: {  	s14 =	simm.s32 $0x5800;
	s29 =	simm.s32 $0x500;
	s15 =	simm.s32 $0xF800  }
0x4: {  	s30 =	simm.s32 $0x180;
	s16 =	simm.s32 $0x8000;
	s31 =	simm.s32 $0x580  }
0x5: {  	s17 =	simm.s32 $0x12000;
	s18 =	simm.s32 $0x1;
	s4 =	smul.u32 $0x1900, s1  }
0x6: {  	s28 =	simm.s32 $0x0;
	[smem:$0x7FF] =	sst s2;
	s6 =	smul.u32 $0x7D000, s1  }
0x7: {  	s3 =	sadd.s32 $0x327600, s0;
	_ =	strace $0x80000047;
	[dreg:$0x6] =	wrdreg s25  }
0x8: {  	s5 =	sand.u32 $0x1, s5;
	s7 =	smul.u32 $0x3E8000, s1;
	[dreg:$0x7] =	wrdreg s26  }
0x9: {  	s19 =	sadd.s32 $0x647600, s0;
	s9 =	smul.u32 $0x1F4000, s5;
	[dreg:$0x8] =	wrdreg s29  }
0xa: {  	s10 =	ssub.s32 $0x2, s5;
	s11 =	smul.u32 $0x3E800, s5;
	[dreg:$0x9] =	wrdreg s30  }
0xb: {  	s5 =	smul.u32 $0xC80, s5;
	[dreg:$0xa] =	wrdreg s31;
	s25 =	simm.s32 $0x380  }
0xc: {  	s26 =	simm.s32 $0x780;
	s8 =	sadd.s32 s4, s0;
	s0 =	sadd.s32 $0xE17600, s0  }
0xd: {  	s12 =	sshrl.u32 s10, $0x1;
	s13 =	sadd.s32 s6, s19;
	s7 =	sadd.s32 s9, s7  }
0xe: {  	s20 =	sadd.s32 s11, s13;
	s6 =	sadd.s32 s6, s0;
	s21 =	ssub.s32 s10, s12  }
0xf: {  	s24 =	sadd.s32 s5, s8;
	s8 =	simm.s32 $0x400;
	s9 =	simm.s32 $0x80  }
0x10: {  	s10 =	simm.s32 $0x800;
	s12 =	simm.s32 $0x3000;
	s13 =	simm.s32 $0xD000  }
0x11: {  	s7 =	sadd.s32 $0xA000, s7;
	[dreg:$0x2] =	wrdreg s20;
	s6 =	sadd.s32 s11, s6  }
0x12: {  	s23 =	smax.u32 s21, $0x1;
	s5 =	sadd.s32 $0x3BD600, s24;
	s11 =	simm.s32 $0xA800  }
0x13: {  	s20 =	simm.s32 $0x600;
	s21 =	simm.s32 $0x280;
	[dreg:$0x3] =	wrdreg s6  }
0x14: {  	s7 =	sshrl.u32 s7, $0x3;
	[dreg:$0xb] =	wrdreg s23;
	s6 =	sadd.s32 $0x3A4600, s24  }
0x15: {  	s23 =	simm.s32 $0x300;
	s24 =	simm.s32 $0x700;
	s0 =	sadd.s32 s7, s0  }
0x16: {  	s22 =	sadd.s32 s7, s19;
	s7 =	simm.s32 $0x2;
	[dreg:$0x4] =	wrdreg s0  }
0x17: {  	s19 =	simm.s32 $0x200;
	[dreg:$0x5] =	wrdreg s22;
	s22 =	simm.s32 $0x680  }
.LBB2_1:
0x18: {  	[tilespmem:s2], [sflag:$0x2] =	stream.linear.gather [hbm4b:s6+s2], $0x400, $0x38;
	[tilespmem:$0x14800] =	vst v63  }
0x19: {  	_ =	swait.ge [sflag:s7], $0x400  }
0x1a: {  	[sflag:s7] =	ssyncset.done $0x0  }
0x1b: {  	[sflag:s7] =	ssyncadd.s32 $0xFFFFFC00  }
0x1c: {  	[tilespmem:s8], [sflag:$0x2] =	stream.linear.gather [hbm4b:s5+s2], $0x400, $0x38;
	[tilespmem:$0x14800] =	vst v63  }
0x1d: {  	_ =	swait.ge [sflag:s7], $0x400  }
0x1e: {  	[sflag:s7] =	ssyncset.done $0x0  }
0x1f: {  	[sflag:s7] =	ssyncadd.s32 $0xFFFFFC00  }
0x20: {  	[tilespmem:s10], [sflag:$0x1] =	stream.indirect.gather [hbm4b:s3+s9], $0x50, s2, s9, $0xb8;
	[tilespmem:$0x14800] =	vst v63  }
0x21: {  	_ = 	snop  }
0x22: {  	[tilespmem:s11], [sflag:$0x1] =	stream.indirect.gather [hbm4b:s3+s9], $0x50, s8, s9, $0xb8;
	[tilespmem:$0x14800] =	vst v63  }
0x23: {  	_ = 	snop  }
0x24: {  	[tilespmem:s12], [sflag:$0x1] =	stream.indirect.gather [hbm4b:s3+s9], $0x50, s9, s9, $0xb8;
	[tilespmem:$0x14800] =	vst v63  }
0x25: {  	s0 =	rddreg [dreg:$0x6]  }
0x26: {  	[tilespmem:s13], [sflag:$0x1] =	stream.indirect.gather [hbm4b:s3+s9], $0x50, s0, s9, $0xb8;
	[tilespmem:$0x14800] =	vst v63  }
0x27: {  	s29 =	rddreg [dreg:$0x7]  }
0x28: {  	[tilespmem:s14], [sflag:$0x1] =	stream.indirect.gather [hbm4b:s3+s9], $0x50, s29, s9, $0xb8;
	[tilespmem:$0x14800] =	vst v63  }
0x29: {  	s1 =	rddreg [dreg:$0x8]  }
0x2a: {  	[tilespmem:s15], [sflag:$0x1] =	stream.indirect.gather [hbm4b:s3+s9], $0x50, s1, s9, $0xb8;
	[tilespmem:$0x14800] =	vst v63  }
0x2b: {  	s29 =	rddreg [dreg:$0x9]  }
0x2c: {  	[tilespmem:s16], [sflag:$0x1] =	stream.indirect.gather [hbm4b:s3+s9], $0x50, s29, s9, $0xb8;
	[tilespmem:$0x14800] =	vst v63  }
0x2d: {  	s4 =	rddreg [dreg:$0xa]  }
0x2e: {  	[tilespmem:s17], [sflag:$0x1] =	stream.indirect.gather [hbm4b:s3+s9], $0x50, s4, s9, $0xb8;
	[tilespmem:$0x14800] =	vst v63  }
0x2f: {  	_ =	swait.ge [sflag:s18], $0x2800  }
0x30: {  	[sflag:s18] =	ssyncset.done $0x0  }
0x31: {  	[sflag:s18] =	ssyncadd.s32 $0xFFFFD800  }
0x32: {  	_ =	swait.ge [sflag:s18], $0x2800  }
0x33: {  	[sflag:s18] =	ssyncset.done $0x0  }
0x34: {  	[sflag:s18] =	ssyncadd.s32 $0xFFFFD800  }
0x35: {  	_ =	swait.ge [sflag:s18], $0x2800  }
0x36: {  	[sflag:s18] =	ssyncset.done $0x0  }
0x37: {  	[sflag:s18] =	ssyncadd.s32 $0xFFFFD800  }
0x38: {  	_ =	swait.ge [sflag:s18], $0x2800  }
0x39: {  	[sflag:s18] =	ssyncset.done $0x0  }
0x3a: {  	[sflag:s18] =	ssyncadd.s32 $0xFFFFD800  }
0x3b: {  	_ =	swait.ge [sflag:s18], $0x2800  }
0x3c: {  	[sflag:s18] =	ssyncset.done $0x0  }
0x3d: {  	[sflag:s18] =	ssyncadd.s32 $0xFFFFD800  }
0x3e: {  	_ =	swait.ge [sflag:s18], $0x2800  }
0x3f: {  	[sflag:s18] =	ssyncset.done $0x0  }
0x40: {  	[sflag:s18] =	ssyncadd.s32 $0xFFFFD800  }
0x41: {  	_ =	swait.ge [sflag:s18], $0x2800  }
0x42: {  	[sflag:s18] =	ssyncset.done $0x0  }
0x43: {  	[sflag:s18] =	ssyncadd.s32 $0xFFFFD800  }
0x44: {  	_ =	swait.ge [sflag:s18], $0x2800  }
0x45: {  	s1 =	rddreg [dreg:$0x2];
	[sflag:s18] =	ssyncset.done $0x0  }
0x46: {  	[sflag:s18] =	ssyncadd.s32 $0xFFFFD800;
	s0 =	sadd.s32 $0x0, s1  }
0x47: {  	[hbm4b:s0+s2] =	stream.linear.scatter [tilespmem:s10], [sflag:$0x2], $0xA000, $0x38;
	[tilespmem:$0x14800] =	vst v63  }
0x48: {  	_ =	swait.ge [sflag:s7], $0xA000  }
0x49: {  	s4 =	rddreg [dreg:$0x3];
	[sflag:s7] =	ssyncset.done $0x0  }
0x4a: {  	[sflag:s7] =	ssyncadd.s32 $0xFFFF6000;
	s0 =	sadd.s32 $0x0, s4  }
0x4b: {  	[hbm4b:s0+s2] =	stream.linear.scatter [tilespmem:s11], [sflag:$0x2], $0xA000, $0x38;
	[tilespmem:$0x14800] =	vst v63  }
0x4c: {  	_ =	swait.ge [sflag:s7], $0xA000  }
0x4d: {  	[sflag:s7] =	ssyncset.done $0x0  }
0x4e: {  	[sflag:s7] =	ssyncadd.s32 $0xFFFF6000  }
0x4f: {  	[tilespmem:s10], [sflag:$0x1] =	stream.indirect.gather [hbm4b:s3+s9], $0x50, s19, s9, $0xb8;
	[tilespmem:$0x14800] =	vst v63  }
0x50: {  	_ = 	snop  }
0x51: {  	[tilespmem:s11], [sflag:$0x1] =	stream.indirect.gather [hbm4b:s3+s9], $0x50, s20, s9, $0xb8;
	[tilespmem:$0x14800] =	vst v63  }
0x52: {  	_ = 	snop  }
0x53: {  	[tilespmem:s12], [sflag:$0x1] =	stream.indirect.gather [hbm4b:s3+s9], $0x50, s21, s9, $0xb8;
	[tilespmem:$0x14800] =	vst v63  }
0x54: {  	_ = 	snop  }
0x55: {  	[tilespmem:s13], [sflag:$0x1] =	stream.indirect.gather [hbm4b:s3+s9], $0x50, s22, s9, $0xb8;
	[tilespmem:$0x14800] =	vst v63  }
0x56: {  	_ = 	snop  }
0x57: {  	[tilespmem:s14], [sflag:$0x1] =	stream.indirect.gather [hbm4b:s3+s9], $0x50, s23, s9, $0xb8;
	[tilespmem:$0x14800] =	vst v63  }
0x58: {  	_ = 	snop  }
0x59: {  	[tilespmem:s15], [sflag:$0x1] =	stream.indirect.gather [hbm4b:s3+s9], $0x50, s24, s9, $0xb8;
	[tilespmem:$0x14800] =	vst v63  }
0x5a: {  	_ = 	snop  }
0x5b: {  	[tilespmem:s16], [sflag:$0x1] =	stream.indirect.gather [hbm4b:s3+s9], $0x50, s25, s9, $0xb8;
	[tilespmem:$0x14800] =	vst v63  }
0x5c: {  	_ = 	snop  }
0x5d: {  	[tilespmem:s17], [sflag:$0x1] =	stream.indirect.gather [hbm4b:s3+s9], $0x50, s26, s9, $0xb8;
	[tilespmem:$0x14800] =	vst v63  }
0x5e: {  	_ =	swait.ge [sflag:s18], $0x2800  }
0x5f: {  	[sflag:s18] =	ssyncset.done $0x0  }
0x60: {  	[sflag:s18] =	ssyncadd.s32 $0xFFFFD800  }
0x61: {  	_ =	swait.ge [sflag:s18], $0x2800  }
0x62: {  	[sflag:s18] =	ssyncset.done $0x0  }
0x63: {  	[sflag:s18] =	ssyncadd.s32 $0xFFFFD800  }
0x64: {  	_ =	swait.ge [sflag:s18], $0x2800  }
0x65: {  	[sflag:s18] =	ssyncset.done $0x0  }
0x66: {  	[sflag:s18] =	ssyncadd.s32 $0xFFFFD800  }
0x67: {  	_ =	swait.ge [sflag:s18], $0x2800  }
0x68: {  	[sflag:s18] =	ssyncset.done $0x0  }
0x69: {  	[sflag:s18] =	ssyncadd.s32 $0xFFFFD800  }
0x6a: {  	_ =	swait.ge [sflag:s18], $0x2800  }
0x6b: {  	[sflag:s18] =	ssyncset.done $0x0  }
0x6c: {  	[sflag:s18] =	ssyncadd.s32 $0xFFFFD800  }
0x6d: {  	_ =	swait.ge [sflag:s18], $0x2800  }
0x6e: {  	[sflag:s18] =	ssyncset.done $0x0  }
0x6f: {  	[sflag:s18] =	ssyncadd.s32 $0xFFFFD800  }
0x70: {  	_ =	swait.ge [sflag:s18], $0x2800  }
0x71: {  	[sflag:s18] =	ssyncset.done $0x0  }
0x72: {  	[sflag:s18] =	ssyncadd.s32 $0xFFFFD800  }
0x73: {  	_ =	swait.ge [sflag:s18], $0x2800  }
0x74: {  	s1 =	rddreg [dreg:$0x5];
	[sflag:s18] =	ssyncset.done $0x0  }
0x75: {  	[sflag:s18] =	ssyncadd.s32 $0xFFFFD800;
	s0 =	sadd.s32 $0x0, s1  }
0x76: {  	[hbm4b:s0+s2] =	stream.linear.scatter [tilespmem:s10], [sflag:$0x2], $0xA000, $0x38;
	[tilespmem:$0x14800] =	vst v63  }
0x77: {  	_ =	swait.ge [sflag:s7], $0xA000  }
0x78: {  	s4 =	rddreg [dreg:$0x4];
	[sflag:s7] =	ssyncset.done $0x0  }
0x79: {  	[sflag:s7] =	ssyncadd.s32 $0xFFFF6000;
	s0 =	sadd.s32 $0x0, s4  }
0x7a: {  	[hbm4b:s0+s2] =	stream.linear.scatter [tilespmem:s11], [sflag:$0x2], $0xA000, $0x38;
	[tilespmem:$0x14800] =	vst v63  }
0x7b: {  	s30 =	smov.u32 s5;
	_ =	swait.ge [sflag:s7], $0xA000  }
0x7c: {  	s31 =	smov.u32 s6;
	s29 =	simm.s32 $0x2800;
	[sflag:s7] =	ssyncset.done $0x0  }
.LBB2_2:
0x7d: {  	[sflag:s7] =	ssyncadd.s32 $0xFFFF6000;
	s31 =	sadd.s32 $0x80, s31  }
0x7e: {  	[tilespmem:s2], [sflag:$0x2] =	stream.linear.gather [hbm4b:s31+s2], $0x400, $0x38;
	[tilespmem:$0x14800] =	vst v63  }
0x7f: {  	_ =	swait.ge [sflag:s7], $0x400  }
0x80: {  	[sflag:s7] =	ssyncset.done $0x0  }
0x81: {  	s30 =	sadd.s32 $0x80, s30;
	[sflag:s7] =	ssyncadd.s32 $0xFFFFFC00  }
0x82: {  	[tilespmem:s8], [sflag:$0x2] =	stream.linear.gather [hbm4b:s30+s2], $0x400, $0x38;
	[tilespmem:$0x14800] =	vst v63  }
0x83: {  	_ =	swait.ge [sflag:s7], $0x400  }
0x84: {  	[sflag:s7] =	ssyncset.done $0x0  }
0x85: {  	[sflag:s7] =	ssyncadd.s32 $0xFFFFFC00  }
0x86: {  	[tilespmem:s10], [sflag:$0x1] =	stream.indirect.gather [hbm4b:s3+s9], $0x50, s2, s9, $0xb8;
	[tilespmem:$0x14800] =	vst v63  }
0x87: {  	_ = 	snop  }
0x88: {  	[tilespmem:s11], [sflag:$0x1] =	stream.indirect.gather [hbm4b:s3+s9], $0x50, s8, s9, $0xb8;
	[tilespmem:$0x14800] =	vst v63  }
0x89: {  	_ = 	snop  }
0x8a: {  	[tilespmem:s12], [sflag:$0x1] =	stream.indirect.gather [hbm4b:s3+s9], $0x50, s9, s9, $0xb8;
	[tilespmem:$0x14800] =	vst v63  }
0x8b: {  	s1 =	rddreg [dreg:$0x6]  }
0x8c: {  	[tilespmem:s13], [sflag:$0x1] =	stream.indirect.gather [hbm4b:s3+s9], $0x50, s1, s9, $0xb8;
	[tilespmem:$0x14800] =	vst v63  }
0x8d: {  	s4 =	rddreg [dreg:$0x7]  }
0x8e: {  	[tilespmem:s14], [sflag:$0x1] =	stream.indirect.gather [hbm4b:s3+s9], $0x50, s4, s9, $0xb8;
	[tilespmem:$0x14800] =	vst v63  }
0x8f: {  	s1 =	rddreg [dreg:$0x8]  }
0x90: {  	[tilespmem:s15], [sflag:$0x1] =	stream.indirect.gather [hbm4b:s3+s9], $0x50, s1, s9, $0xb8;
	[tilespmem:$0x14800] =	vst v63  }
0x91: {  	s4 =	rddreg [dreg:$0x9]  }
0x92: {  	[tilespmem:s16], [sflag:$0x1] =	stream.indirect.gather [hbm4b:s3+s9], $0x50, s4, s9, $0xb8;
	[tilespmem:$0x14800] =	vst v63  }
0x93: {  	s1 =	rddreg [dreg:$0xa]  }
0x94: {  	[tilespmem:s17], [sflag:$0x1] =	stream.indirect.gather [hbm4b:s3+s9], $0x50, s1, s9, $0xb8;
	[tilespmem:$0x14800] =	vst v63  }
0x95: {  	_ =	swait.ge [sflag:s18], $0x2800  }
0x96: {  	[sflag:s18] =	ssyncset.done $0x0  }
0x97: {  	[sflag:s18] =	ssyncadd.s32 $0xFFFFD800  }
0x98: {  	_ =	swait.ge [sflag:s18], $0x2800  }
0x99: {  	[sflag:s18] =	ssyncset.done $0x0  }
0x9a: {  	[sflag:s18] =	ssyncadd.s32 $0xFFFFD800  }
0x9b: {  	_ =	swait.ge [sflag:s18], $0x2800  }
0x9c: {  	[sflag:s18] =	ssyncset.done $0x0  }
0x9d: {  	[sflag:s18] =	ssyncadd.s32 $0xFFFFD800  }
0x9e: {  	_ =	swait.ge [sflag:s18], $0x2800  }
0x9f: {  	[sflag:s18] =	ssyncset.done $0x0  }
0xa0: {  	[sflag:s18] =	ssyncadd.s32 $0xFFFFD800  }
0xa1: {  	_ =	swait.ge [sflag:s18], $0x2800  }
0xa2: {  	[sflag:s18] =	ssyncset.done $0x0  }
0xa3: {  	[sflag:s18] =	ssyncadd.s32 $0xFFFFD800  }
0xa4: {  	_ =	swait.ge [sflag:s18], $0x2800  }
0xa5: {  	[sflag:s18] =	ssyncset.done $0x0  }
0xa6: {  	[sflag:s18] =	ssyncadd.s32 $0xFFFFD800  }
0xa7: {  	_ =	swait.ge [sflag:s18], $0x2800  }
0xa8: {  	[sflag:s18] =	ssyncset.done $0x0  }
0xa9: {  	[sflag:s18] =	ssyncadd.s32 $0xFFFFD800  }
0xaa: {  	_ =	swait.ge [sflag:s18], $0x2800  }
0xab: {  	s0 =	smov.u32 s29;
	s4 =	rddreg [dreg:$0x2];
	[sflag:s18] =	ssyncset.done $0x0  }
0xac: {  	[sflag:s18] =	ssyncadd.s32 $0xFFFFD800;
	s1 =	sadd.s32 s0, s4  }
0xad: {  	[hbm4b:s1+s2] =	stream.linear.scatter [tilespmem:s10], [sflag:$0x2], $0xA000, $0x38;
	[tilespmem:$0x14800] =	vst v63  }
0xae: {  	_ =	swait.ge [sflag:s7], $0xA000  }
0xaf: {  	s4 =	rddreg [dreg:$0x3];
	[sflag:s7] =	ssyncset.done $0x0  }
0xb0: {  	[sflag:s7] =	ssyncadd.s32 $0xFFFF6000;
	s1 =	sadd.s32 s0, s4  }
0xb1: {  	[hbm4b:s1+s2] =	stream.linear.scatter [tilespmem:s11], [sflag:$0x2], $0xA000, $0x38;
	[tilespmem:$0x14800] =	vst v63  }
0xb2: {  	_ =	swait.ge [sflag:s7], $0xA000  }
0xb3: {  	[sflag:s7] =	ssyncset.done $0x0  }
0xb4: {  	[sflag:s7] =	ssyncadd.s32 $0xFFFF6000  }
0xb5: {  	[tilespmem:s10], [sflag:$0x1] =	stream.indirect.gather [hbm4b:s3+s9], $0x50, s19, s9, $0xb8;
	[tilespmem:$0x14800] =	vst v63  }
0xb6: {  	_ = 	snop  }
0xb7: {  	[tilespmem:s11], [sflag:$0x1] =	stream.indirect.gather [hbm4b:s3+s9], $0x50, s20, s9, $0xb8;
	[tilespmem:$0x14800] =	vst v63  }
0xb8: {  	_ = 	snop  }
0xb9: {  	[tilespmem:s12], [sflag:$0x1] =	stream.indirect.gather [hbm4b:s3+s9], $0x50, s21, s9, $0xb8;
	[tilespmem:$0x14800] =	vst v63  }
0xba: {  	_ = 	snop  }
0xbb: {  	[tilespmem:s13], [sflag:$0x1] =	stream.indirect.gather [hbm4b:s3+s9], $0x50, s22, s9, $0xb8;
	[tilespmem:$0x14800] =	vst v63  }
0xbc: {  	_ = 	snop  }
0xbd: {  	[tilespmem:s14], [sflag:$0x1] =	stream.indirect.gather [hbm4b:s3+s9], $0x50, s23, s9, $0xb8;
	[tilespmem:$0x14800] =	vst v63  }
0xbe: {  	_ = 	snop  }
0xbf: {  	[tilespmem:s15], [sflag:$0x1] =	stream.indirect.gather [hbm4b:s3+s9], $0x50, s24, s9, $0xb8;
	[tilespmem:$0x14800] =	vst v63  }
0xc0: {  	_ = 	snop  }
0xc1: {  	[tilespmem:s16], [sflag:$0x1] =	stream.indirect.gather [hbm4b:s3+s9], $0x50, s25, s9, $0xb8;
	[tilespmem:$0x14800] =	vst v63  }
0xc2: {  	_ = 	snop  }
0xc3: {  	[tilespmem:s17], [sflag:$0x1] =	stream.indirect.gather [hbm4b:s3+s9], $0x50, s26, s9, $0xb8;
	[tilespmem:$0x14800] =	vst v63  }
0xc4: {  	_ =	swait.ge [sflag:s18], $0x2800  }
0xc5: {  	[sflag:s18] =	ssyncset.done $0x0  }
0xc6: {  	[sflag:s18] =	ssyncadd.s32 $0xFFFFD800  }
0xc7: {  	_ =	swait.ge [sflag:s18], $0x2800  }
0xc8: {  	[sflag:s18] =	ssyncset.done $0x0  }
0xc9: {  	[sflag:s18] =	ssyncadd.s32 $0xFFFFD800  }
0xca: {  	_ =	swait.ge [sflag:s18], $0x2800  }
0xcb: {  	[sflag:s18] =	ssyncset.done $0x0  }
0xcc: {  	[sflag:s18] =	ssyncadd.s32 $0xFFFFD800  }
0xcd: {  	_ =	swait.ge [sflag:s18], $0x2800  }
0xce: {  	[sflag:s18] =	ssyncset.done $0x0  }
0xcf: {  	[sflag:s18] =	ssyncadd.s32 $0xFFFFD800  }
0xd0: {  	_ =	swait.ge [sflag:s18], $0x2800  }
0xd1: {  	[sflag:s18] =	ssyncset.done $0x0  }
0xd2: {  	[sflag:s18] =	ssyncadd.s32 $0xFFFFD800  }
0xd3: {  	_ =	swait.ge [sflag:s18], $0x2800  }
0xd4: {  	[sflag:s18] =	ssyncset.done $0x0  }
0xd5: {  	[sflag:s18] =	ssyncadd.s32 $0xFFFFD800  }
0xd6: {  	_ =	swait.ge [sflag:s18], $0x2800  }
0xd7: {  	[sflag:s18] =	ssyncset.done $0x0  }
0xd8: {  	[sflag:s18] =	ssyncadd.s32 $0xFFFFD800  }
0xd9: {  	_ =	swait.ge [sflag:s18], $0x2800  }
0xda: {  	s4 =	rddreg [dreg:$0x5];
	[sflag:s18] =	ssyncset.done $0x0  }
0xdb: {  	[sflag:s18] =	ssyncadd.s32 $0xFFFFD800;
	s1 =	sadd.s32 s0, s4  }
0xdc: {  	[hbm4b:s1+s2] =	stream.linear.scatter [tilespmem:s10], [sflag:$0x2], $0xA000, $0x38;
	[tilespmem:$0x14800] =	vst v63  }
0xdd: {  	p0 =	sne.s32 s29, $0x3C000;
	_ =	swait.ge [sflag:s7], $0xA000  }
.Ltmp0:
0xde: {  	s4 =	rddreg [dreg:$0x4];
	[sflag:s7] =	ssyncset.done $0x0;
	(pc) =	sbr.rel @p0 .LBB2_2-.Ltmp0, $4  }
0xdf: {  	[sflag:s7] =	ssyncadd.s32 $0xFFFF6000;
	s0 =	sadd.s32 s0, s4  }
0xe0: {  	[hbm4b:s0+s2] =	stream.linear.scatter [tilespmem:s11], [sflag:$0x2], $0xA000, $0x38;
	[tilespmem:$0x14800] =	vst v63  }
0xe1: {  	_ =	swait.ge [sflag:s7], $0xA000  }
0xe2: {  	s29 =	sadd.s32 $0x2800, s29;
	[sflag:s7] =	ssyncset.done $0x0  }
0xe3: {  	s28 =	sadd.s32 $0x1, s28;
	s0 =	rddreg [dreg:$0xb]  }
0xe4: {  	p0 =	sne.s32 s28, s0  }
.Ltmp1:
0xe5: {  	_ = 	snop;
	(pc) =	sbr.rel @p0 .LBB2_1-.Ltmp1, $2  }
0xe6: {  	_ =	sdelay $0x2  }
0xe7: {  	[sflag:s7] =	ssyncadd.s32 $0xFFFF6000  }
0xe8: {  	_ =	sfence.sel $0x180000  }
0xe9: {  	[bflag:$0x0] =	sbarrier.arrive $0xFFFF  }
0xea: {  	_ =	strace $0x90000047  }
0xeb: {  	s0 =	stileid.u32;
	[bflag:$0x2] =	sbarrier.arrive $0xFFFF  }
0xec: {  	p0 =	sne.s32 s0, $0x0;
	s0 =	rddreg [dreg:$0x1]  }
0xed: {  	s0 =	sadd.s32 @!p0 $0x100000, s0  }
0xee: {  	[sflag:s0] =	ssyncadd.tile.s32 @!p0 $0x1;
	_ =	shalt  }
.Lfunc_end2:
_tile_overlayer_lowered:
.L_overlay_start_2:
0xef: {  	(tag) =	ssettag $0x2  }
0xf0: {  	s0 =	rddreg [dreg:$0x0];
	s2 =	stileid.u32  }
0xf1: {  	s1 =	rddreg [dreg:$0x1];
	p0 =	sne.s32 s2, $0x0  }
0xf2: {  	s3 =	rddreg [dreg:$0x2];
	[bflag:$0x3] =	sbarrier.arrive $0xFFFF;
	s2 =	simm.s32 @!p0 $0x1C02  }
0xf3: {  	[timem:s3], [sflag:s2] =	dma.local @!p0 [hbm:s0], s1  }
0xf4: {  	s0 =	simm.s32 @!p0 $0x2  }
0xf5: {  	_ =	swait.ge @!p0 [sflag:s0], s1  }
0xf6: {  	s1 =	ssub.s32 @!p0 $0x0, s1;
	[sflag:s0] =	ssyncset.done @!p0 $0x0  }
0xf7: {  	[sflag:s0] =	ssyncadd.s32 @!p0 s1  }
0xf8: {  	[bflag:$0x3] =	sbarrier.arrive $0xFFFF  }
0xf9: {  	_ =	shalt  }

// kernel: kernel.16.cloned.1.call-start
scs
__scs_entry_jumppad:
0x0: {  	(pc) =	sbr.rel $0x88, $3  }
0x1: {  	(tag) =	ssettag $0x0;
	lr =	simm.s32 $0x1  }
0x2: {  	[smem:$0x3F71] =	sst lr;
	_ =	strace $0xD0000000  }
0x3: {  	_ = 	snop  }
0x4: {  	_ = 	snop  }
0x5: {  	_ = 	snop  }
0x6: {  	_ = 	snop  }
0x7: {  	_ = 	snop  }
__scs_overlays_trampoline_lowered:
0x8: {  	[smem:$0x3F80] =	sst s0  }
0x9: {  	[smem:$0x3F81] =	sst s1  }
0xa: {  	[smem:$0x3F82] =	sst s2  }
0xb: {  	[smem:$0x3F83] =	sst s3  }
0xc: {  	[smem:$0x3F84] =	sst s4  }
0xd: {  	[smem:$0x3F85] =	sst s5  }
0xe: {  	[smem:$0x3F86] =	sst s6  }
0xf: {  	[smem:$0x3F87] =	sst s7  }
0x10: {  	[smem:$0x3F88] =	sst s8  }
0x11: {  	[smem:$0x3F89] =	sst s9;
	s0 =	simm.s32 @!p0 $0x0  }
0x12: {  	s1 =	sld [smem:$0x3F6F];
	s0 =	simm.s32 @p0 $0x1  }
0x13: {  	[smem:$0x3F8A] =	sst s0;
	s0 =	simm.s32 @!p1 $0x0  }
0x14: {  	s2 =	sld [smem:$0x3F6E];
	s0 =	simm.s32 @p1 $0x1  }
0x15: {  	[smem:$0x3F8B] =	sst s0;
	s0 =	simm.s32 @!p2 $0x0  }
0x16: {  	s3 =	sld [smem:$0x3FDB];
	s0 =	simm.s32 @p2 $0x1  }
0x17: {  	s4 =	simm.s32 $0x1BF5;
	[smem:$0x3F8D] =	sst s0  }
0x18: {  	s0 =	sld [smem:$0x3F70];
	_ =	swait.ge [sflag:s4], $0x0  }
0x19: {  	s7 =	sld [smem:$0x3F71]  }
0x1a: {  	s8 =	sadd.s32 $0xFFFFE003, lr  }
0x1b: {  	s9 =	sadd.s32 $0xFFFFFEF7, lr;
	s5 =	simm.s32 $0xFFFFFFFF;
	p2 =	slt.u32 s8, $0xFFFFF086  }
0x1c: {  	p1 =	slt.u32 s9, $0xF7A;
	s5 =	simm.s32 @!p2 $0x0  }
0x1d: {  	s5 =	simm.s32 @p1 $0x1;
	p0 =	seq.s32 s7, s2  }
0x1e: {  	s7 =	smul.u32 @!p0 $0xF7A, s2;
	p2 =	seq.s32 @!p0 s5, $0x0  }
0x1f: {  	s9 =	smul.u32 $0xF7A, s1;
	s8 =	simm.s32 @!p0 $0x1BF5;
	p2 =	por !p2, p0  }
0x20: {  	[sflag:s8] =	ssyncset.s32 @!p0 $0xFFFFF086;
	s6 =	sadd.s32 @!p0 s3, s7;
	s7 =	simm.s32 @!p0 $0x108  }
0x21: {  	s3 =	sadd.s32 s3, s9;
	s6 =	sadd.s32 @!p0 $0x88, s6;
	s7 =	simm.s32 @p2 $0x1082  }
0x22: {  	[simem:s7], [sflag:s8] =	dma.local @!p0 [hbm:s6], $0xF7A  }
0x23: {  	s9 =	sor.u32 $0xD0000000, s2;
	s6 =	simm.s32 $0x108;
	_ =	swait.ge @!p0 [sflag:s8], $0x0  }
0x24: {  	s3 =	sadd.s32 $0x88, s3;
	s6 =	simm.s32 @!p1 $0x1082;
	[sflag:s4] =	ssyncset.s32 $0xFFFFF086  }
0x25: {  	[simem:s6], [sflag:s4] =	dma.local [hbm:s3], $0xF7A  }
0x26: {  	[smem:$0x3F71] =	sst s1;
	(tag) =	ssettag s2;
	_ =	strace s9  }
0x27: {  	s1 =	sld [smem:$0x3F81]  }
0x28: {  	s2 =	sld [smem:$0x3F82]  }
0x29: {  	s4 =	sld [smem:$0x3F84]  }
0x2a: {  	p0 =	seq.s32 s5, $0x0;
	s5 =	sld [smem:$0x3F85]  }
0x2b: {  	s6 =	sld [smem:$0x3F86]  }
0x2c: {  	s7 =	sld [smem:$0x3F87]  }
0x2d: {  	s3 =	simm.s32 $0x108;
	s8 =	sld [smem:$0x3F88]  }
0x2e: {  	s3 =	simm.s32 @!p0 $0x1082;
	s9 =	sld [smem:$0x3F89]  }
0x2f: {  	lr =	sadd.s32 s0, s3;
	s0 =	sld [smem:$0x3F80]  }
0x30: {  	s3 =	sld [smem:$0x3F83]  }
0x31: {  	[smem:$0x3F8C] =	sst s10  }
0x32: {  	s10 =	sld [smem:$0x3F8A];
	_ =	sdelay $0x3  }
0x33: {  	p0 =	seq.s32 s10, $0x1;
	s10 =	sld [smem:$0x3F8C];
	_ =	sdelay $0x3  }
0x34: {  	[smem:$0x3F8C] =	sst s10  }
0x35: {  	s10 =	sld [smem:$0x3F8B];
	_ =	sdelay $0x3  }
0x36: {  	p1 =	seq.s32 s10, $0x1;
	s10 =	sld [smem:$0x3F8C];
	_ =	sdelay $0x3  }
0x37: {  	[smem:$0x3F8C] =	sst s10  }
0x38: {  	s10 =	sld [smem:$0x3F8D]  }
0x39: {  	_ = 	snop;
	(pc) =	sbr.ind lr, $3  }
0x3a: {  	_ = 	snop  }
0x3b: {  	_ = 	snop  }
0x3c: {  	p2 =	seq.s32 s10, $0x1;
	s10 =	sld [smem:$0x3F8C]  }
0x3d: {  	_ =	shalt  }
0x3e: {  	_ =	shalt  }
0x3f: {  	_ =	shalt  }
0x40: {  	_ =	shalt  }
0x41: {  	_ =	shalt  }
0x42: {  	_ =	shalt  }
0x43: {  	_ =	shalt  }
0x44: {  	_ =	shalt  }
0x45: {  	_ =	shalt  }
0x46: {  	_ =	shalt  }
0x47: {  	_ =	shalt  }
0x48: {  	_ =	shalt  }
0x49: {  	_ =	shalt  }
0x4a: {  	_ =	shalt  }
0x4b: {  	_ =	shalt  }
0x4c: {  	_ =	shalt  }
0x4d: {  	_ =	shalt  }
0x4e: {  	_ =	shalt  }
0x4f: {  	_ =	shalt  }
0x50: {  	_ =	shalt  }
0x51: {  	_ =	shalt  }
0x52: {  	_ =	shalt  }
0x53: {  	_ =	shalt  }
0x54: {  	_ =	shalt  }
0x55: {  	_ =	shalt  }
0x56: {  	_ =	shalt  }
0x57: {  	_ =	shalt  }
0x58: {  	_ =	shalt  }
0x59: {  	_ =	shalt  }
0x5a: {  	_ =	shalt  }
0x5b: {  	_ =	shalt  }
0x5c: {  	_ =	shalt  }
0x5d: {  	_ =	shalt  }
0x5e: {  	_ =	shalt  }
0x5f: {  	_ =	shalt  }
0x60: {  	_ =	shalt  }
0x61: {  	_ =	shalt  }
0x62: {  	_ =	shalt  }
0x63: {  	_ =	shalt  }
0x64: {  	_ =	shalt  }
0x65: {  	_ =	shalt  }
0x66: {  	_ =	shalt  }
0x67: {  	_ =	shalt  }
0x68: {  	_ =	shalt  }
0x69: {  	_ =	shalt  }
0x6a: {  	_ =	shalt  }
0x6b: {  	_ =	shalt  }
0x6c: {  	_ =	shalt  }
0x6d: {  	_ =	shalt  }
0x6e: {  	_ =	shalt  }
0x6f: {  	_ =	shalt  }
0x70: {  	_ =	shalt  }
0x71: {  	_ =	shalt  }
0x72: {  	_ =	shalt  }
0x73: {  	_ =	shalt  }
0x74: {  	_ =	shalt  }
0x75: {  	_ =	shalt  }
0x76: {  	_ =	shalt  }
0x77: {  	_ =	shalt  }
0x78: {  	_ =	shalt  }
0x79: {  	_ =	shalt  }
0x7a: {  	_ =	shalt  }
0x7b: {  	_ =	shalt  }
0x7c: {  	_ =	shalt  }
0x7d: {  	_ =	shalt  }
0x7e: {  	_ =	shalt  }
0x7f: {  	_ =	shalt  }
0x80: {  	_ =	shalt  }
0x81: {  	_ =	shalt  }
0x82: {  	_ =	shalt  }
0x83: {  	_ =	shalt  }
0x84: {  	_ =	shalt  }
0x85: {  	_ =	shalt  }
0x86: {  	_ =	shalt  }
0x87: {  	_ =	shalt  }
.Lfunc_end0:
.L_simem_size_0:
called_computation.1_lowered:
.L_overlay_start_0:
0x88: {  	s2 =	sld [smem:$0x3FD9]  }
0x89: {  	s3 =	sld [smem:$0x3FFE];
	_ =	sdelay $0x1  }
0x8a: {  	s1 =	srdreg.scid  }
0x8b: {  	s0 =	sand.u32 $0x1, s1  }
0x8c: {  	s16 =	sshll.u32 s0, $0xA;
	s2 =	sadd.s32 s3, s2  }
0x8d: {  	s2 =	sadd.s32 s2, s16  }
0x8e: {  	[smem:$0x3F98] =	sst s2  }
0x8f: {  	_ = 	snop  }
0x90: {  	(tm) =	ssettm $0x1  }
0x91: {  	s17 =	sld [smem:$0x3FFB];
	_ =	sdelay $0x3  }
0x92: {  	_ =	strace s17  }
0x93: {  	s2 =	sld [smem:$0x3FFC];
	_ =	sdelay $0x3  }
0x94: {  	_ =	strace s2  }
0x95: {  	s2 =	sld [smem:$0x3FFD];
	_ =	sdelay $0x3  }
0x96: {  	_ =	strace s2  }
0x97: {  	_ =	strace $0x8FFFFFFF  }
0x98: {  	s18 =	sld [smem:$0x3FDB];
	_ =	sdelay $0x1  }
0x99: {  	s19 =	simm.s32 $_scs_section_size  }
0x9a: {  	s4 =	simm.s32 $_size__tile_overlayer_lowered;
	s5 =	simm.s32 $_tile_overlayer_lowered  }
0x9b: {  	s22 =	simm.s32 $0x1BFF;
	s21 =	sshll.u32 s5, $0x1;
	s2 =	sadd.s32 s19, s18  }
0x9c: {  	s6 =	simm.s32 $0x0;
	s20 =	sshll.u32 s4, $0x1;
	s4 =	sadd.s32 s21, s2  }
0x9d: {  	[timem:s6], [sflag:s22] =	dma.local [hbm:s4], s20  }
0x9e: {  	_ =	swait.ge [sflag:s22], s20  }
0x9f: {  	s3 =	ssub.s32 $0x0, s20;
	[sflag:s22] =	ssyncset.done $0x0  }
0xa0: {  	[sflag:s22] =	ssyncadd.s32 s3;
	_ =	sdelay $0x1  }
0xa1: {  	s23 =	simm.s32 $0x1B8B  }
0xa2: {  	_ =	swait.ge [sflag:s23], $0x1  }
0xa3: {  	[sflag:s23] =	ssyncset.done $0x0  }
0xa4: {  	s25 =	simm.s32 $0x1B8E;
	s24 =	sld [smem:$0x3FFE];
	[sflag:s23] =	ssyncadd.s32 $0xFFFFFFFF  }
0xa5: {  	s26 =	simm.s32 $execute0_lowered;
	[smem:$0x3FD2] =	sst s25  }
0xa6: {  	s4 =	sshll.u32 s26, $0x1;
	_ =	strace $0x80000049;
	[dreg:$0x1] =	wrdreg $0xFFFFFFFF  }
0xa7: {  	s28 =	simm.s32 $_size_execute0_lowered;
	s2 =	sadd.s32 s2, s4;
	[dreg:$0x0] =	wrdreg $0x0  }
0xa8: {  	s4 =	sshll.u32 s28, $0x1;
	[dreg:$0x2] =	wrdreg s2  }
0xa9: {  	[dreg:$0x3] =	wrdreg s4  }
0xaa: {  	[dreg:$0x4] =	wrdreg $0xC0  }
0xab: {  	_ =	task [dreg:s6], $0x5FFFF  }
0xac: {  	[dreg:$0x1] =	wrdreg $0xFFFFFFFF  }
0xad: {  	[dreg:$0x0] =	wrdreg $0x60  }
0xae: {  	[dreg:$0x2] =	wrdreg s24  }
0xaf: {  	[dreg:$0x3] =	wrdreg $0x44000  }
0xb0: {  	[dreg:$0x4] =	wrdreg $0x9  }
0xb1: {  	_ =	task.clear_ibuf [dreg:s6], $0x5FFFF;
	_ =	strace $0x90000049  }
0xb2: {  	s29 =	simm.s32 $0x9;
	_ =	strace $0x8000004B  }
0xb3: {  	_ =	swait.ge [sflag:s29], $0x1  }
0xb4: {  	[sflag:s29] =	ssyncadd.s32 $0xFFFFFFFF  }
0xb5: {  	_ =	strace $0x9000004B  }
0xb6: {  	_ =	sfence  }
0xb7: {  	s30 =	sld [smem:$0x0];
	_ =	sdelay $0x2  }
0xb8: {  	s31 =	sshll.u32 s1, $0xD;
	s1 =	sshrl.u32 s1, $0x2  }
0xb9: {  	s3 =	sand.u32 $0x4000, s31;
	s1 =	sadd.s32 s1, s30  }
0xba: {  	s0 =	sor.u32 s3, s0;
	s1 =	sshll.u32 s1, $0x11  }
0xbb: {  	s0 =	sor.u32 s1, s0  }
0xbc: {  	s0 =	sadd.s32 $0x8F2B, s0  }
0xbd: {  	[sflag:s0] =	ssyncadd.remote.s32 $0x1  }
0xbe: {  	_ =	sfence.sel $0xFFFF  }
0xbf: {  	[dreg:$0x0] =	wrdreg $0xFFFFFFFF;
	(pc) =	sbr.abs _section_cstart, $3  }
0xc0: {  	[dreg:$0x1] =	wrdreg $0xFFFFFFFF  }
0xc1: {  	_ =	task.clear_ibuf [dreg:s6], $0x2FFFF;
	_ =	strace $0x9FFFFFFF  }
0xc2: {  	(tm) =	ssettm $0x7FFFFFFF  }
0xc3: {  	_ =	shalt  }
tec
execute0_lowered:
.L_overlay_start_1:
0x0: {  	(tag) =	ssettag $0x1  }
0x1: {  	s0 =	stileid.u32;
	s5 =	rddreg [dreg:$0x0]  }
0x2: {  	s1 =	srdreg.scid;
	s2 =	rddreg [dreg:$0x1];
	s3 =	simm.s32 $0x0  }
0x3: {  	s14 =	simm.s32 $0x1400;
	s15 =	simm.s32 $0x100;
	s16 =	simm.s32 $0x2400  }
0x4: {  	s17 =	simm.s32 $0x180;
	s18 =	simm.s32 $0x3400;
	s19 =	simm.s32 $0x200  }
0x5: {  	s20 =	simm.s32 $0x280;
	s21 =	simm.s32 $0x300;
	s7 =	smul.u32 $0x19000, s0  }
0x6: {  	s22 =	simm.s32 $0x380;
	s23 =	simm.s32 $0x0;
	s8 =	smul.u32 $0x1900, s0  }
0x7: {  	s6 =	sand.u32 $0x1, s1;
	s1 =	rddreg [dreg:$0x2];
	s12 =	smul.u32 $0x32000, s0  }
0x8: {  	[smem:$0x7FF] =	sst s3;
	s30 =	sshll.u32 s0, $0x6;
	s4 =	smul.u32 $0x190000, s6  }
0x9: {  	_ =	strace $0x8000004A;
	s29 =	ssub.s32 $0x2, s6;
	p0 =	seq.s32 s6, $0x0  }
0xa: {  	s6 =	simm.s32 $0x2E9C800;
	s10 =	sadd.s32 s8, s5;
	s11 =	sshrl.u32 s29, $0x1  }
0xb: {  	s6 =	simm.s32 @!p0 $0x647600;
	s13 =	sadd.s32 s7, s2;
	s4 =	sadd.s32 s7, s4  }
0xc: {  	s6 =	sadd.s32 s6, s5;
	s9 =	sshrl.u32 s4, $0x3;
	s4 =	sadd.s32 $0x327600, s5  }
0xd: {  	s31 =	sadd.s32 s12, s6;
	s12 =	simm.s32 $0x400;
	s28 =	sadd.s32 s9, s5  }
0xe: {  	s9 =	ssub.s32 s29, s11;
	s5 =	sor.u32 $0x1C01, s30;
	s8 =	sadd.s32 $0x800, s31  }
0xf: {  	s11 =	simm.s32 $0x1;
	s6 =	sadd.s32 $0x32A800, s28;
	s7 =	smax.u32 s9, $0x1  }
0x10: {  	s9 =	sadd.s32 $0x3A4600, s10;
	s10 =	sshrl.u32 s13, $0x3;
	s13 =	simm.s32 $0x80  }
.LBB2_1:
0x11: {  	[spmem:s10], [sflag:s5] =	dma.local [hbm:s4], $0x3200  }
0x12: {  	_ =	swait.ge [sflag:s11], $0x3200  }
0x13: {  	[sflag:s11] =	ssyncset.done $0x0  }
0x14: {  	[sflag:s11] =	ssyncadd.s32 $0xFFFFCE00  }
0x15: {  	s24 =	sadd.s32 $0x0, s9;
	[bflag:$0x0] =	sbarrier.arrive $0xFFFF  }
0x16: {  	[tilespmem:s3], [sflag:$0x1] =	stream.linear.gather [hbm4b:s24+s3], $0x400, $0x38;
	[tilespmem:$0x1D400] =	vst v63  }
0x17: {  	_ =	swait.ge [sflag:s11], $0x400  }
0x18: {  	[sflag:s11] =	ssyncset.done $0x0  }
0x19: {  	s31 =	sadd.s32 $0xFFFFF800, s8;
	[sflag:s11] =	ssyncadd.s32 $0xFFFFFC00  }
0x1a: {  	[tilespmem:s12], [sflag:$0x1] =	stream.linear.gather [hbm4b:s31+s3], $0x4000, $0x38;
	[tilespmem:$0x1D400] =	vst v63  }
0x1b: {  	_ =	swait.ge [sflag:s11], $0x4000  }
0x1c: {  	[sflag:s11] =	ssyncset.done $0x0  }
0x1d: {  	[sflag:s11] =	ssyncadd.s32 $0xFFFFC000  }
0x1e: {  	[spmem:s2] =	stream.indirect.scatter.add.f32 [tilespmem:s12], [sflag:$0x1], $0x20, s3, s13, $0xb8;
	[tilespmem:$0x1D400] =	vst v63  }
0x1f: {  	_ =	swait.ge [sflag:s11], $0x1000  }
0x20: {  	[sflag:s11] =	ssyncset.done $0x0  }
0x21: {  	[sflag:s11] =	ssyncadd.s32 $0xFFFFF000  }
0x22: {  	[spmem:s2] =	stream.indirect.scatter.add.f32 [tilespmem:s14], [sflag:$0x1], $0x20, s13, s13, $0xb8;
	[tilespmem:$0x1D400] =	vst v63  }
0x23: {  	_ =	swait.ge [sflag:s11], $0x1000  }
0x24: {  	[sflag:s11] =	ssyncset.done $0x0  }
0x25: {  	[sflag:s11] =	ssyncadd.s32 $0xFFFFF000  }
0x26: {  	[spmem:s2] =	stream.indirect.scatter.add.f32 [tilespmem:s16], [sflag:$0x1], $0x20, s15, s13, $0xb8;
	[tilespmem:$0x1D400] =	vst v63  }
0x27: {  	_ =	swait.ge [sflag:s11], $0x1000  }
0x28: {  	[sflag:s11] =	ssyncset.done $0x0  }
0x29: {  	[sflag:s11] =	ssyncadd.s32 $0xFFFFF000  }
0x2a: {  	[spmem:s2] =	stream.indirect.scatter.add.f32 [tilespmem:s18], [sflag:$0x1], $0x20, s17, s13, $0xb8;
	[tilespmem:$0x1D400] =	vst v63  }
0x2b: {  	_ =	swait.ge [sflag:s11], $0x1000  }
0x2c: {  	[sflag:s11] =	ssyncset.done $0x0  }
0x2d: {  	[sflag:s11] =	ssyncadd.s32 $0xFFFFF000  }
0x2e: {  	[tilespmem:s12], [sflag:$0x1] =	stream.linear.gather [hbm4b:s8+s3], $0x4000, $0x38;
	[tilespmem:$0x1D400] =	vst v63  }
0x2f: {  	_ =	swait.ge [sflag:s11], $0x4000  }
0x30: {  	[sflag:s11] =	ssyncset.done $0x0  }
0x31: {  	[sflag:s11] =	ssyncadd.s32 $0xFFFFC000  }
0x32: {  	[spmem:s2] =	stream.indirect.scatter.add.f32 [tilespmem:s12], [sflag:$0x1], $0x20, s19, s13, $0xb8;
	[tilespmem:$0x1D400] =	vst v63  }
0x33: {  	_ =	swait.ge [sflag:s11], $0x1000  }
0x34: {  	[sflag:s11] =	ssyncset.done $0x0  }
0x35: {  	[sflag:s11] =	ssyncadd.s32 $0xFFFFF000  }
0x36: {  	[spmem:s2] =	stream.indirect.scatter.add.f32 [tilespmem:s14], [sflag:$0x1], $0x20, s20, s13, $0xb8;
	[tilespmem:$0x1D400] =	vst v63  }
0x37: {  	_ =	swait.ge [sflag:s11], $0x1000  }
0x38: {  	[sflag:s11] =	ssyncset.done $0x0  }
0x39: {  	[sflag:s11] =	ssyncadd.s32 $0xFFFFF000  }
0x3a: {  	[spmem:s2] =	stream.indirect.scatter.add.f32 [tilespmem:s16], [sflag:$0x1], $0x20, s21, s13, $0xb8;
	[tilespmem:$0x1D400] =	vst v63  }
0x3b: {  	_ =	swait.ge [sflag:s11], $0x1000  }
0x3c: {  	[sflag:s11] =	ssyncset.done $0x0  }
0x3d: {  	[sflag:s11] =	ssyncadd.s32 $0xFFFFF000  }
0x3e: {  	[spmem:s2] =	stream.indirect.scatter.add.f32 [tilespmem:s18], [sflag:$0x1], $0x20, s22, s13, $0xb8;
	[tilespmem:$0x1D400] =	vst v63  }
0x3f: {  	s25 =	simm.s32 $0x80;
	_ =	swait.ge [sflag:s11], $0x1000  }
0x40: {  	s28 =	simm.s32 $0x100;
	s24 =	sadd.s32 $0x1000, s8;
	[sflag:s11] =	ssyncset.done $0x0  }
.LBB2_2:
0x41: {  	s29 =	sadd.s32 s25, s9  }
0x42: {  	[sflag:s11] =	ssyncadd.s32 $0xFFFFF000;
	s25 =	smov.u32 s28;
	s26 =	sadd.s32 $0x80, s28  }
0x43: {  	[tilespmem:s3], [sflag:$0x1] =	stream.linear.gather [hbm4b:s29+s3], $0x400, $0x38;
	[tilespmem:$0x1D400] =	vst v63  }
0x44: {  	p0 =	sne.s32 s28, $0x1880;
	_ =	swait.ge [sflag:s11], $0x400  }
0x45: {  	[sflag:s11] =	ssyncset.done $0x0  }
0x46: {  	s28 =	sadd.s32 $0xFFFFF800, s24;
	[sflag:s11] =	ssyncadd.s32 $0xFFFFFC00  }
0x47: {  	[tilespmem:s12], [sflag:$0x1] =	stream.linear.gather [hbm4b:s28+s3], $0x4000, $0x38;
	[tilespmem:$0x1D400] =	vst v63  }
0x48: {  	_ =	swait.ge [sflag:s11], $0x4000  }
0x49: {  	[sflag:s11] =	ssyncset.done $0x0  }
0x4a: {  	[sflag:s11] =	ssyncadd.s32 $0xFFFFC000  }
0x4b: {  	[spmem:s2] =	stream.indirect.scatter.add.f32 [tilespmem:s12], [sflag:$0x1], $0x20, s3, s13, $0xb8;
	[tilespmem:$0x1D400] =	vst v63  }
0x4c: {  	_ =	swait.ge [sflag:s11], $0x1000  }
0x4d: {  	[sflag:s11] =	ssyncset.done $0x0  }
0x4e: {  	[sflag:s11] =	ssyncadd.s32 $0xFFFFF000  }
0x4f: {  	[spmem:s2] =	stream.indirect.scatter.add.f32 [tilespmem:s14], [sflag:$0x1], $0x20, s13, s13, $0xb8;
	[tilespmem:$0x1D400] =	vst v63  }
0x50: {  	_ =	swait.ge [sflag:s11], $0x1000  }
0x51: {  	[sflag:s11] =	ssyncset.done $0x0  }
0x52: {  	[sflag:s11] =	ssyncadd.s32 $0xFFFFF000  }
0x53: {  	[spmem:s2] =	stream.indirect.scatter.add.f32 [tilespmem:s16], [sflag:$0x1], $0x20, s15, s13, $0xb8;
	[tilespmem:$0x1D400] =	vst v63  }
0x54: {  	_ =	swait.ge [sflag:s11], $0x1000  }
0x55: {  	[sflag:s11] =	ssyncset.done $0x0  }
0x56: {  	[sflag:s11] =	ssyncadd.s32 $0xFFFFF000  }
0x57: {  	[spmem:s2] =	stream.indirect.scatter.add.f32 [tilespmem:s18], [sflag:$0x1], $0x20, s17, s13, $0xb8;
	[tilespmem:$0x1D400] =	vst v63  }
0x58: {  	_ =	swait.ge [sflag:s11], $0x1000  }
0x59: {  	[sflag:s11] =	ssyncset.done $0x0  }
0x5a: {  	[sflag:s11] =	ssyncadd.s32 $0xFFFFF000  }
0x5b: {  	[tilespmem:s12], [sflag:$0x1] =	stream.linear.gather [hbm4b:s24+s3], $0x4000, $0x38;
	[tilespmem:$0x1D400] =	vst v63  }
0x5c: {  	_ =	swait.ge [sflag:s11], $0x4000  }
0x5d: {  	[sflag:s11] =	ssyncset.done $0x0  }
0x5e: {  	[sflag:s11] =	ssyncadd.s32 $0xFFFFC000  }
0x5f: {  	[spmem:s2] =	stream.indirect.scatter.add.f32 [tilespmem:s12], [sflag:$0x1], $0x20, s19, s13, $0xb8;
	[tilespmem:$0x1D400] =	vst v63  }
0x60: {  	_ =	swait.ge [sflag:s11], $0x1000  }
0x61: {  	[sflag:s11] =	ssyncset.done $0x0  }
0x62: {  	[sflag:s11] =	ssyncadd.s32 $0xFFFFF000  }
0x63: {  	[spmem:s2] =	stream.indirect.scatter.add.f32 [tilespmem:s14], [sflag:$0x1], $0x20, s20, s13, $0xb8;
	[tilespmem:$0x1D400] =	vst v63  }
0x64: {  	_ =	swait.ge [sflag:s11], $0x1000  }
0x65: {  	[sflag:s11] =	ssyncset.done $0x0  }
0x66: {  	[sflag:s11] =	ssyncadd.s32 $0xFFFFF000  }
0x67: {  	[spmem:s2] =	stream.indirect.scatter.add.f32 [tilespmem:s16], [sflag:$0x1], $0x20, s21, s13, $0xb8;
	[tilespmem:$0x1D400] =	vst v63  }
0x68: {  	_ =	swait.ge [sflag:s11], $0x1000  }
.Ltmp0:
0x69: {  	[sflag:s11] =	ssyncset.done $0x0;
	(pc) =	sbr.rel @p0 .LBB2_2-.Ltmp0, $4  }
0x6a: {  	[sflag:s11] =	ssyncadd.s32 $0xFFFFF000  }
0x6b: {  	[spmem:s2] =	stream.indirect.scatter.add.f32 [tilespmem:s18], [sflag:$0x1], $0x20, s22, s13, $0xb8;
	[tilespmem:$0x1D400] =	vst v63  }
0x6c: {  	_ =	swait.ge [sflag:s11], $0x1000  }
0x6d: {  	s28 =	smov.u32 s26;
	s24 =	sadd.s32 $0x1000, s24;
	[sflag:s11] =	ssyncset.done $0x0  }
0x6e: {  	s25 =	sadd.s32 s25, s9;
	[sflag:s11] =	ssyncadd.s32 $0xFFFFF000  }
0x6f: {  	[tilespmem:s3], [sflag:$0x1] =	stream.linear.gather [hbm4b:s25+s3], $0x400, $0x38;
	[tilespmem:$0x1D400] =	vst v63  }
0x70: {  	_ =	swait.ge [sflag:s11], $0x400  }
0x71: {  	[sflag:s11] =	ssyncset.done $0x0  }
0x72: {  	s31 =	sadd.s32 $0xFFFFF800, s24;
	[sflag:s11] =	ssyncadd.s32 $0xFFFFFC00  }
0x73: {  	[tilespmem:s12], [sflag:$0x1] =	stream.linear.gather [hbm4b:s31+s3], $0x4000, $0x38;
	[tilespmem:$0x1D400] =	vst v63  }
0x74: {  	_ =	swait.ge [sflag:s11], $0x4000  }
0x75: {  	[sflag:s11] =	ssyncset.done $0x0  }
0x76: {  	[sflag:s11] =	ssyncadd.s32 $0xFFFFC000  }
0x77: {  	[spmem:s2] =	stream.indirect.scatter.add.f32 [tilespmem:s12], [sflag:$0x1], $0x20, s3, s13, $0xb8;
	[tilespmem:$0x1D400] =	vst v63  }
0x78: {  	_ =	swait.ge [sflag:s11], $0x1000  }
0x79: {  	[sflag:s11] =	ssyncset.done $0x0  }
0x7a: {  	[sflag:s11] =	ssyncadd.s32 $0xFFFFF000  }
0x7b: {  	[spmem:s2] =	stream.indirect.scatter.add.f32 [tilespmem:s14], [sflag:$0x1], $0x20, s13, s13, $0xb8;
	[tilespmem:$0x1D400] =	vst v63  }
0x7c: {  	_ =	swait.ge [sflag:s11], $0x1000  }
0x7d: {  	[sflag:s11] =	ssyncset.done $0x0  }
0x7e: {  	[sflag:s11] =	ssyncadd.s32 $0xFFFFF000  }
0x7f: {  	[spmem:s2] =	stream.indirect.scatter.add.f32 [tilespmem:s16], [sflag:$0x1], $0x20, s15, s13, $0xb8;
	[tilespmem:$0x1D400] =	vst v63  }
0x80: {  	_ =	swait.ge [sflag:s11], $0x1000  }
0x81: {  	[sflag:s11] =	ssyncset.done $0x0  }
0x82: {  	[sflag:s11] =	ssyncadd.s32 $0xFFFFF000  }
0x83: {  	[spmem:s2] =	stream.indirect.scatter.add.f32 [tilespmem:s18], [sflag:$0x1], $0x20, s17, s13, $0xb8;
	[tilespmem:$0x1D400] =	vst v63  }
0x84: {  	_ =	swait.ge [sflag:s11], $0x1000  }
0x85: {  	[sflag:s11] =	ssyncset.done $0x0  }
0x86: {  	[sflag:s11] =	ssyncadd.s32 $0xFFFFF000  }
0x87: {  	[tilespmem:s12], [sflag:$0x1] =	stream.linear.gather [hbm4b:s24+s3], $0x4000, $0x38;
	[tilespmem:$0x1D400] =	vst v63  }
0x88: {  	_ =	swait.ge [sflag:s11], $0x4000  }
0x89: {  	[sflag:s11] =	ssyncset.done $0x0  }
0x8a: {  	[sflag:s11] =	ssyncadd.s32 $0xFFFFC000  }
0x8b: {  	[spmem:s2] =	stream.indirect.scatter.add.f32 [tilespmem:s12], [sflag:$0x1], $0x20, s19, s13, $0xb8;
	[tilespmem:$0x1D400] =	vst v63  }
0x8c: {  	_ =	swait.ge [sflag:s11], $0x1000  }
0x8d: {  	[sflag:s11] =	ssyncset.done $0x0  }
0x8e: {  	[sflag:s11] =	ssyncadd.s32 $0xFFFFF000  }
0x8f: {  	[spmem:s2] =	stream.indirect.scatter.add.f32 [tilespmem:s14], [sflag:$0x1], $0x20, s20, s13, $0xb8;
	[tilespmem:$0x1D400] =	vst v63  }
0x90: {  	_ =	swait.ge [sflag:s11], $0x1000  }
0x91: {  	[sflag:s11] =	ssyncset.done $0x0  }
0x92: {  	[sflag:s11] =	ssyncadd.s32 $0xFFFFF000  }
0x93: {  	[spmem:s2] =	stream.indirect.scatter.add.f32 [tilespmem:s16], [sflag:$0x1], $0x20, s21, s13, $0xb8;
	[tilespmem:$0x1D400] =	vst v63  }
0x94: {  	_ =	swait.ge [sflag:s11], $0x1000  }
0x95: {  	[sflag:s11] =	ssyncset.done $0x0  }
0x96: {  	[sflag:s11] =	ssyncadd.s32 $0xFFFFF000  }
0x97: {  	[spmem:s2] =	stream.indirect.scatter.add.f32 [tilespmem:s18], [sflag:$0x1], $0x20, s22, s13, $0xb8;
	[tilespmem:$0x1D400] =	vst v63  }
0x98: {  	_ =	swait.ge [sflag:s11], $0x1000  }
0x99: {  	s23 =	sadd.s32 $0x1, s23;
	[sflag:s11] =	ssyncset.done $0x0  }
0x9a: {  	p0 =	sne.s32 s23, s7;
	[sflag:s11] =	ssyncadd.s32 $0xFFFFF000  }
.Ltmp1:
0x9b: {  	[bflag:$0x0] =	sbarrier.arrive $0xFFFF;
	(pc) =	sbr.rel @p0 .LBB2_1-.Ltmp1, $4  }
0x9c: {  	[hbm:s6], [sflag:s5] =	dma.local [spmem:s10], $0x3200  }
0x9d: {  	_ =	swait.ge [sflag:s11], $0x3200  }
0x9e: {  	[sflag:s11] =	ssyncset.done $0x0  }
0x9f: {  	[sflag:s11] =	ssyncadd.s32 $0xFFFFCE00  }
0xa0: {  	_ =	sfence.sel $0x180000  }
0xa1: {  	[bflag:$0x0] =	sbarrier.arrive $0xFFFF  }
0xa2: {  	p0 =	sne.s32 s0, $0x0;
	_ =	strace $0x9000004A  }
0xa3: {  	s0 =	sadd.s32 @!p0 $0x100000, s1;
	[bflag:$0x2] =	sbarrier.arrive $0xFFFF  }
0xa4: {  	[sflag:s0] =	ssyncadd.tile.s32 @!p0 $0x1;
	_ =	shalt  }
.Lfunc_end2:
_tile_overlayer_lowered:
.L_overlay_start_2:
0xa5: {  	(tag) =	ssettag $0x2  }
0xa6: {  	s0 =	rddreg [dreg:$0x0];
	s2 =	stileid.u32  }
0xa7: {  	s1 =	rddreg [dreg:$0x1];
	p0 =	sne.s32 s2, $0x0  }
0xa8: {  	s3 =	rddreg [dreg:$0x2];
	[bflag:$0x3] =	sbarrier.arrive $0xFFFF;
	s2 =	simm.s32 @!p0 $0x1C01  }
0xa9: {  	[timem:s3], [sflag:s2] =	dma.local @!p0 [hbm:s0], s1  }
0xaa: {  	s0 =	simm.s32 @!p0 $0x1  }
0xab: {  	_ =	swait.ge @!p0 [sflag:s0], s1  }
0xac: {  	s1 =	ssub.s32 @!p0 $0x0, s1;
	[sflag:s0] =	ssyncset.done @!p0 $0x0  }
0xad: {  	[sflag:s0] =	ssyncadd.s32 @!p0 s1  }
0xae: {  	[bflag:$0x3] =	sbarrier.arrive $0xFFFF  }
0xaf: {  	_ =	shalt  }

// kernel: kernel.19.cloned.1.call-start
scs
__scs_entry_jumppad:
0x0: {  	(pc) =	sbr.rel $0x88, $3  }
0x1: {  	(tag) =	ssettag $0x0;
	lr =	simm.s32 $0x1  }
0x2: {  	[smem:$0x3F71] =	sst lr;
	_ =	strace $0xD0000000  }
0x3: {  	_ = 	snop  }
0x4: {  	_ = 	snop  }
0x5: {  	_ = 	snop  }
0x6: {  	_ = 	snop  }
0x7: {  	_ = 	snop  }
__scs_overlays_trampoline_lowered:
0x8: {  	[smem:$0x3F80] =	sst s0  }
0x9: {  	[smem:$0x3F81] =	sst s1  }
0xa: {  	[smem:$0x3F82] =	sst s2  }
0xb: {  	[smem:$0x3F83] =	sst s3  }
0xc: {  	[smem:$0x3F84] =	sst s4  }
0xd: {  	[smem:$0x3F85] =	sst s5  }
0xe: {  	[smem:$0x3F86] =	sst s6  }
0xf: {  	[smem:$0x3F87] =	sst s7  }
0x10: {  	[smem:$0x3F88] =	sst s8  }
0x11: {  	[smem:$0x3F89] =	sst s9;
	s0 =	simm.s32 @!p0 $0x0  }
0x12: {  	s1 =	sld [smem:$0x3F6F];
	s0 =	simm.s32 @p0 $0x1  }
0x13: {  	[smem:$0x3F8A] =	sst s0;
	s0 =	simm.s32 @!p1 $0x0  }
0x14: {  	s2 =	sld [smem:$0x3F6E];
	s0 =	simm.s32 @p1 $0x1  }
0x15: {  	[smem:$0x3F8B] =	sst s0;
	s0 =	simm.s32 @!p2 $0x0  }
0x16: {  	s3 =	sld [smem:$0x3FDB];
	s0 =	simm.s32 @p2 $0x1  }
0x17: {  	s4 =	simm.s32 $0x1BF5;
	[smem:$0x3F8D] =	sst s0  }
0x18: {  	s0 =	sld [smem:$0x3F70];
	_ =	swait.ge [sflag:s4], $0x0  }
0x19: {  	s7 =	sld [smem:$0x3F71]  }
0x1a: {  	s8 =	sadd.s32 $0xFFFFE003, lr  }
0x1b: {  	s9 =	sadd.s32 $0xFFFFFEF7, lr;
	s5 =	simm.s32 $0xFFFFFFFF;
	p2 =	slt.u32 s8, $0xFFFFF086  }
0x1c: {  	p1 =	slt.u32 s9, $0xF7A;
	s5 =	simm.s32 @!p2 $0x0  }
0x1d: {  	s5 =	simm.s32 @p1 $0x1;
	p0 =	seq.s32 s7, s2  }
0x1e: {  	s7 =	smul.u32 @!p0 $0xF7A, s2;
	p2 =	seq.s32 @!p0 s5, $0x0  }
0x1f: {  	s9 =	smul.u32 $0xF7A, s1;
	s8 =	simm.s32 @!p0 $0x1BF5;
	p2 =	por !p2, p0  }
0x20: {  	[sflag:s8] =	ssyncset.s32 @!p0 $0xFFFFF086;
	s6 =	sadd.s32 @!p0 s3, s7;
	s7 =	simm.s32 @!p0 $0x108  }
0x21: {  	s3 =	sadd.s32 s3, s9;
	s6 =	sadd.s32 @!p0 $0x88, s6;
	s7 =	simm.s32 @p2 $0x1082  }
0x22: {  	[simem:s7], [sflag:s8] =	dma.local @!p0 [hbm:s6], $0xF7A  }
0x23: {  	s9 =	sor.u32 $0xD0000000, s2;
	s6 =	simm.s32 $0x108;
	_ =	swait.ge @!p0 [sflag:s8], $0x0  }
0x24: {  	s3 =	sadd.s32 $0x88, s3;
	s6 =	simm.s32 @!p1 $0x1082;
	[sflag:s4] =	ssyncset.s32 $0xFFFFF086  }
0x25: {  	[simem:s6], [sflag:s4] =	dma.local [hbm:s3], $0xF7A  }
0x26: {  	[smem:$0x3F71] =	sst s1;
	(tag) =	ssettag s2;
	_ =	strace s9  }
0x27: {  	s1 =	sld [smem:$0x3F81]  }
0x28: {  	s2 =	sld [smem:$0x3F82]  }
0x29: {  	s4 =	sld [smem:$0x3F84]  }
0x2a: {  	p0 =	seq.s32 s5, $0x0;
	s5 =	sld [smem:$0x3F85]  }
0x2b: {  	s6 =	sld [smem:$0x3F86]  }
0x2c: {  	s7 =	sld [smem:$0x3F87]  }
0x2d: {  	s3 =	simm.s32 $0x108;
	s8 =	sld [smem:$0x3F88]  }
0x2e: {  	s3 =	simm.s32 @!p0 $0x1082;
	s9 =	sld [smem:$0x3F89]  }
0x2f: {  	lr =	sadd.s32 s0, s3;
	s0 =	sld [smem:$0x3F80]  }
0x30: {  	s3 =	sld [smem:$0x3F83]  }
0x31: {  	[smem:$0x3F8C] =	sst s10  }
0x32: {  	s10 =	sld [smem:$0x3F8A];
	_ =	sdelay $0x3  }
0x33: {  	p0 =	seq.s32 s10, $0x1;
	s10 =	sld [smem:$0x3F8C];
	_ =	sdelay $0x3  }
0x34: {  	[smem:$0x3F8C] =	sst s10  }
0x35: {  	s10 =	sld [smem:$0x3F8B];
	_ =	sdelay $0x3  }
0x36: {  	p1 =	seq.s32 s10, $0x1;
	s10 =	sld [smem:$0x3F8C];
	_ =	sdelay $0x3  }
0x37: {  	[smem:$0x3F8C] =	sst s10  }
0x38: {  	s10 =	sld [smem:$0x3F8D]  }
0x39: {  	_ = 	snop;
	(pc) =	sbr.ind lr, $3  }
0x3a: {  	_ = 	snop  }
0x3b: {  	_ = 	snop  }
0x3c: {  	p2 =	seq.s32 s10, $0x1;
	s10 =	sld [smem:$0x3F8C]  }
0x3d: {  	_ =	shalt  }
0x3e: {  	_ =	shalt  }
0x3f: {  	_ =	shalt  }
0x40: {  	_ =	shalt  }
0x41: {  	_ =	shalt  }
0x42: {  	_ =	shalt  }
0x43: {  	_ =	shalt  }
0x44: {  	_ =	shalt  }
0x45: {  	_ =	shalt  }
0x46: {  	_ =	shalt  }
0x47: {  	_ =	shalt  }
0x48: {  	_ =	shalt  }
0x49: {  	_ =	shalt  }
0x4a: {  	_ =	shalt  }
0x4b: {  	_ =	shalt  }
0x4c: {  	_ =	shalt  }
0x4d: {  	_ =	shalt  }
0x4e: {  	_ =	shalt  }
0x4f: {  	_ =	shalt  }
0x50: {  	_ =	shalt  }
0x51: {  	_ =	shalt  }
0x52: {  	_ =	shalt  }
0x53: {  	_ =	shalt  }
0x54: {  	_ =	shalt  }
0x55: {  	_ =	shalt  }
0x56: {  	_ =	shalt  }
0x57: {  	_ =	shalt  }
0x58: {  	_ =	shalt  }
0x59: {  	_ =	shalt  }
0x5a: {  	_ =	shalt  }
0x5b: {  	_ =	shalt  }
0x5c: {  	_ =	shalt  }
0x5d: {  	_ =	shalt  }
0x5e: {  	_ =	shalt  }
0x5f: {  	_ =	shalt  }
0x60: {  	_ =	shalt  }
0x61: {  	_ =	shalt  }
0x62: {  	_ =	shalt  }
0x63: {  	_ =	shalt  }
0x64: {  	_ =	shalt  }
0x65: {  	_ =	shalt  }
0x66: {  	_ =	shalt  }
0x67: {  	_ =	shalt  }
0x68: {  	_ =	shalt  }
0x69: {  	_ =	shalt  }
0x6a: {  	_ =	shalt  }
0x6b: {  	_ =	shalt  }
0x6c: {  	_ =	shalt  }
0x6d: {  	_ =	shalt  }
0x6e: {  	_ =	shalt  }
0x6f: {  	_ =	shalt  }
0x70: {  	_ =	shalt  }
0x71: {  	_ =	shalt  }
0x72: {  	_ =	shalt  }
0x73: {  	_ =	shalt  }
0x74: {  	_ =	shalt  }
0x75: {  	_ =	shalt  }
0x76: {  	_ =	shalt  }
0x77: {  	_ =	shalt  }
0x78: {  	_ =	shalt  }
0x79: {  	_ =	shalt  }
0x7a: {  	_ =	shalt  }
0x7b: {  	_ =	shalt  }
0x7c: {  	_ =	shalt  }
0x7d: {  	_ =	shalt  }
0x7e: {  	_ =	shalt  }
0x7f: {  	_ =	shalt  }
0x80: {  	_ =	shalt  }
0x81: {  	_ =	shalt  }
0x82: {  	_ =	shalt  }
0x83: {  	_ =	shalt  }
0x84: {  	_ =	shalt  }
0x85: {  	_ =	shalt  }
0x86: {  	_ =	shalt  }
0x87: {  	_ =	shalt  }
.Lfunc_end0:
.L_simem_size_0:
called_computation.2_lowered:
.L_overlay_start_0:
0x88: {  	s2 =	sld [smem:$0x3FD9]  }
0x89: {  	s3 =	sld [smem:$0x3FFE];
	_ =	sdelay $0x1  }
0x8a: {  	s1 =	srdreg.scid  }
0x8b: {  	s0 =	sand.u32 $0x1, s1  }
0x8c: {  	s16 =	sshll.u32 s0, $0xA;
	s2 =	sadd.s32 s3, s2  }
0x8d: {  	s2 =	sadd.s32 s2, s16  }
0x8e: {  	[smem:$0x3F98] =	sst s2  }
0x8f: {  	_ = 	snop  }
0x90: {  	(tm) =	ssettm $0x1  }
0x91: {  	s17 =	sld [smem:$0x3FFB];
	_ =	sdelay $0x3  }
0x92: {  	_ =	strace s17  }
0x93: {  	s2 =	sld [smem:$0x3FFC];
	_ =	sdelay $0x3  }
0x94: {  	_ =	strace s2  }
0x95: {  	s2 =	sld [smem:$0x3FFD];
	_ =	sdelay $0x3  }
0x96: {  	_ =	strace s2  }
0x97: {  	_ =	strace $0x8FFFFFFF  }
0x98: {  	s18 =	sld [smem:$0x3FDB];
	_ =	sdelay $0x1  }
0x99: {  	s19 =	simm.s32 $_scs_section_size  }
0x9a: {  	s4 =	simm.s32 $_size__tile_overlayer_lowered;
	s5 =	simm.s32 $_tile_overlayer_lowered  }
0x9b: {  	s22 =	simm.s32 $0x1BFF;
	s21 =	sshll.u32 s5, $0x1;
	s2 =	sadd.s32 s19, s18  }
0x9c: {  	s6 =	simm.s32 $0x0;
	s20 =	sshll.u32 s4, $0x1;
	s4 =	sadd.s32 s21, s2  }
0x9d: {  	[timem:s6], [sflag:s22] =	dma.local [hbm:s4], s20  }
0x9e: {  	_ =	swait.ge [sflag:s22], s20  }
0x9f: {  	s3 =	ssub.s32 $0x0, s20;
	[sflag:s22] =	ssyncset.done $0x0  }
0xa0: {  	[sflag:s22] =	ssyncadd.s32 s3;
	_ =	sdelay $0x1  }
0xa1: {  	s23 =	simm.s32 $0x1B8B  }
0xa2: {  	_ =	swait.ge [sflag:s23], $0x1  }
0xa3: {  	[sflag:s23] =	ssyncset.done $0x0  }
0xa4: {  	s25 =	simm.s32 $0x1B8E;
	s24 =	sld [smem:$0x3FFE];
	[sflag:s23] =	ssyncadd.s32 $0xFFFFFFFF  }
0xa5: {  	s26 =	simm.s32 $execute0_lowered;
	[smem:$0x3FD2] =	sst s25  }
0xa6: {  	s4 =	sshll.u32 s26, $0x1;
	_ =	strace $0x8000004C;
	[dreg:$0x1] =	wrdreg $0xFFFFFFFF  }
0xa7: {  	s28 =	simm.s32 $_size_execute0_lowered;
	s2 =	sadd.s32 s2, s4;
	[dreg:$0x0] =	wrdreg $0x0  }
0xa8: {  	s4 =	sshll.u32 s28, $0x1;
	[dreg:$0x2] =	wrdreg s2  }
0xa9: {  	[dreg:$0x3] =	wrdreg s4  }
0xaa: {  	[dreg:$0x4] =	wrdreg $0xC0  }
0xab: {  	_ =	task [dreg:s6], $0x5FFFF  }
0xac: {  	[dreg:$0x1] =	wrdreg $0xFFFFFFFF  }
0xad: {  	[dreg:$0x0] =	wrdreg $0x60  }
0xae: {  	[dreg:$0x2] =	wrdreg s24  }
0xaf: {  	[dreg:$0x3] =	wrdreg $0x9  }
0xb0: {  	_ =	task.clear_ibuf [dreg:s6], $0x4FFFF;
	_ =	strace $0x9000004C  }
0xb1: {  	s29 =	simm.s32 $0x9;
	_ =	strace $0x8000004E  }
0xb2: {  	_ =	swait.ge [sflag:s29], $0x1  }
0xb3: {  	[sflag:s29] =	ssyncadd.s32 $0xFFFFFFFF  }
0xb4: {  	_ =	strace $0x9000004E  }
0xb5: {  	_ =	sfence  }
0xb6: {  	s30 =	sld [smem:$0x0];
	_ =	sdelay $0x2  }
0xb7: {  	s31 =	sshll.u32 s1, $0xD;
	s1 =	sshrl.u32 s1, $0x2  }
0xb8: {  	s3 =	sand.u32 $0x4000, s31;
	s1 =	sadd.s32 s1, s30  }
0xb9: {  	s0 =	sor.u32 s3, s0;
	s1 =	sshll.u32 s1, $0x11  }
0xba: {  	s0 =	sor.u32 s1, s0  }
0xbb: {  	s0 =	sadd.s32 $0x8F2B, s0  }
0xbc: {  	[sflag:s0] =	ssyncadd.remote.s32 $0x1  }
0xbd: {  	_ =	sfence.sel $0xFFFF  }
0xbe: {  	[dreg:$0x0] =	wrdreg $0xFFFFFFFF;
	(pc) =	sbr.abs _section_cstart, $3  }
0xbf: {  	[dreg:$0x1] =	wrdreg $0xFFFFFFFF  }
0xc0: {  	_ =	task.clear_ibuf [dreg:s6], $0x2FFFF;
	_ =	strace $0x9FFFFFFF  }
0xc1: {  	(tm) =	ssettm $0x7FFFFFFF  }
tec
execute0_lowered:
.L_overlay_start_1:
0x0: {  	(tag) =	ssettag $0x1  }
0x1: {  	s0 =	rddreg [dreg:$0x0]  }
0x2: {  	s2 =	simm.s32 $0x0;
	s4 =	stileid.u32;
	s3 =	srdreg.scid  }
0x3: {  	s9 =	simm.s32 $0x80;
	s10 =	simm.s32 $0x800;
	s11 =	simm.s32 $0x8800  }
0x4: {  	s12 =	simm.s32 $0x2800;
	s25 =	simm.s32 $0x480;
	s13 =	simm.s32 $0xA800  }
0x5: {  	s26 =	simm.s32 $0x100;
	s14 =	simm.s32 $0x4800;
	s29 =	simm.s32 $0x500  }
0x6: {  	s15 =	simm.s32 $0xC800;
	s30 =	simm.s32 $0x180;
	s16 =	simm.s32 $0x6800  }
0x7: {  	s31 =	simm.s32 $0x580;
	s17 =	simm.s32 $0xE800;
	s18 =	simm.s32 $0x1  }
0x8: {  	s19 =	simm.s32 $0x200;
	s20 =	simm.s32 $0x600;
	[smem:$0x7FF] =	sst s2  }
0x9: {  	s1 =	smul.u32 $0x1900, s4;
	_ =	strace $0x8000004D;
	[dreg:$0x4] =	wrdreg s25  }
0xa: {  	s28 =	simm.s32 $0x0;
	s4 =	smul.u32 $0x64000, s4;
	[dreg:$0x5] =	wrdreg s26  }
0xb: {  	s5 =	sand.u32 $0x1, s3;
	s3 =	sadd.s32 $0x32A800, s0;
	[dreg:$0x6] =	wrdreg s29  }
0xc: {  	s6 =	ssub.s32 $0x2, s5;
	s7 =	smul.u32 $0x32000, s5;
	[dreg:$0x7] =	wrdreg s30  }
0xd: {  	s5 =	smul.u32 $0xC80, s5;
	[dreg:$0x8] =	wrdreg s31;
	s25 =	simm.s32 $0x380  }
0xe: {  	s26 =	simm.s32 $0x780;
	s4 =	sadd.s32 s4, s0;
	s8 =	sshrl.u32 s6, $0x1  }
0xf: {  	s0 =	sadd.s32 s1, s0;
	s21 =	ssub.s32 s6, s8;
	s22 =	sadd.s32 s7, s4  }
0x10: {  	s0 =	sadd.s32 s5, s0;
	s7 =	simm.s32 $0x2;
	s8 =	simm.s32 $0x400  }
0x11: {  	s1 =	smax.u32 s21, $0x1;
	s23 =	sadd.s32 $0x34DC800, s22;
	s5 =	sadd.s32 $0x3BD600, s0  }
0x12: {  	s24 =	sadd.s32 $0x2E9C800, s22;
	s6 =	sadd.s32 $0x3A4600, s0;
	[dreg:$0x9] =	wrdreg s1  }
0x13: {  	s21 =	simm.s32 $0x280;
	s22 =	simm.s32 $0x680;
	[dreg:$0x2] =	wrdreg s23  }
0x14: {  	[dreg:$0x3] =	wrdreg s24;
	s23 =	simm.s32 $0x300;
	s24 =	simm.s32 $0x700  }
.LBB2_1:
0x15: {  	[tilespmem:s2], [sflag:$0x2] =	stream.linear.gather [hbm4b:s6+s2], $0x400, $0x38;
	[tilespmem:$0x10800] =	vst v63  }
0x16: {  	_ =	swait.ge [sflag:s7], $0x400  }
0x17: {  	[sflag:s7] =	ssyncset.done $0x0  }
0x18: {  	[sflag:s7] =	ssyncadd.s32 $0xFFFFFC00  }
0x19: {  	[tilespmem:s8], [sflag:$0x2] =	stream.linear.gather [hbm4b:s5+s2], $0x400, $0x38;
	[tilespmem:$0x10800] =	vst v63  }
0x1a: {  	_ =	swait.ge [sflag:s7], $0x400  }
0x1b: {  	[sflag:s7] =	ssyncset.done $0x0  }
0x1c: {  	[sflag:s7] =	ssyncadd.s32 $0xFFFFFC00  }
0x1d: {  	[tilespmem:s10], [sflag:$0x1] =	stream.indirect.gather [hbm4b:s3+s9], $0x40, s2, s9, $0xb8;
	[tilespmem:$0x10800] =	vst v63  }
0x1e: {  	_ = 	snop  }
0x1f: {  	[tilespmem:s11], [sflag:$0x1] =	stream.indirect.gather [hbm4b:s3+s9], $0x40, s8, s9, $0xb8;
	[tilespmem:$0x10800] =	vst v63  }
0x20: {  	_ = 	snop  }
0x21: {  	[tilespmem:s12], [sflag:$0x1] =	stream.indirect.gather [hbm4b:s3+s9], $0x40, s9, s9, $0xb8;
	[tilespmem:$0x10800] =	vst v63  }
0x22: {  	s0 =	rddreg [dreg:$0x4]  }
0x23: {  	[tilespmem:s13], [sflag:$0x1] =	stream.indirect.gather [hbm4b:s3+s9], $0x40, s0, s9, $0xb8;
	[tilespmem:$0x10800] =	vst v63  }
0x24: {  	s1 =	rddreg [dreg:$0x5]  }
0x25: {  	[tilespmem:s14], [sflag:$0x1] =	stream.indirect.gather [hbm4b:s3+s9], $0x40, s1, s9, $0xb8;
	[tilespmem:$0x10800] =	vst v63  }
0x26: {  	s4 =	rddreg [dreg:$0x6]  }
0x27: {  	[tilespmem:s15], [sflag:$0x1] =	stream.indirect.gather [hbm4b:s3+s9], $0x40, s4, s9, $0xb8;
	[tilespmem:$0x10800] =	vst v63  }
0x28: {  	s1 =	rddreg [dreg:$0x7]  }
0x29: {  	[tilespmem:s16], [sflag:$0x1] =	stream.indirect.gather [hbm4b:s3+s9], $0x40, s1, s9, $0xb8;
	[tilespmem:$0x10800] =	vst v63  }
0x2a: {  	s4 =	rddreg [dreg:$0x8]  }
0x2b: {  	[tilespmem:s17], [sflag:$0x1] =	stream.indirect.gather [hbm4b:s3+s9], $0x40, s4, s9, $0xb8;
	[tilespmem:$0x10800] =	vst v63  }
0x2c: {  	_ =	swait.ge [sflag:s18], $0x2000  }
0x2d: {  	[sflag:s18] =	ssyncset.done $0x0  }
0x2e: {  	[sflag:s18] =	ssyncadd.s32 $0xFFFFE000  }
0x2f: {  	_ =	swait.ge [sflag:s18], $0x2000  }
0x30: {  	[sflag:s18] =	ssyncset.done $0x0  }
0x31: {  	[sflag:s18] =	ssyncadd.s32 $0xFFFFE000  }
0x32: {  	_ =	swait.ge [sflag:s18], $0x2000  }
0x33: {  	[sflag:s18] =	ssyncset.done $0x0  }
0x34: {  	[sflag:s18] =	ssyncadd.s32 $0xFFFFE000  }
0x35: {  	_ =	swait.ge [sflag:s18], $0x2000  }
0x36: {  	[sflag:s18] =	ssyncset.done $0x0  }
0x37: {  	[sflag:s18] =	ssyncadd.s32 $0xFFFFE000  }
0x38: {  	_ =	swait.ge [sflag:s18], $0x2000  }
0x39: {  	[sflag:s18] =	ssyncset.done $0x0  }
0x3a: {  	[sflag:s18] =	ssyncadd.s32 $0xFFFFE000  }
0x3b: {  	_ =	swait.ge [sflag:s18], $0x2000  }
0x3c: {  	[sflag:s18] =	ssyncset.done $0x0  }
0x3d: {  	[sflag:s18] =	ssyncadd.s32 $0xFFFFE000  }
0x3e: {  	_ =	swait.ge [sflag:s18], $0x2000  }
0x3f: {  	[sflag:s18] =	ssyncset.done $0x0  }
0x40: {  	[sflag:s18] =	ssyncadd.s32 $0xFFFFE000  }
0x41: {  	_ =	swait.ge [sflag:s18], $0x2000  }
0x42: {  	s1 =	rddreg [dreg:$0x3];
	[sflag:s18] =	ssyncset.done $0x0  }
0x43: {  	[sflag:s18] =	ssyncadd.s32 $0xFFFFE000;
	s0 =	sadd.s32 $0x0, s1  }
0x44: {  	[hbm4b:s0+s2] =	stream.linear.scatter [tilespmem:s10], [sflag:$0x2], $0x8000, $0x38;
	[tilespmem:$0x10800] =	vst v63  }
0x45: {  	_ =	swait.ge [sflag:s7], $0x8000  }
0x46: {  	s4 =	rddreg [dreg:$0x2];
	[sflag:s7] =	ssyncset.done $0x0  }
0x47: {  	[sflag:s7] =	ssyncadd.s32 $0xFFFF8000;
	s1 =	sadd.s32 $0x0, s4  }
0x48: {  	[hbm4b:s1+s2] =	stream.linear.scatter [tilespmem:s11], [sflag:$0x2], $0x8000, $0x38;
	[tilespmem:$0x10800] =	vst v63  }
0x49: {  	_ =	swait.ge [sflag:s7], $0x8000  }
0x4a: {  	[sflag:s7] =	ssyncset.done $0x0  }
0x4b: {  	[sflag:s7] =	ssyncadd.s32 $0xFFFF8000  }
0x4c: {  	[tilespmem:s10], [sflag:$0x1] =	stream.indirect.gather [hbm4b:s3+s9], $0x40, s19, s9, $0xb8;
	[tilespmem:$0x10800] =	vst v63  }
0x4d: {  	_ = 	snop  }
0x4e: {  	[tilespmem:s11], [sflag:$0x1] =	stream.indirect.gather [hbm4b:s3+s9], $0x40, s20, s9, $0xb8;
	[tilespmem:$0x10800] =	vst v63  }
0x4f: {  	_ = 	snop  }
0x50: {  	[tilespmem:s12], [sflag:$0x1] =	stream.indirect.gather [hbm4b:s3+s9], $0x40, s21, s9, $0xb8;
	[tilespmem:$0x10800] =	vst v63  }
0x51: {  	_ = 	snop  }
0x52: {  	[tilespmem:s13], [sflag:$0x1] =	stream.indirect.gather [hbm4b:s3+s9], $0x40, s22, s9, $0xb8;
	[tilespmem:$0x10800] =	vst v63  }
0x53: {  	_ = 	snop  }
0x54: {  	[tilespmem:s14], [sflag:$0x1] =	stream.indirect.gather [hbm4b:s3+s9], $0x40, s23, s9, $0xb8;
	[tilespmem:$0x10800] =	vst v63  }
0x55: {  	_ = 	snop  }
0x56: {  	[tilespmem:s15], [sflag:$0x1] =	stream.indirect.gather [hbm4b:s3+s9], $0x40, s24, s9, $0xb8;
	[tilespmem:$0x10800] =	vst v63  }
0x57: {  	_ = 	snop  }
0x58: {  	[tilespmem:s16], [sflag:$0x1] =	stream.indirect.gather [hbm4b:s3+s9], $0x40, s25, s9, $0xb8;
	[tilespmem:$0x10800] =	vst v63  }
0x59: {  	_ = 	snop  }
0x5a: {  	[tilespmem:s17], [sflag:$0x1] =	stream.indirect.gather [hbm4b:s3+s9], $0x40, s26, s9, $0xb8;
	[tilespmem:$0x10800] =	vst v63  }
0x5b: {  	_ =	swait.ge [sflag:s18], $0x2000  }
0x5c: {  	[sflag:s18] =	ssyncset.done $0x0  }
0x5d: {  	[sflag:s18] =	ssyncadd.s32 $0xFFFFE000  }
0x5e: {  	_ =	swait.ge [sflag:s18], $0x2000  }
0x5f: {  	[sflag:s18] =	ssyncset.done $0x0  }
0x60: {  	[sflag:s18] =	ssyncadd.s32 $0xFFFFE000  }
0x61: {  	_ =	swait.ge [sflag:s18], $0x2000  }
0x62: {  	[sflag:s18] =	ssyncset.done $0x0  }
0x63: {  	[sflag:s18] =	ssyncadd.s32 $0xFFFFE000  }
0x64: {  	_ =	swait.ge [sflag:s18], $0x2000  }
0x65: {  	[sflag:s18] =	ssyncset.done $0x0  }
0x66: {  	[sflag:s18] =	ssyncadd.s32 $0xFFFFE000  }
0x67: {  	_ =	swait.ge [sflag:s18], $0x2000  }
0x68: {  	[sflag:s18] =	ssyncset.done $0x0  }
0x69: {  	[sflag:s18] =	ssyncadd.s32 $0xFFFFE000  }
0x6a: {  	_ =	swait.ge [sflag:s18], $0x2000  }
0x6b: {  	[sflag:s18] =	ssyncset.done $0x0  }
0x6c: {  	[sflag:s18] =	ssyncadd.s32 $0xFFFFE000  }
0x6d: {  	_ =	swait.ge [sflag:s18], $0x2000  }
0x6e: {  	[sflag:s18] =	ssyncset.done $0x0  }
0x6f: {  	[sflag:s18] =	ssyncadd.s32 $0xFFFFE000  }
0x70: {  	_ =	swait.ge [sflag:s18], $0x2000  }
0x71: {  	[sflag:s18] =	ssyncset.done $0x0  }
0x72: {  	s0 =	sadd.s32 $0x1000, s0;
	[sflag:s18] =	ssyncadd.s32 $0xFFFFE000  }
0x73: {  	[hbm4b:s0+s2] =	stream.linear.scatter [tilespmem:s10], [sflag:$0x2], $0x8000, $0x38;
	[tilespmem:$0x10800] =	vst v63  }
0x74: {  	_ =	swait.ge [sflag:s7], $0x8000  }
0x75: {  	[sflag:s7] =	ssyncset.done $0x0  }
0x76: {  	s4 =	sadd.s32 $0x1000, s1;
	[sflag:s7] =	ssyncadd.s32 $0xFFFF8000  }
0x77: {  	[hbm4b:s4+s2] =	stream.linear.scatter [tilespmem:s11], [sflag:$0x2], $0x8000, $0x38;
	[tilespmem:$0x10800] =	vst v63  }
0x78: {  	s29 =	simm.s32 $0x2000;
	_ =	swait.ge [sflag:s7], $0x8000  }
0x79: {  	s30 =	smov.u32 s5;
	s31 =	smov.u32 s6;
	[sflag:s7] =	ssyncset.done $0x0  }
.LBB2_2:
0x7a: {  	[sflag:s7] =	ssyncadd.s32 $0xFFFF8000;
	s31 =	sadd.s32 $0x80, s31  }
0x7b: {  	[tilespmem:s2], [sflag:$0x2] =	stream.linear.gather [hbm4b:s31+s2], $0x400, $0x38;
	[tilespmem:$0x10800] =	vst v63  }
0x7c: {  	_ =	swait.ge [sflag:s7], $0x400  }
0x7d: {  	[sflag:s7] =	ssyncset.done $0x0  }
0x7e: {  	s30 =	sadd.s32 $0x80, s30;
	[sflag:s7] =	ssyncadd.s32 $0xFFFFFC00  }
0x7f: {  	[tilespmem:s8], [sflag:$0x2] =	stream.linear.gather [hbm4b:s30+s2], $0x400, $0x38;
	[tilespmem:$0x10800] =	vst v63  }
0x80: {  	_ =	swait.ge [sflag:s7], $0x400  }
0x81: {  	[sflag:s7] =	ssyncset.done $0x0  }
0x82: {  	[sflag:s7] =	ssyncadd.s32 $0xFFFFFC00  }
0x83: {  	[tilespmem:s10], [sflag:$0x1] =	stream.indirect.gather [hbm4b:s3+s9], $0x40, s2, s9, $0xb8;
	[tilespmem:$0x10800] =	vst v63  }
0x84: {  	_ = 	snop  }
0x85: {  	[tilespmem:s11], [sflag:$0x1] =	stream.indirect.gather [hbm4b:s3+s9], $0x40, s8, s9, $0xb8;
	[tilespmem:$0x10800] =	vst v63  }
0x86: {  	_ = 	snop  }
0x87: {  	[tilespmem:s12], [sflag:$0x1] =	stream.indirect.gather [hbm4b:s3+s9], $0x40, s9, s9, $0xb8;
	[tilespmem:$0x10800] =	vst v63  }
0x88: {  	s1 =	rddreg [dreg:$0x4]  }
0x89: {  	[tilespmem:s13], [sflag:$0x1] =	stream.indirect.gather [hbm4b:s3+s9], $0x40, s1, s9, $0xb8;
	[tilespmem:$0x10800] =	vst v63  }
0x8a: {  	s4 =	rddreg [dreg:$0x5]  }
0x8b: {  	[tilespmem:s14], [sflag:$0x1] =	stream.indirect.gather [hbm4b:s3+s9], $0x40, s4, s9, $0xb8;
	[tilespmem:$0x10800] =	vst v63  }
0x8c: {  	s1 =	rddreg [dreg:$0x6]  }
0x8d: {  	[tilespmem:s15], [sflag:$0x1] =	stream.indirect.gather [hbm4b:s3+s9], $0x40, s1, s9, $0xb8;
	[tilespmem:$0x10800] =	vst v63  }
0x8e: {  	s4 =	rddreg [dreg:$0x7]  }
0x8f: {  	[tilespmem:s16], [sflag:$0x1] =	stream.indirect.gather [hbm4b:s3+s9], $0x40, s4, s9, $0xb8;
	[tilespmem:$0x10800] =	vst v63  }
0x90: {  	s1 =	rddreg [dreg:$0x8]  }
0x91: {  	[tilespmem:s17], [sflag:$0x1] =	stream.indirect.gather [hbm4b:s3+s9], $0x40, s1, s9, $0xb8;
	[tilespmem:$0x10800] =	vst v63  }
0x92: {  	_ =	swait.ge [sflag:s18], $0x2000  }
0x93: {  	[sflag:s18] =	ssyncset.done $0x0  }
0x94: {  	[sflag:s18] =	ssyncadd.s32 $0xFFFFE000  }
0x95: {  	_ =	swait.ge [sflag:s18], $0x2000  }
0x96: {  	[sflag:s18] =	ssyncset.done $0x0  }
0x97: {  	[sflag:s18] =	ssyncadd.s32 $0xFFFFE000  }
0x98: {  	_ =	swait.ge [sflag:s18], $0x2000  }
0x99: {  	[sflag:s18] =	ssyncset.done $0x0  }
0x9a: {  	[sflag:s18] =	ssyncadd.s32 $0xFFFFE000  }
0x9b: {  	_ =	swait.ge [sflag:s18], $0x2000  }
0x9c: {  	[sflag:s18] =	ssyncset.done $0x0  }
0x9d: {  	[sflag:s18] =	ssyncadd.s32 $0xFFFFE000  }
0x9e: {  	_ =	swait.ge [sflag:s18], $0x2000  }
0x9f: {  	[sflag:s18] =	ssyncset.done $0x0  }
0xa0: {  	[sflag:s18] =	ssyncadd.s32 $0xFFFFE000  }
0xa1: {  	_ =	swait.ge [sflag:s18], $0x2000  }
0xa2: {  	[sflag:s18] =	ssyncset.done $0x0  }
0xa3: {  	[sflag:s18] =	ssyncadd.s32 $0xFFFFE000  }
0xa4: {  	_ =	swait.ge [sflag:s18], $0x2000  }
0xa5: {  	[sflag:s18] =	ssyncset.done $0x0  }
0xa6: {  	[sflag:s18] =	ssyncadd.s32 $0xFFFFE000  }
0xa7: {  	_ =	swait.ge [sflag:s18], $0x2000  }
0xa8: {  	s0 =	smov.u32 s29;
	s4 =	rddreg [dreg:$0x3];
	[sflag:s18] =	ssyncset.done $0x0  }
0xa9: {  	[sflag:s18] =	ssyncadd.s32 $0xFFFFE000;
	s1 =	sadd.s32 s0, s4  }
0xaa: {  	[hbm4b:s1+s2] =	stream.linear.scatter [tilespmem:s10], [sflag:$0x2], $0x8000, $0x38;
	[tilespmem:$0x10800] =	vst v63  }
0xab: {  	_ =	swait.ge [sflag:s7], $0x8000  }
0xac: {  	s4 =	rddreg [dreg:$0x2];
	[sflag:s7] =	ssyncset.done $0x0  }
0xad: {  	[sflag:s7] =	ssyncadd.s32 $0xFFFF8000;
	s0 =	sadd.s32 s0, s4  }
0xae: {  	[hbm4b:s0+s2] =	stream.linear.scatter [tilespmem:s11], [sflag:$0x2], $0x8000, $0x38;
	[tilespmem:$0x10800] =	vst v63  }
0xaf: {  	_ =	swait.ge [sflag:s7], $0x8000  }
0xb0: {  	[sflag:s7] =	ssyncset.done $0x0  }
0xb1: {  	[sflag:s7] =	ssyncadd.s32 $0xFFFF8000  }
0xb2: {  	[tilespmem:s10], [sflag:$0x1] =	stream.indirect.gather [hbm4b:s3+s9], $0x40, s19, s9, $0xb8;
	[tilespmem:$0x10800] =	vst v63  }
0xb3: {  	_ = 	snop  }
0xb4: {  	[tilespmem:s11], [sflag:$0x1] =	stream.indirect.gather [hbm4b:s3+s9], $0x40, s20, s9, $0xb8;
	[tilespmem:$0x10800] =	vst v63  }
0xb5: {  	_ = 	snop  }
0xb6: {  	[tilespmem:s12], [sflag:$0x1] =	stream.indirect.gather [hbm4b:s3+s9], $0x40, s21, s9, $0xb8;
	[tilespmem:$0x10800] =	vst v63  }
0xb7: {  	_ = 	snop  }
0xb8: {  	[tilespmem:s13], [sflag:$0x1] =	stream.indirect.gather [hbm4b:s3+s9], $0x40, s22, s9, $0xb8;
	[tilespmem:$0x10800] =	vst v63  }
0xb9: {  	_ = 	snop  }
0xba: {  	[tilespmem:s14], [sflag:$0x1] =	stream.indirect.gather [hbm4b:s3+s9], $0x40, s23, s9, $0xb8;
	[tilespmem:$0x10800] =	vst v63  }
0xbb: {  	_ = 	snop  }
0xbc: {  	[tilespmem:s15], [sflag:$0x1] =	stream.indirect.gather [hbm4b:s3+s9], $0x40, s24, s9, $0xb8;
	[tilespmem:$0x10800] =	vst v63  }
0xbd: {  	_ = 	snop  }
0xbe: {  	[tilespmem:s16], [sflag:$0x1] =	stream.indirect.gather [hbm4b:s3+s9], $0x40, s25, s9, $0xb8;
	[tilespmem:$0x10800] =	vst v63  }
0xbf: {  	_ = 	snop  }
0xc0: {  	[tilespmem:s17], [sflag:$0x1] =	stream.indirect.gather [hbm4b:s3+s9], $0x40, s26, s9, $0xb8;
	[tilespmem:$0x10800] =	vst v63  }
0xc1: {  	_ =	swait.ge [sflag:s18], $0x2000  }
0xc2: {  	[sflag:s18] =	ssyncset.done $0x0  }
0xc3: {  	[sflag:s18] =	ssyncadd.s32 $0xFFFFE000  }
0xc4: {  	_ =	swait.ge [sflag:s18], $0x2000  }
0xc5: {  	[sflag:s18] =	ssyncset.done $0x0  }
0xc6: {  	[sflag:s18] =	ssyncadd.s32 $0xFFFFE000  }
0xc7: {  	_ =	swait.ge [sflag:s18], $0x2000  }
0xc8: {  	[sflag:s18] =	ssyncset.done $0x0  }
0xc9: {  	[sflag:s18] =	ssyncadd.s32 $0xFFFFE000  }
0xca: {  	_ =	swait.ge [sflag:s18], $0x2000  }
0xcb: {  	[sflag:s18] =	ssyncset.done $0x0  }
0xcc: {  	[sflag:s18] =	ssyncadd.s32 $0xFFFFE000  }
0xcd: {  	_ =	swait.ge [sflag:s18], $0x2000  }
0xce: {  	[sflag:s18] =	ssyncset.done $0x0  }
0xcf: {  	[sflag:s18] =	ssyncadd.s32 $0xFFFFE000  }
0xd0: {  	_ =	swait.ge [sflag:s18], $0x2000  }
0xd1: {  	[sflag:s18] =	ssyncset.done $0x0  }
0xd2: {  	[sflag:s18] =	ssyncadd.s32 $0xFFFFE000  }
0xd3: {  	_ =	swait.ge [sflag:s18], $0x2000  }
0xd4: {  	[sflag:s18] =	ssyncset.done $0x0  }
0xd5: {  	[sflag:s18] =	ssyncadd.s32 $0xFFFFE000  }
0xd6: {  	_ =	swait.ge [sflag:s18], $0x2000  }
0xd7: {  	[sflag:s18] =	ssyncset.done $0x0  }
0xd8: {  	s1 =	sadd.s32 $0x1000, s1;
	[sflag:s18] =	ssyncadd.s32 $0xFFFFE000  }
0xd9: {  	[hbm4b:s1+s2] =	stream.linear.scatter [tilespmem:s10], [sflag:$0x2], $0x8000, $0x38;
	[tilespmem:$0x10800] =	vst v63  }
0xda: {  	p0 =	sne.s32 s29, $0x30000;
	_ =	swait.ge [sflag:s7], $0x8000  }
.Ltmp0:
0xdb: {  	[sflag:s7] =	ssyncset.done $0x0;
	(pc) =	sbr.rel @p0 .LBB2_2-.Ltmp0, $4  }
0xdc: {  	s0 =	sadd.s32 $0x1000, s0;
	[sflag:s7] =	ssyncadd.s32 $0xFFFF8000  }
0xdd: {  	[hbm4b:s0+s2] =	stream.linear.scatter [tilespmem:s11], [sflag:$0x2], $0x8000, $0x38;
	[tilespmem:$0x10800] =	vst v63  }
0xde: {  	_ =	swait.ge [sflag:s7], $0x8000  }
0xdf: {  	s29 =	sadd.s32 $0x2000, s29;
	[sflag:s7] =	ssyncset.done $0x0  }
0xe0: {  	s28 =	sadd.s32 $0x1, s28;
	s0 =	rddreg [dreg:$0x9]  }
0xe1: {  	p0 =	sne.s32 s28, s0  }
.Ltmp1:
0xe2: {  	_ = 	snop;
	(pc) =	sbr.rel @p0 .LBB2_1-.Ltmp1, $2  }
0xe3: {  	_ =	sdelay $0x2  }
0xe4: {  	[sflag:s7] =	ssyncadd.s32 $0xFFFF8000  }
0xe5: {  	_ =	sfence.sel $0x180000  }
0xe6: {  	[bflag:$0x0] =	sbarrier.arrive $0xFFFF  }
0xe7: {  	_ =	strace $0x9000004D  }
0xe8: {  	s0 =	stileid.u32;
	[bflag:$0x2] =	sbarrier.arrive $0xFFFF  }
0xe9: {  	p0 =	sne.s32 s0, $0x0;
	s0 =	rddreg [dreg:$0x1]  }
0xea: {  	s0 =	sadd.s32 @!p0 $0x100000, s0  }
0xeb: {  	[sflag:s0] =	ssyncadd.tile.s32 @!p0 $0x1;
	_ =	shalt  }
.Lfunc_end2:
_tile_overlayer_lowered:
.L_overlay_start_2:
0xec: {  	(tag) =	ssettag $0x2  }
0xed: {  	s0 =	rddreg [dreg:$0x0];
	s2 =	stileid.u32  }
0xee: {  	s1 =	rddreg [dreg:$0x1];
	p0 =	sne.s32 s2, $0x0  }
0xef: {  	s3 =	rddreg [dreg:$0x2];
	[bflag:$0x3] =	sbarrier.arrive $0xFFFF;
	s2 =	simm.s32 @!p0 $0x1C02  }
0xf0: {  	[timem:s3], [sflag:s2] =	dma.local @!p0 [hbm:s0], s1  }
0xf1: {  	s0 =	simm.s32 @!p0 $0x2  }
0xf2: {  	_ =	swait.ge @!p0 [sflag:s0], s1  }
0xf3: {  	s1 =	ssub.s32 @!p0 $0x0, s1;
	[sflag:s0] =	ssyncset.done @!p0 $0x0  }
0xf4: {  	[sflag:s0] =	ssyncadd.s32 @!p0 s1  }
0xf5: {  	[bflag:$0x3] =	sbarrier.arrive $0xFFFF  }
0xf6: {  	_ =	shalt  }

// kernel: kernel.22.cloned.1.call-start
scs
__scs_entry_jumppad:
0x0: {  	(pc) =	sbr.rel $0x88, $3  }
0x1: {  	(tag) =	ssettag $0x0;
	lr =	simm.s32 $0x1  }
0x2: {  	[smem:$0x3F71] =	sst lr;
	_ =	strace $0xD0000000  }
0x3: {  	_ = 	snop  }
0x4: {  	_ = 	snop  }
0x5: {  	_ = 	snop  }
0x6: {  	_ = 	snop  }
0x7: {  	_ = 	snop  }
__scs_overlays_trampoline_lowered:
0x8: {  	[smem:$0x3F80] =	sst s0  }
0x9: {  	[smem:$0x3F81] =	sst s1  }
0xa: {  	[smem:$0x3F82] =	sst s2  }
0xb: {  	[smem:$0x3F83] =	sst s3  }
0xc: {  	[smem:$0x3F84] =	sst s4  }
0xd: {  	[smem:$0x3F85] =	sst s5  }
0xe: {  	[smem:$0x3F86] =	sst s6  }
0xf: {  	[smem:$0x3F87] =	sst s7  }
0x10: {  	[smem:$0x3F88] =	sst s8  }
0x11: {  	[smem:$0x3F89] =	sst s9;
	s0 =	simm.s32 @!p0 $0x0  }
0x12: {  	s1 =	sld [smem:$0x3F6F];
	s0 =	simm.s32 @p0 $0x1  }
0x13: {  	[smem:$0x3F8A] =	sst s0;
	s0 =	simm.s32 @!p1 $0x0  }
0x14: {  	s2 =	sld [smem:$0x3F6E];
	s0 =	simm.s32 @p1 $0x1  }
0x15: {  	[smem:$0x3F8B] =	sst s0;
	s0 =	simm.s32 @!p2 $0x0  }
0x16: {  	s3 =	sld [smem:$0x3FDB];
	s0 =	simm.s32 @p2 $0x1  }
0x17: {  	s4 =	simm.s32 $0x1BF5;
	[smem:$0x3F8D] =	sst s0  }
0x18: {  	s0 =	sld [smem:$0x3F70];
	_ =	swait.ge [sflag:s4], $0x0  }
0x19: {  	s7 =	sld [smem:$0x3F71]  }
0x1a: {  	s8 =	sadd.s32 $0xFFFFE003, lr  }
0x1b: {  	s9 =	sadd.s32 $0xFFFFFEF7, lr;
	s5 =	simm.s32 $0xFFFFFFFF;
	p2 =	slt.u32 s8, $0xFFFFF086  }
0x1c: {  	p1 =	slt.u32 s9, $0xF7A;
	s5 =	simm.s32 @!p2 $0x0  }
0x1d: {  	s5 =	simm.s32 @p1 $0x1;
	p0 =	seq.s32 s7, s2  }
0x1e: {  	s7 =	smul.u32 @!p0 $0xF7A, s2;
	p2 =	seq.s32 @!p0 s5, $0x0  }
0x1f: {  	s9 =	smul.u32 $0xF7A, s1;
	s8 =	simm.s32 @!p0 $0x1BF5;
	p2 =	por !p2, p0  }
0x20: {  	[sflag:s8] =	ssyncset.s32 @!p0 $0xFFFFF086;
	s6 =	sadd.s32 @!p0 s3, s7;
	s7 =	simm.s32 @!p0 $0x108  }
0x21: {  	s3 =	sadd.s32 s3, s9;
	s6 =	sadd.s32 @!p0 $0x88, s6;
	s7 =	simm.s32 @p2 $0x1082  }
0x22: {  	[simem:s7], [sflag:s8] =	dma.local @!p0 [hbm:s6], $0xF7A  }
0x23: {  	s9 =	sor.u32 $0xD0000000, s2;
	s6 =	simm.s32 $0x108;
	_ =	swait.ge @!p0 [sflag:s8], $0x0  }
0x24: {  	s3 =	sadd.s32 $0x88, s3;
	s6 =	simm.s32 @!p1 $0x1082;
	[sflag:s4] =	ssyncset.s32 $0xFFFFF086  }
0x25: {  	[simem:s6], [sflag:s4] =	dma.local [hbm:s3], $0xF7A  }
0x26: {  	[smem:$0x3F71] =	sst s1;
	(tag) =	ssettag s2;
	_ =	strace s9  }
0x27: {  	s1 =	sld [smem:$0x3F81]  }
0x28: {  	s2 =	sld [smem:$0x3F82]  }
0x29: {  	s4 =	sld [smem:$0x3F84]  }
0x2a: {  	p0 =	seq.s32 s5, $0x0;
	s5 =	sld [smem:$0x3F85]  }
0x2b: {  	s6 =	sld [smem:$0x3F86]  }
0x2c: {  	s7 =	sld [smem:$0x3F87]  }
0x2d: {  	s3 =	simm.s32 $0x108;
	s8 =	sld [smem:$0x3F88]  }
0x2e: {  	s3 =	simm.s32 @!p0 $0x1082;
	s9 =	sld [smem:$0x3F89]  }
0x2f: {  	lr =	sadd.s32 s0, s3;
	s0 =	sld [smem:$0x3F80]  }
0x30: {  	s3 =	sld [smem:$0x3F83]  }
0x31: {  	[smem:$0x3F8C] =	sst s10  }
0x32: {  	s10 =	sld [smem:$0x3F8A];
	_ =	sdelay $0x3  }
0x33: {  	p0 =	seq.s32 s10, $0x1;
	s10 =	sld [smem:$0x3F8C];
	_ =	sdelay $0x3  }
0x34: {  	[smem:$0x3F8C] =	sst s10  }
0x35: {  	s10 =	sld [smem:$0x3F8B];
	_ =	sdelay $0x3  }
0x36: {  	p1 =	seq.s32 s10, $0x1;
	s10 =	sld [smem:$0x3F8C];
	_ =	sdelay $0x3  }
0x37: {  	[smem:$0x3F8C] =	sst s10  }
0x38: {  	s10 =	sld [smem:$0x3F8D]  }
0x39: {  	_ = 	snop;
	(pc) =	sbr.ind lr, $3  }
0x3a: {  	_ = 	snop  }
0x3b: {  	_ = 	snop  }
0x3c: {  	p2 =	seq.s32 s10, $0x1;
	s10 =	sld [smem:$0x3F8C]  }
0x3d: {  	_ =	shalt  }
0x3e: {  	_ =	shalt  }
0x3f: {  	_ =	shalt  }
0x40: {  	_ =	shalt  }
0x41: {  	_ =	shalt  }
0x42: {  	_ =	shalt  }
0x43: {  	_ =	shalt  }
0x44: {  	_ =	shalt  }
0x45: {  	_ =	shalt  }
0x46: {  	_ =	shalt  }
0x47: {  	_ =	shalt  }
0x48: {  	_ =	shalt  }
0x49: {  	_ =	shalt  }
0x4a: {  	_ =	shalt  }
0x4b: {  	_ =	shalt  }
0x4c: {  	_ =	shalt  }
0x4d: {  	_ =	shalt  }
0x4e: {  	_ =	shalt  }
0x4f: {  	_ =	shalt  }
0x50: {  	_ =	shalt  }
0x51: {  	_ =	shalt  }
0x52: {  	_ =	shalt  }
0x53: {  	_ =	shalt  }
0x54: {  	_ =	shalt  }
0x55: {  	_ =	shalt  }
0x56: {  	_ =	shalt  }
0x57: {  	_ =	shalt  }
0x58: {  	_ =	shalt  }
0x59: {  	_ =	shalt  }
0x5a: {  	_ =	shalt  }
0x5b: {  	_ =	shalt  }
0x5c: {  	_ =	shalt  }
0x5d: {  	_ =	shalt  }
0x5e: {  	_ =	shalt  }
0x5f: {  	_ =	shalt  }
0x60: {  	_ =	shalt  }
0x61: {  	_ =	shalt  }
0x62: {  	_ =	shalt  }
0x63: {  	_ =	shalt  }
0x64: {  	_ =	shalt  }
0x65: {  	_ =	shalt  }
0x66: {  	_ =	shalt  }
0x67: {  	_ =	shalt  }
0x68: {  	_ =	shalt  }
0x69: {  	_ =	shalt  }
0x6a: {  	_ =	shalt  }
0x6b: {  	_ =	shalt  }
0x6c: {  	_ =	shalt  }
0x6d: {  	_ =	shalt  }
0x6e: {  	_ =	shalt  }
0x6f: {  	_ =	shalt  }
0x70: {  	_ =	shalt  }
0x71: {  	_ =	shalt  }
0x72: {  	_ =	shalt  }
0x73: {  	_ =	shalt  }
0x74: {  	_ =	shalt  }
0x75: {  	_ =	shalt  }
0x76: {  	_ =	shalt  }
0x77: {  	_ =	shalt  }
0x78: {  	_ =	shalt  }
0x79: {  	_ =	shalt  }
0x7a: {  	_ =	shalt  }
0x7b: {  	_ =	shalt  }
0x7c: {  	_ =	shalt  }
0x7d: {  	_ =	shalt  }
0x7e: {  	_ =	shalt  }
0x7f: {  	_ =	shalt  }
0x80: {  	_ =	shalt  }
0x81: {  	_ =	shalt  }
0x82: {  	_ =	shalt  }
0x83: {  	_ =	shalt  }
0x84: {  	_ =	shalt  }
0x85: {  	_ =	shalt  }
0x86: {  	_ =	shalt  }
0x87: {  	_ =	shalt  }
.Lfunc_end0:
.L_simem_size_0:
called_computation.3_lowered:
.L_overlay_start_0:
0x88: {  	s2 =	sld [smem:$0x3FD9]  }
0x89: {  	s3 =	sld [smem:$0x3FFE];
	_ =	sdelay $0x1  }
0x8a: {  	s1 =	srdreg.scid  }
0x8b: {  	s0 =	sand.u32 $0x1, s1  }
0x8c: {  	s16 =	sshll.u32 s0, $0xA;
	s2 =	sadd.s32 s3, s2  }
0x8d: {  	s2 =	sadd.s32 s2, s16  }
0x8e: {  	[smem:$0x3F98] =	sst s2  }
0x8f: {  	_ = 	snop  }
0x90: {  	(tm) =	ssettm $0x1  }
0x91: {  	s17 =	sld [smem:$0x3FFB];
	_ =	sdelay $0x3  }
0x92: {  	_ =	strace s17  }
0x93: {  	s2 =	sld [smem:$0x3FFC];
	_ =	sdelay $0x3  }
0x94: {  	_ =	strace s2  }
0x95: {  	s2 =	sld [smem:$0x3FFD];
	_ =	sdelay $0x3  }
0x96: {  	_ =	strace s2  }
0x97: {  	_ =	strace $0x8FFFFFFF  }
0x98: {  	s18 =	sld [smem:$0x3FDB];
	_ =	sdelay $0x1  }
0x99: {  	s19 =	simm.s32 $_scs_section_size  }
0x9a: {  	s4 =	simm.s32 $_size__tile_overlayer_lowered;
	s5 =	simm.s32 $_tile_overlayer_lowered  }
0x9b: {  	s22 =	simm.s32 $0x1BFF;
	s21 =	sshll.u32 s5, $0x1;
	s2 =	sadd.s32 s19, s18  }
0x9c: {  	s6 =	simm.s32 $0x0;
	s20 =	sshll.u32 s4, $0x1;
	s4 =	sadd.s32 s21, s2  }
0x9d: {  	[timem:s6], [sflag:s22] =	dma.local [hbm:s4], s20  }
0x9e: {  	_ =	swait.ge [sflag:s22], s20  }
0x9f: {  	s3 =	ssub.s32 $0x0, s20;
	[sflag:s22] =	ssyncset.done $0x0  }
0xa0: {  	[sflag:s22] =	ssyncadd.s32 s3;
	_ =	sdelay $0x1  }
0xa1: {  	s23 =	simm.s32 $0x1B8B  }
0xa2: {  	_ =	swait.ge [sflag:s23], $0x1  }
0xa3: {  	[sflag:s23] =	ssyncset.done $0x0  }
0xa4: {  	s25 =	simm.s32 $0x1B8E;
	s24 =	sld [smem:$0x3FFE];
	[sflag:s23] =	ssyncadd.s32 $0xFFFFFFFF  }
0xa5: {  	s26 =	simm.s32 $execute0_lowered;
	[smem:$0x3FD2] =	sst s25  }
0xa6: {  	s4 =	sshll.u32 s26, $0x1;
	_ =	strace $0x8000004F;
	[dreg:$0x1] =	wrdreg $0xFFFFFFFF  }
0xa7: {  	s28 =	simm.s32 $_size_execute0_lowered;
	s2 =	sadd.s32 s2, s4;
	[dreg:$0x0] =	wrdreg $0x0  }
0xa8: {  	s4 =	sshll.u32 s28, $0x1;
	[dreg:$0x2] =	wrdreg s2  }
0xa9: {  	[dreg:$0x3] =	wrdreg s4  }
0xaa: {  	[dreg:$0x4] =	wrdreg $0xC0  }
0xab: {  	_ =	task [dreg:s6], $0x5FFFF  }
0xac: {  	[dreg:$0x1] =	wrdreg $0xFFFFFFFF  }
0xad: {  	[dreg:$0x0] =	wrdreg $0x60  }
0xae: {  	[dreg:$0x2] =	wrdreg s24  }
0xaf: {  	[dreg:$0x3] =	wrdreg $0x44000  }
0xb0: {  	[dreg:$0x4] =	wrdreg $0x9  }
0xb1: {  	_ =	task.clear_ibuf [dreg:s6], $0x5FFFF;
	_ =	strace $0x9000004F  }
0xb2: {  	s29 =	simm.s32 $0x9;
	_ =	strace $0x80000051  }
0xb3: {  	_ =	swait.ge [sflag:s29], $0x1  }
0xb4: {  	[sflag:s29] =	ssyncadd.s32 $0xFFFFFFFF  }
0xb5: {  	_ =	strace $0x90000051  }
0xb6: {  	_ =	sfence  }
0xb7: {  	s30 =	sld [smem:$0x0];
	_ =	sdelay $0x2  }
0xb8: {  	s31 =	sshll.u32 s1, $0xD;
	s1 =	sshrl.u32 s1, $0x2  }
0xb9: {  	s3 =	sand.u32 $0x4000, s31;
	s1 =	sadd.s32 s1, s30  }
0xba: {  	s0 =	sor.u32 s3, s0;
	s1 =	sshll.u32 s1, $0x11  }
0xbb: {  	s0 =	sor.u32 s1, s0  }
0xbc: {  	s0 =	sadd.s32 $0x8F2B, s0  }
0xbd: {  	[sflag:s0] =	ssyncadd.remote.s32 $0x1  }
0xbe: {  	_ =	sfence.sel $0xFFFF  }
0xbf: {  	[dreg:$0x0] =	wrdreg $0xFFFFFFFF;
	(pc) =	sbr.abs _section_cstart, $3  }
0xc0: {  	[dreg:$0x1] =	wrdreg $0xFFFFFFFF  }
0xc1: {  	_ =	task.clear_ibuf [dreg:s6], $0x2FFFF;
	_ =	strace $0x9FFFFFFF  }
0xc2: {  	(tm) =	ssettm $0x7FFFFFFF  }
0xc3: {  	_ =	shalt  }
tec
execute0_lowered:
.L_overlay_start_1:
0x0: {  	(tag) =	ssettag $0x1  }
0x1: {  	s0 =	stileid.u32;
	s5 =	rddreg [dreg:$0x0]  }
0x2: {  	s1 =	srdreg.scid;
	s2 =	rddreg [dreg:$0x1];
	s3 =	simm.s32 $0x0  }
0x3: {  	s14 =	simm.s32 $0x1400;
	s15 =	simm.s32 $0x100;
	s16 =	simm.s32 $0x2400  }
0x4: {  	s17 =	simm.s32 $0x180;
	s18 =	simm.s32 $0x3400;
	s19 =	simm.s32 $0x200  }
0x5: {  	s20 =	simm.s32 $0x280;
	s21 =	simm.s32 $0x300;
	s7 =	smul.u32 $0x19000, s0  }
0x6: {  	s22 =	simm.s32 $0x380;
	s23 =	simm.s32 $0x0;
	s8 =	smul.u32 $0x1900, s0  }
0x7: {  	s6 =	sand.u32 $0x1, s1;
	s1 =	rddreg [dreg:$0x2];
	s12 =	smul.u32 $0x32000, s0  }
0x8: {  	[smem:$0x7FF] =	sst s3;
	s30 =	sshll.u32 s0, $0x6;
	s4 =	smul.u32 $0x190000, s6  }
0x9: {  	_ =	strace $0x80000050;
	s29 =	ssub.s32 $0x2, s6;
	p0 =	seq.s32 s6, $0x0  }
0xa: {  	s6 =	simm.s32 $0x567000;
	s10 =	sadd.s32 s8, s5;
	s11 =	sshrl.u32 s29, $0x1  }
0xb: {  	s6 =	simm.s32 @!p0 $0x887000;
	s13 =	sadd.s32 s7, s2;
	s4 =	sadd.s32 s7, s4  }
0xc: {  	s6 =	sadd.s32 s6, s5;
	s9 =	sshrl.u32 s4, $0x3;
	s4 =	sadd.s32 $0x327600, s5  }
0xd: {  	s31 =	sadd.s32 s12, s6;
	s12 =	simm.s32 $0x400;
	s28 =	sadd.s32 s9, s5  }
0xe: {  	s9 =	ssub.s32 s29, s11;
	s5 =	sor.u32 $0x1C01, s30;
	s8 =	sadd.s32 $0x800, s31  }
0xf: {  	s11 =	simm.s32 $0x1;
	s6 =	sadd.s32 $0x32A800, s28;
	s7 =	smax.u32 s9, $0x1  }
0x10: {  	s9 =	sadd.s32 $0x3A4600, s10;
	s10 =	sshrl.u32 s13, $0x3;
	s13 =	simm.s32 $0x80  }
.LBB2_1:
0x11: {  	[spmem:s10], [sflag:s5] =	dma.local [hbm:s4], $0x3200  }
0x12: {  	_ =	swait.ge [sflag:s11], $0x3200  }
0x13: {  	[sflag:s11] =	ssyncset.done $0x0  }
0x14: {  	[sflag:s11] =	ssyncadd.s32 $0xFFFFCE00  }
0x15: {  	s24 =	sadd.s32 $0x0, s9;
	[bflag:$0x0] =	sbarrier.arrive $0xFFFF  }
0x16: {  	[tilespmem:s3], [sflag:$0x1] =	stream.linear.gather [hbm4b:s24+s3], $0x400, $0x38;
	[tilespmem:$0x1D400] =	vst v63  }
0x17: {  	_ =	swait.ge [sflag:s11], $0x400  }
0x18: {  	[sflag:s11] =	ssyncset.done $0x0  }
0x19: {  	s31 =	sadd.s32 $0xFFFFF800, s8;
	[sflag:s11] =	ssyncadd.s32 $0xFFFFFC00  }
0x1a: {  	[tilespmem:s12], [sflag:$0x1] =	stream.linear.gather [hbm4b:s31+s3], $0x4000, $0x38;
	[tilespmem:$0x1D400] =	vst v63  }
0x1b: {  	_ =	swait.ge [sflag:s11], $0x4000  }
0x1c: {  	[sflag:s11] =	ssyncset.done $0x0  }
0x1d: {  	[sflag:s11] =	ssyncadd.s32 $0xFFFFC000  }
0x1e: {  	[spmem:s2] =	stream.indirect.scatter.add.f32 [tilespmem:s12], [sflag:$0x1], $0x20, s3, s13, $0xb8;
	[tilespmem:$0x1D400] =	vst v63  }
0x1f: {  	_ =	swait.ge [sflag:s11], $0x1000  }
0x20: {  	[sflag:s11] =	ssyncset.done $0x0  }
0x21: {  	[sflag:s11] =	ssyncadd.s32 $0xFFFFF000  }
0x22: {  	[spmem:s2] =	stream.indirect.scatter.add.f32 [tilespmem:s14], [sflag:$0x1], $0x20, s13, s13, $0xb8;
	[tilespmem:$0x1D400] =	vst v63  }
0x23: {  	_ =	swait.ge [sflag:s11], $0x1000  }
0x24: {  	[sflag:s11] =	ssyncset.done $0x0  }
0x25: {  	[sflag:s11] =	ssyncadd.s32 $0xFFFFF000  }
0x26: {  	[spmem:s2] =	stream.indirect.scatter.add.f32 [tilespmem:s16], [sflag:$0x1], $0x20, s15, s13, $0xb8;
	[tilespmem:$0x1D400] =	vst v63  }
0x27: {  	_ =	swait.ge [sflag:s11], $0x1000  }
0x28: {  	[sflag:s11] =	ssyncset.done $0x0  }
0x29: {  	[sflag:s11] =	ssyncadd.s32 $0xFFFFF000  }
0x2a: {  	[spmem:s2] =	stream.indirect.scatter.add.f32 [tilespmem:s18], [sflag:$0x1], $0x20, s17, s13, $0xb8;
	[tilespmem:$0x1D400] =	vst v63  }
0x2b: {  	_ =	swait.ge [sflag:s11], $0x1000  }
0x2c: {  	[sflag:s11] =	ssyncset.done $0x0  }
0x2d: {  	[sflag:s11] =	ssyncadd.s32 $0xFFFFF000  }
0x2e: {  	[tilespmem:s12], [sflag:$0x1] =	stream.linear.gather [hbm4b:s8+s3], $0x4000, $0x38;
	[tilespmem:$0x1D400] =	vst v63  }
0x2f: {  	_ =	swait.ge [sflag:s11], $0x4000  }
0x30: {  	[sflag:s11] =	ssyncset.done $0x0  }
0x31: {  	[sflag:s11] =	ssyncadd.s32 $0xFFFFC000  }
0x32: {  	[spmem:s2] =	stream.indirect.scatter.add.f32 [tilespmem:s12], [sflag:$0x1], $0x20, s19, s13, $0xb8;
	[tilespmem:$0x1D400] =	vst v63  }
0x33: {  	_ =	swait.ge [sflag:s11], $0x1000  }
0x34: {  	[sflag:s11] =	ssyncset.done $0x0  }
0x35: {  	[sflag:s11] =	ssyncadd.s32 $0xFFFFF000  }
0x36: {  	[spmem:s2] =	stream.indirect.scatter.add.f32 [tilespmem:s14], [sflag:$0x1], $0x20, s20, s13, $0xb8;
	[tilespmem:$0x1D400] =	vst v63  }
0x37: {  	_ =	swait.ge [sflag:s11], $0x1000  }
0x38: {  	[sflag:s11] =	ssyncset.done $0x0  }
0x39: {  	[sflag:s11] =	ssyncadd.s32 $0xFFFFF000  }
0x3a: {  	[spmem:s2] =	stream.indirect.scatter.add.f32 [tilespmem:s16], [sflag:$0x1], $0x20, s21, s13, $0xb8;
	[tilespmem:$0x1D400] =	vst v63  }
0x3b: {  	_ =	swait.ge [sflag:s11], $0x1000  }
0x3c: {  	[sflag:s11] =	ssyncset.done $0x0  }
0x3d: {  	[sflag:s11] =	ssyncadd.s32 $0xFFFFF000  }
0x3e: {  	[spmem:s2] =	stream.indirect.scatter.add.f32 [tilespmem:s18], [sflag:$0x1], $0x20, s22, s13, $0xb8;
	[tilespmem:$0x1D400] =	vst v63  }
0x3f: {  	s25 =	simm.s32 $0x80;
	_ =	swait.ge [sflag:s11], $0x1000  }
0x40: {  	s28 =	simm.s32 $0x100;
	s24 =	sadd.s32 $0x1000, s8;
	[sflag:s11] =	ssyncset.done $0x0  }
.LBB2_2:
0x41: {  	s29 =	sadd.s32 s25, s9  }
0x42: {  	[sflag:s11] =	ssyncadd.s32 $0xFFFFF000;
	s25 =	smov.u32 s28;
	s26 =	sadd.s32 $0x80, s28  }
0x43: {  	[tilespmem:s3], [sflag:$0x1] =	stream.linear.gather [hbm4b:s29+s3], $0x400, $0x38;
	[tilespmem:$0x1D400] =	vst v63  }
0x44: {  	p0 =	sne.s32 s28, $0x1880;
	_ =	swait.ge [sflag:s11], $0x400  }
0x45: {  	[sflag:s11] =	ssyncset.done $0x0  }
0x46: {  	s28 =	sadd.s32 $0xFFFFF800, s24;
	[sflag:s11] =	ssyncadd.s32 $0xFFFFFC00  }
0x47: {  	[tilespmem:s12], [sflag:$0x1] =	stream.linear.gather [hbm4b:s28+s3], $0x4000, $0x38;
	[tilespmem:$0x1D400] =	vst v63  }
0x48: {  	_ =	swait.ge [sflag:s11], $0x4000  }
0x49: {  	[sflag:s11] =	ssyncset.done $0x0  }
0x4a: {  	[sflag:s11] =	ssyncadd.s32 $0xFFFFC000  }
0x4b: {  	[spmem:s2] =	stream.indirect.scatter.add.f32 [tilespmem:s12], [sflag:$0x1], $0x20, s3, s13, $0xb8;
	[tilespmem:$0x1D400] =	vst v63  }
0x4c: {  	_ =	swait.ge [sflag:s11], $0x1000  }
0x4d: {  	[sflag:s11] =	ssyncset.done $0x0  }
0x4e: {  	[sflag:s11] =	ssyncadd.s32 $0xFFFFF000  }
0x4f: {  	[spmem:s2] =	stream.indirect.scatter.add.f32 [tilespmem:s14], [sflag:$0x1], $0x20, s13, s13, $0xb8;
	[tilespmem:$0x1D400] =	vst v63  }
0x50: {  	_ =	swait.ge [sflag:s11], $0x1000  }
0x51: {  	[sflag:s11] =	ssyncset.done $0x0  }
0x52: {  	[sflag:s11] =	ssyncadd.s32 $0xFFFFF000  }
0x53: {  	[spmem:s2] =	stream.indirect.scatter.add.f32 [tilespmem:s16], [sflag:$0x1], $0x20, s15, s13, $0xb8;
	[tilespmem:$0x1D400] =	vst v63  }
0x54: {  	_ =	swait.ge [sflag:s11], $0x1000  }
0x55: {  	[sflag:s11] =	ssyncset.done $0x0  }
0x56: {  	[sflag:s11] =	ssyncadd.s32 $0xFFFFF000  }
0x57: {  	[spmem:s2] =	stream.indirect.scatter.add.f32 [tilespmem:s18], [sflag:$0x1], $0x20, s17, s13, $0xb8;
	[tilespmem:$0x1D400] =	vst v63  }
0x58: {  	_ =	swait.ge [sflag:s11], $0x1000  }
0x59: {  	[sflag:s11] =	ssyncset.done $0x0  }
0x5a: {  	[sflag:s11] =	ssyncadd.s32 $0xFFFFF000  }
0x5b: {  	[tilespmem:s12], [sflag:$0x1] =	stream.linear.gather [hbm4b:s24+s3], $0x4000, $0x38;
	[tilespmem:$0x1D400] =	vst v63  }
0x5c: {  	_ =	swait.ge [sflag:s11], $0x4000  }
0x5d: {  	[sflag:s11] =	ssyncset.done $0x0  }
0x5e: {  	[sflag:s11] =	ssyncadd.s32 $0xFFFFC000  }
0x5f: {  	[spmem:s2] =	stream.indirect.scatter.add.f32 [tilespmem:s12], [sflag:$0x1], $0x20, s19, s13, $0xb8;
	[tilespmem:$0x1D400] =	vst v63  }
0x60: {  	_ =	swait.ge [sflag:s11], $0x1000  }
0x61: {  	[sflag:s11] =	ssyncset.done $0x0  }
0x62: {  	[sflag:s11] =	ssyncadd.s32 $0xFFFFF000  }
0x63: {  	[spmem:s2] =	stream.indirect.scatter.add.f32 [tilespmem:s14], [sflag:$0x1], $0x20, s20, s13, $0xb8;
	[tilespmem:$0x1D400] =	vst v63  }
0x64: {  	_ =	swait.ge [sflag:s11], $0x1000  }
0x65: {  	[sflag:s11] =	ssyncset.done $0x0  }
0x66: {  	[sflag:s11] =	ssyncadd.s32 $0xFFFFF000  }
0x67: {  	[spmem:s2] =	stream.indirect.scatter.add.f32 [tilespmem:s16], [sflag:$0x1], $0x20, s21, s13, $0xb8;
	[tilespmem:$0x1D400] =	vst v63  }
0x68: {  	_ =	swait.ge [sflag:s11], $0x1000  }
.Ltmp0:
0x69: {  	[sflag:s11] =	ssyncset.done $0x0;
	(pc) =	sbr.rel @p0 .LBB2_2-.Ltmp0, $4  }
0x6a: {  	[sflag:s11] =	ssyncadd.s32 $0xFFFFF000  }
0x6b: {  	[spmem:s2] =	stream.indirect.scatter.add.f32 [tilespmem:s18], [sflag:$0x1], $0x20, s22, s13, $0xb8;
	[tilespmem:$0x1D400] =	vst v63  }
0x6c: {  	_ =	swait.ge [sflag:s11], $0x1000  }
0x6d: {  	s28 =	smov.u32 s26;
	s24 =	sadd.s32 $0x1000, s24;
	[sflag:s11] =	ssyncset.done $0x0  }
0x6e: {  	s25 =	sadd.s32 s25, s9;
	[sflag:s11] =	ssyncadd.s32 $0xFFFFF000  }
0x6f: {  	[tilespmem:s3], [sflag:$0x1] =	stream.linear.gather [hbm4b:s25+s3], $0x400, $0x38;
	[tilespmem:$0x1D400] =	vst v63  }
0x70: {  	_ =	swait.ge [sflag:s11], $0x400  }
0x71: {  	[sflag:s11] =	ssyncset.done $0x0  }
0x72: {  	s31 =	sadd.s32 $0xFFFFF800, s24;
	[sflag:s11] =	ssyncadd.s32 $0xFFFFFC00  }
0x73: {  	[tilespmem:s12], [sflag:$0x1] =	stream.linear.gather [hbm4b:s31+s3], $0x4000, $0x38;
	[tilespmem:$0x1D400] =	vst v63  }
0x74: {  	_ =	swait.ge [sflag:s11], $0x4000  }
0x75: {  	[sflag:s11] =	ssyncset.done $0x0  }
0x76: {  	[sflag:s11] =	ssyncadd.s32 $0xFFFFC000  }
0x77: {  	[spmem:s2] =	stream.indirect.scatter.add.f32 [tilespmem:s12], [sflag:$0x1], $0x20, s3, s13, $0xb8;
	[tilespmem:$0x1D400] =	vst v63  }
0x78: {  	_ =	swait.ge [sflag:s11], $0x1000  }
0x79: {  	[sflag:s11] =	ssyncset.done $0x0  }
0x7a: {  	[sflag:s11] =	ssyncadd.s32 $0xFFFFF000  }
0x7b: {  	[spmem:s2] =	stream.indirect.scatter.add.f32 [tilespmem:s14], [sflag:$0x1], $0x20, s13, s13, $0xb8;
	[tilespmem:$0x1D400] =	vst v63  }
0x7c: {  	_ =	swait.ge [sflag:s11], $0x1000  }
0x7d: {  	[sflag:s11] =	ssyncset.done $0x0  }
0x7e: {  	[sflag:s11] =	ssyncadd.s32 $0xFFFFF000  }
0x7f: {  	[spmem:s2] =	stream.indirect.scatter.add.f32 [tilespmem:s16], [sflag:$0x1], $0x20, s15, s13, $0xb8;
	[tilespmem:$0x1D400] =	vst v63  }
0x80: {  	_ =	swait.ge [sflag:s11], $0x1000  }
0x81: {  	[sflag:s11] =	ssyncset.done $0x0  }
0x82: {  	[sflag:s11] =	ssyncadd.s32 $0xFFFFF000  }
0x83: {  	[spmem:s2] =	stream.indirect.scatter.add.f32 [tilespmem:s18], [sflag:$0x1], $0x20, s17, s13, $0xb8;
	[tilespmem:$0x1D400] =	vst v63  }
0x84: {  	_ =	swait.ge [sflag:s11], $0x1000  }
0x85: {  	[sflag:s11] =	ssyncset.done $0x0  }
0x86: {  	[sflag:s11] =	ssyncadd.s32 $0xFFFFF000  }
0x87: {  	[tilespmem:s12], [sflag:$0x1] =	stream.linear.gather [hbm4b:s24+s3], $0x4000, $0x38;
	[tilespmem:$0x1D400] =	vst v63  }
0x88: {  	_ =	swait.ge [sflag:s11], $0x4000  }
0x89: {  	[sflag:s11] =	ssyncset.done $0x0  }
0x8a: {  	[sflag:s11] =	ssyncadd.s32 $0xFFFFC000  }
0x8b: {  	[spmem:s2] =	stream.indirect.scatter.add.f32 [tilespmem:s12], [sflag:$0x1], $0x20, s19, s13, $0xb8;
	[tilespmem:$0x1D400] =	vst v63  }
0x8c: {  	_ =	swait.ge [sflag:s11], $0x1000  }
0x8d: {  	[sflag:s11] =	ssyncset.done $0x0  }
0x8e: {  	[sflag:s11] =	ssyncadd.s32 $0xFFFFF000  }
0x8f: {  	[spmem:s2] =	stream.indirect.scatter.add.f32 [tilespmem:s14], [sflag:$0x1], $0x20, s20, s13, $0xb8;
	[tilespmem:$0x1D400] =	vst v63  }
0x90: {  	_ =	swait.ge [sflag:s11], $0x1000  }
0x91: {  	[sflag:s11] =	ssyncset.done $0x0  }
0x92: {  	[sflag:s11] =	ssyncadd.s32 $0xFFFFF000  }
0x93: {  	[spmem:s2] =	stream.indirect.scatter.add.f32 [tilespmem:s16], [sflag:$0x1], $0x20, s21, s13, $0xb8;
	[tilespmem:$0x1D400] =	vst v63  }
0x94: {  	_ =	swait.ge [sflag:s11], $0x1000  }
0x95: {  	[sflag:s11] =	ssyncset.done $0x0  }
0x96: {  	[sflag:s11] =	ssyncadd.s32 $0xFFFFF000  }
0x97: {  	[spmem:s2] =	stream.indirect.scatter.add.f32 [tilespmem:s18], [sflag:$0x1], $0x20, s22, s13, $0xb8;
	[tilespmem:$0x1D400] =	vst v63  }
0x98: {  	_ =	swait.ge [sflag:s11], $0x1000  }
0x99: {  	s23 =	sadd.s32 $0x1, s23;
	[sflag:s11] =	ssyncset.done $0x0  }
0x9a: {  	p0 =	sne.s32 s23, s7;
	[sflag:s11] =	ssyncadd.s32 $0xFFFFF000  }
.Ltmp1:
0x9b: {  	[bflag:$0x0] =	sbarrier.arrive $0xFFFF;
	(pc) =	sbr.rel @p0 .LBB2_1-.Ltmp1, $4  }
0x9c: {  	[hbm:s6], [sflag:s5] =	dma.local [spmem:s10], $0x3200  }
0x9d: {  	_ =	swait.ge [sflag:s11], $0x3200  }
0x9e: {  	[sflag:s11] =	ssyncset.done $0x0  }
0x9f: {  	[sflag:s11] =	ssyncadd.s32 $0xFFFFCE00  }
0xa0: {  	_ =	sfence.sel $0x180000  }
0xa1: {  	[bflag:$0x0] =	sbarrier.arrive $0xFFFF  }
0xa2: {  	p0 =	sne.s32 s0, $0x0;
	_ =	strace $0x90000050  }
0xa3: {  	s0 =	sadd.s32 @!p0 $0x100000, s1;
	[bflag:$0x2] =	sbarrier.arrive $0xFFFF  }
0xa4: {  	[sflag:s0] =	ssyncadd.tile.s32 @!p0 $0x1;
	_ =	shalt  }
.Lfunc_end2:
_tile_overlayer_lowered:
.L_overlay_start_2:
0xa5: {  	(tag) =	ssettag $0x2  }
0xa6: {  	s0 =	rddreg [dreg:$0x0];
	s2 =	stileid.u32  }
0xa7: {  	s1 =	rddreg [dreg:$0x1];
	p0 =	sne.s32 s2, $0x0  }
0xa8: {  	s3 =	rddreg [dreg:$0x2];
	[bflag:$0x3] =	sbarrier.arrive $0xFFFF;
	s2 =	simm.s32 @!p0 $0x1C01  }
0xa9: {  	[timem:s3], [sflag:s2] =	dma.local @!p0 [hbm:s0], s1  }
0xaa: {  	s0 =	simm.s32 @!p0 $0x1  }
0xab: {  	_ =	swait.ge @!p0 [sflag:s0], s1  }
0xac: {  	s1 =	ssub.s32 @!p0 $0x0, s1;
	[sflag:s0] =	ssyncset.done @!p0 $0x0  }
0xad: {  	[sflag:s0] =	ssyncadd.s32 @!p0 s1  }
0xae: {  	[bflag:$0x3] =	sbarrier.arrive $0xFFFF  }
0xaf: {  	_ =	shalt  }

</sc_bundles>
